<compile_context>
chip_gen: v7x
topology: tpu7x:2x2x1
jax: 0.10.2.dev20260603
libtpu: 0.0.44.dev20260713+nightly
codegen_flags: <defaults>
</compile_context>

<pallas_src>
import functools
import math

import jax
import jax.numpy as jnp
from jax import lax
from jax.experimental import pallas as pl
from jax.experimental.pallas import tpu as pltpu
from jax.experimental.pallas import tpu_sc as plsc

_VOCAB = 100000
_D = 1024
_HALF = _D // 2
_B = 4
_L = 2048
_NFLAT = _B * _L
_NC = 2
_NS = 16
_NW = _NC * _NS
_POS_PER_W = _L // _NW
_CPOS = 8
_NCHUNK = _POS_PER_W // _CPOS
_CROWS = _CPOS * _B
_STAGE_POS = 16
_SCALE = math.sqrt(_D)
_JV = _HALF // 16

_RATE_C = -math.log(10000.0) / _HALF
_INV_PI = float(1.0 / math.pi)
_PI_HI = 3.14159274101257324
_PI_LO = math.pi - _PI_HI
_MAGIC = 12582912.0
_HALF_PI = math.pi / 2.0
_S3 = -1.0 / 6.0
_S5 = 1.0 / 120.0
_S7 = -1.0 / 5040.0
_S9 = 1.0 / 362880.0


def _sin_poly(ang):
    tm = ang * _INV_PI + _MAGIC
    kf = tm - _MAGIC
    r = ang - kf * _PI_HI
    r = r - kf * _PI_LO
    r2 = r * r
    a = r2 * _S9 + _S7
    a = r2 * a + _S5
    a = r2 * a + _S3
    s = r * (r2 * a) + r
    odd = jnp.bitwise_and(tm.astype(jnp.int32), 1).astype(jnp.float32)
    return s * (1.0 - 2.0 * odd)


_NBUF = 3


def _sc_body(table_h, idx_h, out_h, idx_v, rates_v, rotc_v, rots_v, pe_v,
             g0, g1, g2, sg0, sg1, sg2, so0, so1, so2):
    w = lax.axis_index("s") * _NC + lax.axis_index("c")
    pos0 = w * _POS_PER_W
    pltpu.sync_copy(idx_h.at[w], idx_v)

    g_set = (g0, g1, g2)
    sem_g = (sg0, sg1, sg2)
    sem_o = (so0, so1, so2)
    gather_h = [None] * _NBUF
    out_hs = [None] * _NBUF

    def issue_gather(c):
        s = c % _NBUF
        gather_h[s] = pltpu.async_copy(
            table_h.at[idx_v.at[c]], g_set[s], sem_g[s])

    issue_gather(0)
    issue_gather(1)

    lanes = lax.broadcasted_iota(jnp.int32, (16,), 0)

    def _consts(j, carry):
        j16 = pl.multiple_of(lax.shift_left(j, 4), 16)
        d = (lanes + j * 16).astype(jnp.float32)
        rate = jnp.exp(d * _RATE_C)
        rates_v[pl.ds(j16, 16)] = rate
        rots_v[pl.ds(j16, 16)] = _sin_poly(rate)
        rotc_v[pl.ds(j16, 16)] = _sin_poly(rate + _HALF_PI)
        return carry

    lax.fori_loop(0, _JV, _consts, 0)

    def build_pe_stage(st):
        pbf = (pos0 + st * _STAGE_POS).astype(jnp.float32)

        def _cols(jj, carry):
            ja = pl.multiple_of(lax.shift_left(jj, 5), 16)
            jb = pl.multiple_of(ja + 16, 16)
            ra = rates_v[pl.ds(ja, 16)]
            rb = rates_v[pl.ds(jb, 16)]
            sa = _sin_poly(pbf * ra)
            ca = _sin_poly(pbf * ra + _HALF_PI)
            sb = _sin_poly(pbf * rb)
            cb = _sin_poly(pbf * rb + _HALF_PI)
            Ca = rotc_v[pl.ds(ja, 16)]
            Sa = rots_v[pl.ds(ja, 16)]
            Cb = rotc_v[pl.ds(jb, 16)]
            Sb = rots_v[pl.ds(jb, 16)]

            def _rows(p, cr):
                sa, ca, sb, cb = cr
                pe_v[p, pl.ds(ja, 16)] = sa
                pe_v[p, pl.ds(pl.multiple_of(_HALF + ja, 16), 16)] = ca
                pe_v[p, pl.ds(jb, 16)] = sb
                pe_v[p, pl.ds(pl.multiple_of(_HALF + jb, 16), 16)] = cb
                return (sa * Ca + ca * Sa, ca * Ca - sa * Sa,
                        sb * Cb + cb * Sb, cb * Cb - sb * Sb)

            lax.fori_loop(0, _STAGE_POS, _rows, (sa, ca, sb, cb))
            return carry

        lax.fori_loop(0, _JV // 2, _cols, 0)

    build_pe_stage(0)

    for c in range(_NCHUNK):
        s = c % _NBUF
        g_v = g_set[s]
        gather_h[s].wait()
        if c + 2 < _NCHUNK:
            ns = (c + 2) % _NBUF
            if out_hs[ns] is not None:
                for h in out_hs[ns]:
                    h.wait()
                out_hs[ns] = None
            issue_gather(c + 2)
        pe_base = (c % (_STAGE_POS // _CPOS)) * _CPOS

        @plsc.parallel_loop(0, _CPOS * (_D // 16), unroll=8)
        def _fma(i):
            p = lax.shift_right_logical(i, 6)
            j16 = pl.multiple_of(
                lax.shift_left(jnp.bitwise_and(i, (_D // 16) - 1), 4), 16)
            pvec = pe_v[pe_base + p, pl.ds(j16, 16)]
            for b in range(_B):
                row = b * _CPOS + p
                g = g_v[row, pl.ds(j16, 16)]
                g_v[row, pl.ds(j16, 16)] = g * _SCALE + pvec

        hs = []
        for b in range(_B):
            hs.append(pltpu.async_copy(
                g_v.at[pl.ds(b * _CPOS, _CPOS)],
                out_h.at[pl.ds(b * _L + pos0 + c * _CPOS, _CPOS)],
                sem_o[s]))
        out_hs[s] = hs
        if c % (_STAGE_POS // _CPOS) == _STAGE_POS // _CPOS - 1 \
                and c + 1 < _NCHUNK:
            build_pe_stage((c + 1) // (_STAGE_POS // _CPOS))

    for hlist in out_hs:
        if hlist is not None:
            for h in hlist:
                h.wait()


@functools.partial(
    pl.kernel,
    mesh=plsc.VectorSubcoreMesh(core_axis_name="c", subcore_axis_name="s"),
    out_type=jax.ShapeDtypeStruct((_NFLAT, _D), jnp.float32),
    scratch_types=[
        pltpu.VMEM((_NCHUNK, _CROWS), jnp.int32),
        pltpu.VMEM((_HALF,), jnp.float32),
        pltpu.VMEM((_HALF,), jnp.float32),
        pltpu.VMEM((_HALF,), jnp.float32),
        pltpu.VMEM((_STAGE_POS, _D), jnp.float32),
        pltpu.VMEM((_CROWS, _D), jnp.float32),
        pltpu.VMEM((_CROWS, _D), jnp.float32),
        pltpu.VMEM((_CROWS, _D), jnp.float32),
        pltpu.SemaphoreType.DMA,
        pltpu.SemaphoreType.DMA,
        pltpu.SemaphoreType.DMA,
        pltpu.SemaphoreType.DMA,
        pltpu.SemaphoreType.DMA,
        pltpu.SemaphoreType.DMA,
    ],
)
def _sc_embed(table_h, idx_h, out_h, idx_v, rates_v, rotc_v, rots_v, pe_v,
              g0, g1, g2, sg0, sg1, sg2, so0, so1, so2):
    _sc_body(table_h, idx_h, out_h, idx_v, rates_v, rotc_v, rots_v, pe_v,
             g0, g1, g2, sg0, sg1, sg2, so0, so1, so2)


def kernel(x, table):
    idx = (x.astype(jnp.int32)
           .reshape(_B, _NW, _NCHUNK, _CPOS)
           .transpose(1, 2, 0, 3)
           .reshape(_NW, _NCHUNK, _CROWS))
    out = _sc_embed(table, idx)
    return out.reshape(_B, _L, _D)

# --- scband reference (transcript-rebuilt; emitter-appended) ---
"""Pipeline reference for scband-positional-embedding-3650722202189 (READ-ONLY COPY).

The authoritative reference and input builder live on the scoring server;
editing this copy changes nothing except your own understanding.
"""

import math
import jax, jax.numpy as jnp
import numpy as np

VOCAB_SIZE = 100000
D_MODEL = 1024
PE_LENGTH = 2048


def positional_encoding(length, depth):
    depth = depth / 2
    positions = jnp.arange(length, dtype=jnp.float32)[:, None]
    depths = jnp.arange(depth, dtype=jnp.float32)[None, :] / depth
    angle_rates = 1.0 / (10000.0 ** depths)
    angle_rads = positions * angle_rates
    pos_encoding = jnp.concatenate([jnp.sin(angle_rads), jnp.cos(angle_rads)], axis=-1)
    return pos_encoding


def setup_inputs(seed: int = 0) -> dict:
    key = jax.random.key(seed)
    k1, k2 = jax.random.split(key)
    x = jax.random.randint(k1, (4, 2048), 0, VOCAB_SIZE, dtype=jnp.int64 if jax.config.jax_enable_x64 else jnp.int32)
    # Embedding table (keras Embedding default: uniform init); scale similar to random_uniform
    table = jax.random.uniform(k2, (VOCAB_SIZE, D_MODEL), dtype=jnp.float32, minval=-0.05, maxval=0.05)
    return {"x": x, "table": table}


def reference(x, table):
    length = x.shape[1]
    pe = positional_encoding(PE_LENGTH, D_MODEL)
    emb = jnp.take(table, x, axis=0)  # gather: [B, L, d_model]
    emb = emb * math.sqrt(D_MODEL)
    out = emb + pe[None, :length, :]
    return out

if __name__ == "__main__":
    import jax
    _d = setup_inputs()
    print(jax.jit(kernel)(*tuple(_d.values())))

</pallas_src>

<mosaic_0001>
#map = affine_map<(d0, d1) -> (0, 0)>
#map1 = affine_map<(d0, d1) -> (0, 0, 0)>
module attributes {stable_mosaic.version = 14 : i64} {
  func.func @_sc_embed(%arg0: i32, %arg1: i32, %arg2: memref<100000x1024xf32, #tpu.memory_space<hbm>>, %arg3: memref<32x8x32xi32, #tpu.memory_space<hbm>>, %arg4: memref<8192x1024xf32, #tpu.memory_space<hbm>>, %arg5: memref<8x32xi32, #tpu.memory_space<vmem>>, %arg6: memref<512xf32, #tpu.memory_space<vmem>>, %arg7: memref<512xf32, #tpu.memory_space<vmem>>, %arg8: memref<512xf32, #tpu.memory_space<vmem>>, %arg9: memref<16x1024xf32, #tpu.memory_space<vmem>>, %arg10: memref<32x1024xf32, #tpu.memory_space<vmem>>, %arg11: memref<32x1024xf32, #tpu.memory_space<vmem>>, %arg12: memref<32x1024xf32, #tpu.memory_space<vmem>>, %arg13: memref<!tpu.dma_semaphore, #tpu.memory_space<semaphore_mem>>, %arg14: memref<!tpu.dma_semaphore, #tpu.memory_space<semaphore_mem>>, %arg15: memref<!tpu.dma_semaphore, #tpu.memory_space<semaphore_mem>>, %arg16: memref<!tpu.dma_semaphore, #tpu.memory_space<semaphore_mem>>, %arg17: memref<!tpu.dma_semaphore, #tpu.memory_space<semaphore_mem>>, %arg18: memref<!tpu.dma_semaphore, #tpu.memory_space<semaphore_mem>>) attributes {dimension_semantics = [#tpu.dimension_semantics<core_parallel>, #tpu.dimension_semantics<subcore_parallel>], iteration_bounds = array<i64: 2, 16>, scalar_prefetch = 0 : i64, scratch_operands = 14 : i64, tpu.core_type = #tpu.core_type<sc_vector_subcore>, window_params = [{transform_indices = #map}, {transform_indices = #map1}, {transform_indices = #map}]} {
    %mul3A = arith.constant 2 : i32
    %mul3A_0 = arith.muli %arg1, %mul3A : i32
    %add3A = arith.addi %mul3A_0, %arg0 : i32
    %mul3A_1 = arith.constant 64 : i32
    %mul3A_2 = arith.muli %add3A, %mul3A_1 : i32
    "tpu.region"() ({
      %run_scoped3A = tpu.sem_alloc : memref<!tpu.dma_semaphore, #tpu.memory_space<semaphore_mem>>
      %dma_start3A_944 = arith.constant 0 : i32
      %dma_start3A_945 = arith.constant 0 : i32
      %dma_start3A_946 = tpu.memref_slice %arg3[%add3A, %dma_start3A_944, %dma_start3A_945] : memref<32x8x32xi32, #tpu.memory_space<hbm>> -> memref<1x8x32xi32, #tpu.memory_space<hbm>>
      %dma_start3A_947 = tpu.memref_squeeze %dma_start3A_946 : memref<1x8x32xi32, #tpu.memory_space<hbm>> -> memref<8x32xi32, #tpu.memory_space<hbm>>
      %dma_start3A_948 = arith.constant 0 : i32
      %dma_start3A_949 = arith.constant 0 : i32
      %dma_start3A_950 = tpu.memref_slice %arg3[%add3A, %dma_start3A_948, %dma_start3A_949] : memref<32x8x32xi32, #tpu.memory_space<hbm>> -> memref<1x8x32xi32, #tpu.memory_space<hbm>>
      %dma_start3A_951 = tpu.memref_squeeze %dma_start3A_950 : memref<1x8x32xi32, #tpu.memory_space<hbm>> -> memref<8x32xi32, #tpu.memory_space<hbm>>
      tpu.enqueue_dma source(%dma_start3A_951 : memref<8x32xi32, #tpu.memory_space<hbm>>) target(%arg5 : memref<8x32xi32, #tpu.memory_space<vmem>>) target_semaphore(%run_scoped3A : memref<!tpu.dma_semaphore, #tpu.memory_space<semaphore_mem>>)
      %dma_wait3A_952 = arith.constant 0 : i32
      %dma_wait3A_953 = arith.constant 0 : i32
      %dma_wait3A_954 = tpu.memref_slice %arg3[%add3A, %dma_wait3A_952, %dma_wait3A_953] : memref<32x8x32xi32, #tpu.memory_space<hbm>> -> memref<1x8x32xi32, #tpu.memory_space<hbm>>
      %dma_wait3A_955 = tpu.memref_squeeze %dma_wait3A_954 : memref<1x8x32xi32, #tpu.memory_space<hbm>> -> memref<8x32xi32, #tpu.memory_space<hbm>>
      %dma_wait3A_956 = arith.constant 0 : i32
      %dma_wait3A_957 = arith.constant 0 : i32
      %dma_wait3A_958 = tpu.memref_slice %arg3[%add3A, %dma_wait3A_956, %dma_wait3A_957] : memref<32x8x32xi32, #tpu.memory_space<hbm>> -> memref<1x8x32xi32, #tpu.memory_space<hbm>>
      %dma_wait3A_959 = tpu.memref_squeeze %dma_wait3A_958 : memref<1x8x32xi32, #tpu.memory_space<hbm>> -> memref<8x32xi32, #tpu.memory_space<hbm>>
      tpu.wait_dma2 semaphore(%run_scoped3A : memref<!tpu.dma_semaphore, #tpu.memory_space<semaphore_mem>>) src(%dma_wait3A_959 : memref<8x32xi32, #tpu.memory_space<hbm>>) dst(%arg5 : memref<8x32xi32, #tpu.memory_space<vmem>>)
      tpu.yield
    }) : () -> ()
    %dma_start3A = arith.constant 0 : i32
    %dma_start3A_3 = arith.constant 0 : i32
    %dma_start3A_4 = tpu.memref_slice %arg5[%dma_start3A, %dma_start3A_3] : memref<8x32xi32, #tpu.memory_space<vmem>> -> memref<1x32xi32, #tpu.memory_space<vmem>>
    %dma_start3A_5 = tpu.memref_squeeze %dma_start3A_4 : memref<1x32xi32, #tpu.memory_space<vmem>> -> memref<32xi32, #tpu.memory_space<vmem>>
    %dma_start3A_6 = arith.constant 0 : i32
    %dma_start3A_7 = arith.constant 0 : i32
    %dma_start3A_8 = tpu.memref_slice %arg2[%dma_start3A_6, %dma_start3A_7] : memref<100000x1024xf32, #tpu.memory_space<hbm>> -> memref<100000x1024xf32, #tpu.memory_space<hbm>>
    tpu.enqueue_indirect_dma source(%dma_start3A_8 : memref<100000x1024xf32, #tpu.memory_space<hbm>>) target(%arg10 : memref<32x1024xf32, #tpu.memory_space<vmem>>) offsets(%dma_start3A_5 : memref<32xi32, #tpu.memory_space<vmem>>) semaphore(%arg13 : memref<!tpu.dma_semaphore, #tpu.memory_space<semaphore_mem>>)
    %dma_start3A_9 = arith.constant 1 : i32
    %dma_start3A_10 = arith.constant 0 : i32
    %dma_start3A_11 = tpu.memref_slice %arg5[%dma_start3A_9, %dma_start3A_10] : memref<8x32xi32, #tpu.memory_space<vmem>> -> memref<1x32xi32, #tpu.memory_space<vmem>>
    %dma_start3A_12 = tpu.memref_squeeze %dma_start3A_11 : memref<1x32xi32, #tpu.memory_space<vmem>> -> memref<32xi32, #tpu.memory_space<vmem>>
    %dma_start3A_13 = arith.constant 0 : i32
    %dma_start3A_14 = arith.constant 0 : i32
    %dma_start3A_15 = tpu.memref_slice %arg2[%dma_start3A_13, %dma_start3A_14] : memref<100000x1024xf32, #tpu.memory_space<hbm>> -> memref<100000x1024xf32, #tpu.memory_space<hbm>>
    tpu.enqueue_indirect_dma source(%dma_start3A_15 : memref<100000x1024xf32, #tpu.memory_space<hbm>>) target(%arg11 : memref<32x1024xf32, #tpu.memory_space<vmem>>) offsets(%dma_start3A_12 : memref<32xi32, #tpu.memory_space<vmem>>) semaphore(%arg14 : memref<!tpu.dma_semaphore, #tpu.memory_space<semaphore_mem>>)
    %iota3A = tpu.iota {dimensions = array<i32: 0>} : vector<16xi32>
    %scan3A = arith.constant 0 : i32
    %scan3A_16 = arith.constant 0 : i32
    %scan3A_17 = arith.constant 32 : i32
    %scan3A_18 = arith.addi %scan3A_16, %scan3A_17 : i32
    %scan3A_19 = arith.constant 1 : i32
    scf.for %scan3A_944 = %scan3A_16 to %scan3A_18 step %scan3A_19  : i32 {
      %shift_left3A = arith.constant 4 : i32
      %shift_left3A_945 = arith.shli %scan3A_944, %shift_left3A : i32
      %multiple_of3A = tpu.assume_multiple %shift_left3A_945, 16 : i32
      %mul3A_946 = arith.constant 16 : i32
      %mul3A_947 = arith.muli %scan3A_944, %mul3A_946 : i32
      %add3A_948 = vector.broadcast %mul3A_947 : i32 to vector<16xi32>
      %add3A_949 = arith.addi %iota3A, %add3A_948 : vector<16xi32>
      %convert_element_type3A_950 = arith.sitofp %add3A_949 : vector<16xi32> to vector<16xf32>
      %mul3A_951 = arith.constant -0.0179889463 : f32
      %mul3A_952 = vector.broadcast %mul3A_951 : f32 to vector<16xf32>
      %mul3A_953 = arith.mulf %convert_element_type3A_950, %mul3A_952 : vector<16xf32>
      %exp3A = math.exp %mul3A_953 : vector<16xf32>
      %swap3A = arith.index_cast %multiple_of3A : i32 to index
      %swap3A_954 = tpu.vector_load %arg6[%swap3A] {strides = array<i32>} : memref<512xf32, #tpu.memory_space<vmem>>, vector<16xf32>,
      %swap3A_955 = vector.shape_cast %swap3A_954 : vector<16xf32> to vector<16xf32>
      %swap3A_956 = vector.shape_cast %exp3A : vector<16xf32> to vector<16xf32>
      tpu.vector_store %arg6[%swap3A], %swap3A_956 {strides = array<i32>} : memref<512xf32, #tpu.memory_space<vmem>>, vector<16xf32>,
      %mul3A_957 = arith.constant 0.318309873 : f32
      %mul3A_958 = vector.broadcast %mul3A_957 : f32 to vector<16xf32>
      %mul3A_959 = arith.mulf %exp3A, %mul3A_958 : vector<16xf32>
      %add3A_960 = arith.constant 0x4B400000 : f32
      %add3A_961 = vector.broadcast %add3A_960 : f32 to vector<16xf32>
      %add3A_962 = arith.addf %mul3A_959, %add3A_961 : vector<16xf32>
      %sub3A = arith.constant 0x4B400000 : f32
      %sub3A_963 = vector.broadcast %sub3A : f32 to vector<16xf32>
      %sub3A_964 = arith.subf %add3A_962, %sub3A_963 : vector<16xf32>
      %mul3A_965 = arith.constant 3.14159274 : f32
      %mul3A_966 = vector.broadcast %mul3A_965 : f32 to vector<16xf32>
      %mul3A_967 = arith.mulf %sub3A_964, %mul3A_966 : vector<16xf32>
      %sub3A_968 = arith.subf %exp3A, %mul3A_967 : vector<16xf32>
      %mul3A_969 = arith.constant -8.74227765E-8 : f32
      %mul3A_970 = vector.broadcast %mul3A_969 : f32 to vector<16xf32>
      %mul3A_971 = arith.mulf %sub3A_964, %mul3A_970 : vector<16xf32>
      %sub3A_972 = arith.subf %sub3A_968, %mul3A_971 : vector<16xf32>
      %mul3A_973 = arith.mulf %sub3A_972, %sub3A_972 : vector<16xf32>
      %mul3A_974 = arith.constant 2.75573188E-6 : f32
      %mul3A_975 = vector.broadcast %mul3A_974 : f32 to vector<16xf32>
      %mul3A_976 = arith.mulf %mul3A_973, %mul3A_975 : vector<16xf32>
      %add3A_977 = arith.constant -1.98412701E-4 : f32
      %add3A_978 = vector.broadcast %add3A_977 : f32 to vector<16xf32>
      %add3A_979 = arith.addf %mul3A_976, %add3A_978 : vector<16xf32>
      %mul3A_980 = arith.mulf %mul3A_973, %add3A_979 : vector<16xf32>
      %add3A_981 = arith.constant 0.00833333377 : f32
      %add3A_982 = vector.broadcast %add3A_981 : f32 to vector<16xf32>
      %add3A_983 = arith.addf %mul3A_980, %add3A_982 : vector<16xf32>
      %mul3A_984 = arith.mulf %mul3A_973, %add3A_983 : vector<16xf32>
      %add3A_985 = arith.constant -0.166666672 : f32
      %add3A_986 = vector.broadcast %add3A_985 : f32 to vector<16xf32>
      %add3A_987 = arith.addf %mul3A_984, %add3A_986 : vector<16xf32>
      %mul3A_988 = arith.mulf %mul3A_973, %add3A_987 : vector<16xf32>
      %mul3A_989 = arith.mulf %sub3A_972, %mul3A_988 : vector<16xf32>
      %add3A_990 = arith.addf %mul3A_989, %sub3A_972 : vector<16xf32>
      %convert_element_type3A_991 = arith.fptosi %add3A_962 : vector<16xf32> to vector<16xi32>
      %and3A = arith.constant 1 : i32
      %and3A_992 = vector.broadcast %and3A : i32 to vector<16xi32>
      %and3A_993 = arith.andi %convert_element_type3A_991, %and3A_992 : vector<16xi32>
      %convert_element_type3A_994 = arith.sitofp %and3A_993 : vector<16xi32> to vector<16xf32>
      %mul3A_995 = arith.constant 2.000000e+00 : f32
      %mul3A_996 = vector.broadcast %mul3A_995 : f32 to vector<16xf32>
      %mul3A_997 = arith.mulf %mul3A_996, %convert_element_type3A_994 : vector<16xf32>
      %sub3A_998 = arith.constant 1.000000e+00 : f32
      %sub3A_999 = vector.broadcast %sub3A_998 : f32 to vector<16xf32>
      %sub3A_1000 = arith.subf %sub3A_999, %mul3A_997 : vector<16xf32>
      %mul3A_1001 = arith.mulf %add3A_990, %sub3A_1000 : vector<16xf32>
      %swap3A_1002 = arith.index_cast %multiple_of3A : i32 to index
      %swap3A_1003 = tpu.vector_load %arg8[%swap3A_1002] {strides = array<i32>} : memref<512xf32, #tpu.memory_space<vmem>>, vector<16xf32>,
      %swap3A_1004 = vector.shape_cast %swap3A_1003 : vector<16xf32> to vector<16xf32>
      %swap3A_1005 = vector.shape_cast %mul3A_1001 : vector<16xf32> to vector<16xf32>
      tpu.vector_store %arg8[%swap3A_1002], %swap3A_1005 {strides = array<i32>} : memref<512xf32, #tpu.memory_space<vmem>>, vector<16xf32>,
      %add3A_1006 = arith.constant 1.57079637 : f32
      %add3A_1007 = vector.broadcast %add3A_1006 : f32 to vector<16xf32>
      %add3A_1008 = arith.addf %exp3A, %add3A_1007 : vector<16xf32>
      %mul3A_1009 = arith.constant 0.318309873 : f32
      %mul3A_1010 = vector.broadcast %mul3A_1009 : f32 to vector<16xf32>
      %mul3A_1011 = arith.mulf %add3A_1008, %mul3A_1010 : vector<16xf32>
      %add3A_1012 = arith.constant 0x4B400000 : f32
      %add3A_1013 = vector.broadcast %add3A_1012 : f32 to vector<16xf32>
      %add3A_1014 = arith.addf %mul3A_1011, %add3A_1013 : vector<16xf32>
      %sub3A_1015 = arith.constant 0x4B400000 : f32
      %sub3A_1016 = vector.broadcast %sub3A_1015 : f32 to vector<16xf32>
      %sub3A_1017 = arith.subf %add3A_1014, %sub3A_1016 : vector<16xf32>
      %mul3A_1018 = arith.constant 3.14159274 : f32
      %mul3A_1019 = vector.broadcast %mul3A_1018 : f32 to vector<16xf32>
      %mul3A_1020 = arith.mulf %sub3A_1017, %mul3A_1019 : vector<16xf32>
      %sub3A_1021 = arith.subf %add3A_1008, %mul3A_1020 : vector<16xf32>
      %mul3A_1022 = arith.constant -8.74227765E-8 : f32
      %mul3A_1023 = vector.broadcast %mul3A_1022 : f32 to vector<16xf32>
      %mul3A_1024 = arith.mulf %sub3A_1017, %mul3A_1023 : vector<16xf32>
      %sub3A_1025 = arith.subf %sub3A_1021, %mul3A_1024 : vector<16xf32>
      %mul3A_1026 = arith.mulf %sub3A_1025, %sub3A_1025 : vector<16xf32>
      %mul3A_1027 = arith.constant 2.75573188E-6 : f32
      %mul3A_1028 = vector.broadcast %mul3A_1027 : f32 to vector<16xf32>
      %mul3A_1029 = arith.mulf %mul3A_1026, %mul3A_1028 : vector<16xf32>
      %add3A_1030 = arith.constant -1.98412701E-4 : f32
      %add3A_1031 = vector.broadcast %add3A_1030 : f32 to vector<16xf32>
      %add3A_1032 = arith.addf %mul3A_1029, %add3A_1031 : vector<16xf32>
      %mul3A_1033 = arith.mulf %mul3A_1026, %add3A_1032 : vector<16xf32>
      %add3A_1034 = arith.constant 0.00833333377 : f32
      %add3A_1035 = vector.broadcast %add3A_1034 : f32 to vector<16xf32>
      %add3A_1036 = arith.addf %mul3A_1033, %add3A_1035 : vector<16xf32>
      %mul3A_1037 = arith.mulf %mul3A_1026, %add3A_1036 : vector<16xf32>
      %add3A_1038 = arith.constant -0.166666672 : f32
      %add3A_1039 = vector.broadcast %add3A_1038 : f32 to vector<16xf32>
      %add3A_1040 = arith.addf %mul3A_1037, %add3A_1039 : vector<16xf32>
      %mul3A_1041 = arith.mulf %mul3A_1026, %add3A_1040 : vector<16xf32>
      %mul3A_1042 = arith.mulf %sub3A_1025, %mul3A_1041 : vector<16xf32>
      %add3A_1043 = arith.addf %mul3A_1042, %sub3A_1025 : vector<16xf32>
      %convert_element_type3A_1044 = arith.fptosi %add3A_1014 : vector<16xf32> to vector<16xi32>
      %and3A_1045 = arith.constant 1 : i32
      %and3A_1046 = vector.broadcast %and3A_1045 : i32 to vector<16xi32>
      %and3A_1047 = arith.andi %convert_element_type3A_1044, %and3A_1046 : vector<16xi32>
      %convert_element_type3A_1048 = arith.sitofp %and3A_1047 : vector<16xi32> to vector<16xf32>
      %mul3A_1049 = arith.constant 2.000000e+00 : f32
      %mul3A_1050 = vector.broadcast %mul3A_1049 : f32 to vector<16xf32>
      %mul3A_1051 = arith.mulf %mul3A_1050, %convert_element_type3A_1048 : vector<16xf32>
      %sub3A_1052 = arith.constant 1.000000e+00 : f32
      %sub3A_1053 = vector.broadcast %sub3A_1052 : f32 to vector<16xf32>
      %sub3A_1054 = arith.subf %sub3A_1053, %mul3A_1051 : vector<16xf32>
      %mul3A_1055 = arith.mulf %add3A_1043, %sub3A_1054 : vector<16xf32>
      %swap3A_1056 = arith.index_cast %multiple_of3A : i32 to index
      %swap3A_1057 = tpu.vector_load %arg7[%swap3A_1056] {strides = array<i32>} : memref<512xf32, #tpu.memory_space<vmem>>, vector<16xf32>,
      %swap3A_1058 = vector.shape_cast %swap3A_1057 : vector<16xf32> to vector<16xf32>
      %swap3A_1059 = vector.shape_cast %mul3A_1055 : vector<16xf32> to vector<16xf32>
      tpu.vector_store %arg7[%swap3A_1056], %swap3A_1059 {strides = array<i32>} : memref<512xf32, #tpu.memory_space<vmem>>, vector<16xf32>,
    }
    %scan3A_20 = arith.constant 32 : i32
    %add3A_21 = arith.constant 0 : i32
    %add3A_22 = arith.addi %mul3A_2, %add3A_21 : i32
    %convert_element_type3A = arith.sitofp %add3A_22 : i32 to f32
    %scan3A_23 = arith.constant 0 : i32
    %scan3A_24 = arith.constant 0 : i32
    %scan3A_25 = arith.constant 16 : i32
    %scan3A_26 = arith.addi %scan3A_24, %scan3A_25 : i32
    %scan3A_27 = arith.constant 1 : i32
    scf.for %scan3A_944 = %scan3A_24 to %scan3A_26 step %scan3A_27  : i32 {
      %shift_left3A = arith.constant 5 : i32
      %shift_left3A_945 = arith.shli %scan3A_944, %shift_left3A : i32
      %multiple_of3A = tpu.assume_multiple %shift_left3A_945, 16 : i32
      %add3A_946 = arith.constant 16 : i32
      %add3A_947 = arith.addi %multiple_of3A, %add3A_946 : i32
      %multiple_of3A_948 = tpu.assume_multiple %add3A_947, 16 : i32
      %get3A = arith.index_cast %multiple_of3A : i32 to index
      %get3A_949 = tpu.vector_load %arg6[%get3A] {strides = array<i32>} : memref<512xf32, #tpu.memory_space<vmem>>, vector<16xf32>,
      %get3A_950 = vector.shape_cast %get3A_949 : vector<16xf32> to vector<16xf32>
      %get3A_951 = arith.index_cast %multiple_of3A_948 : i32 to index
      %get3A_952 = tpu.vector_load %arg6[%get3A_951] {strides = array<i32>} : memref<512xf32, #tpu.memory_space<vmem>>, vector<16xf32>,
      %get3A_953 = vector.shape_cast %get3A_952 : vector<16xf32> to vector<16xf32>
      %mul3A_954 = vector.broadcast %convert_element_type3A : f32 to vector<16xf32>
      %mul3A_955 = arith.mulf %mul3A_954, %get3A_950 : vector<16xf32>
      %mul3A_956 = arith.constant 0.318309873 : f32
      %mul3A_957 = vector.broadcast %mul3A_956 : f32 to vector<16xf32>
      %mul3A_958 = arith.mulf %mul3A_955, %mul3A_957 : vector<16xf32>
      %add3A_959 = arith.constant 0x4B400000 : f32
      %add3A_960 = vector.broadcast %add3A_959 : f32 to vector<16xf32>
      %add3A_961 = arith.addf %mul3A_958, %add3A_960 : vector<16xf32>
      %sub3A = arith.constant 0x4B400000 : f32
      %sub3A_962 = vector.broadcast %sub3A : f32 to vector<16xf32>
      %sub3A_963 = arith.subf %add3A_961, %sub3A_962 : vector<16xf32>
      %mul3A_964 = arith.constant 3.14159274 : f32
      %mul3A_965 = vector.broadcast %mul3A_964 : f32 to vector<16xf32>
      %mul3A_966 = arith.mulf %sub3A_963, %mul3A_965 : vector<16xf32>
      %sub3A_967 = arith.subf %mul3A_955, %mul3A_966 : vector<16xf32>
      %mul3A_968 = arith.constant -8.74227765E-8 : f32
      %mul3A_969 = vector.broadcast %mul3A_968 : f32 to vector<16xf32>
      %mul3A_970 = arith.mulf %sub3A_963, %mul3A_969 : vector<16xf32>
      %sub3A_971 = arith.subf %sub3A_967, %mul3A_970 : vector<16xf32>
      %mul3A_972 = arith.mulf %sub3A_971, %sub3A_971 : vector<16xf32>
      %mul3A_973 = arith.constant 2.75573188E-6 : f32
      %mul3A_974 = vector.broadcast %mul3A_973 : f32 to vector<16xf32>
      %mul3A_975 = arith.mulf %mul3A_972, %mul3A_974 : vector<16xf32>
      %add3A_976 = arith.constant -1.98412701E-4 : f32
      %add3A_977 = vector.broadcast %add3A_976 : f32 to vector<16xf32>
      %add3A_978 = arith.addf %mul3A_975, %add3A_977 : vector<16xf32>
      %mul3A_979 = arith.mulf %mul3A_972, %add3A_978 : vector<16xf32>
      %add3A_980 = arith.constant 0.00833333377 : f32
      %add3A_981 = vector.broadcast %add3A_980 : f32 to vector<16xf32>
      %add3A_982 = arith.addf %mul3A_979, %add3A_981 : vector<16xf32>
      %mul3A_983 = arith.mulf %mul3A_972, %add3A_982 : vector<16xf32>
      %add3A_984 = arith.constant -0.166666672 : f32
      %add3A_985 = vector.broadcast %add3A_984 : f32 to vector<16xf32>
      %add3A_986 = arith.addf %mul3A_983, %add3A_985 : vector<16xf32>
      %mul3A_987 = arith.mulf %mul3A_972, %add3A_986 : vector<16xf32>
      %mul3A_988 = arith.mulf %sub3A_971, %mul3A_987 : vector<16xf32>
      %add3A_989 = arith.addf %mul3A_988, %sub3A_971 : vector<16xf32>
      %convert_element_type3A_990 = arith.fptosi %add3A_961 : vector<16xf32> to vector<16xi32>
      %and3A = arith.constant 1 : i32
      %and3A_991 = vector.broadcast %and3A : i32 to vector<16xi32>
      %and3A_992 = arith.andi %convert_element_type3A_990, %and3A_991 : vector<16xi32>
      %convert_element_type3A_993 = arith.sitofp %and3A_992 : vector<16xi32> to vector<16xf32>
      %mul3A_994 = arith.constant 2.000000e+00 : f32
      %mul3A_995 = vector.broadcast %mul3A_994 : f32 to vector<16xf32>
      %mul3A_996 = arith.mulf %mul3A_995, %convert_element_type3A_993 : vector<16xf32>
      %sub3A_997 = arith.constant 1.000000e+00 : f32
      %sub3A_998 = vector.broadcast %sub3A_997 : f32 to vector<16xf32>
      %sub3A_999 = arith.subf %sub3A_998, %mul3A_996 : vector<16xf32>
      %mul3A_1000 = arith.mulf %add3A_989, %sub3A_999 : vector<16xf32>
      %mul3A_1001 = vector.broadcast %convert_element_type3A : f32 to vector<16xf32>
      %mul3A_1002 = arith.mulf %mul3A_1001, %get3A_950 : vector<16xf32>
      %add3A_1003 = arith.constant 1.57079637 : f32
      %add3A_1004 = vector.broadcast %add3A_1003 : f32 to vector<16xf32>
      %add3A_1005 = arith.addf %mul3A_1002, %add3A_1004 : vector<16xf32>
      %mul3A_1006 = arith.constant 0.318309873 : f32
      %mul3A_1007 = vector.broadcast %mul3A_1006 : f32 to vector<16xf32>
      %mul3A_1008 = arith.mulf %add3A_1005, %mul3A_1007 : vector<16xf32>
      %add3A_1009 = arith.constant 0x4B400000 : f32
      %add3A_1010 = vector.broadcast %add3A_1009 : f32 to vector<16xf32>
      %add3A_1011 = arith.addf %mul3A_1008, %add3A_1010 : vector<16xf32>
      %sub3A_1012 = arith.constant 0x4B400000 : f32
      %sub3A_1013 = vector.broadcast %sub3A_1012 : f32 to vector<16xf32>
      %sub3A_1014 = arith.subf %add3A_1011, %sub3A_1013 : vector<16xf32>
      %mul3A_1015 = arith.constant 3.14159274 : f32
      %mul3A_1016 = vector.broadcast %mul3A_1015 : f32 to vector<16xf32>
      %mul3A_1017 = arith.mulf %sub3A_1014, %mul3A_1016 : vector<16xf32>
      %sub3A_1018 = arith.subf %add3A_1005, %mul3A_1017 : vector<16xf32>
      %mul3A_1019 = arith.constant -8.74227765E-8 : f32
      %mul3A_1020 = vector.broadcast %mul3A_1019 : f32 to vector<16xf32>
      %mul3A_1021 = arith.mulf %sub3A_1014, %mul3A_1020 : vector<16xf32>
      %sub3A_1022 = arith.subf %sub3A_1018, %mul3A_1021 : vector<16xf32>
      %mul3A_1023 = arith.mulf %sub3A_1022, %sub3A_1022 : vector<16xf32>
      %mul3A_1024 = arith.constant 2.75573188E-6 : f32
      %mul3A_1025 = vector.broadcast %mul3A_1024 : f32 to vector<16xf32>
      %mul3A_1026 = arith.mulf %mul3A_1023, %mul3A_1025 : vector<16xf32>
      %add3A_1027 = arith.constant -1.98412701E-4 : f32
      %add3A_1028 = vector.broadcast %add3A_1027 : f32 to vector<16xf32>
      %add3A_1029 = arith.addf %mul3A_1026, %add3A_1028 : vector<16xf32>
      %mul3A_1030 = arith.mulf %mul3A_1023, %add3A_1029 : vector<16xf32>
      %add3A_1031 = arith.constant 0.00833333377 : f32
      %add3A_1032 = vector.broadcast %add3A_1031 : f32 to vector<16xf32>
      %add3A_1033 = arith.addf %mul3A_1030, %add3A_1032 : vector<16xf32>
      %mul3A_1034 = arith.mulf %mul3A_1023, %add3A_1033 : vector<16xf32>
      %add3A_1035 = arith.constant -0.166666672 : f32
      %add3A_1036 = vector.broadcast %add3A_1035 : f32 to vector<16xf32>
      %add3A_1037 = arith.addf %mul3A_1034, %add3A_1036 : vector<16xf32>
      %mul3A_1038 = arith.mulf %mul3A_1023, %add3A_1037 : vector<16xf32>
      %mul3A_1039 = arith.mulf %sub3A_1022, %mul3A_1038 : vector<16xf32>
      %add3A_1040 = arith.addf %mul3A_1039, %sub3A_1022 : vector<16xf32>
      %convert_element_type3A_1041 = arith.fptosi %add3A_1011 : vector<16xf32> to vector<16xi32>
      %and3A_1042 = arith.constant 1 : i32
      %and3A_1043 = vector.broadcast %and3A_1042 : i32 to vector<16xi32>
      %and3A_1044 = arith.andi %convert_element_type3A_1041, %and3A_1043 : vector<16xi32>
      %convert_element_type3A_1045 = arith.sitofp %and3A_1044 : vector<16xi32> to vector<16xf32>
      %mul3A_1046 = arith.constant 2.000000e+00 : f32
      %mul3A_1047 = vector.broadcast %mul3A_1046 : f32 to vector<16xf32>
      %mul3A_1048 = arith.mulf %mul3A_1047, %convert_element_type3A_1045 : vector<16xf32>
      %sub3A_1049 = arith.constant 1.000000e+00 : f32
      %sub3A_1050 = vector.broadcast %sub3A_1049 : f32 to vector<16xf32>
      %sub3A_1051 = arith.subf %sub3A_1050, %mul3A_1048 : vector<16xf32>
      %mul3A_1052 = arith.mulf %add3A_1040, %sub3A_1051 : vector<16xf32>
      %mul3A_1053 = vector.broadcast %convert_element_type3A : f32 to vector<16xf32>
      %mul3A_1054 = arith.mulf %mul3A_1053, %get3A_953 : vector<16xf32>
      %mul3A_1055 = arith.constant 0.318309873 : f32
      %mul3A_1056 = vector.broadcast %mul3A_1055 : f32 to vector<16xf32>
      %mul3A_1057 = arith.mulf %mul3A_1054, %mul3A_1056 : vector<16xf32>
      %add3A_1058 = arith.constant 0x4B400000 : f32
      %add3A_1059 = vector.broadcast %add3A_1058 : f32 to vector<16xf32>
      %add3A_1060 = arith.addf %mul3A_1057, %add3A_1059 : vector<16xf32>
      %sub3A_1061 = arith.constant 0x4B400000 : f32
      %sub3A_1062 = vector.broadcast %sub3A_1061 : f32 to vector<16xf32>
      %sub3A_1063 = arith.subf %add3A_1060, %sub3A_1062 : vector<16xf32>
      %mul3A_1064 = arith.constant 3.14159274 : f32
      %mul3A_1065 = vector.broadcast %mul3A_1064 : f32 to vector<16xf32>
      %mul3A_1066 = arith.mulf %sub3A_1063, %mul3A_1065 : vector<16xf32>
      %sub3A_1067 = arith.subf %mul3A_1054, %mul3A_1066 : vector<16xf32>
      %mul3A_1068 = arith.constant -8.74227765E-8 : f32
      %mul3A_1069 = vector.broadcast %mul3A_1068 : f32 to vector<16xf32>
      %mul3A_1070 = arith.mulf %sub3A_1063, %mul3A_1069 : vector<16xf32>
      %sub3A_1071 = arith.subf %sub3A_1067, %mul3A_1070 : vector<16xf32>
      %mul3A_1072 = arith.mulf %sub3A_1071, %sub3A_1071 : vector<16xf32>
      %mul3A_1073 = arith.constant 2.75573188E-6 : f32
      %mul3A_1074 = vector.broadcast %mul3A_1073 : f32 to vector<16xf32>
      %mul3A_1075 = arith.mulf %mul3A_1072, %mul3A_1074 : vector<16xf32>
      %add3A_1076 = arith.constant -1.98412701E-4 : f32
      %add3A_1077 = vector.broadcast %add3A_1076 : f32 to vector<16xf32>
      %add3A_1078 = arith.addf %mul3A_1075, %add3A_1077 : vector<16xf32>
      %mul3A_1079 = arith.mulf %mul3A_1072, %add3A_1078 : vector<16xf32>
      %add3A_1080 = arith.constant 0.00833333377 : f32
      %add3A_1081 = vector.broadcast %add3A_1080 : f32 to vector<16xf32>
      %add3A_1082 = arith.addf %mul3A_1079, %add3A_1081 : vector<16xf32>
      %mul3A_1083 = arith.mulf %mul3A_1072, %add3A_1082 : vector<16xf32>
      %add3A_1084 = arith.constant -0.166666672 : f32
      %add3A_1085 = vector.broadcast %add3A_1084 : f32 to vector<16xf32>
      %add3A_1086 = arith.addf %mul3A_1083, %add3A_1085 : vector<16xf32>
      %mul3A_1087 = arith.mulf %mul3A_1072, %add3A_1086 : vector<16xf32>
      %mul3A_1088 = arith.mulf %sub3A_1071, %mul3A_1087 : vector<16xf32>
      %add3A_1089 = arith.addf %mul3A_1088, %sub3A_1071 : vector<16xf32>
      %convert_element_type3A_1090 = arith.fptosi %add3A_1060 : vector<16xf32> to vector<16xi32>
      %and3A_1091 = arith.constant 1 : i32
      %and3A_1092 = vector.broadcast %and3A_1091 : i32 to vector<16xi32>
      %and3A_1093 = arith.andi %convert_element_type3A_1090, %and3A_1092 : vector<16xi32>
      %convert_element_type3A_1094 = arith.sitofp %and3A_1093 : vector<16xi32> to vector<16xf32>
      %mul3A_1095 = arith.constant 2.000000e+00 : f32
      %mul3A_1096 = vector.broadcast %mul3A_1095 : f32 to vector<16xf32>
      %mul3A_1097 = arith.mulf %mul3A_1096, %convert_element_type3A_1094 : vector<16xf32>
      %sub3A_1098 = arith.constant 1.000000e+00 : f32
      %sub3A_1099 = vector.broadcast %sub3A_1098 : f32 to vector<16xf32>
      %sub3A_1100 = arith.subf %sub3A_1099, %mul3A_1097 : vector<16xf32>
      %mul3A_1101 = arith.mulf %add3A_1089, %sub3A_1100 : vector<16xf32>
      %mul3A_1102 = vector.broadcast %convert_element_type3A : f32 to vector<16xf32>
      %mul3A_1103 = arith.mulf %mul3A_1102, %get3A_953 : vector<16xf32>
      %add3A_1104 = arith.constant 1.57079637 : f32
      %add3A_1105 = vector.broadcast %add3A_1104 : f32 to vector<16xf32>
      %add3A_1106 = arith.addf %mul3A_1103, %add3A_1105 : vector<16xf32>
      %mul3A_1107 = arith.constant 0.318309873 : f32
      %mul3A_1108 = vector.broadcast %mul3A_1107 : f32 to vector<16xf32>
      %mul3A_1109 = arith.mulf %add3A_1106, %mul3A_1108 : vector<16xf32>
      %add3A_1110 = arith.constant 0x4B400000 : f32
      %add3A_1111 = vector.broadcast %add3A_1110 : f32 to vector<16xf32>
      %add3A_1112 = arith.addf %mul3A_1109, %add3A_1111 : vector<16xf32>
      %sub3A_1113 = arith.constant 0x4B400000 : f32
      %sub3A_1114 = vector.broadcast %sub3A_1113 : f32 to vector<16xf32>
      %sub3A_1115 = arith.subf %add3A_1112, %sub3A_1114 : vector<16xf32>
      %mul3A_1116 = arith.constant 3.14159274 : f32
      %mul3A_1117 = vector.broadcast %mul3A_1116 : f32 to vector<16xf32>
      %mul3A_1118 = arith.mulf %sub3A_1115, %mul3A_1117 : vector<16xf32>
      %sub3A_1119 = arith.subf %add3A_1106, %mul3A_1118 : vector<16xf32>
      %mul3A_1120 = arith.constant -8.74227765E-8 : f32
      %mul3A_1121 = vector.broadcast %mul3A_1120 : f32 to vector<16xf32>
      %mul3A_1122 = arith.mulf %sub3A_1115, %mul3A_1121 : vector<16xf32>
      %sub3A_1123 = arith.subf %sub3A_1119, %mul3A_1122 : vector<16xf32>
      %mul3A_1124 = arith.mulf %sub3A_1123, %sub3A_1123 : vector<16xf32>
      %mul3A_1125 = arith.constant 2.75573188E-6 : f32
      %mul3A_1126 = vector.broadcast %mul3A_1125 : f32 to vector<16xf32>
      %mul3A_1127 = arith.mulf %mul3A_1124, %mul3A_1126 : vector<16xf32>
      %add3A_1128 = arith.constant -1.98412701E-4 : f32
      %add3A_1129 = vector.broadcast %add3A_1128 : f32 to vector<16xf32>
      %add3A_1130 = arith.addf %mul3A_1127, %add3A_1129 : vector<16xf32>
      %mul3A_1131 = arith.mulf %mul3A_1124, %add3A_1130 : vector<16xf32>
      %add3A_1132 = arith.constant 0.00833333377 : f32
      %add3A_1133 = vector.broadcast %add3A_1132 : f32 to vector<16xf32>
      %add3A_1134 = arith.addf %mul3A_1131, %add3A_1133 : vector<16xf32>
      %mul3A_1135 = arith.mulf %mul3A_1124, %add3A_1134 : vector<16xf32>
      %add3A_1136 = arith.constant -0.166666672 : f32
      %add3A_1137 = vector.broadcast %add3A_1136 : f32 to vector<16xf32>
      %add3A_1138 = arith.addf %mul3A_1135, %add3A_1137 : vector<16xf32>
      %mul3A_1139 = arith.mulf %mul3A_1124, %add3A_1138 : vector<16xf32>
      %mul3A_1140 = arith.mulf %sub3A_1123, %mul3A_1139 : vector<16xf32>
      %add3A_1141 = arith.addf %mul3A_1140, %sub3A_1123 : vector<16xf32>
      %convert_element_type3A_1142 = arith.fptosi %add3A_1112 : vector<16xf32> to vector<16xi32>
      %and3A_1143 = arith.constant 1 : i32
      %and3A_1144 = vector.broadcast %and3A_1143 : i32 to vector<16xi32>
      %and3A_1145 = arith.andi %convert_element_type3A_1142, %and3A_1144 : vector<16xi32>
      %convert_element_type3A_1146 = arith.sitofp %and3A_1145 : vector<16xi32> to vector<16xf32>
      %mul3A_1147 = arith.constant 2.000000e+00 : f32
      %mul3A_1148 = vector.broadcast %mul3A_1147 : f32 to vector<16xf32>
      %mul3A_1149 = arith.mulf %mul3A_1148, %convert_element_type3A_1146 : vector<16xf32>
      %sub3A_1150 = arith.constant 1.000000e+00 : f32
      %sub3A_1151 = vector.broadcast %sub3A_1150 : f32 to vector<16xf32>
      %sub3A_1152 = arith.subf %sub3A_1151, %mul3A_1149 : vector<16xf32>
      %mul3A_1153 = arith.mulf %add3A_1141, %sub3A_1152 : vector<16xf32>
      %get3A_1154 = arith.index_cast %multiple_of3A : i32 to index
      %get3A_1155 = tpu.vector_load %arg7[%get3A_1154] {strides = array<i32>} : memref<512xf32, #tpu.memory_space<vmem>>, vector<16xf32>,
      %get3A_1156 = vector.shape_cast %get3A_1155 : vector<16xf32> to vector<16xf32>
      %get3A_1157 = arith.index_cast %multiple_of3A : i32 to index
      %get3A_1158 = tpu.vector_load %arg8[%get3A_1157] {strides = array<i32>} : memref<512xf32, #tpu.memory_space<vmem>>, vector<16xf32>,
      %get3A_1159 = vector.shape_cast %get3A_1158 : vector<16xf32> to vector<16xf32>
      %get3A_1160 = arith.index_cast %multiple_of3A_948 : i32 to index
      %get3A_1161 = tpu.vector_load %arg7[%get3A_1160] {strides = array<i32>} : memref<512xf32, #tpu.memory_space<vmem>>, vector<16xf32>,
      %get3A_1162 = vector.shape_cast %get3A_1161 : vector<16xf32> to vector<16xf32>
      %get3A_1163 = arith.index_cast %multiple_of3A_948 : i32 to index
      %get3A_1164 = tpu.vector_load %arg8[%get3A_1163] {strides = array<i32>} : memref<512xf32, #tpu.memory_space<vmem>>, vector<16xf32>,
      %get3A_1165 = vector.shape_cast %get3A_1164 : vector<16xf32> to vector<16xf32>
      %scan3A_1166 = arith.constant 0 : i32
      %scan3A_1167 = arith.constant 16 : i32
      %scan3A_1168 = arith.addi %scan3A_1166, %scan3A_1167 : i32
      %scan3A_1169 = arith.constant 1 : i32
      %scan3A_1170:4 = scf.for %scan3A_1172 = %scan3A_1166 to %scan3A_1168 step %scan3A_1169 iter_args(%scan3A_1173 = %mul3A_1000, %scan3A_1174 = %mul3A_1052, %scan3A_1175 = %mul3A_1101, %scan3A_1176 = %mul3A_1153) -> (vector<16xf32>, vector<16xf32>, vector<16xf32>, vector<16xf32>)  : i32 {
        %swap3A = arith.index_cast %scan3A_1172 : i32 to index
        %swap3A_1177 = arith.index_cast %multiple_of3A : i32 to index
        %swap3A_1178 = tpu.vector_load %arg9[%swap3A, %swap3A_1177] {strides = array<i32>} : memref<16x1024xf32, #tpu.memory_space<vmem>>, vector<1x16xf32>,
        %swap3A_1179 = vector.shape_cast %swap3A_1178 : vector<1x16xf32> to vector<16xf32>
        %swap3A_1180 = vector.shape_cast %scan3A_1173 : vector<16xf32> to vector<1x16xf32>
        tpu.vector_store %arg9[%swap3A, %swap3A_1177], %swap3A_1180 {strides = array<i32>} : memref<16x1024xf32, #tpu.memory_space<vmem>>, vector<1x16xf32>,
        %add3A_1181 = arith.constant 512 : i32
        %add3A_1182 = arith.addi %add3A_1181, %multiple_of3A : i32
        %multiple_of3A_1183 = tpu.assume_multiple %add3A_1182, 16 : i32
        %swap3A_1184 = arith.index_cast %scan3A_1172 : i32 to index
        %swap3A_1185 = arith.index_cast %multiple_of3A_1183 : i32 to index
        %swap3A_1186 = tpu.vector_load %arg9[%swap3A_1184, %swap3A_1185] {strides = array<i32>} : memref<16x1024xf32, #tpu.memory_space<vmem>>, vector<1x16xf32>,
        %swap3A_1187 = vector.shape_cast %swap3A_1186 : vector<1x16xf32> to vector<16xf32>
        %swap3A_1188 = vector.shape_cast %scan3A_1174 : vector<16xf32> to vector<1x16xf32>
        tpu.vector_store %arg9[%swap3A_1184, %swap3A_1185], %swap3A_1188 {strides = array<i32>} : memref<16x1024xf32, #tpu.memory_space<vmem>>, vector<1x16xf32>,
        %swap3A_1189 = arith.index_cast %scan3A_1172 : i32 to index
        %swap3A_1190 = arith.index_cast %multiple_of3A_948 : i32 to index
        %swap3A_1191 = tpu.vector_load %arg9[%swap3A_1189, %swap3A_1190] {strides = array<i32>} : memref<16x1024xf32, #tpu.memory_space<vmem>>, vector<1x16xf32>,
        %swap3A_1192 = vector.shape_cast %swap3A_1191 : vector<1x16xf32> to vector<16xf32>
        %swap3A_1193 = vector.shape_cast %scan3A_1175 : vector<16xf32> to vector<1x16xf32>
        tpu.vector_store %arg9[%swap3A_1189, %swap3A_1190], %swap3A_1193 {strides = array<i32>} : memref<16x1024xf32, #tpu.memory_space<vmem>>, vector<1x16xf32>,
        %add3A_1194 = arith.constant 512 : i32
        %add3A_1195 = arith.addi %add3A_1194, %multiple_of3A_948 : i32
        %multiple_of3A_1196 = tpu.assume_multiple %add3A_1195, 16 : i32
        %swap3A_1197 = arith.index_cast %scan3A_1172 : i32 to index
        %swap3A_1198 = arith.index_cast %multiple_of3A_1196 : i32 to index
        %swap3A_1199 = tpu.vector_load %arg9[%swap3A_1197, %swap3A_1198] {strides = array<i32>} : memref<16x1024xf32, #tpu.memory_space<vmem>>, vector<1x16xf32>,
        %swap3A_1200 = vector.shape_cast %swap3A_1199 : vector<1x16xf32> to vector<16xf32>
        %swap3A_1201 = vector.shape_cast %scan3A_1176 : vector<16xf32> to vector<1x16xf32>
        tpu.vector_store %arg9[%swap3A_1197, %swap3A_1198], %swap3A_1201 {strides = array<i32>} : memref<16x1024xf32, #tpu.memory_space<vmem>>, vector<1x16xf32>,
        %mul3A_1202 = arith.mulf %scan3A_1173, %get3A_1156 : vector<16xf32>
        %mul3A_1203 = arith.mulf %scan3A_1174, %get3A_1159 : vector<16xf32>
        %add3A_1204 = arith.addf %mul3A_1202, %mul3A_1203 : vector<16xf32>
        %mul3A_1205 = arith.mulf %scan3A_1174, %get3A_1156 : vector<16xf32>
        %mul3A_1206 = arith.mulf %scan3A_1173, %get3A_1159 : vector<16xf32>
        %sub3A_1207 = arith.subf %mul3A_1205, %mul3A_1206 : vector<16xf32>
        %mul3A_1208 = arith.mulf %scan3A_1175, %get3A_1162 : vector<16xf32>
        %mul3A_1209 = arith.mulf %scan3A_1176, %get3A_1165 : vector<16xf32>
        %add3A_1210 = arith.addf %mul3A_1208, %mul3A_1209 : vector<16xf32>
        %mul3A_1211 = arith.mulf %scan3A_1176, %get3A_1162 : vector<16xf32>
        %mul3A_1212 = arith.mulf %scan3A_1175, %get3A_1165 : vector<16xf32>
        %sub3A_1213 = arith.subf %mul3A_1211, %mul3A_1212 : vector<16xf32>
        scf.yield %add3A_1204, %sub3A_1207, %add3A_1210, %sub3A_1213 : vector<16xf32>, vector<16xf32>, vector<16xf32>, vector<16xf32>
      }
      %scan3A_1171 = arith.constant 16 : i32
    }
    %scan3A_28 = arith.constant 16 : i32
    %dma_wait3A = arith.constant 0 : i32
    %dma_wait3A_29 = arith.constant 0 : i32
    %dma_wait3A_30 = tpu.memref_slice %arg5[%dma_wait3A, %dma_wait3A_29] : memref<8x32xi32, #tpu.memory_space<vmem>> -> memref<1x32xi32, #tpu.memory_space<vmem>>
    %dma_wait3A_31 = tpu.memref_squeeze %dma_wait3A_30 : memref<1x32xi32, #tpu.memory_space<vmem>> -> memref<32xi32, #tpu.memory_space<vmem>>
    %dma_wait3A_32 = arith.constant 0 : i32
    %dma_wait3A_33 = arith.constant 0 : i32
    %dma_wait3A_34 = tpu.memref_slice %arg2[%dma_wait3A_32, %dma_wait3A_33] : memref<100000x1024xf32, #tpu.memory_space<hbm>> -> memref<100000x1024xf32, #tpu.memory_space<hbm>>
    tpu.wait_indirect_dma semaphore(%arg13 : memref<!tpu.dma_semaphore, #tpu.memory_space<semaphore_mem>>) src(%dma_wait3A_34 : memref<100000x1024xf32, #tpu.memory_space<hbm>>) dst(%arg10 : memref<32x1024xf32, #tpu.memory_space<vmem>>)
    %dma_start3A_35 = arith.constant 2 : i32
    %dma_start3A_36 = arith.constant 0 : i32
    %dma_start3A_37 = tpu.memref_slice %arg5[%dma_start3A_35, %dma_start3A_36] : memref<8x32xi32, #tpu.memory_space<vmem>> -> memref<1x32xi32, #tpu.memory_space<vmem>>
    %dma_start3A_38 = tpu.memref_squeeze %dma_start3A_37 : memref<1x32xi32, #tpu.memory_space<vmem>> -> memref<32xi32, #tpu.memory_space<vmem>>
    %dma_start3A_39 = arith.constant 0 : i32
    %dma_start3A_40 = arith.constant 0 : i32
    %dma_start3A_41 = tpu.memref_slice %arg2[%dma_start3A_39, %dma_start3A_40] : memref<100000x1024xf32, #tpu.memory_space<hbm>> -> memref<100000x1024xf32, #tpu.memory_space<hbm>>
    tpu.enqueue_indirect_dma source(%dma_start3A_41 : memref<100000x1024xf32, #tpu.memory_space<hbm>>) target(%arg12 : memref<32x1024xf32, #tpu.memory_space<vmem>>) offsets(%dma_start3A_38 : memref<32xi32, #tpu.memory_space<vmem>>) semaphore(%arg15 : memref<!tpu.dma_semaphore, #tpu.memory_space<semaphore_mem>>)
    %parallel_loop3A = arith.constant 0 : i32
    %parallel_loop3A_42 = arith.constant 512 : i32
    %parallel_loop3A_43 = arith.constant 1 : i32
    scf.for %parallel_loop3A_944 = %parallel_loop3A to %parallel_loop3A_42 step %parallel_loop3A_43  : i32 {
      %parallel_loop3A_945 = arith.constant 6 : i32
      %parallel_loop3A_946 = arith.shrui %parallel_loop3A_944, %parallel_loop3A_945 : i32
      %parallel_loop3A_947 = arith.constant 63 : i32
      %parallel_loop3A_948 = arith.andi %parallel_loop3A_944, %parallel_loop3A_947 : i32
      %parallel_loop3A_949 = arith.constant 4 : i32
      %parallel_loop3A_950 = arith.shli %parallel_loop3A_948, %parallel_loop3A_949 : i32
      %parallel_loop3A_951 = tpu.assume_multiple %parallel_loop3A_950, 16 : i32
      %parallel_loop3A_952 = arith.constant 0 : i32
      %parallel_loop3A_953 = arith.addi %parallel_loop3A_952, %parallel_loop3A_946 : i32
      %parallel_loop3A_954 = arith.index_cast %parallel_loop3A_953 : i32 to index
      %parallel_loop3A_955 = arith.index_cast %parallel_loop3A_951 : i32 to index
      %parallel_loop3A_956 = tpu.vector_load %arg9[%parallel_loop3A_954, %parallel_loop3A_955] {strides = array<i32>} : memref<16x1024xf32, #tpu.memory_space<vmem>>, vector<1x16xf32>,
      %parallel_loop3A_957 = vector.shape_cast %parallel_loop3A_956 : vector<1x16xf32> to vector<16xf32>
      %parallel_loop3A_958 = arith.constant 0 : i32
      %parallel_loop3A_959 = arith.addi %parallel_loop3A_958, %parallel_loop3A_946 : i32
      %parallel_loop3A_960 = arith.index_cast %parallel_loop3A_959 : i32 to index
      %parallel_loop3A_961 = arith.index_cast %parallel_loop3A_951 : i32 to index
      %parallel_loop3A_962 = tpu.vector_load %arg10[%parallel_loop3A_960, %parallel_loop3A_961] {strides = array<i32>} : memref<32x1024xf32, #tpu.memory_space<vmem>>, vector<1x16xf32>,
      %parallel_loop3A_963 = vector.shape_cast %parallel_loop3A_962 : vector<1x16xf32> to vector<16xf32>
      %parallel_loop3A_964 = arith.constant 3.200000e+01 : f32
      %parallel_loop3A_965 = vector.broadcast %parallel_loop3A_964 : f32 to vector<16xf32>
      %parallel_loop3A_966 = arith.mulf %parallel_loop3A_963, %parallel_loop3A_965 : vector<16xf32>
      %parallel_loop3A_967 = arith.addf %parallel_loop3A_966, %parallel_loop3A_957 : vector<16xf32>
      %parallel_loop3A_968 = arith.index_cast %parallel_loop3A_959 : i32 to index
      %parallel_loop3A_969 = arith.index_cast %parallel_loop3A_951 : i32 to index
      %parallel_loop3A_970 = tpu.vector_load %arg10[%parallel_loop3A_968, %parallel_loop3A_969] {strides = array<i32>} : memref<32x1024xf32, #tpu.memory_space<vmem>>, vector<1x16xf32>,
      %parallel_loop3A_971 = vector.shape_cast %parallel_loop3A_970 : vector<1x16xf32> to vector<16xf32>
      %parallel_loop3A_972 = vector.shape_cast %parallel_loop3A_967 : vector<16xf32> to vector<1x16xf32>
      tpu.vector_store %arg10[%parallel_loop3A_968, %parallel_loop3A_969], %parallel_loop3A_972 {strides = array<i32>} : memref<32x1024xf32, #tpu.memory_space<vmem>>, vector<1x16xf32>,
      %parallel_loop3A_973 = arith.constant 8 : i32
      %parallel_loop3A_974 = arith.addi %parallel_loop3A_973, %parallel_loop3A_946 : i32
      %parallel_loop3A_975 = arith.index_cast %parallel_loop3A_974 : i32 to index
      %parallel_loop3A_976 = arith.index_cast %parallel_loop3A_951 : i32 to index
      %parallel_loop3A_977 = tpu.vector_load %arg10[%parallel_loop3A_975, %parallel_loop3A_976] {strides = array<i32>} : memref<32x1024xf32, #tpu.memory_space<vmem>>, vector<1x16xf32>,
      %parallel_loop3A_978 = vector.shape_cast %parallel_loop3A_977 : vector<1x16xf32> to vector<16xf32>
      %parallel_loop3A_979 = arith.constant 3.200000e+01 : f32
      %parallel_loop3A_980 = vector.broadcast %parallel_loop3A_979 : f32 to vector<16xf32>
      %parallel_loop3A_981 = arith.mulf %parallel_loop3A_978, %parallel_loop3A_980 : vector<16xf32>
      %parallel_loop3A_982 = arith.addf %parallel_loop3A_981, %parallel_loop3A_957 : vector<16xf32>
      %parallel_loop3A_983 = arith.index_cast %parallel_loop3A_974 : i32 to index
      %parallel_loop3A_984 = arith.index_cast %parallel_loop3A_951 : i32 to index
      %parallel_loop3A_985 = tpu.vector_load %arg10[%parallel_loop3A_983, %parallel_loop3A_984] {strides = array<i32>} : memref<32x1024xf32, #tpu.memory_space<vmem>>, vector<1x16xf32>,
      %parallel_loop3A_986 = vector.shape_cast %parallel_loop3A_985 : vector<1x16xf32> to vector<16xf32>
      %parallel_loop3A_987 = vector.shape_cast %parallel_loop3A_982 : vector<16xf32> to vector<1x16xf32>
      tpu.vector_store %arg10[%parallel_loop3A_983, %parallel_loop3A_984], %parallel_loop3A_987 {strides = array<i32>} : memref<32x1024xf32, #tpu.memory_space<vmem>>, vector<1x16xf32>,
      %parallel_loop3A_988 = arith.constant 16 : i32
      %parallel_loop3A_989 = arith.addi %parallel_loop3A_988, %parallel_loop3A_946 : i32
      %parallel_loop3A_990 = arith.index_cast %parallel_loop3A_989 : i32 to index
      %parallel_loop3A_991 = arith.index_cast %parallel_loop3A_951 : i32 to index
      %parallel_loop3A_992 = tpu.vector_load %arg10[%parallel_loop3A_990, %parallel_loop3A_991] {strides = array<i32>} : memref<32x1024xf32, #tpu.memory_space<vmem>>, vector<1x16xf32>,
      %parallel_loop3A_993 = vector.shape_cast %parallel_loop3A_992 : vector<1x16xf32> to vector<16xf32>
      %parallel_loop3A_994 = arith.constant 3.200000e+01 : f32
      %parallel_loop3A_995 = vector.broadcast %parallel_loop3A_994 : f32 to vector<16xf32>
      %parallel_loop3A_996 = arith.mulf %parallel_loop3A_993, %parallel_loop3A_995 : vector<16xf32>
      %parallel_loop3A_997 = arith.addf %parallel_loop3A_996, %parallel_loop3A_957 : vector<16xf32>
      %parallel_loop3A_998 = arith.index_cast %parallel_loop3A_989 : i32 to index
      %parallel_loop3A_999 = arith.index_cast %parallel_loop3A_951 : i32 to index
      %parallel_loop3A_1000 = tpu.vector_load %arg10[%parallel_loop3A_998, %parallel_loop3A_999] {strides = array<i32>} : memref<32x1024xf32, #tpu.memory_space<vmem>>, vector<1x16xf32>,
      %parallel_loop3A_1001 = vector.shape_cast %parallel_loop3A_1000 : vector<1x16xf32> to vector<16xf32>
      %parallel_loop3A_1002 = vector.shape_cast %parallel_loop3A_997 : vector<16xf32> to vector<1x16xf32>
      tpu.vector_store %arg10[%parallel_loop3A_998, %parallel_loop3A_999], %parallel_loop3A_1002 {strides = array<i32>} : memref<32x1024xf32, #tpu.memory_space<vmem>>, vector<1x16xf32>,
      %parallel_loop3A_1003 = arith.constant 24 : i32
      %parallel_loop3A_1004 = arith.addi %parallel_loop3A_1003, %parallel_loop3A_946 : i32
      %parallel_loop3A_1005 = arith.index_cast %parallel_loop3A_1004 : i32 to index
      %parallel_loop3A_1006 = arith.index_cast %parallel_loop3A_951 : i32 to index
      %parallel_loop3A_1007 = tpu.vector_load %arg10[%parallel_loop3A_1005, %parallel_loop3A_1006] {strides = array<i32>} : memref<32x1024xf32, #tpu.memory_space<vmem>>, vector<1x16xf32>,
      %parallel_loop3A_1008 = vector.shape_cast %parallel_loop3A_1007 : vector<1x16xf32> to vector<16xf32>
      %parallel_loop3A_1009 = arith.constant 3.200000e+01 : f32
      %parallel_loop3A_1010 = vector.broadcast %parallel_loop3A_1009 : f32 to vector<16xf32>
      %parallel_loop3A_1011 = arith.mulf %parallel_loop3A_1008, %parallel_loop3A_1010 : vector<16xf32>
      %parallel_loop3A_1012 = arith.addf %parallel_loop3A_1011, %parallel_loop3A_957 : vector<16xf32>
      %parallel_loop3A_1013 = arith.index_cast %parallel_loop3A_1004 : i32 to index
      %parallel_loop3A_1014 = arith.index_cast %parallel_loop3A_951 : i32 to index
      %parallel_loop3A_1015 = tpu.vector_load %arg10[%parallel_loop3A_1013, %parallel_loop3A_1014] {strides = array<i32>} : memref<32x1024xf32, #tpu.memory_space<vmem>>, vector<1x16xf32>,
      %parallel_loop3A_1016 = vector.shape_cast %parallel_loop3A_1015 : vector<1x16xf32> to vector<16xf32>
      %parallel_loop3A_1017 = vector.shape_cast %parallel_loop3A_1012 : vector<16xf32> to vector<1x16xf32>
      tpu.vector_store %arg10[%parallel_loop3A_1013, %parallel_loop3A_1014], %parallel_loop3A_1017 {strides = array<i32>} : memref<32x1024xf32, #tpu.memory_space<vmem>>, vector<1x16xf32>,
    } {sc.loop_unroll_factor = 8 : i64, sc.parallel_access}
    %add3A_44 = arith.constant 0 : i32
    %add3A_45 = arith.addi %add3A_44, %mul3A_2 : i32
    %add3A_46 = arith.constant 0 : i32
    %add3A_47 = arith.addi %add3A_45, %add3A_46 : i32
    %dma_start3A_48 = arith.constant 0 : i32
    %dma_start3A_49 = arith.constant 0 : i32
    %dma_start3A_50 = tpu.memref_slice %arg10[%dma_start3A_48, %dma_start3A_49] : memref<32x1024xf32, #tpu.memory_space<vmem>> -> memref<8x1024xf32, #tpu.memory_space<vmem>>
    %dma_start3A_51 = arith.constant 0 : i32
    %dma_start3A_52 = tpu.memref_slice %arg4[%add3A_47, %dma_start3A_51] : memref<8192x1024xf32, #tpu.memory_space<hbm>> -> memref<8x1024xf32, #tpu.memory_space<hbm>>
    %dma_start3A_53 = arith.constant 0 : i32
    %dma_start3A_54 = tpu.memref_slice %arg4[%add3A_47, %dma_start3A_53] : memref<8192x1024xf32, #tpu.memory_space<hbm>> -> memref<8x1024xf32, #tpu.memory_space<hbm>>
    %dma_start3A_55 = arith.constant 0 : i32
    %dma_start3A_56 = arith.constant 0 : i32
    %dma_start3A_57 = tpu.memref_slice %arg10[%dma_start3A_55, %dma_start3A_56] : memref<32x1024xf32, #tpu.memory_space<vmem>> -> memref<8x1024xf32, #tpu.memory_space<vmem>>
    tpu.enqueue_dma source(%dma_start3A_57 : memref<8x1024xf32, #tpu.memory_space<vmem>>) target(%dma_start3A_54 : memref<8x1024xf32, #tpu.memory_space<hbm>>) target_semaphore(%arg16 : memref<!tpu.dma_semaphore, #tpu.memory_space<semaphore_mem>>)
    %add3A_58 = arith.constant 2048 : i32
    %add3A_59 = arith.addi %add3A_58, %mul3A_2 : i32
    %add3A_60 = arith.constant 0 : i32
    %add3A_61 = arith.addi %add3A_59, %add3A_60 : i32
    %dma_start3A_62 = arith.constant 8 : i32
    %dma_start3A_63 = arith.constant 0 : i32
    %dma_start3A_64 = tpu.memref_slice %arg10[%dma_start3A_62, %dma_start3A_63] : memref<32x1024xf32, #tpu.memory_space<vmem>> -> memref<8x1024xf32, #tpu.memory_space<vmem>>
    %dma_start3A_65 = arith.constant 0 : i32
    %dma_start3A_66 = tpu.memref_slice %arg4[%add3A_61, %dma_start3A_65] : memref<8192x1024xf32, #tpu.memory_space<hbm>> -> memref<8x1024xf32, #tpu.memory_space<hbm>>
    %dma_start3A_67 = arith.constant 0 : i32
    %dma_start3A_68 = tpu.memref_slice %arg4[%add3A_61, %dma_start3A_67] : memref<8192x1024xf32, #tpu.memory_space<hbm>> -> memref<8x1024xf32, #tpu.memory_space<hbm>>
    %dma_start3A_69 = arith.constant 8 : i32
    %dma_start3A_70 = arith.constant 0 : i32
    %dma_start3A_71 = tpu.memref_slice %arg10[%dma_start3A_69, %dma_start3A_70] : memref<32x1024xf32, #tpu.memory_space<vmem>> -> memref<8x1024xf32, #tpu.memory_space<vmem>>
    tpu.enqueue_dma source(%dma_start3A_71 : memref<8x1024xf32, #tpu.memory_space<vmem>>) target(%dma_start3A_68 : memref<8x1024xf32, #tpu.memory_space<hbm>>) target_semaphore(%arg16 : memref<!tpu.dma_semaphore, #tpu.memory_space<semaphore_mem>>)
    %add3A_72 = arith.constant 4096 : i32
    %add3A_73 = arith.addi %add3A_72, %mul3A_2 : i32
    %add3A_74 = arith.constant 0 : i32
    %add3A_75 = arith.addi %add3A_73, %add3A_74 : i32
    %dma_start3A_76 = arith.constant 16 : i32
    %dma_start3A_77 = arith.constant 0 : i32
    %dma_start3A_78 = tpu.memref_slice %arg10[%dma_start3A_76, %dma_start3A_77] : memref<32x1024xf32, #tpu.memory_space<vmem>> -> memref<8x1024xf32, #tpu.memory_space<vmem>>
    %dma_start3A_79 = arith.constant 0 : i32
    %dma_start3A_80 = tpu.memref_slice %arg4[%add3A_75, %dma_start3A_79] : memref<8192x1024xf32, #tpu.memory_space<hbm>> -> memref<8x1024xf32, #tpu.memory_space<hbm>>
    %dma_start3A_81 = arith.constant 0 : i32
    %dma_start3A_82 = tpu.memref_slice %arg4[%add3A_75, %dma_start3A_81] : memref<8192x1024xf32, #tpu.memory_space<hbm>> -> memref<8x1024xf32, #tpu.memory_space<hbm>>
    %dma_start3A_83 = arith.constant 16 : i32
    %dma_start3A_84 = arith.constant 0 : i32
    %dma_start3A_85 = tpu.memref_slice %arg10[%dma_start3A_83, %dma_start3A_84] : memref<32x1024xf32, #tpu.memory_space<vmem>> -> memref<8x1024xf32, #tpu.memory_space<vmem>>
    tpu.enqueue_dma source(%dma_start3A_85 : memref<8x1024xf32, #tpu.memory_space<vmem>>) target(%dma_start3A_82 : memref<8x1024xf32, #tpu.memory_space<hbm>>) target_semaphore(%arg16 : memref<!tpu.dma_semaphore, #tpu.memory_space<semaphore_mem>>)
    %add3A_86 = arith.constant 6144 : i32
    %add3A_87 = arith.addi %add3A_86, %mul3A_2 : i32
    %add3A_88 = arith.constant 0 : i32
    %add3A_89 = arith.addi %add3A_87, %add3A_88 : i32
    %dma_start3A_90 = arith.constant 24 : i32
    %dma_start3A_91 = arith.constant 0 : i32
    %dma_start3A_92 = tpu.memref_slice %arg10[%dma_start3A_90, %dma_start3A_91] : memref<32x1024xf32, #tpu.memory_space<vmem>> -> memref<8x1024xf32, #tpu.memory_space<vmem>>
    %dma_start3A_93 = arith.constant 0 : i32
    %dma_start3A_94 = tpu.memref_slice %arg4[%add3A_89, %dma_start3A_93] : memref<8192x1024xf32, #tpu.memory_space<hbm>> -> memref<8x1024xf32, #tpu.memory_space<hbm>>
    %dma_start3A_95 = arith.constant 0 : i32
    %dma_start3A_96 = tpu.memref_slice %arg4[%add3A_89, %dma_start3A_95] : memref<8192x1024xf32, #tpu.memory_space<hbm>> -> memref<8x1024xf32, #tpu.memory_space<hbm>>
    %dma_start3A_97 = arith.constant 24 : i32
    %dma_start3A_98 = arith.constant 0 : i32
    %dma_start3A_99 = tpu.memref_slice %arg10[%dma_start3A_97, %dma_start3A_98] : memref<32x1024xf32, #tpu.memory_space<vmem>> -> memref<8x1024xf32, #tpu.memory_space<vmem>>
    tpu.enqueue_dma source(%dma_start3A_99 : memref<8x1024xf32, #tpu.memory_space<vmem>>) target(%dma_start3A_96 : memref<8x1024xf32, #tpu.memory_space<hbm>>) target_semaphore(%arg16 : memref<!tpu.dma_semaphore, #tpu.memory_space<semaphore_mem>>)
    %dma_wait3A_100 = arith.constant 1 : i32
    %dma_wait3A_101 = arith.constant 0 : i32
    %dma_wait3A_102 = tpu.memref_slice %arg5[%dma_wait3A_100, %dma_wait3A_101] : memref<8x32xi32, #tpu.memory_space<vmem>> -> memref<1x32xi32, #tpu.memory_space<vmem>>
    %dma_wait3A_103 = tpu.memref_squeeze %dma_wait3A_102 : memref<1x32xi32, #tpu.memory_space<vmem>> -> memref<32xi32, #tpu.memory_space<vmem>>
    %dma_wait3A_104 = arith.constant 0 : i32
    %dma_wait3A_105 = arith.constant 0 : i32
    %dma_wait3A_106 = tpu.memref_slice %arg2[%dma_wait3A_104, %dma_wait3A_105] : memref<100000x1024xf32, #tpu.memory_space<hbm>> -> memref<100000x1024xf32, #tpu.memory_space<hbm>>
    tpu.wait_indirect_dma semaphore(%arg14 : memref<!tpu.dma_semaphore, #tpu.memory_space<semaphore_mem>>) src(%dma_wait3A_106 : memref<100000x1024xf32, #tpu.memory_space<hbm>>) dst(%arg11 : memref<32x1024xf32, #tpu.memory_space<vmem>>)
    %dma_wait3A_107 = arith.constant 0 : i32
    %dma_wait3A_108 = arith.constant 0 : i32
    %dma_wait3A_109 = tpu.memref_slice %arg10[%dma_wait3A_107, %dma_wait3A_108] : memref<32x1024xf32, #tpu.memory_space<vmem>> -> memref<8x1024xf32, #tpu.memory_space<vmem>>
    %dma_wait3A_110 = arith.constant 0 : i32
    %dma_wait3A_111 = tpu.memref_slice %arg4[%add3A_47, %dma_wait3A_110] : memref<8192x1024xf32, #tpu.memory_space<hbm>> -> memref<8x1024xf32, #tpu.memory_space<hbm>>
    %dma_wait3A_112 = arith.constant 0 : i32
    %dma_wait3A_113 = tpu.memref_slice %arg4[%add3A_47, %dma_wait3A_112] : memref<8192x1024xf32, #tpu.memory_space<hbm>> -> memref<8x1024xf32, #tpu.memory_space<hbm>>
    %dma_wait3A_114 = arith.constant 0 : i32
    %dma_wait3A_115 = arith.constant 0 : i32
    %dma_wait3A_116 = tpu.memref_slice %arg10[%dma_wait3A_114, %dma_wait3A_115] : memref<32x1024xf32, #tpu.memory_space<vmem>> -> memref<8x1024xf32, #tpu.memory_space<vmem>>
    tpu.wait_dma2 semaphore(%arg16 : memref<!tpu.dma_semaphore, #tpu.memory_space<semaphore_mem>>) src(%dma_wait3A_116 : memref<8x1024xf32, #tpu.memory_space<vmem>>) dst(%dma_wait3A_113 : memref<8x1024xf32, #tpu.memory_space<hbm>>)
    %dma_wait3A_117 = arith.constant 8 : i32
    %dma_wait3A_118 = arith.constant 0 : i32
    %dma_wait3A_119 = tpu.memref_slice %arg10[%dma_wait3A_117, %dma_wait3A_118] : memref<32x1024xf32, #tpu.memory_space<vmem>> -> memref<8x1024xf32, #tpu.memory_space<vmem>>
    %dma_wait3A_120 = arith.constant 0 : i32
    %dma_wait3A_121 = tpu.memref_slice %arg4[%add3A_61, %dma_wait3A_120] : memref<8192x1024xf32, #tpu.memory_space<hbm>> -> memref<8x1024xf32, #tpu.memory_space<hbm>>
    %dma_wait3A_122 = arith.constant 0 : i32
    %dma_wait3A_123 = tpu.memref_slice %arg4[%add3A_61, %dma_wait3A_122] : memref<8192x1024xf32, #tpu.memory_space<hbm>> -> memref<8x1024xf32, #tpu.memory_space<hbm>>
    %dma_wait3A_124 = arith.constant 8 : i32
    %dma_wait3A_125 = arith.constant 0 : i32
    %dma_wait3A_126 = tpu.memref_slice %arg10[%dma_wait3A_124, %dma_wait3A_125] : memref<32x1024xf32, #tpu.memory_space<vmem>> -> memref<8x1024xf32, #tpu.memory_space<vmem>>
    tpu.wait_dma2 semaphore(%arg16 : memref<!tpu.dma_semaphore, #tpu.memory_space<semaphore_mem>>) src(%dma_wait3A_126 : memref<8x1024xf32, #tpu.memory_space<vmem>>) dst(%dma_wait3A_123 : memref<8x1024xf32, #tpu.memory_space<hbm>>)
    %dma_wait3A_127 = arith.constant 16 : i32
    %dma_wait3A_128 = arith.constant 0 : i32
    %dma_wait3A_129 = tpu.memref_slice %arg10[%dma_wait3A_127, %dma_wait3A_128] : memref<32x1024xf32, #tpu.memory_space<vmem>> -> memref<8x1024xf32, #tpu.memory_space<vmem>>
    %dma_wait3A_130 = arith.constant 0 : i32
    %dma_wait3A_131 = tpu.memref_slice %arg4[%add3A_75, %dma_wait3A_130] : memref<8192x1024xf32, #tpu.memory_space<hbm>> -> memref<8x1024xf32, #tpu.memory_space<hbm>>
    %dma_wait3A_132 = arith.constant 0 : i32
    %dma_wait3A_133 = tpu.memref_slice %arg4[%add3A_75, %dma_wait3A_132] : memref<8192x1024xf32, #tpu.memory_space<hbm>> -> memref<8x1024xf32, #tpu.memory_space<hbm>>
    %dma_wait3A_134 = arith.constant 16 : i32
    %dma_wait3A_135 = arith.constant 0 : i32
    %dma_wait3A_136 = tpu.memref_slice %arg10[%dma_wait3A_134, %dma_wait3A_135] : memref<32x1024xf32, #tpu.memory_space<vmem>> -> memref<8x1024xf32, #tpu.memory_space<vmem>>
    tpu.wait_dma2 semaphore(%arg16 : memref<!tpu.dma_semaphore, #tpu.memory_space<semaphore_mem>>) src(%dma_wait3A_136 : memref<8x1024xf32, #tpu.memory_space<vmem>>) dst(%dma_wait3A_133 : memref<8x1024xf32, #tpu.memory_space<hbm>>)
    %dma_wait3A_137 = arith.constant 24 : i32
    %dma_wait3A_138 = arith.constant 0 : i32
    %dma_wait3A_139 = tpu.memref_slice %arg10[%dma_wait3A_137, %dma_wait3A_138] : memref<32x1024xf32, #tpu.memory_space<vmem>> -> memref<8x1024xf32, #tpu.memory_space<vmem>>
    %dma_wait3A_140 = arith.constant 0 : i32
    %dma_wait3A_141 = tpu.memref_slice %arg4[%add3A_89, %dma_wait3A_140] : memref<8192x1024xf32, #tpu.memory_space<hbm>> -> memref<8x1024xf32, #tpu.memory_space<hbm>>
    %dma_wait3A_142 = arith.constant 0 : i32
    %dma_wait3A_143 = tpu.memref_slice %arg4[%add3A_89, %dma_wait3A_142] : memref<8192x1024xf32, #tpu.memory_space<hbm>> -> memref<8x1024xf32, #tpu.memory_space<hbm>>
    %dma_wait3A_144 = arith.constant 24 : i32
    %dma_wait3A_145 = arith.constant 0 : i32
    %dma_wait3A_146 = tpu.memref_slice %arg10[%dma_wait3A_144, %dma_wait3A_145] : memref<32x1024xf32, #tpu.memory_space<vmem>> -> memref<8x1024xf32, #tpu.memory_space<vmem>>
    tpu.wait_dma2 semaphore(%arg16 : memref<!tpu.dma_semaphore, #tpu.memory_space<semaphore_mem>>) src(%dma_wait3A_146 : memref<8x1024xf32, #tpu.memory_space<vmem>>) dst(%dma_wait3A_143 : memref<8x1024xf32, #tpu.memory_space<hbm>>)
    %dma_start3A_147 = arith.constant 3 : i32
    %dma_start3A_148 = arith.constant 0 : i32
    %dma_start3A_149 = tpu.memref_slice %arg5[%dma_start3A_147, %dma_start3A_148] : memref<8x32xi32, #tpu.memory_space<vmem>> -> memref<1x32xi32, #tpu.memory_space<vmem>>
    %dma_start3A_150 = tpu.memref_squeeze %dma_start3A_149 : memref<1x32xi32, #tpu.memory_space<vmem>> -> memref<32xi32, #tpu.memory_space<vmem>>
    %dma_start3A_151 = arith.constant 0 : i32
    %dma_start3A_152 = arith.constant 0 : i32
    %dma_start3A_153 = tpu.memref_slice %arg2[%dma_start3A_151, %dma_start3A_152] : memref<100000x1024xf32, #tpu.memory_space<hbm>> -> memref<100000x1024xf32, #tpu.memory_space<hbm>>
    tpu.enqueue_indirect_dma source(%dma_start3A_153 : memref<100000x1024xf32, #tpu.memory_space<hbm>>) target(%arg10 : memref<32x1024xf32, #tpu.memory_space<vmem>>) offsets(%dma_start3A_150 : memref<32xi32, #tpu.memory_space<vmem>>) semaphore(%arg13 : memref<!tpu.dma_semaphore, #tpu.memory_space<semaphore_mem>>)
    %parallel_loop3A_154 = arith.constant 0 : i32
    %parallel_loop3A_155 = arith.constant 512 : i32
    %parallel_loop3A_156 = arith.constant 1 : i32
    scf.for %parallel_loop3A_944 = %parallel_loop3A_154 to %parallel_loop3A_155 step %parallel_loop3A_156  : i32 {
      %parallel_loop3A_945 = arith.constant 6 : i32
      %parallel_loop3A_946 = arith.shrui %parallel_loop3A_944, %parallel_loop3A_945 : i32
      %parallel_loop3A_947 = arith.constant 63 : i32
      %parallel_loop3A_948 = arith.andi %parallel_loop3A_944, %parallel_loop3A_947 : i32
      %parallel_loop3A_949 = arith.constant 4 : i32
      %parallel_loop3A_950 = arith.shli %parallel_loop3A_948, %parallel_loop3A_949 : i32
      %parallel_loop3A_951 = tpu.assume_multiple %parallel_loop3A_950, 16 : i32
      %parallel_loop3A_952 = arith.constant 8 : i32
      %parallel_loop3A_953 = arith.addi %parallel_loop3A_952, %parallel_loop3A_946 : i32
      %parallel_loop3A_954 = arith.index_cast %parallel_loop3A_953 : i32 to index
      %parallel_loop3A_955 = arith.index_cast %parallel_loop3A_951 : i32 to index
      %parallel_loop3A_956 = tpu.vector_load %arg9[%parallel_loop3A_954, %parallel_loop3A_955] {strides = array<i32>} : memref<16x1024xf32, #tpu.memory_space<vmem>>, vector<1x16xf32>,
      %parallel_loop3A_957 = vector.shape_cast %parallel_loop3A_956 : vector<1x16xf32> to vector<16xf32>
      %parallel_loop3A_958 = arith.constant 0 : i32
      %parallel_loop3A_959 = arith.addi %parallel_loop3A_958, %parallel_loop3A_946 : i32
      %parallel_loop3A_960 = arith.index_cast %parallel_loop3A_959 : i32 to index
      %parallel_loop3A_961 = arith.index_cast %parallel_loop3A_951 : i32 to index
      %parallel_loop3A_962 = tpu.vector_load %arg11[%parallel_loop3A_960, %parallel_loop3A_961] {strides = array<i32>} : memref<32x1024xf32, #tpu.memory_space<vmem>>, vector<1x16xf32>,
      %parallel_loop3A_963 = vector.shape_cast %parallel_loop3A_962 : vector<1x16xf32> to vector<16xf32>
      %parallel_loop3A_964 = arith.constant 3.200000e+01 : f32
      %parallel_loop3A_965 = vector.broadcast %parallel_loop3A_964 : f32 to vector<16xf32>
      %parallel_loop3A_966 = arith.mulf %parallel_loop3A_963, %parallel_loop3A_965 : vector<16xf32>
      %parallel_loop3A_967 = arith.addf %parallel_loop3A_966, %parallel_loop3A_957 : vector<16xf32>
      %parallel_loop3A_968 = arith.index_cast %parallel_loop3A_959 : i32 to index
      %parallel_loop3A_969 = arith.index_cast %parallel_loop3A_951 : i32 to index
      %parallel_loop3A_970 = tpu.vector_load %arg11[%parallel_loop3A_968, %parallel_loop3A_969] {strides = array<i32>} : memref<32x1024xf32, #tpu.memory_space<vmem>>, vector<1x16xf32>,
      %parallel_loop3A_971 = vector.shape_cast %parallel_loop3A_970 : vector<1x16xf32> to vector<16xf32>
      %parallel_loop3A_972 = vector.shape_cast %parallel_loop3A_967 : vector<16xf32> to vector<1x16xf32>
      tpu.vector_store %arg11[%parallel_loop3A_968, %parallel_loop3A_969], %parallel_loop3A_972 {strides = array<i32>} : memref<32x1024xf32, #tpu.memory_space<vmem>>, vector<1x16xf32>,
      %parallel_loop3A_973 = arith.constant 8 : i32
      %parallel_loop3A_974 = arith.addi %parallel_loop3A_973, %parallel_loop3A_946 : i32
      %parallel_loop3A_975 = arith.index_cast %parallel_loop3A_974 : i32 to index
      %parallel_loop3A_976 = arith.index_cast %parallel_loop3A_951 : i32 to index
      %parallel_loop3A_977 = tpu.vector_load %arg11[%parallel_loop3A_975, %parallel_loop3A_976] {strides = array<i32>} : memref<32x1024xf32, #tpu.memory_space<vmem>>, vector<1x16xf32>,
      %parallel_loop3A_978 = vector.shape_cast %parallel_loop3A_977 : vector<1x16xf32> to vector<16xf32>
      %parallel_loop3A_979 = arith.constant 3.200000e+01 : f32
      %parallel_loop3A_980 = vector.broadcast %parallel_loop3A_979 : f32 to vector<16xf32>
      %parallel_loop3A_981 = arith.mulf %parallel_loop3A_978, %parallel_loop3A_980 : vector<16xf32>
      %parallel_loop3A_982 = arith.addf %parallel_loop3A_981, %parallel_loop3A_957 : vector<16xf32>
      %parallel_loop3A_983 = arith.index_cast %parallel_loop3A_974 : i32 to index
      %parallel_loop3A_984 = arith.index_cast %parallel_loop3A_951 : i32 to index
      %parallel_loop3A_985 = tpu.vector_load %arg11[%parallel_loop3A_983, %parallel_loop3A_984] {strides = array<i32>} : memref<32x1024xf32, #tpu.memory_space<vmem>>, vector<1x16xf32>,
      %parallel_loop3A_986 = vector.shape_cast %parallel_loop3A_985 : vector<1x16xf32> to vector<16xf32>
      %parallel_loop3A_987 = vector.shape_cast %parallel_loop3A_982 : vector<16xf32> to vector<1x16xf32>
      tpu.vector_store %arg11[%parallel_loop3A_983, %parallel_loop3A_984], %parallel_loop3A_987 {strides = array<i32>} : memref<32x1024xf32, #tpu.memory_space<vmem>>, vector<1x16xf32>,
      %parallel_loop3A_988 = arith.constant 16 : i32
      %parallel_loop3A_989 = arith.addi %parallel_loop3A_988, %parallel_loop3A_946 : i32
      %parallel_loop3A_990 = arith.index_cast %parallel_loop3A_989 : i32 to index
      %parallel_loop3A_991 = arith.index_cast %parallel_loop3A_951 : i32 to index
      %parallel_loop3A_992 = tpu.vector_load %arg11[%parallel_loop3A_990, %parallel_loop3A_991] {strides = array<i32>} : memref<32x1024xf32, #tpu.memory_space<vmem>>, vector<1x16xf32>,
      %parallel_loop3A_993 = vector.shape_cast %parallel_loop3A_992 : vector<1x16xf32> to vector<16xf32>
      %parallel_loop3A_994 = arith.constant 3.200000e+01 : f32
      %parallel_loop3A_995 = vector.broadcast %parallel_loop3A_994 : f32 to vector<16xf32>
      %parallel_loop3A_996 = arith.mulf %parallel_loop3A_993, %parallel_loop3A_995 : vector<16xf32>
      %parallel_loop3A_997 = arith.addf %parallel_loop3A_996, %parallel_loop3A_957 : vector<16xf32>
      %parallel_loop3A_998 = arith.index_cast %parallel_loop3A_989 : i32 to index
      %parallel_loop3A_999 = arith.index_cast %parallel_loop3A_951 : i32 to index
      %parallel_loop3A_1000 = tpu.vector_load %arg11[%parallel_loop3A_998, %parallel_loop3A_999] {strides = array<i32>} : memref<32x1024xf32, #tpu.memory_space<vmem>>, vector<1x16xf32>,
      %parallel_loop3A_1001 = vector.shape_cast %parallel_loop3A_1000 : vector<1x16xf32> to vector<16xf32>
      %parallel_loop3A_1002 = vector.shape_cast %parallel_loop3A_997 : vector<16xf32> to vector<1x16xf32>
      tpu.vector_store %arg11[%parallel_loop3A_998, %parallel_loop3A_999], %parallel_loop3A_1002 {strides = array<i32>} : memref<32x1024xf32, #tpu.memory_space<vmem>>, vector<1x16xf32>,
      %parallel_loop3A_1003 = arith.constant 24 : i32
      %parallel_loop3A_1004 = arith.addi %parallel_loop3A_1003, %parallel_loop3A_946 : i32
      %parallel_loop3A_1005 = arith.index_cast %parallel_loop3A_1004 : i32 to index
      %parallel_loop3A_1006 = arith.index_cast %parallel_loop3A_951 : i32 to index
      %parallel_loop3A_1007 = tpu.vector_load %arg11[%parallel_loop3A_1005, %parallel_loop3A_1006] {strides = array<i32>} : memref<32x1024xf32, #tpu.memory_space<vmem>>, vector<1x16xf32>,
      %parallel_loop3A_1008 = vector.shape_cast %parallel_loop3A_1007 : vector<1x16xf32> to vector<16xf32>
      %parallel_loop3A_1009 = arith.constant 3.200000e+01 : f32
      %parallel_loop3A_1010 = vector.broadcast %parallel_loop3A_1009 : f32 to vector<16xf32>
      %parallel_loop3A_1011 = arith.mulf %parallel_loop3A_1008, %parallel_loop3A_1010 : vector<16xf32>
      %parallel_loop3A_1012 = arith.addf %parallel_loop3A_1011, %parallel_loop3A_957 : vector<16xf32>
      %parallel_loop3A_1013 = arith.index_cast %parallel_loop3A_1004 : i32 to index
      %parallel_loop3A_1014 = arith.index_cast %parallel_loop3A_951 : i32 to index
      %parallel_loop3A_1015 = tpu.vector_load %arg11[%parallel_loop3A_1013, %parallel_loop3A_1014] {strides = array<i32>} : memref<32x1024xf32, #tpu.memory_space<vmem>>, vector<1x16xf32>,
      %parallel_loop3A_1016 = vector.shape_cast %parallel_loop3A_1015 : vector<1x16xf32> to vector<16xf32>
      %parallel_loop3A_1017 = vector.shape_cast %parallel_loop3A_1012 : vector<16xf32> to vector<1x16xf32>
      tpu.vector_store %arg11[%parallel_loop3A_1013, %parallel_loop3A_1014], %parallel_loop3A_1017 {strides = array<i32>} : memref<32x1024xf32, #tpu.memory_space<vmem>>, vector<1x16xf32>,
    } {sc.loop_unroll_factor = 8 : i64, sc.parallel_access}
    %add3A_157 = arith.constant 0 : i32
    %add3A_158 = arith.addi %add3A_157, %mul3A_2 : i32
    %add3A_159 = arith.constant 8 : i32
    %add3A_160 = arith.addi %add3A_158, %add3A_159 : i32
    %dma_start3A_161 = arith.constant 0 : i32
    %dma_start3A_162 = arith.constant 0 : i32
    %dma_start3A_163 = tpu.memref_slice %arg11[%dma_start3A_161, %dma_start3A_162] : memref<32x1024xf32, #tpu.memory_space<vmem>> -> memref<8x1024xf32, #tpu.memory_space<vmem>>
    %dma_start3A_164 = arith.constant 0 : i32
    %dma_start3A_165 = tpu.memref_slice %arg4[%add3A_160, %dma_start3A_164] : memref<8192x1024xf32, #tpu.memory_space<hbm>> -> memref<8x1024xf32, #tpu.memory_space<hbm>>
    %dma_start3A_166 = arith.constant 0 : i32
    %dma_start3A_167 = tpu.memref_slice %arg4[%add3A_160, %dma_start3A_166] : memref<8192x1024xf32, #tpu.memory_space<hbm>> -> memref<8x1024xf32, #tpu.memory_space<hbm>>
    %dma_start3A_168 = arith.constant 0 : i32
    %dma_start3A_169 = arith.constant 0 : i32
    %dma_start3A_170 = tpu.memref_slice %arg11[%dma_start3A_168, %dma_start3A_169] : memref<32x1024xf32, #tpu.memory_space<vmem>> -> memref<8x1024xf32, #tpu.memory_space<vmem>>
    tpu.enqueue_dma source(%dma_start3A_170 : memref<8x1024xf32, #tpu.memory_space<vmem>>) target(%dma_start3A_167 : memref<8x1024xf32, #tpu.memory_space<hbm>>) target_semaphore(%arg17 : memref<!tpu.dma_semaphore, #tpu.memory_space<semaphore_mem>>)
    %add3A_171 = arith.constant 2048 : i32
    %add3A_172 = arith.addi %add3A_171, %mul3A_2 : i32
    %add3A_173 = arith.constant 8 : i32
    %add3A_174 = arith.addi %add3A_172, %add3A_173 : i32
    %dma_start3A_175 = arith.constant 8 : i32
    %dma_start3A_176 = arith.constant 0 : i32
    %dma_start3A_177 = tpu.memref_slice %arg11[%dma_start3A_175, %dma_start3A_176] : memref<32x1024xf32, #tpu.memory_space<vmem>> -> memref<8x1024xf32, #tpu.memory_space<vmem>>
    %dma_start3A_178 = arith.constant 0 : i32
    %dma_start3A_179 = tpu.memref_slice %arg4[%add3A_174, %dma_start3A_178] : memref<8192x1024xf32, #tpu.memory_space<hbm>> -> memref<8x1024xf32, #tpu.memory_space<hbm>>
    %dma_start3A_180 = arith.constant 0 : i32
    %dma_start3A_181 = tpu.memref_slice %arg4[%add3A_174, %dma_start3A_180] : memref<8192x1024xf32, #tpu.memory_space<hbm>> -> memref<8x1024xf32, #tpu.memory_space<hbm>>
    %dma_start3A_182 = arith.constant 8 : i32
    %dma_start3A_183 = arith.constant 0 : i32
    %dma_start3A_184 = tpu.memref_slice %arg11[%dma_start3A_182, %dma_start3A_183] : memref<32x1024xf32, #tpu.memory_space<vmem>> -> memref<8x1024xf32, #tpu.memory_space<vmem>>
    tpu.enqueue_dma source(%dma_start3A_184 : memref<8x1024xf32, #tpu.memory_space<vmem>>) target(%dma_start3A_181 : memref<8x1024xf32, #tpu.memory_space<hbm>>) target_semaphore(%arg17 : memref<!tpu.dma_semaphore, #tpu.memory_space<semaphore_mem>>)
    %add3A_185 = arith.constant 4096 : i32
    %add3A_186 = arith.addi %add3A_185, %mul3A_2 : i32
    %add3A_187 = arith.constant 8 : i32
    %add3A_188 = arith.addi %add3A_186, %add3A_187 : i32
    %dma_start3A_189 = arith.constant 16 : i32
    %dma_start3A_190 = arith.constant 0 : i32
    %dma_start3A_191 = tpu.memref_slice %arg11[%dma_start3A_189, %dma_start3A_190] : memref<32x1024xf32, #tpu.memory_space<vmem>> -> memref<8x1024xf32, #tpu.memory_space<vmem>>
    %dma_start3A_192 = arith.constant 0 : i32
    %dma_start3A_193 = tpu.memref_slice %arg4[%add3A_188, %dma_start3A_192] : memref<8192x1024xf32, #tpu.memory_space<hbm>> -> memref<8x1024xf32, #tpu.memory_space<hbm>>
    %dma_start3A_194 = arith.constant 0 : i32
    %dma_start3A_195 = tpu.memref_slice %arg4[%add3A_188, %dma_start3A_194] : memref<8192x1024xf32, #tpu.memory_space<hbm>> -> memref<8x1024xf32, #tpu.memory_space<hbm>>
    %dma_start3A_196 = arith.constant 16 : i32
    %dma_start3A_197 = arith.constant 0 : i32
    %dma_start3A_198 = tpu.memref_slice %arg11[%dma_start3A_196, %dma_start3A_197] : memref<32x1024xf32, #tpu.memory_space<vmem>> -> memref<8x1024xf32, #tpu.memory_space<vmem>>
    tpu.enqueue_dma source(%dma_start3A_198 : memref<8x1024xf32, #tpu.memory_space<vmem>>) target(%dma_start3A_195 : memref<8x1024xf32, #tpu.memory_space<hbm>>) target_semaphore(%arg17 : memref<!tpu.dma_semaphore, #tpu.memory_space<semaphore_mem>>)
    %add3A_199 = arith.constant 6144 : i32
    %add3A_200 = arith.addi %add3A_199, %mul3A_2 : i32
    %add3A_201 = arith.constant 8 : i32
    %add3A_202 = arith.addi %add3A_200, %add3A_201 : i32
    %dma_start3A_203 = arith.constant 24 : i32
    %dma_start3A_204 = arith.constant 0 : i32
    %dma_start3A_205 = tpu.memref_slice %arg11[%dma_start3A_203, %dma_start3A_204] : memref<32x1024xf32, #tpu.memory_space<vmem>> -> memref<8x1024xf32, #tpu.memory_space<vmem>>
    %dma_start3A_206 = arith.constant 0 : i32
    %dma_start3A_207 = tpu.memref_slice %arg4[%add3A_202, %dma_start3A_206] : memref<8192x1024xf32, #tpu.memory_space<hbm>> -> memref<8x1024xf32, #tpu.memory_space<hbm>>
    %dma_start3A_208 = arith.constant 0 : i32
    %dma_start3A_209 = tpu.memref_slice %arg4[%add3A_202, %dma_start3A_208] : memref<8192x1024xf32, #tpu.memory_space<hbm>> -> memref<8x1024xf32, #tpu.memory_space<hbm>>
    %dma_start3A_210 = arith.constant 24 : i32
    %dma_start3A_211 = arith.constant 0 : i32
    %dma_start3A_212 = tpu.memref_slice %arg11[%dma_start3A_210, %dma_start3A_211] : memref<32x1024xf32, #tpu.memory_space<vmem>> -> memref<8x1024xf32, #tpu.memory_space<vmem>>
    tpu.enqueue_dma source(%dma_start3A_212 : memref<8x1024xf32, #tpu.memory_space<vmem>>) target(%dma_start3A_209 : memref<8x1024xf32, #tpu.memory_space<hbm>>) target_semaphore(%arg17 : memref<!tpu.dma_semaphore, #tpu.memory_space<semaphore_mem>>)
    %add3A_213 = arith.constant 16 : i32
    %add3A_214 = arith.addi %mul3A_2, %add3A_213 : i32
    %convert_element_type3A_215 = arith.sitofp %add3A_214 : i32 to f32
    %scan3A_216 = arith.constant 0 : i32
    %scan3A_217 = arith.constant 0 : i32
    %scan3A_218 = arith.constant 16 : i32
    %scan3A_219 = arith.addi %scan3A_217, %scan3A_218 : i32
    %scan3A_220 = arith.constant 1 : i32
    scf.for %scan3A_944 = %scan3A_217 to %scan3A_219 step %scan3A_220  : i32 {
      %shift_left3A = arith.constant 5 : i32
      %shift_left3A_945 = arith.shli %scan3A_944, %shift_left3A : i32
      %multiple_of3A = tpu.assume_multiple %shift_left3A_945, 16 : i32
      %add3A_946 = arith.constant 16 : i32
      %add3A_947 = arith.addi %multiple_of3A, %add3A_946 : i32
      %multiple_of3A_948 = tpu.assume_multiple %add3A_947, 16 : i32
      %get3A = arith.index_cast %multiple_of3A : i32 to index
      %get3A_949 = tpu.vector_load %arg6[%get3A] {strides = array<i32>} : memref<512xf32, #tpu.memory_space<vmem>>, vector<16xf32>,
      %get3A_950 = vector.shape_cast %get3A_949 : vector<16xf32> to vector<16xf32>
      %get3A_951 = arith.index_cast %multiple_of3A_948 : i32 to index
      %get3A_952 = tpu.vector_load %arg6[%get3A_951] {strides = array<i32>} : memref<512xf32, #tpu.memory_space<vmem>>, vector<16xf32>,
      %get3A_953 = vector.shape_cast %get3A_952 : vector<16xf32> to vector<16xf32>
      %mul3A_954 = vector.broadcast %convert_element_type3A_215 : f32 to vector<16xf32>
      %mul3A_955 = arith.mulf %mul3A_954, %get3A_950 : vector<16xf32>
      %mul3A_956 = arith.constant 0.318309873 : f32
      %mul3A_957 = vector.broadcast %mul3A_956 : f32 to vector<16xf32>
      %mul3A_958 = arith.mulf %mul3A_955, %mul3A_957 : vector<16xf32>
      %add3A_959 = arith.constant 0x4B400000 : f32
      %add3A_960 = vector.broadcast %add3A_959 : f32 to vector<16xf32>
      %add3A_961 = arith.addf %mul3A_958, %add3A_960 : vector<16xf32>
      %sub3A = arith.constant 0x4B400000 : f32
      %sub3A_962 = vector.broadcast %sub3A : f32 to vector<16xf32>
      %sub3A_963 = arith.subf %add3A_961, %sub3A_962 : vector<16xf32>
      %mul3A_964 = arith.constant 3.14159274 : f32
      %mul3A_965 = vector.broadcast %mul3A_964 : f32 to vector<16xf32>
      %mul3A_966 = arith.mulf %sub3A_963, %mul3A_965 : vector<16xf32>
      %sub3A_967 = arith.subf %mul3A_955, %mul3A_966 : vector<16xf32>
      %mul3A_968 = arith.constant -8.74227765E-8 : f32
      %mul3A_969 = vector.broadcast %mul3A_968 : f32 to vector<16xf32>
      %mul3A_970 = arith.mulf %sub3A_963, %mul3A_969 : vector<16xf32>
      %sub3A_971 = arith.subf %sub3A_967, %mul3A_970 : vector<16xf32>
      %mul3A_972 = arith.mulf %sub3A_971, %sub3A_971 : vector<16xf32>
      %mul3A_973 = arith.constant 2.75573188E-6 : f32
      %mul3A_974 = vector.broadcast %mul3A_973 : f32 to vector<16xf32>
      %mul3A_975 = arith.mulf %mul3A_972, %mul3A_974 : vector<16xf32>
      %add3A_976 = arith.constant -1.98412701E-4 : f32
      %add3A_977 = vector.broadcast %add3A_976 : f32 to vector<16xf32>
      %add3A_978 = arith.addf %mul3A_975, %add3A_977 : vector<16xf32>
      %mul3A_979 = arith.mulf %mul3A_972, %add3A_978 : vector<16xf32>
      %add3A_980 = arith.constant 0.00833333377 : f32
      %add3A_981 = vector.broadcast %add3A_980 : f32 to vector<16xf32>
      %add3A_982 = arith.addf %mul3A_979, %add3A_981 : vector<16xf32>
      %mul3A_983 = arith.mulf %mul3A_972, %add3A_982 : vector<16xf32>
      %add3A_984 = arith.constant -0.166666672 : f32
      %add3A_985 = vector.broadcast %add3A_984 : f32 to vector<16xf32>
      %add3A_986 = arith.addf %mul3A_983, %add3A_985 : vector<16xf32>
      %mul3A_987 = arith.mulf %mul3A_972, %add3A_986 : vector<16xf32>
      %mul3A_988 = arith.mulf %sub3A_971, %mul3A_987 : vector<16xf32>
      %add3A_989 = arith.addf %mul3A_988, %sub3A_971 : vector<16xf32>
      %convert_element_type3A_990 = arith.fptosi %add3A_961 : vector<16xf32> to vector<16xi32>
      %and3A = arith.constant 1 : i32
      %and3A_991 = vector.broadcast %and3A : i32 to vector<16xi32>
      %and3A_992 = arith.andi %convert_element_type3A_990, %and3A_991 : vector<16xi32>
      %convert_element_type3A_993 = arith.sitofp %and3A_992 : vector<16xi32> to vector<16xf32>
      %mul3A_994 = arith.constant 2.000000e+00 : f32
      %mul3A_995 = vector.broadcast %mul3A_994 : f32 to vector<16xf32>
      %mul3A_996 = arith.mulf %mul3A_995, %convert_element_type3A_993 : vector<16xf32>
      %sub3A_997 = arith.constant 1.000000e+00 : f32
      %sub3A_998 = vector.broadcast %sub3A_997 : f32 to vector<16xf32>
      %sub3A_999 = arith.subf %sub3A_998, %mul3A_996 : vector<16xf32>
      %mul3A_1000 = arith.mulf %add3A_989, %sub3A_999 : vector<16xf32>
      %mul3A_1001 = vector.broadcast %convert_element_type3A_215 : f32 to vector<16xf32>
      %mul3A_1002 = arith.mulf %mul3A_1001, %get3A_950 : vector<16xf32>
      %add3A_1003 = arith.constant 1.57079637 : f32
      %add3A_1004 = vector.broadcast %add3A_1003 : f32 to vector<16xf32>
      %add3A_1005 = arith.addf %mul3A_1002, %add3A_1004 : vector<16xf32>
      %mul3A_1006 = arith.constant 0.318309873 : f32
      %mul3A_1007 = vector.broadcast %mul3A_1006 : f32 to vector<16xf32>
      %mul3A_1008 = arith.mulf %add3A_1005, %mul3A_1007 : vector<16xf32>
      %add3A_1009 = arith.constant 0x4B400000 : f32
      %add3A_1010 = vector.broadcast %add3A_1009 : f32 to vector<16xf32>
      %add3A_1011 = arith.addf %mul3A_1008, %add3A_1010 : vector<16xf32>
      %sub3A_1012 = arith.constant 0x4B400000 : f32
      %sub3A_1013 = vector.broadcast %sub3A_1012 : f32 to vector<16xf32>
      %sub3A_1014 = arith.subf %add3A_1011, %sub3A_1013 : vector<16xf32>
      %mul3A_1015 = arith.constant 3.14159274 : f32
      %mul3A_1016 = vector.broadcast %mul3A_1015 : f32 to vector<16xf32>
      %mul3A_1017 = arith.mulf %sub3A_1014, %mul3A_1016 : vector<16xf32>
      %sub3A_1018 = arith.subf %add3A_1005, %mul3A_1017 : vector<16xf32>
      %mul3A_1019 = arith.constant -8.74227765E-8 : f32
      %mul3A_1020 = vector.broadcast %mul3A_1019 : f32 to vector<16xf32>
      %mul3A_1021 = arith.mulf %sub3A_1014, %mul3A_1020 : vector<16xf32>
      %sub3A_1022 = arith.subf %sub3A_1018, %mul3A_1021 : vector<16xf32>
      %mul3A_1023 = arith.mulf %sub3A_1022, %sub3A_1022 : vector<16xf32>
      %mul3A_1024 = arith.constant 2.75573188E-6 : f32
      %mul3A_1025 = vector.broadcast %mul3A_1024 : f32 to vector<16xf32>
      %mul3A_1026 = arith.mulf %mul3A_1023, %mul3A_1025 : vector<16xf32>
      %add3A_1027 = arith.constant -1.98412701E-4 : f32
      %add3A_1028 = vector.broadcast %add3A_1027 : f32 to vector<16xf32>
      %add3A_1029 = arith.addf %mul3A_1026, %add3A_1028 : vector<16xf32>
      %mul3A_1030 = arith.mulf %mul3A_1023, %add3A_1029 : vector<16xf32>
      %add3A_1031 = arith.constant 0.00833333377 : f32
      %add3A_1032 = vector.broadcast %add3A_1031 : f32 to vector<16xf32>
      %add3A_1033 = arith.addf %mul3A_1030, %add3A_1032 : vector<16xf32>
      %mul3A_1034 = arith.mulf %mul3A_1023, %add3A_1033 : vector<16xf32>
      %add3A_1035 = arith.constant -0.166666672 : f32
      %add3A_1036 = vector.broadcast %add3A_1035 : f32 to vector<16xf32>
      %add3A_1037 = arith.addf %mul3A_1034, %add3A_1036 : vector<16xf32>
      %mul3A_1038 = arith.mulf %mul3A_1023, %add3A_1037 : vector<16xf32>
      %mul3A_1039 = arith.mulf %sub3A_1022, %mul3A_1038 : vector<16xf32>
      %add3A_1040 = arith.addf %mul3A_1039, %sub3A_1022 : vector<16xf32>
      %convert_element_type3A_1041 = arith.fptosi %add3A_1011 : vector<16xf32> to vector<16xi32>
      %and3A_1042 = arith.constant 1 : i32
      %and3A_1043 = vector.broadcast %and3A_1042 : i32 to vector<16xi32>
      %and3A_1044 = arith.andi %convert_element_type3A_1041, %and3A_1043 : vector<16xi32>
      %convert_element_type3A_1045 = arith.sitofp %and3A_1044 : vector<16xi32> to vector<16xf32>
      %mul3A_1046 = arith.constant 2.000000e+00 : f32
      %mul3A_1047 = vector.broadcast %mul3A_1046 : f32 to vector<16xf32>
      %mul3A_1048 = arith.mulf %mul3A_1047, %convert_element_type3A_1045 : vector<16xf32>
      %sub3A_1049 = arith.constant 1.000000e+00 : f32
      %sub3A_1050 = vector.broadcast %sub3A_1049 : f32 to vector<16xf32>
      %sub3A_1051 = arith.subf %sub3A_1050, %mul3A_1048 : vector<16xf32>
      %mul3A_1052 = arith.mulf %add3A_1040, %sub3A_1051 : vector<16xf32>
      %mul3A_1053 = vector.broadcast %convert_element_type3A_215 : f32 to vector<16xf32>
      %mul3A_1054 = arith.mulf %mul3A_1053, %get3A_953 : vector<16xf32>
      %mul3A_1055 = arith.constant 0.318309873 : f32
      %mul3A_1056 = vector.broadcast %mul3A_1055 : f32 to vector<16xf32>
      %mul3A_1057 = arith.mulf %mul3A_1054, %mul3A_1056 : vector<16xf32>
      %add3A_1058 = arith.constant 0x4B400000 : f32
      %add3A_1059 = vector.broadcast %add3A_1058 : f32 to vector<16xf32>
      %add3A_1060 = arith.addf %mul3A_1057, %add3A_1059 : vector<16xf32>
      %sub3A_1061 = arith.constant 0x4B400000 : f32
      %sub3A_1062 = vector.broadcast %sub3A_1061 : f32 to vector<16xf32>
      %sub3A_1063 = arith.subf %add3A_1060, %sub3A_1062 : vector<16xf32>
      %mul3A_1064 = arith.constant 3.14159274 : f32
      %mul3A_1065 = vector.broadcast %mul3A_1064 : f32 to vector<16xf32>
      %mul3A_1066 = arith.mulf %sub3A_1063, %mul3A_1065 : vector<16xf32>
      %sub3A_1067 = arith.subf %mul3A_1054, %mul3A_1066 : vector<16xf32>
      %mul3A_1068 = arith.constant -8.74227765E-8 : f32
      %mul3A_1069 = vector.broadcast %mul3A_1068 : f32 to vector<16xf32>
      %mul3A_1070 = arith.mulf %sub3A_1063, %mul3A_1069 : vector<16xf32>
      %sub3A_1071 = arith.subf %sub3A_1067, %mul3A_1070 : vector<16xf32>
      %mul3A_1072 = arith.mulf %sub3A_1071, %sub3A_1071 : vector<16xf32>
      %mul3A_1073 = arith.constant 2.75573188E-6 : f32
      %mul3A_1074 = vector.broadcast %mul3A_1073 : f32 to vector<16xf32>
      %mul3A_1075 = arith.mulf %mul3A_1072, %mul3A_1074 : vector<16xf32>
      %add3A_1076 = arith.constant -1.98412701E-4 : f32
      %add3A_1077 = vector.broadcast %add3A_1076 : f32 to vector<16xf32>
      %add3A_1078 = arith.addf %mul3A_1075, %add3A_1077 : vector<16xf32>
      %mul3A_1079 = arith.mulf %mul3A_1072, %add3A_1078 : vector<16xf32>
      %add3A_1080 = arith.constant 0.00833333377 : f32
      %add3A_1081 = vector.broadcast %add3A_1080 : f32 to vector<16xf32>
      %add3A_1082 = arith.addf %mul3A_1079, %add3A_1081 : vector<16xf32>
      %mul3A_1083 = arith.mulf %mul3A_1072, %add3A_1082 : vector<16xf32>
      %add3A_1084 = arith.constant -0.166666672 : f32
      %add3A_1085 = vector.broadcast %add3A_1084 : f32 to vector<16xf32>
      %add3A_1086 = arith.addf %mul3A_1083, %add3A_1085 : vector<16xf32>
      %mul3A_1087 = arith.mulf %mul3A_1072, %add3A_1086 : vector<16xf32>
      %mul3A_1088 = arith.mulf %sub3A_1071, %mul3A_1087 : vector<16xf32>
      %add3A_1089 = arith.addf %mul3A_1088, %sub3A_1071 : vector<16xf32>
      %convert_element_type3A_1090 = arith.fptosi %add3A_1060 : vector<16xf32> to vector<16xi32>
      %and3A_1091 = arith.constant 1 : i32
      %and3A_1092 = vector.broadcast %and3A_1091 : i32 to vector<16xi32>
      %and3A_1093 = arith.andi %convert_element_type3A_1090, %and3A_1092 : vector<16xi32>
      %convert_element_type3A_1094 = arith.sitofp %and3A_1093 : vector<16xi32> to vector<16xf32>
      %mul3A_1095 = arith.constant 2.000000e+00 : f32
      %mul3A_1096 = vector.broadcast %mul3A_1095 : f32 to vector<16xf32>
      %mul3A_1097 = arith.mulf %mul3A_1096, %convert_element_type3A_1094 : vector<16xf32>
      %sub3A_1098 = arith.constant 1.000000e+00 : f32
      %sub3A_1099 = vector.broadcast %sub3A_1098 : f32 to vector<16xf32>
      %sub3A_1100 = arith.subf %sub3A_1099, %mul3A_1097 : vector<16xf32>
      %mul3A_1101 = arith.mulf %add3A_1089, %sub3A_1100 : vector<16xf32>
      %mul3A_1102 = vector.broadcast %convert_element_type3A_215 : f32 to vector<16xf32>
      %mul3A_1103 = arith.mulf %mul3A_1102, %get3A_953 : vector<16xf32>
      %add3A_1104 = arith.constant 1.57079637 : f32
      %add3A_1105 = vector.broadcast %add3A_1104 : f32 to vector<16xf32>
      %add3A_1106 = arith.addf %mul3A_1103, %add3A_1105 : vector<16xf32>
      %mul3A_1107 = arith.constant 0.318309873 : f32
      %mul3A_1108 = vector.broadcast %mul3A_1107 : f32 to vector<16xf32>
      %mul3A_1109 = arith.mulf %add3A_1106, %mul3A_1108 : vector<16xf32>
      %add3A_1110 = arith.constant 0x4B400000 : f32
      %add3A_1111 = vector.broadcast %add3A_1110 : f32 to vector<16xf32>
      %add3A_1112 = arith.addf %mul3A_1109, %add3A_1111 : vector<16xf32>
      %sub3A_1113 = arith.constant 0x4B400000 : f32
      %sub3A_1114 = vector.broadcast %sub3A_1113 : f32 to vector<16xf32>
      %sub3A_1115 = arith.subf %add3A_1112, %sub3A_1114 : vector<16xf32>
      %mul3A_1116 = arith.constant 3.14159274 : f32
      %mul3A_1117 = vector.broadcast %mul3A_1116 : f32 to vector<16xf32>
      %mul3A_1118 = arith.mulf %sub3A_1115, %mul3A_1117 : vector<16xf32>
      %sub3A_1119 = arith.subf %add3A_1106, %mul3A_1118 : vector<16xf32>
      %mul3A_1120 = arith.constant -8.74227765E-8 : f32
      %mul3A_1121 = vector.broadcast %mul3A_1120 : f32 to vector<16xf32>
      %mul3A_1122 = arith.mulf %sub3A_1115, %mul3A_1121 : vector<16xf32>
      %sub3A_1123 = arith.subf %sub3A_1119, %mul3A_1122 : vector<16xf32>
      %mul3A_1124 = arith.mulf %sub3A_1123, %sub3A_1123 : vector<16xf32>
      %mul3A_1125 = arith.constant 2.75573188E-6 : f32
      %mul3A_1126 = vector.broadcast %mul3A_1125 : f32 to vector<16xf32>
      %mul3A_1127 = arith.mulf %mul3A_1124, %mul3A_1126 : vector<16xf32>
      %add3A_1128 = arith.constant -1.98412701E-4 : f32
      %add3A_1129 = vector.broadcast %add3A_1128 : f32 to vector<16xf32>
      %add3A_1130 = arith.addf %mul3A_1127, %add3A_1129 : vector<16xf32>
      %mul3A_1131 = arith.mulf %mul3A_1124, %add3A_1130 : vector<16xf32>
      %add3A_1132 = arith.constant 0.00833333377 : f32
      %add3A_1133 = vector.broadcast %add3A_1132 : f32 to vector<16xf32>
      %add3A_1134 = arith.addf %mul3A_1131, %add3A_1133 : vector<16xf32>
      %mul3A_1135 = arith.mulf %mul3A_1124, %add3A_1134 : vector<16xf32>
      %add3A_1136 = arith.constant -0.166666672 : f32
      %add3A_1137 = vector.broadcast %add3A_1136 : f32 to vector<16xf32>
      %add3A_1138 = arith.addf %mul3A_1135, %add3A_1137 : vector<16xf32>
      %mul3A_1139 = arith.mulf %mul3A_1124, %add3A_1138 : vector<16xf32>
      %mul3A_1140 = arith.mulf %sub3A_1123, %mul3A_1139 : vector<16xf32>
      %add3A_1141 = arith.addf %mul3A_1140, %sub3A_1123 : vector<16xf32>
      %convert_element_type3A_1142 = arith.fptosi %add3A_1112 : vector<16xf32> to vector<16xi32>
      %and3A_1143 = arith.constant 1 : i32
      %and3A_1144 = vector.broadcast %and3A_1143 : i32 to vector<16xi32>
      %and3A_1145 = arith.andi %convert_element_type3A_1142, %and3A_1144 : vector<16xi32>
      %convert_element_type3A_1146 = arith.sitofp %and3A_1145 : vector<16xi32> to vector<16xf32>
      %mul3A_1147 = arith.constant 2.000000e+00 : f32
      %mul3A_1148 = vector.broadcast %mul3A_1147 : f32 to vector<16xf32>
      %mul3A_1149 = arith.mulf %mul3A_1148, %convert_element_type3A_1146 : vector<16xf32>
      %sub3A_1150 = arith.constant 1.000000e+00 : f32
      %sub3A_1151 = vector.broadcast %sub3A_1150 : f32 to vector<16xf32>
      %sub3A_1152 = arith.subf %sub3A_1151, %mul3A_1149 : vector<16xf32>
      %mul3A_1153 = arith.mulf %add3A_1141, %sub3A_1152 : vector<16xf32>
      %get3A_1154 = arith.index_cast %multiple_of3A : i32 to index
      %get3A_1155 = tpu.vector_load %arg7[%get3A_1154] {strides = array<i32>} : memref<512xf32, #tpu.memory_space<vmem>>, vector<16xf32>,
      %get3A_1156 = vector.shape_cast %get3A_1155 : vector<16xf32> to vector<16xf32>
      %get3A_1157 = arith.index_cast %multiple_of3A : i32 to index
      %get3A_1158 = tpu.vector_load %arg8[%get3A_1157] {strides = array<i32>} : memref<512xf32, #tpu.memory_space<vmem>>, vector<16xf32>,
      %get3A_1159 = vector.shape_cast %get3A_1158 : vector<16xf32> to vector<16xf32>
      %get3A_1160 = arith.index_cast %multiple_of3A_948 : i32 to index
      %get3A_1161 = tpu.vector_load %arg7[%get3A_1160] {strides = array<i32>} : memref<512xf32, #tpu.memory_space<vmem>>, vector<16xf32>,
      %get3A_1162 = vector.shape_cast %get3A_1161 : vector<16xf32> to vector<16xf32>
      %get3A_1163 = arith.index_cast %multiple_of3A_948 : i32 to index
      %get3A_1164 = tpu.vector_load %arg8[%get3A_1163] {strides = array<i32>} : memref<512xf32, #tpu.memory_space<vmem>>, vector<16xf32>,
      %get3A_1165 = vector.shape_cast %get3A_1164 : vector<16xf32> to vector<16xf32>
      %scan3A_1166 = arith.constant 0 : i32
      %scan3A_1167 = arith.constant 16 : i32
      %scan3A_1168 = arith.addi %scan3A_1166, %scan3A_1167 : i32
      %scan3A_1169 = arith.constant 1 : i32
      %scan3A_1170:4 = scf.for %scan3A_1172 = %scan3A_1166 to %scan3A_1168 step %scan3A_1169 iter_args(%scan3A_1173 = %mul3A_1000, %scan3A_1174 = %mul3A_1052, %scan3A_1175 = %mul3A_1101, %scan3A_1176 = %mul3A_1153) -> (vector<16xf32>, vector<16xf32>, vector<16xf32>, vector<16xf32>)  : i32 {
        %swap3A = arith.index_cast %scan3A_1172 : i32 to index
        %swap3A_1177 = arith.index_cast %multiple_of3A : i32 to index
        %swap3A_1178 = tpu.vector_load %arg9[%swap3A, %swap3A_1177] {strides = array<i32>} : memref<16x1024xf32, #tpu.memory_space<vmem>>, vector<1x16xf32>,
        %swap3A_1179 = vector.shape_cast %swap3A_1178 : vector<1x16xf32> to vector<16xf32>
        %swap3A_1180 = vector.shape_cast %scan3A_1173 : vector<16xf32> to vector<1x16xf32>
        tpu.vector_store %arg9[%swap3A, %swap3A_1177], %swap3A_1180 {strides = array<i32>} : memref<16x1024xf32, #tpu.memory_space<vmem>>, vector<1x16xf32>,
        %add3A_1181 = arith.constant 512 : i32
        %add3A_1182 = arith.addi %add3A_1181, %multiple_of3A : i32
        %multiple_of3A_1183 = tpu.assume_multiple %add3A_1182, 16 : i32
        %swap3A_1184 = arith.index_cast %scan3A_1172 : i32 to index
        %swap3A_1185 = arith.index_cast %multiple_of3A_1183 : i32 to index
        %swap3A_1186 = tpu.vector_load %arg9[%swap3A_1184, %swap3A_1185] {strides = array<i32>} : memref<16x1024xf32, #tpu.memory_space<vmem>>, vector<1x16xf32>,
        %swap3A_1187 = vector.shape_cast %swap3A_1186 : vector<1x16xf32> to vector<16xf32>
        %swap3A_1188 = vector.shape_cast %scan3A_1174 : vector<16xf32> to vector<1x16xf32>
        tpu.vector_store %arg9[%swap3A_1184, %swap3A_1185], %swap3A_1188 {strides = array<i32>} : memref<16x1024xf32, #tpu.memory_space<vmem>>, vector<1x16xf32>,
        %swap3A_1189 = arith.index_cast %scan3A_1172 : i32 to index
        %swap3A_1190 = arith.index_cast %multiple_of3A_948 : i32 to index
        %swap3A_1191 = tpu.vector_load %arg9[%swap3A_1189, %swap3A_1190] {strides = array<i32>} : memref<16x1024xf32, #tpu.memory_space<vmem>>, vector<1x16xf32>,
        %swap3A_1192 = vector.shape_cast %swap3A_1191 : vector<1x16xf32> to vector<16xf32>
        %swap3A_1193 = vector.shape_cast %scan3A_1175 : vector<16xf32> to vector<1x16xf32>
        tpu.vector_store %arg9[%swap3A_1189, %swap3A_1190], %swap3A_1193 {strides = array<i32>} : memref<16x1024xf32, #tpu.memory_space<vmem>>, vector<1x16xf32>,
        %add3A_1194 = arith.constant 512 : i32
        %add3A_1195 = arith.addi %add3A_1194, %multiple_of3A_948 : i32
        %multiple_of3A_1196 = tpu.assume_multiple %add3A_1195, 16 : i32
        %swap3A_1197 = arith.index_cast %scan3A_1172 : i32 to index
        %swap3A_1198 = arith.index_cast %multiple_of3A_1196 : i32 to index
        %swap3A_1199 = tpu.vector_load %arg9[%swap3A_1197, %swap3A_1198] {strides = array<i32>} : memref<16x1024xf32, #tpu.memory_space<vmem>>, vector<1x16xf32>,
        %swap3A_1200 = vector.shape_cast %swap3A_1199 : vector<1x16xf32> to vector<16xf32>
        %swap3A_1201 = vector.shape_cast %scan3A_1176 : vector<16xf32> to vector<1x16xf32>
        tpu.vector_store %arg9[%swap3A_1197, %swap3A_1198], %swap3A_1201 {strides = array<i32>} : memref<16x1024xf32, #tpu.memory_space<vmem>>, vector<1x16xf32>,
        %mul3A_1202 = arith.mulf %scan3A_1173, %get3A_1156 : vector<16xf32>
        %mul3A_1203 = arith.mulf %scan3A_1174, %get3A_1159 : vector<16xf32>
        %add3A_1204 = arith.addf %mul3A_1202, %mul3A_1203 : vector<16xf32>
        %mul3A_1205 = arith.mulf %scan3A_1174, %get3A_1156 : vector<16xf32>
        %mul3A_1206 = arith.mulf %scan3A_1173, %get3A_1159 : vector<16xf32>
        %sub3A_1207 = arith.subf %mul3A_1205, %mul3A_1206 : vector<16xf32>
        %mul3A_1208 = arith.mulf %scan3A_1175, %get3A_1162 : vector<16xf32>
        %mul3A_1209 = arith.mulf %scan3A_1176, %get3A_1165 : vector<16xf32>
        %add3A_1210 = arith.addf %mul3A_1208, %mul3A_1209 : vector<16xf32>
        %mul3A_1211 = arith.mulf %scan3A_1176, %get3A_1162 : vector<16xf32>
        %mul3A_1212 = arith.mulf %scan3A_1175, %get3A_1165 : vector<16xf32>
        %sub3A_1213 = arith.subf %mul3A_1211, %mul3A_1212 : vector<16xf32>
        scf.yield %add3A_1204, %sub3A_1207, %add3A_1210, %sub3A_1213 : vector<16xf32>, vector<16xf32>, vector<16xf32>, vector<16xf32>
      }
      %scan3A_1171 = arith.constant 16 : i32
    }
    %scan3A_221 = arith.constant 16 : i32
    %dma_wait3A_222 = arith.constant 2 : i32
    %dma_wait3A_223 = arith.constant 0 : i32
    %dma_wait3A_224 = tpu.memref_slice %arg5[%dma_wait3A_222, %dma_wait3A_223] : memref<8x32xi32, #tpu.memory_space<vmem>> -> memref<1x32xi32, #tpu.memory_space<vmem>>
    %dma_wait3A_225 = tpu.memref_squeeze %dma_wait3A_224 : memref<1x32xi32, #tpu.memory_space<vmem>> -> memref<32xi32, #tpu.memory_space<vmem>>
    %dma_wait3A_226 = arith.constant 0 : i32
    %dma_wait3A_227 = arith.constant 0 : i32
    %dma_wait3A_228 = tpu.memref_slice %arg2[%dma_wait3A_226, %dma_wait3A_227] : memref<100000x1024xf32, #tpu.memory_space<hbm>> -> memref<100000x1024xf32, #tpu.memory_space<hbm>>
    tpu.wait_indirect_dma semaphore(%arg15 : memref<!tpu.dma_semaphore, #tpu.memory_space<semaphore_mem>>) src(%dma_wait3A_228 : memref<100000x1024xf32, #tpu.memory_space<hbm>>) dst(%arg12 : memref<32x1024xf32, #tpu.memory_space<vmem>>)
    %dma_wait3A_229 = arith.constant 0 : i32
    %dma_wait3A_230 = arith.constant 0 : i32
    %dma_wait3A_231 = tpu.memref_slice %arg11[%dma_wait3A_229, %dma_wait3A_230] : memref<32x1024xf32, #tpu.memory_space<vmem>> -> memref<8x1024xf32, #tpu.memory_space<vmem>>
    %dma_wait3A_232 = arith.constant 0 : i32
    %dma_wait3A_233 = tpu.memref_slice %arg4[%add3A_160, %dma_wait3A_232] : memref<8192x1024xf32, #tpu.memory_space<hbm>> -> memref<8x1024xf32, #tpu.memory_space<hbm>>
    %dma_wait3A_234 = arith.constant 0 : i32
    %dma_wait3A_235 = tpu.memref_slice %arg4[%add3A_160, %dma_wait3A_234] : memref<8192x1024xf32, #tpu.memory_space<hbm>> -> memref<8x1024xf32, #tpu.memory_space<hbm>>
    %dma_wait3A_236 = arith.constant 0 : i32
    %dma_wait3A_237 = arith.constant 0 : i32
    %dma_wait3A_238 = tpu.memref_slice %arg11[%dma_wait3A_236, %dma_wait3A_237] : memref<32x1024xf32, #tpu.memory_space<vmem>> -> memref<8x1024xf32, #tpu.memory_space<vmem>>
    tpu.wait_dma2 semaphore(%arg17 : memref<!tpu.dma_semaphore, #tpu.memory_space<semaphore_mem>>) src(%dma_wait3A_238 : memref<8x1024xf32, #tpu.memory_space<vmem>>) dst(%dma_wait3A_235 : memref<8x1024xf32, #tpu.memory_space<hbm>>)
    %dma_wait3A_239 = arith.constant 8 : i32
    %dma_wait3A_240 = arith.constant 0 : i32
    %dma_wait3A_241 = tpu.memref_slice %arg11[%dma_wait3A_239, %dma_wait3A_240] : memref<32x1024xf32, #tpu.memory_space<vmem>> -> memref<8x1024xf32, #tpu.memory_space<vmem>>
    %dma_wait3A_242 = arith.constant 0 : i32
    %dma_wait3A_243 = tpu.memref_slice %arg4[%add3A_174, %dma_wait3A_242] : memref<8192x1024xf32, #tpu.memory_space<hbm>> -> memref<8x1024xf32, #tpu.memory_space<hbm>>
    %dma_wait3A_244 = arith.constant 0 : i32
    %dma_wait3A_245 = tpu.memref_slice %arg4[%add3A_174, %dma_wait3A_244] : memref<8192x1024xf32, #tpu.memory_space<hbm>> -> memref<8x1024xf32, #tpu.memory_space<hbm>>
    %dma_wait3A_246 = arith.constant 8 : i32
    %dma_wait3A_247 = arith.constant 0 : i32
    %dma_wait3A_248 = tpu.memref_slice %arg11[%dma_wait3A_246, %dma_wait3A_247] : memref<32x1024xf32, #tpu.memory_space<vmem>> -> memref<8x1024xf32, #tpu.memory_space<vmem>>
    tpu.wait_dma2 semaphore(%arg17 : memref<!tpu.dma_semaphore, #tpu.memory_space<semaphore_mem>>) src(%dma_wait3A_248 : memref<8x1024xf32, #tpu.memory_space<vmem>>) dst(%dma_wait3A_245 : memref<8x1024xf32, #tpu.memory_space<hbm>>)
    %dma_wait3A_249 = arith.constant 16 : i32
    %dma_wait3A_250 = arith.constant 0 : i32
    %dma_wait3A_251 = tpu.memref_slice %arg11[%dma_wait3A_249, %dma_wait3A_250] : memref<32x1024xf32, #tpu.memory_space<vmem>> -> memref<8x1024xf32, #tpu.memory_space<vmem>>
    %dma_wait3A_252 = arith.constant 0 : i32
    %dma_wait3A_253 = tpu.memref_slice %arg4[%add3A_188, %dma_wait3A_252] : memref<8192x1024xf32, #tpu.memory_space<hbm>> -> memref<8x1024xf32, #tpu.memory_space<hbm>>
    %dma_wait3A_254 = arith.constant 0 : i32
    %dma_wait3A_255 = tpu.memref_slice %arg4[%add3A_188, %dma_wait3A_254] : memref<8192x1024xf32, #tpu.memory_space<hbm>> -> memref<8x1024xf32, #tpu.memory_space<hbm>>
    %dma_wait3A_256 = arith.constant 16 : i32
    %dma_wait3A_257 = arith.constant 0 : i32
    %dma_wait3A_258 = tpu.memref_slice %arg11[%dma_wait3A_256, %dma_wait3A_257] : memref<32x1024xf32, #tpu.memory_space<vmem>> -> memref<8x1024xf32, #tpu.memory_space<vmem>>
    tpu.wait_dma2 semaphore(%arg17 : memref<!tpu.dma_semaphore, #tpu.memory_space<semaphore_mem>>) src(%dma_wait3A_258 : memref<8x1024xf32, #tpu.memory_space<vmem>>) dst(%dma_wait3A_255 : memref<8x1024xf32, #tpu.memory_space<hbm>>)
    %dma_wait3A_259 = arith.constant 24 : i32
    %dma_wait3A_260 = arith.constant 0 : i32
    %dma_wait3A_261 = tpu.memref_slice %arg11[%dma_wait3A_259, %dma_wait3A_260] : memref<32x1024xf32, #tpu.memory_space<vmem>> -> memref<8x1024xf32, #tpu.memory_space<vmem>>
    %dma_wait3A_262 = arith.constant 0 : i32
    %dma_wait3A_263 = tpu.memref_slice %arg4[%add3A_202, %dma_wait3A_262] : memref<8192x1024xf32, #tpu.memory_space<hbm>> -> memref<8x1024xf32, #tpu.memory_space<hbm>>
    %dma_wait3A_264 = arith.constant 0 : i32
    %dma_wait3A_265 = tpu.memref_slice %arg4[%add3A_202, %dma_wait3A_264] : memref<8192x1024xf32, #tpu.memory_space<hbm>> -> memref<8x1024xf32, #tpu.memory_space<hbm>>
    %dma_wait3A_266 = arith.constant 24 : i32
    %dma_wait3A_267 = arith.constant 0 : i32
    %dma_wait3A_268 = tpu.memref_slice %arg11[%dma_wait3A_266, %dma_wait3A_267] : memref<32x1024xf32, #tpu.memory_space<vmem>> -> memref<8x1024xf32, #tpu.memory_space<vmem>>
    tpu.wait_dma2 semaphore(%arg17 : memref<!tpu.dma_semaphore, #tpu.memory_space<semaphore_mem>>) src(%dma_wait3A_268 : memref<8x1024xf32, #tpu.memory_space<vmem>>) dst(%dma_wait3A_265 : memref<8x1024xf32, #tpu.memory_space<hbm>>)
    %dma_start3A_269 = arith.constant 4 : i32
    %dma_start3A_270 = arith.constant 0 : i32
    %dma_start3A_271 = tpu.memref_slice %arg5[%dma_start3A_269, %dma_start3A_270] : memref<8x32xi32, #tpu.memory_space<vmem>> -> memref<1x32xi32, #tpu.memory_space<vmem>>
    %dma_start3A_272 = tpu.memref_squeeze %dma_start3A_271 : memref<1x32xi32, #tpu.memory_space<vmem>> -> memref<32xi32, #tpu.memory_space<vmem>>
    %dma_start3A_273 = arith.constant 0 : i32
    %dma_start3A_274 = arith.constant 0 : i32
    %dma_start3A_275 = tpu.memref_slice %arg2[%dma_start3A_273, %dma_start3A_274] : memref<100000x1024xf32, #tpu.memory_space<hbm>> -> memref<100000x1024xf32, #tpu.memory_space<hbm>>
    tpu.enqueue_indirect_dma source(%dma_start3A_275 : memref<100000x1024xf32, #tpu.memory_space<hbm>>) target(%arg11 : memref<32x1024xf32, #tpu.memory_space<vmem>>) offsets(%dma_start3A_272 : memref<32xi32, #tpu.memory_space<vmem>>) semaphore(%arg14 : memref<!tpu.dma_semaphore, #tpu.memory_space<semaphore_mem>>)
    %parallel_loop3A_276 = arith.constant 0 : i32
    %parallel_loop3A_277 = arith.constant 512 : i32
    %parallel_loop3A_278 = arith.constant 1 : i32
    scf.for %parallel_loop3A_944 = %parallel_loop3A_276 to %parallel_loop3A_277 step %parallel_loop3A_278  : i32 {
      %parallel_loop3A_945 = arith.constant 6 : i32
      %parallel_loop3A_946 = arith.shrui %parallel_loop3A_944, %parallel_loop3A_945 : i32
      %parallel_loop3A_947 = arith.constant 63 : i32
      %parallel_loop3A_948 = arith.andi %parallel_loop3A_944, %parallel_loop3A_947 : i32
      %parallel_loop3A_949 = arith.constant 4 : i32
      %parallel_loop3A_950 = arith.shli %parallel_loop3A_948, %parallel_loop3A_949 : i32
      %parallel_loop3A_951 = tpu.assume_multiple %parallel_loop3A_950, 16 : i32
      %parallel_loop3A_952 = arith.constant 0 : i32
      %parallel_loop3A_953 = arith.addi %parallel_loop3A_952, %parallel_loop3A_946 : i32
      %parallel_loop3A_954 = arith.index_cast %parallel_loop3A_953 : i32 to index
      %parallel_loop3A_955 = arith.index_cast %parallel_loop3A_951 : i32 to index
      %parallel_loop3A_956 = tpu.vector_load %arg9[%parallel_loop3A_954, %parallel_loop3A_955] {strides = array<i32>} : memref<16x1024xf32, #tpu.memory_space<vmem>>, vector<1x16xf32>,
      %parallel_loop3A_957 = vector.shape_cast %parallel_loop3A_956 : vector<1x16xf32> to vector<16xf32>
      %parallel_loop3A_958 = arith.constant 0 : i32
      %parallel_loop3A_959 = arith.addi %parallel_loop3A_958, %parallel_loop3A_946 : i32
      %parallel_loop3A_960 = arith.index_cast %parallel_loop3A_959 : i32 to index
      %parallel_loop3A_961 = arith.index_cast %parallel_loop3A_951 : i32 to index
      %parallel_loop3A_962 = tpu.vector_load %arg12[%parallel_loop3A_960, %parallel_loop3A_961] {strides = array<i32>} : memref<32x1024xf32, #tpu.memory_space<vmem>>, vector<1x16xf32>,
      %parallel_loop3A_963 = vector.shape_cast %parallel_loop3A_962 : vector<1x16xf32> to vector<16xf32>
      %parallel_loop3A_964 = arith.constant 3.200000e+01 : f32
      %parallel_loop3A_965 = vector.broadcast %parallel_loop3A_964 : f32 to vector<16xf32>
      %parallel_loop3A_966 = arith.mulf %parallel_loop3A_963, %parallel_loop3A_965 : vector<16xf32>
      %parallel_loop3A_967 = arith.addf %parallel_loop3A_966, %parallel_loop3A_957 : vector<16xf32>
      %parallel_loop3A_968 = arith.index_cast %parallel_loop3A_959 : i32 to index
      %parallel_loop3A_969 = arith.index_cast %parallel_loop3A_951 : i32 to index
      %parallel_loop3A_970 = tpu.vector_load %arg12[%parallel_loop3A_968, %parallel_loop3A_969] {strides = array<i32>} : memref<32x1024xf32, #tpu.memory_space<vmem>>, vector<1x16xf32>,
      %parallel_loop3A_971 = vector.shape_cast %parallel_loop3A_970 : vector<1x16xf32> to vector<16xf32>
      %parallel_loop3A_972 = vector.shape_cast %parallel_loop3A_967 : vector<16xf32> to vector<1x16xf32>
      tpu.vector_store %arg12[%parallel_loop3A_968, %parallel_loop3A_969], %parallel_loop3A_972 {strides = array<i32>} : memref<32x1024xf32, #tpu.memory_space<vmem>>, vector<1x16xf32>,
      %parallel_loop3A_973 = arith.constant 8 : i32
      %parallel_loop3A_974 = arith.addi %parallel_loop3A_973, %parallel_loop3A_946 : i32
      %parallel_loop3A_975 = arith.index_cast %parallel_loop3A_974 : i32 to index
      %parallel_loop3A_976 = arith.index_cast %parallel_loop3A_951 : i32 to index
      %parallel_loop3A_977 = tpu.vector_load %arg12[%parallel_loop3A_975, %parallel_loop3A_976] {strides = array<i32>} : memref<32x1024xf32, #tpu.memory_space<vmem>>, vector<1x16xf32>,
      %parallel_loop3A_978 = vector.shape_cast %parallel_loop3A_977 : vector<1x16xf32> to vector<16xf32>
      %parallel_loop3A_979 = arith.constant 3.200000e+01 : f32
      %parallel_loop3A_980 = vector.broadcast %parallel_loop3A_979 : f32 to vector<16xf32>
      %parallel_loop3A_981 = arith.mulf %parallel_loop3A_978, %parallel_loop3A_980 : vector<16xf32>
      %parallel_loop3A_982 = arith.addf %parallel_loop3A_981, %parallel_loop3A_957 : vector<16xf32>
      %parallel_loop3A_983 = arith.index_cast %parallel_loop3A_974 : i32 to index
      %parallel_loop3A_984 = arith.index_cast %parallel_loop3A_951 : i32 to index
      %parallel_loop3A_985 = tpu.vector_load %arg12[%parallel_loop3A_983, %parallel_loop3A_984] {strides = array<i32>} : memref<32x1024xf32, #tpu.memory_space<vmem>>, vector<1x16xf32>,
      %parallel_loop3A_986 = vector.shape_cast %parallel_loop3A_985 : vector<1x16xf32> to vector<16xf32>
      %parallel_loop3A_987 = vector.shape_cast %parallel_loop3A_982 : vector<16xf32> to vector<1x16xf32>
      tpu.vector_store %arg12[%parallel_loop3A_983, %parallel_loop3A_984], %parallel_loop3A_987 {strides = array<i32>} : memref<32x1024xf32, #tpu.memory_space<vmem>>, vector<1x16xf32>,
      %parallel_loop3A_988 = arith.constant 16 : i32
      %parallel_loop3A_989 = arith.addi %parallel_loop3A_988, %parallel_loop3A_946 : i32
      %parallel_loop3A_990 = arith.index_cast %parallel_loop3A_989 : i32 to index
      %parallel_loop3A_991 = arith.index_cast %parallel_loop3A_951 : i32 to index
      %parallel_loop3A_992 = tpu.vector_load %arg12[%parallel_loop3A_990, %parallel_loop3A_991] {strides = array<i32>} : memref<32x1024xf32, #tpu.memory_space<vmem>>, vector<1x16xf32>,
      %parallel_loop3A_993 = vector.shape_cast %parallel_loop3A_992 : vector<1x16xf32> to vector<16xf32>
      %parallel_loop3A_994 = arith.constant 3.200000e+01 : f32
      %parallel_loop3A_995 = vector.broadcast %parallel_loop3A_994 : f32 to vector<16xf32>
      %parallel_loop3A_996 = arith.mulf %parallel_loop3A_993, %parallel_loop3A_995 : vector<16xf32>
      %parallel_loop3A_997 = arith.addf %parallel_loop3A_996, %parallel_loop3A_957 : vector<16xf32>
      %parallel_loop3A_998 = arith.index_cast %parallel_loop3A_989 : i32 to index
      %parallel_loop3A_999 = arith.index_cast %parallel_loop3A_951 : i32 to index
      %parallel_loop3A_1000 = tpu.vector_load %arg12[%parallel_loop3A_998, %parallel_loop3A_999] {strides = array<i32>} : memref<32x1024xf32, #tpu.memory_space<vmem>>, vector<1x16xf32>,
      %parallel_loop3A_1001 = vector.shape_cast %parallel_loop3A_1000 : vector<1x16xf32> to vector<16xf32>
      %parallel_loop3A_1002 = vector.shape_cast %parallel_loop3A_997 : vector<16xf32> to vector<1x16xf32>
      tpu.vector_store %arg12[%parallel_loop3A_998, %parallel_loop3A_999], %parallel_loop3A_1002 {strides = array<i32>} : memref<32x1024xf32, #tpu.memory_space<vmem>>, vector<1x16xf32>,
      %parallel_loop3A_1003 = arith.constant 24 : i32
      %parallel_loop3A_1004 = arith.addi %parallel_loop3A_1003, %parallel_loop3A_946 : i32
      %parallel_loop3A_1005 = arith.index_cast %parallel_loop3A_1004 : i32 to index
      %parallel_loop3A_1006 = arith.index_cast %parallel_loop3A_951 : i32 to index
      %parallel_loop3A_1007 = tpu.vector_load %arg12[%parallel_loop3A_1005, %parallel_loop3A_1006] {strides = array<i32>} : memref<32x1024xf32, #tpu.memory_space<vmem>>, vector<1x16xf32>,
      %parallel_loop3A_1008 = vector.shape_cast %parallel_loop3A_1007 : vector<1x16xf32> to vector<16xf32>
      %parallel_loop3A_1009 = arith.constant 3.200000e+01 : f32
      %parallel_loop3A_1010 = vector.broadcast %parallel_loop3A_1009 : f32 to vector<16xf32>
      %parallel_loop3A_1011 = arith.mulf %parallel_loop3A_1008, %parallel_loop3A_1010 : vector<16xf32>
      %parallel_loop3A_1012 = arith.addf %parallel_loop3A_1011, %parallel_loop3A_957 : vector<16xf32>
      %parallel_loop3A_1013 = arith.index_cast %parallel_loop3A_1004 : i32 to index
      %parallel_loop3A_1014 = arith.index_cast %parallel_loop3A_951 : i32 to index
      %parallel_loop3A_1015 = tpu.vector_load %arg12[%parallel_loop3A_1013, %parallel_loop3A_1014] {strides = array<i32>} : memref<32x1024xf32, #tpu.memory_space<vmem>>, vector<1x16xf32>,
      %parallel_loop3A_1016 = vector.shape_cast %parallel_loop3A_1015 : vector<1x16xf32> to vector<16xf32>
      %parallel_loop3A_1017 = vector.shape_cast %parallel_loop3A_1012 : vector<16xf32> to vector<1x16xf32>
      tpu.vector_store %arg12[%parallel_loop3A_1013, %parallel_loop3A_1014], %parallel_loop3A_1017 {strides = array<i32>} : memref<32x1024xf32, #tpu.memory_space<vmem>>, vector<1x16xf32>,
    } {sc.loop_unroll_factor = 8 : i64, sc.parallel_access}
    %add3A_279 = arith.constant 0 : i32
    %add3A_280 = arith.addi %add3A_279, %mul3A_2 : i32
    %add3A_281 = arith.constant 16 : i32
    %add3A_282 = arith.addi %add3A_280, %add3A_281 : i32
    %dma_start3A_283 = arith.constant 0 : i32
    %dma_start3A_284 = arith.constant 0 : i32
    %dma_start3A_285 = tpu.memref_slice %arg12[%dma_start3A_283, %dma_start3A_284] : memref<32x1024xf32, #tpu.memory_space<vmem>> -> memref<8x1024xf32, #tpu.memory_space<vmem>>
    %dma_start3A_286 = arith.constant 0 : i32
    %dma_start3A_287 = tpu.memref_slice %arg4[%add3A_282, %dma_start3A_286] : memref<8192x1024xf32, #tpu.memory_space<hbm>> -> memref<8x1024xf32, #tpu.memory_space<hbm>>
    %dma_start3A_288 = arith.constant 0 : i32
    %dma_start3A_289 = tpu.memref_slice %arg4[%add3A_282, %dma_start3A_288] : memref<8192x1024xf32, #tpu.memory_space<hbm>> -> memref<8x1024xf32, #tpu.memory_space<hbm>>
    %dma_start3A_290 = arith.constant 0 : i32
    %dma_start3A_291 = arith.constant 0 : i32
    %dma_start3A_292 = tpu.memref_slice %arg12[%dma_start3A_290, %dma_start3A_291] : memref<32x1024xf32, #tpu.memory_space<vmem>> -> memref<8x1024xf32, #tpu.memory_space<vmem>>
    tpu.enqueue_dma source(%dma_start3A_292 : memref<8x1024xf32, #tpu.memory_space<vmem>>) target(%dma_start3A_289 : memref<8x1024xf32, #tpu.memory_space<hbm>>) target_semaphore(%arg18 : memref<!tpu.dma_semaphore, #tpu.memory_space<semaphore_mem>>)
    %add3A_293 = arith.constant 2048 : i32
    %add3A_294 = arith.addi %add3A_293, %mul3A_2 : i32
    %add3A_295 = arith.constant 16 : i32
    %add3A_296 = arith.addi %add3A_294, %add3A_295 : i32
    %dma_start3A_297 = arith.constant 8 : i32
    %dma_start3A_298 = arith.constant 0 : i32
    %dma_start3A_299 = tpu.memref_slice %arg12[%dma_start3A_297, %dma_start3A_298] : memref<32x1024xf32, #tpu.memory_space<vmem>> -> memref<8x1024xf32, #tpu.memory_space<vmem>>
    %dma_start3A_300 = arith.constant 0 : i32
    %dma_start3A_301 = tpu.memref_slice %arg4[%add3A_296, %dma_start3A_300] : memref<8192x1024xf32, #tpu.memory_space<hbm>> -> memref<8x1024xf32, #tpu.memory_space<hbm>>
    %dma_start3A_302 = arith.constant 0 : i32
    %dma_start3A_303 = tpu.memref_slice %arg4[%add3A_296, %dma_start3A_302] : memref<8192x1024xf32, #tpu.memory_space<hbm>> -> memref<8x1024xf32, #tpu.memory_space<hbm>>
    %dma_start3A_304 = arith.constant 8 : i32
    %dma_start3A_305 = arith.constant 0 : i32
    %dma_start3A_306 = tpu.memref_slice %arg12[%dma_start3A_304, %dma_start3A_305] : memref<32x1024xf32, #tpu.memory_space<vmem>> -> memref<8x1024xf32, #tpu.memory_space<vmem>>
    tpu.enqueue_dma source(%dma_start3A_306 : memref<8x1024xf32, #tpu.memory_space<vmem>>) target(%dma_start3A_303 : memref<8x1024xf32, #tpu.memory_space<hbm>>) target_semaphore(%arg18 : memref<!tpu.dma_semaphore, #tpu.memory_space<semaphore_mem>>)
    %add3A_307 = arith.constant 4096 : i32
    %add3A_308 = arith.addi %add3A_307, %mul3A_2 : i32
    %add3A_309 = arith.constant 16 : i32
    %add3A_310 = arith.addi %add3A_308, %add3A_309 : i32
    %dma_start3A_311 = arith.constant 16 : i32
    %dma_start3A_312 = arith.constant 0 : i32
    %dma_start3A_313 = tpu.memref_slice %arg12[%dma_start3A_311, %dma_start3A_312] : memref<32x1024xf32, #tpu.memory_space<vmem>> -> memref<8x1024xf32, #tpu.memory_space<vmem>>
    %dma_start3A_314 = arith.constant 0 : i32
    %dma_start3A_315 = tpu.memref_slice %arg4[%add3A_310, %dma_start3A_314] : memref<8192x1024xf32, #tpu.memory_space<hbm>> -> memref<8x1024xf32, #tpu.memory_space<hbm>>
    %dma_start3A_316 = arith.constant 0 : i32
    %dma_start3A_317 = tpu.memref_slice %arg4[%add3A_310, %dma_start3A_316] : memref<8192x1024xf32, #tpu.memory_space<hbm>> -> memref<8x1024xf32, #tpu.memory_space<hbm>>
    %dma_start3A_318 = arith.constant 16 : i32
    %dma_start3A_319 = arith.constant 0 : i32
    %dma_start3A_320 = tpu.memref_slice %arg12[%dma_start3A_318, %dma_start3A_319] : memref<32x1024xf32, #tpu.memory_space<vmem>> -> memref<8x1024xf32, #tpu.memory_space<vmem>>
    tpu.enqueue_dma source(%dma_start3A_320 : memref<8x1024xf32, #tpu.memory_space<vmem>>) target(%dma_start3A_317 : memref<8x1024xf32, #tpu.memory_space<hbm>>) target_semaphore(%arg18 : memref<!tpu.dma_semaphore, #tpu.memory_space<semaphore_mem>>)
    %add3A_321 = arith.constant 6144 : i32
    %add3A_322 = arith.addi %add3A_321, %mul3A_2 : i32
    %add3A_323 = arith.constant 16 : i32
    %add3A_324 = arith.addi %add3A_322, %add3A_323 : i32
    %dma_start3A_325 = arith.constant 24 : i32
    %dma_start3A_326 = arith.constant 0 : i32
    %dma_start3A_327 = tpu.memref_slice %arg12[%dma_start3A_325, %dma_start3A_326] : memref<32x1024xf32, #tpu.memory_space<vmem>> -> memref<8x1024xf32, #tpu.memory_space<vmem>>
    %dma_start3A_328 = arith.constant 0 : i32
    %dma_start3A_329 = tpu.memref_slice %arg4[%add3A_324, %dma_start3A_328] : memref<8192x1024xf32, #tpu.memory_space<hbm>> -> memref<8x1024xf32, #tpu.memory_space<hbm>>
    %dma_start3A_330 = arith.constant 0 : i32
    %dma_start3A_331 = tpu.memref_slice %arg4[%add3A_324, %dma_start3A_330] : memref<8192x1024xf32, #tpu.memory_space<hbm>> -> memref<8x1024xf32, #tpu.memory_space<hbm>>
    %dma_start3A_332 = arith.constant 24 : i32
    %dma_start3A_333 = arith.constant 0 : i32
    %dma_start3A_334 = tpu.memref_slice %arg12[%dma_start3A_332, %dma_start3A_333] : memref<32x1024xf32, #tpu.memory_space<vmem>> -> memref<8x1024xf32, #tpu.memory_space<vmem>>
    tpu.enqueue_dma source(%dma_start3A_334 : memref<8x1024xf32, #tpu.memory_space<vmem>>) target(%dma_start3A_331 : memref<8x1024xf32, #tpu.memory_space<hbm>>) target_semaphore(%arg18 : memref<!tpu.dma_semaphore, #tpu.memory_space<semaphore_mem>>)
    %dma_wait3A_335 = arith.constant 3 : i32
    %dma_wait3A_336 = arith.constant 0 : i32
    %dma_wait3A_337 = tpu.memref_slice %arg5[%dma_wait3A_335, %dma_wait3A_336] : memref<8x32xi32, #tpu.memory_space<vmem>> -> memref<1x32xi32, #tpu.memory_space<vmem>>
    %dma_wait3A_338 = tpu.memref_squeeze %dma_wait3A_337 : memref<1x32xi32, #tpu.memory_space<vmem>> -> memref<32xi32, #tpu.memory_space<vmem>>
    %dma_wait3A_339 = arith.constant 0 : i32
    %dma_wait3A_340 = arith.constant 0 : i32
    %dma_wait3A_341 = tpu.memref_slice %arg2[%dma_wait3A_339, %dma_wait3A_340] : memref<100000x1024xf32, #tpu.memory_space<hbm>> -> memref<100000x1024xf32, #tpu.memory_space<hbm>>
    tpu.wait_indirect_dma semaphore(%arg13 : memref<!tpu.dma_semaphore, #tpu.memory_space<semaphore_mem>>) src(%dma_wait3A_341 : memref<100000x1024xf32, #tpu.memory_space<hbm>>) dst(%arg10 : memref<32x1024xf32, #tpu.memory_space<vmem>>)
    %dma_wait3A_342 = arith.constant 0 : i32
    %dma_wait3A_343 = arith.constant 0 : i32
    %dma_wait3A_344 = tpu.memref_slice %arg12[%dma_wait3A_342, %dma_wait3A_343] : memref<32x1024xf32, #tpu.memory_space<vmem>> -> memref<8x1024xf32, #tpu.memory_space<vmem>>
    %dma_wait3A_345 = arith.constant 0 : i32
    %dma_wait3A_346 = tpu.memref_slice %arg4[%add3A_282, %dma_wait3A_345] : memref<8192x1024xf32, #tpu.memory_space<hbm>> -> memref<8x1024xf32, #tpu.memory_space<hbm>>
    %dma_wait3A_347 = arith.constant 0 : i32
    %dma_wait3A_348 = tpu.memref_slice %arg4[%add3A_282, %dma_wait3A_347] : memref<8192x1024xf32, #tpu.memory_space<hbm>> -> memref<8x1024xf32, #tpu.memory_space<hbm>>
    %dma_wait3A_349 = arith.constant 0 : i32
    %dma_wait3A_350 = arith.constant 0 : i32
    %dma_wait3A_351 = tpu.memref_slice %arg12[%dma_wait3A_349, %dma_wait3A_350] : memref<32x1024xf32, #tpu.memory_space<vmem>> -> memref<8x1024xf32, #tpu.memory_space<vmem>>
    tpu.wait_dma2 semaphore(%arg18 : memref<!tpu.dma_semaphore, #tpu.memory_space<semaphore_mem>>) src(%dma_wait3A_351 : memref<8x1024xf32, #tpu.memory_space<vmem>>) dst(%dma_wait3A_348 : memref<8x1024xf32, #tpu.memory_space<hbm>>)
    %dma_wait3A_352 = arith.constant 8 : i32
    %dma_wait3A_353 = arith.constant 0 : i32
    %dma_wait3A_354 = tpu.memref_slice %arg12[%dma_wait3A_352, %dma_wait3A_353] : memref<32x1024xf32, #tpu.memory_space<vmem>> -> memref<8x1024xf32, #tpu.memory_space<vmem>>
    %dma_wait3A_355 = arith.constant 0 : i32
    %dma_wait3A_356 = tpu.memref_slice %arg4[%add3A_296, %dma_wait3A_355] : memref<8192x1024xf32, #tpu.memory_space<hbm>> -> memref<8x1024xf32, #tpu.memory_space<hbm>>
    %dma_wait3A_357 = arith.constant 0 : i32
    %dma_wait3A_358 = tpu.memref_slice %arg4[%add3A_296, %dma_wait3A_357] : memref<8192x1024xf32, #tpu.memory_space<hbm>> -> memref<8x1024xf32, #tpu.memory_space<hbm>>
    %dma_wait3A_359 = arith.constant 8 : i32
    %dma_wait3A_360 = arith.constant 0 : i32
    %dma_wait3A_361 = tpu.memref_slice %arg12[%dma_wait3A_359, %dma_wait3A_360] : memref<32x1024xf32, #tpu.memory_space<vmem>> -> memref<8x1024xf32, #tpu.memory_space<vmem>>
    tpu.wait_dma2 semaphore(%arg18 : memref<!tpu.dma_semaphore, #tpu.memory_space<semaphore_mem>>) src(%dma_wait3A_361 : memref<8x1024xf32, #tpu.memory_space<vmem>>) dst(%dma_wait3A_358 : memref<8x1024xf32, #tpu.memory_space<hbm>>)
    %dma_wait3A_362 = arith.constant 16 : i32
    %dma_wait3A_363 = arith.constant 0 : i32
    %dma_wait3A_364 = tpu.memref_slice %arg12[%dma_wait3A_362, %dma_wait3A_363] : memref<32x1024xf32, #tpu.memory_space<vmem>> -> memref<8x1024xf32, #tpu.memory_space<vmem>>
    %dma_wait3A_365 = arith.constant 0 : i32
    %dma_wait3A_366 = tpu.memref_slice %arg4[%add3A_310, %dma_wait3A_365] : memref<8192x1024xf32, #tpu.memory_space<hbm>> -> memref<8x1024xf32, #tpu.memory_space<hbm>>
    %dma_wait3A_367 = arith.constant 0 : i32
    %dma_wait3A_368 = tpu.memref_slice %arg4[%add3A_310, %dma_wait3A_367] : memref<8192x1024xf32, #tpu.memory_space<hbm>> -> memref<8x1024xf32, #tpu.memory_space<hbm>>
    %dma_wait3A_369 = arith.constant 16 : i32
    %dma_wait3A_370 = arith.constant 0 : i32
    %dma_wait3A_371 = tpu.memref_slice %arg12[%dma_wait3A_369, %dma_wait3A_370] : memref<32x1024xf32, #tpu.memory_space<vmem>> -> memref<8x1024xf32, #tpu.memory_space<vmem>>
    tpu.wait_dma2 semaphore(%arg18 : memref<!tpu.dma_semaphore, #tpu.memory_space<semaphore_mem>>) src(%dma_wait3A_371 : memref<8x1024xf32, #tpu.memory_space<vmem>>) dst(%dma_wait3A_368 : memref<8x1024xf32, #tpu.memory_space<hbm>>)
    %dma_wait3A_372 = arith.constant 24 : i32
    %dma_wait3A_373 = arith.constant 0 : i32
    %dma_wait3A_374 = tpu.memref_slice %arg12[%dma_wait3A_372, %dma_wait3A_373] : memref<32x1024xf32, #tpu.memory_space<vmem>> -> memref<8x1024xf32, #tpu.memory_space<vmem>>
    %dma_wait3A_375 = arith.constant 0 : i32
    %dma_wait3A_376 = tpu.memref_slice %arg4[%add3A_324, %dma_wait3A_375] : memref<8192x1024xf32, #tpu.memory_space<hbm>> -> memref<8x1024xf32, #tpu.memory_space<hbm>>
    %dma_wait3A_377 = arith.constant 0 : i32
    %dma_wait3A_378 = tpu.memref_slice %arg4[%add3A_324, %dma_wait3A_377] : memref<8192x1024xf32, #tpu.memory_space<hbm>> -> memref<8x1024xf32, #tpu.memory_space<hbm>>
    %dma_wait3A_379 = arith.constant 24 : i32
    %dma_wait3A_380 = arith.constant 0 : i32
    %dma_wait3A_381 = tpu.memref_slice %arg12[%dma_wait3A_379, %dma_wait3A_380] : memref<32x1024xf32, #tpu.memory_space<vmem>> -> memref<8x1024xf32, #tpu.memory_space<vmem>>
    tpu.wait_dma2 semaphore(%arg18 : memref<!tpu.dma_semaphore, #tpu.memory_space<semaphore_mem>>) src(%dma_wait3A_381 : memref<8x1024xf32, #tpu.memory_space<vmem>>) dst(%dma_wait3A_378 : memref<8x1024xf32, #tpu.memory_space<hbm>>)
    %dma_start3A_382 = arith.constant 5 : i32
    %dma_start3A_383 = arith.constant 0 : i32
    %dma_start3A_384 = tpu.memref_slice %arg5[%dma_start3A_382, %dma_start3A_383] : memref<8x32xi32, #tpu.memory_space<vmem>> -> memref<1x32xi32, #tpu.memory_space<vmem>>
    %dma_start3A_385 = tpu.memref_squeeze %dma_start3A_384 : memref<1x32xi32, #tpu.memory_space<vmem>> -> memref<32xi32, #tpu.memory_space<vmem>>
    %dma_start3A_386 = arith.constant 0 : i32
    %dma_start3A_387 = arith.constant 0 : i32
    %dma_start3A_388 = tpu.memref_slice %arg2[%dma_start3A_386, %dma_start3A_387] : memref<100000x1024xf32, #tpu.memory_space<hbm>> -> memref<100000x1024xf32, #tpu.memory_space<hbm>>
    tpu.enqueue_indirect_dma source(%dma_start3A_388 : memref<100000x1024xf32, #tpu.memory_space<hbm>>) target(%arg12 : memref<32x1024xf32, #tpu.memory_space<vmem>>) offsets(%dma_start3A_385 : memref<32xi32, #tpu.memory_space<vmem>>) semaphore(%arg15 : memref<!tpu.dma_semaphore, #tpu.memory_space<semaphore_mem>>)
    %parallel_loop3A_389 = arith.constant 0 : i32
    %parallel_loop3A_390 = arith.constant 512 : i32
    %parallel_loop3A_391 = arith.constant 1 : i32
    scf.for %parallel_loop3A_944 = %parallel_loop3A_389 to %parallel_loop3A_390 step %parallel_loop3A_391  : i32 {
      %parallel_loop3A_945 = arith.constant 6 : i32
      %parallel_loop3A_946 = arith.shrui %parallel_loop3A_944, %parallel_loop3A_945 : i32
      %parallel_loop3A_947 = arith.constant 63 : i32
      %parallel_loop3A_948 = arith.andi %parallel_loop3A_944, %parallel_loop3A_947 : i32
      %parallel_loop3A_949 = arith.constant 4 : i32
      %parallel_loop3A_950 = arith.shli %parallel_loop3A_948, %parallel_loop3A_949 : i32
      %parallel_loop3A_951 = tpu.assume_multiple %parallel_loop3A_950, 16 : i32
      %parallel_loop3A_952 = arith.constant 8 : i32
      %parallel_loop3A_953 = arith.addi %parallel_loop3A_952, %parallel_loop3A_946 : i32
      %parallel_loop3A_954 = arith.index_cast %parallel_loop3A_953 : i32 to index
      %parallel_loop3A_955 = arith.index_cast %parallel_loop3A_951 : i32 to index
      %parallel_loop3A_956 = tpu.vector_load %arg9[%parallel_loop3A_954, %parallel_loop3A_955] {strides = array<i32>} : memref<16x1024xf32, #tpu.memory_space<vmem>>, vector<1x16xf32>,
      %parallel_loop3A_957 = vector.shape_cast %parallel_loop3A_956 : vector<1x16xf32> to vector<16xf32>
      %parallel_loop3A_958 = arith.constant 0 : i32
      %parallel_loop3A_959 = arith.addi %parallel_loop3A_958, %parallel_loop3A_946 : i32
      %parallel_loop3A_960 = arith.index_cast %parallel_loop3A_959 : i32 to index
      %parallel_loop3A_961 = arith.index_cast %parallel_loop3A_951 : i32 to index
      %parallel_loop3A_962 = tpu.vector_load %arg10[%parallel_loop3A_960, %parallel_loop3A_961] {strides = array<i32>} : memref<32x1024xf32, #tpu.memory_space<vmem>>, vector<1x16xf32>,
      %parallel_loop3A_963 = vector.shape_cast %parallel_loop3A_962 : vector<1x16xf32> to vector<16xf32>
      %parallel_loop3A_964 = arith.constant 3.200000e+01 : f32
      %parallel_loop3A_965 = vector.broadcast %parallel_loop3A_964 : f32 to vector<16xf32>
      %parallel_loop3A_966 = arith.mulf %parallel_loop3A_963, %parallel_loop3A_965 : vector<16xf32>
      %parallel_loop3A_967 = arith.addf %parallel_loop3A_966, %parallel_loop3A_957 : vector<16xf32>
      %parallel_loop3A_968 = arith.index_cast %parallel_loop3A_959 : i32 to index
      %parallel_loop3A_969 = arith.index_cast %parallel_loop3A_951 : i32 to index
      %parallel_loop3A_970 = tpu.vector_load %arg10[%parallel_loop3A_968, %parallel_loop3A_969] {strides = array<i32>} : memref<32x1024xf32, #tpu.memory_space<vmem>>, vector<1x16xf32>,
      %parallel_loop3A_971 = vector.shape_cast %parallel_loop3A_970 : vector<1x16xf32> to vector<16xf32>
      %parallel_loop3A_972 = vector.shape_cast %parallel_loop3A_967 : vector<16xf32> to vector<1x16xf32>
      tpu.vector_store %arg10[%parallel_loop3A_968, %parallel_loop3A_969], %parallel_loop3A_972 {strides = array<i32>} : memref<32x1024xf32, #tpu.memory_space<vmem>>, vector<1x16xf32>,
      %parallel_loop3A_973 = arith.constant 8 : i32
      %parallel_loop3A_974 = arith.addi %parallel_loop3A_973, %parallel_loop3A_946 : i32
      %parallel_loop3A_975 = arith.index_cast %parallel_loop3A_974 : i32 to index
      %parallel_loop3A_976 = arith.index_cast %parallel_loop3A_951 : i32 to index
      %parallel_loop3A_977 = tpu.vector_load %arg10[%parallel_loop3A_975, %parallel_loop3A_976] {strides = array<i32>} : memref<32x1024xf32, #tpu.memory_space<vmem>>, vector<1x16xf32>,
      %parallel_loop3A_978 = vector.shape_cast %parallel_loop3A_977 : vector<1x16xf32> to vector<16xf32>
      %parallel_loop3A_979 = arith.constant 3.200000e+01 : f32
      %parallel_loop3A_980 = vector.broadcast %parallel_loop3A_979 : f32 to vector<16xf32>
      %parallel_loop3A_981 = arith.mulf %parallel_loop3A_978, %parallel_loop3A_980 : vector<16xf32>
      %parallel_loop3A_982 = arith.addf %parallel_loop3A_981, %parallel_loop3A_957 : vector<16xf32>
      %parallel_loop3A_983 = arith.index_cast %parallel_loop3A_974 : i32 to index
      %parallel_loop3A_984 = arith.index_cast %parallel_loop3A_951 : i32 to index
      %parallel_loop3A_985 = tpu.vector_load %arg10[%parallel_loop3A_983, %parallel_loop3A_984] {strides = array<i32>} : memref<32x1024xf32, #tpu.memory_space<vmem>>, vector<1x16xf32>,
      %parallel_loop3A_986 = vector.shape_cast %parallel_loop3A_985 : vector<1x16xf32> to vector<16xf32>
      %parallel_loop3A_987 = vector.shape_cast %parallel_loop3A_982 : vector<16xf32> to vector<1x16xf32>
      tpu.vector_store %arg10[%parallel_loop3A_983, %parallel_loop3A_984], %parallel_loop3A_987 {strides = array<i32>} : memref<32x1024xf32, #tpu.memory_space<vmem>>, vector<1x16xf32>,
      %parallel_loop3A_988 = arith.constant 16 : i32
      %parallel_loop3A_989 = arith.addi %parallel_loop3A_988, %parallel_loop3A_946 : i32
      %parallel_loop3A_990 = arith.index_cast %parallel_loop3A_989 : i32 to index
      %parallel_loop3A_991 = arith.index_cast %parallel_loop3A_951 : i32 to index
      %parallel_loop3A_992 = tpu.vector_load %arg10[%parallel_loop3A_990, %parallel_loop3A_991] {strides = array<i32>} : memref<32x1024xf32, #tpu.memory_space<vmem>>, vector<1x16xf32>,
      %parallel_loop3A_993 = vector.shape_cast %parallel_loop3A_992 : vector<1x16xf32> to vector<16xf32>
      %parallel_loop3A_994 = arith.constant 3.200000e+01 : f32
      %parallel_loop3A_995 = vector.broadcast %parallel_loop3A_994 : f32 to vector<16xf32>
      %parallel_loop3A_996 = arith.mulf %parallel_loop3A_993, %parallel_loop3A_995 : vector<16xf32>
      %parallel_loop3A_997 = arith.addf %parallel_loop3A_996, %parallel_loop3A_957 : vector<16xf32>
      %parallel_loop3A_998 = arith.index_cast %parallel_loop3A_989 : i32 to index
      %parallel_loop3A_999 = arith.index_cast %parallel_loop3A_951 : i32 to index
      %parallel_loop3A_1000 = tpu.vector_load %arg10[%parallel_loop3A_998, %parallel_loop3A_999] {strides = array<i32>} : memref<32x1024xf32, #tpu.memory_space<vmem>>, vector<1x16xf32>,
      %parallel_loop3A_1001 = vector.shape_cast %parallel_loop3A_1000 : vector<1x16xf32> to vector<16xf32>
      %parallel_loop3A_1002 = vector.shape_cast %parallel_loop3A_997 : vector<16xf32> to vector<1x16xf32>
      tpu.vector_store %arg10[%parallel_loop3A_998, %parallel_loop3A_999], %parallel_loop3A_1002 {strides = array<i32>} : memref<32x1024xf32, #tpu.memory_space<vmem>>, vector<1x16xf32>,
      %parallel_loop3A_1003 = arith.constant 24 : i32
      %parallel_loop3A_1004 = arith.addi %parallel_loop3A_1003, %parallel_loop3A_946 : i32
      %parallel_loop3A_1005 = arith.index_cast %parallel_loop3A_1004 : i32 to index
      %parallel_loop3A_1006 = arith.index_cast %parallel_loop3A_951 : i32 to index
      %parallel_loop3A_1007 = tpu.vector_load %arg10[%parallel_loop3A_1005, %parallel_loop3A_1006] {strides = array<i32>} : memref<32x1024xf32, #tpu.memory_space<vmem>>, vector<1x16xf32>,
      %parallel_loop3A_1008 = vector.shape_cast %parallel_loop3A_1007 : vector<1x16xf32> to vector<16xf32>
      %parallel_loop3A_1009 = arith.constant 3.200000e+01 : f32
      %parallel_loop3A_1010 = vector.broadcast %parallel_loop3A_1009 : f32 to vector<16xf32>
      %parallel_loop3A_1011 = arith.mulf %parallel_loop3A_1008, %parallel_loop3A_1010 : vector<16xf32>
      %parallel_loop3A_1012 = arith.addf %parallel_loop3A_1011, %parallel_loop3A_957 : vector<16xf32>
      %parallel_loop3A_1013 = arith.index_cast %parallel_loop3A_1004 : i32 to index
      %parallel_loop3A_1014 = arith.index_cast %parallel_loop3A_951 : i32 to index
      %parallel_loop3A_1015 = tpu.vector_load %arg10[%parallel_loop3A_1013, %parallel_loop3A_1014] {strides = array<i32>} : memref<32x1024xf32, #tpu.memory_space<vmem>>, vector<1x16xf32>,
      %parallel_loop3A_1016 = vector.shape_cast %parallel_loop3A_1015 : vector<1x16xf32> to vector<16xf32>
      %parallel_loop3A_1017 = vector.shape_cast %parallel_loop3A_1012 : vector<16xf32> to vector<1x16xf32>
      tpu.vector_store %arg10[%parallel_loop3A_1013, %parallel_loop3A_1014], %parallel_loop3A_1017 {strides = array<i32>} : memref<32x1024xf32, #tpu.memory_space<vmem>>, vector<1x16xf32>,
    } {sc.loop_unroll_factor = 8 : i64, sc.parallel_access}
    %add3A_392 = arith.constant 0 : i32
    %add3A_393 = arith.addi %add3A_392, %mul3A_2 : i32
    %add3A_394 = arith.constant 24 : i32
    %add3A_395 = arith.addi %add3A_393, %add3A_394 : i32
    %dma_start3A_396 = arith.constant 0 : i32
    %dma_start3A_397 = arith.constant 0 : i32
    %dma_start3A_398 = tpu.memref_slice %arg10[%dma_start3A_396, %dma_start3A_397] : memref<32x1024xf32, #tpu.memory_space<vmem>> -> memref<8x1024xf32, #tpu.memory_space<vmem>>
    %dma_start3A_399 = arith.constant 0 : i32
    %dma_start3A_400 = tpu.memref_slice %arg4[%add3A_395, %dma_start3A_399] : memref<8192x1024xf32, #tpu.memory_space<hbm>> -> memref<8x1024xf32, #tpu.memory_space<hbm>>
    %dma_start3A_401 = arith.constant 0 : i32
    %dma_start3A_402 = tpu.memref_slice %arg4[%add3A_395, %dma_start3A_401] : memref<8192x1024xf32, #tpu.memory_space<hbm>> -> memref<8x1024xf32, #tpu.memory_space<hbm>>
    %dma_start3A_403 = arith.constant 0 : i32
    %dma_start3A_404 = arith.constant 0 : i32
    %dma_start3A_405 = tpu.memref_slice %arg10[%dma_start3A_403, %dma_start3A_404] : memref<32x1024xf32, #tpu.memory_space<vmem>> -> memref<8x1024xf32, #tpu.memory_space<vmem>>
    tpu.enqueue_dma source(%dma_start3A_405 : memref<8x1024xf32, #tpu.memory_space<vmem>>) target(%dma_start3A_402 : memref<8x1024xf32, #tpu.memory_space<hbm>>) target_semaphore(%arg16 : memref<!tpu.dma_semaphore, #tpu.memory_space<semaphore_mem>>)
    %add3A_406 = arith.constant 2048 : i32
    %add3A_407 = arith.addi %add3A_406, %mul3A_2 : i32
    %add3A_408 = arith.constant 24 : i32
    %add3A_409 = arith.addi %add3A_407, %add3A_408 : i32
    %dma_start3A_410 = arith.constant 8 : i32
    %dma_start3A_411 = arith.constant 0 : i32
    %dma_start3A_412 = tpu.memref_slice %arg10[%dma_start3A_410, %dma_start3A_411] : memref<32x1024xf32, #tpu.memory_space<vmem>> -> memref<8x1024xf32, #tpu.memory_space<vmem>>
    %dma_start3A_413 = arith.constant 0 : i32
    %dma_start3A_414 = tpu.memref_slice %arg4[%add3A_409, %dma_start3A_413] : memref<8192x1024xf32, #tpu.memory_space<hbm>> -> memref<8x1024xf32, #tpu.memory_space<hbm>>
    %dma_start3A_415 = arith.constant 0 : i32
    %dma_start3A_416 = tpu.memref_slice %arg4[%add3A_409, %dma_start3A_415] : memref<8192x1024xf32, #tpu.memory_space<hbm>> -> memref<8x1024xf32, #tpu.memory_space<hbm>>
    %dma_start3A_417 = arith.constant 8 : i32
    %dma_start3A_418 = arith.constant 0 : i32
    %dma_start3A_419 = tpu.memref_slice %arg10[%dma_start3A_417, %dma_start3A_418] : memref<32x1024xf32, #tpu.memory_space<vmem>> -> memref<8x1024xf32, #tpu.memory_space<vmem>>
    tpu.enqueue_dma source(%dma_start3A_419 : memref<8x1024xf32, #tpu.memory_space<vmem>>) target(%dma_start3A_416 : memref<8x1024xf32, #tpu.memory_space<hbm>>) target_semaphore(%arg16 : memref<!tpu.dma_semaphore, #tpu.memory_space<semaphore_mem>>)
    %add3A_420 = arith.constant 4096 : i32
    %add3A_421 = arith.addi %add3A_420, %mul3A_2 : i32
    %add3A_422 = arith.constant 24 : i32
    %add3A_423 = arith.addi %add3A_421, %add3A_422 : i32
    %dma_start3A_424 = arith.constant 16 : i32
    %dma_start3A_425 = arith.constant 0 : i32
    %dma_start3A_426 = tpu.memref_slice %arg10[%dma_start3A_424, %dma_start3A_425] : memref<32x1024xf32, #tpu.memory_space<vmem>> -> memref<8x1024xf32, #tpu.memory_space<vmem>>
    %dma_start3A_427 = arith.constant 0 : i32
    %dma_start3A_428 = tpu.memref_slice %arg4[%add3A_423, %dma_start3A_427] : memref<8192x1024xf32, #tpu.memory_space<hbm>> -> memref<8x1024xf32, #tpu.memory_space<hbm>>
    %dma_start3A_429 = arith.constant 0 : i32
    %dma_start3A_430 = tpu.memref_slice %arg4[%add3A_423, %dma_start3A_429] : memref<8192x1024xf32, #tpu.memory_space<hbm>> -> memref<8x1024xf32, #tpu.memory_space<hbm>>
    %dma_start3A_431 = arith.constant 16 : i32
    %dma_start3A_432 = arith.constant 0 : i32
    %dma_start3A_433 = tpu.memref_slice %arg10[%dma_start3A_431, %dma_start3A_432] : memref<32x1024xf32, #tpu.memory_space<vmem>> -> memref<8x1024xf32, #tpu.memory_space<vmem>>
    tpu.enqueue_dma source(%dma_start3A_433 : memref<8x1024xf32, #tpu.memory_space<vmem>>) target(%dma_start3A_430 : memref<8x1024xf32, #tpu.memory_space<hbm>>) target_semaphore(%arg16 : memref<!tpu.dma_semaphore, #tpu.memory_space<semaphore_mem>>)
    %add3A_434 = arith.constant 6144 : i32
    %add3A_435 = arith.addi %add3A_434, %mul3A_2 : i32
    %add3A_436 = arith.constant 24 : i32
    %add3A_437 = arith.addi %add3A_435, %add3A_436 : i32
    %dma_start3A_438 = arith.constant 24 : i32
    %dma_start3A_439 = arith.constant 0 : i32
    %dma_start3A_440 = tpu.memref_slice %arg10[%dma_start3A_438, %dma_start3A_439] : memref<32x1024xf32, #tpu.memory_space<vmem>> -> memref<8x1024xf32, #tpu.memory_space<vmem>>
    %dma_start3A_441 = arith.constant 0 : i32
    %dma_start3A_442 = tpu.memref_slice %arg4[%add3A_437, %dma_start3A_441] : memref<8192x1024xf32, #tpu.memory_space<hbm>> -> memref<8x1024xf32, #tpu.memory_space<hbm>>
    %dma_start3A_443 = arith.constant 0 : i32
    %dma_start3A_444 = tpu.memref_slice %arg4[%add3A_437, %dma_start3A_443] : memref<8192x1024xf32, #tpu.memory_space<hbm>> -> memref<8x1024xf32, #tpu.memory_space<hbm>>
    %dma_start3A_445 = arith.constant 24 : i32
    %dma_start3A_446 = arith.constant 0 : i32
    %dma_start3A_447 = tpu.memref_slice %arg10[%dma_start3A_445, %dma_start3A_446] : memref<32x1024xf32, #tpu.memory_space<vmem>> -> memref<8x1024xf32, #tpu.memory_space<vmem>>
    tpu.enqueue_dma source(%dma_start3A_447 : memref<8x1024xf32, #tpu.memory_space<vmem>>) target(%dma_start3A_444 : memref<8x1024xf32, #tpu.memory_space<hbm>>) target_semaphore(%arg16 : memref<!tpu.dma_semaphore, #tpu.memory_space<semaphore_mem>>)
    %add3A_448 = arith.constant 32 : i32
    %add3A_449 = arith.addi %mul3A_2, %add3A_448 : i32
    %convert_element_type3A_450 = arith.sitofp %add3A_449 : i32 to f32
    %scan3A_451 = arith.constant 0 : i32
    %scan3A_452 = arith.constant 0 : i32
    %scan3A_453 = arith.constant 16 : i32
    %scan3A_454 = arith.addi %scan3A_452, %scan3A_453 : i32
    %scan3A_455 = arith.constant 1 : i32
    scf.for %scan3A_944 = %scan3A_452 to %scan3A_454 step %scan3A_455  : i32 {
      %shift_left3A = arith.constant 5 : i32
      %shift_left3A_945 = arith.shli %scan3A_944, %shift_left3A : i32
      %multiple_of3A = tpu.assume_multiple %shift_left3A_945, 16 : i32
      %add3A_946 = arith.constant 16 : i32
      %add3A_947 = arith.addi %multiple_of3A, %add3A_946 : i32
      %multiple_of3A_948 = tpu.assume_multiple %add3A_947, 16 : i32
      %get3A = arith.index_cast %multiple_of3A : i32 to index
      %get3A_949 = tpu.vector_load %arg6[%get3A] {strides = array<i32>} : memref<512xf32, #tpu.memory_space<vmem>>, vector<16xf32>,
      %get3A_950 = vector.shape_cast %get3A_949 : vector<16xf32> to vector<16xf32>
      %get3A_951 = arith.index_cast %multiple_of3A_948 : i32 to index
      %get3A_952 = tpu.vector_load %arg6[%get3A_951] {strides = array<i32>} : memref<512xf32, #tpu.memory_space<vmem>>, vector<16xf32>,
      %get3A_953 = vector.shape_cast %get3A_952 : vector<16xf32> to vector<16xf32>
      %mul3A_954 = vector.broadcast %convert_element_type3A_450 : f32 to vector<16xf32>
      %mul3A_955 = arith.mulf %mul3A_954, %get3A_950 : vector<16xf32>
      %mul3A_956 = arith.constant 0.318309873 : f32
      %mul3A_957 = vector.broadcast %mul3A_956 : f32 to vector<16xf32>
      %mul3A_958 = arith.mulf %mul3A_955, %mul3A_957 : vector<16xf32>
      %add3A_959 = arith.constant 0x4B400000 : f32
      %add3A_960 = vector.broadcast %add3A_959 : f32 to vector<16xf32>
      %add3A_961 = arith.addf %mul3A_958, %add3A_960 : vector<16xf32>
      %sub3A = arith.constant 0x4B400000 : f32
      %sub3A_962 = vector.broadcast %sub3A : f32 to vector<16xf32>
      %sub3A_963 = arith.subf %add3A_961, %sub3A_962 : vector<16xf32>
      %mul3A_964 = arith.constant 3.14159274 : f32
      %mul3A_965 = vector.broadcast %mul3A_964 : f32 to vector<16xf32>
      %mul3A_966 = arith.mulf %sub3A_963, %mul3A_965 : vector<16xf32>
      %sub3A_967 = arith.subf %mul3A_955, %mul3A_966 : vector<16xf32>
      %mul3A_968 = arith.constant -8.74227765E-8 : f32
      %mul3A_969 = vector.broadcast %mul3A_968 : f32 to vector<16xf32>
      %mul3A_970 = arith.mulf %sub3A_963, %mul3A_969 : vector<16xf32>
      %sub3A_971 = arith.subf %sub3A_967, %mul3A_970 : vector<16xf32>
      %mul3A_972 = arith.mulf %sub3A_971, %sub3A_971 : vector<16xf32>
      %mul3A_973 = arith.constant 2.75573188E-6 : f32
      %mul3A_974 = vector.broadcast %mul3A_973 : f32 to vector<16xf32>
      %mul3A_975 = arith.mulf %mul3A_972, %mul3A_974 : vector<16xf32>
      %add3A_976 = arith.constant -1.98412701E-4 : f32
      %add3A_977 = vector.broadcast %add3A_976 : f32 to vector<16xf32>
      %add3A_978 = arith.addf %mul3A_975, %add3A_977 : vector<16xf32>
      %mul3A_979 = arith.mulf %mul3A_972, %add3A_978 : vector<16xf32>
      %add3A_980 = arith.constant 0.00833333377 : f32
      %add3A_981 = vector.broadcast %add3A_980 : f32 to vector<16xf32>
      %add3A_982 = arith.addf %mul3A_979, %add3A_981 : vector<16xf32>
      %mul3A_983 = arith.mulf %mul3A_972, %add3A_982 : vector<16xf32>
      %add3A_984 = arith.constant -0.166666672 : f32
      %add3A_985 = vector.broadcast %add3A_984 : f32 to vector<16xf32>
      %add3A_986 = arith.addf %mul3A_983, %add3A_985 : vector<16xf32>
      %mul3A_987 = arith.mulf %mul3A_972, %add3A_986 : vector<16xf32>
      %mul3A_988 = arith.mulf %sub3A_971, %mul3A_987 : vector<16xf32>
      %add3A_989 = arith.addf %mul3A_988, %sub3A_971 : vector<16xf32>
      %convert_element_type3A_990 = arith.fptosi %add3A_961 : vector<16xf32> to vector<16xi32>
      %and3A = arith.constant 1 : i32
      %and3A_991 = vector.broadcast %and3A : i32 to vector<16xi32>
      %and3A_992 = arith.andi %convert_element_type3A_990, %and3A_991 : vector<16xi32>
      %convert_element_type3A_993 = arith.sitofp %and3A_992 : vector<16xi32> to vector<16xf32>
      %mul3A_994 = arith.constant 2.000000e+00 : f32
      %mul3A_995 = vector.broadcast %mul3A_994 : f32 to vector<16xf32>
      %mul3A_996 = arith.mulf %mul3A_995, %convert_element_type3A_993 : vector<16xf32>
      %sub3A_997 = arith.constant 1.000000e+00 : f32
      %sub3A_998 = vector.broadcast %sub3A_997 : f32 to vector<16xf32>
      %sub3A_999 = arith.subf %sub3A_998, %mul3A_996 : vector<16xf32>
      %mul3A_1000 = arith.mulf %add3A_989, %sub3A_999 : vector<16xf32>
      %mul3A_1001 = vector.broadcast %convert_element_type3A_450 : f32 to vector<16xf32>
      %mul3A_1002 = arith.mulf %mul3A_1001, %get3A_950 : vector<16xf32>
      %add3A_1003 = arith.constant 1.57079637 : f32
      %add3A_1004 = vector.broadcast %add3A_1003 : f32 to vector<16xf32>
      %add3A_1005 = arith.addf %mul3A_1002, %add3A_1004 : vector<16xf32>
      %mul3A_1006 = arith.constant 0.318309873 : f32
      %mul3A_1007 = vector.broadcast %mul3A_1006 : f32 to vector<16xf32>
      %mul3A_1008 = arith.mulf %add3A_1005, %mul3A_1007 : vector<16xf32>
      %add3A_1009 = arith.constant 0x4B400000 : f32
      %add3A_1010 = vector.broadcast %add3A_1009 : f32 to vector<16xf32>
      %add3A_1011 = arith.addf %mul3A_1008, %add3A_1010 : vector<16xf32>
      %sub3A_1012 = arith.constant 0x4B400000 : f32
      %sub3A_1013 = vector.broadcast %sub3A_1012 : f32 to vector<16xf32>
      %sub3A_1014 = arith.subf %add3A_1011, %sub3A_1013 : vector<16xf32>
      %mul3A_1015 = arith.constant 3.14159274 : f32
      %mul3A_1016 = vector.broadcast %mul3A_1015 : f32 to vector<16xf32>
      %mul3A_1017 = arith.mulf %sub3A_1014, %mul3A_1016 : vector<16xf32>
      %sub3A_1018 = arith.subf %add3A_1005, %mul3A_1017 : vector<16xf32>
      %mul3A_1019 = arith.constant -8.74227765E-8 : f32
      %mul3A_1020 = vector.broadcast %mul3A_1019 : f32 to vector<16xf32>
      %mul3A_1021 = arith.mulf %sub3A_1014, %mul3A_1020 : vector<16xf32>
      %sub3A_1022 = arith.subf %sub3A_1018, %mul3A_1021 : vector<16xf32>
      %mul3A_1023 = arith.mulf %sub3A_1022, %sub3A_1022 : vector<16xf32>
      %mul3A_1024 = arith.constant 2.75573188E-6 : f32
      %mul3A_1025 = vector.broadcast %mul3A_1024 : f32 to vector<16xf32>
      %mul3A_1026 = arith.mulf %mul3A_1023, %mul3A_1025 : vector<16xf32>
      %add3A_1027 = arith.constant -1.98412701E-4 : f32
      %add3A_1028 = vector.broadcast %add3A_1027 : f32 to vector<16xf32>
      %add3A_1029 = arith.addf %mul3A_1026, %add3A_1028 : vector<16xf32>
      %mul3A_1030 = arith.mulf %mul3A_1023, %add3A_1029 : vector<16xf32>
      %add3A_1031 = arith.constant 0.00833333377 : f32
      %add3A_1032 = vector.broadcast %add3A_1031 : f32 to vector<16xf32>
      %add3A_1033 = arith.addf %mul3A_1030, %add3A_1032 : vector<16xf32>
      %mul3A_1034 = arith.mulf %mul3A_1023, %add3A_1033 : vector<16xf32>
      %add3A_1035 = arith.constant -0.166666672 : f32
      %add3A_1036 = vector.broadcast %add3A_1035 : f32 to vector<16xf32>
      %add3A_1037 = arith.addf %mul3A_1034, %add3A_1036 : vector<16xf32>
      %mul3A_1038 = arith.mulf %mul3A_1023, %add3A_1037 : vector<16xf32>
      %mul3A_1039 = arith.mulf %sub3A_1022, %mul3A_1038 : vector<16xf32>
      %add3A_1040 = arith.addf %mul3A_1039, %sub3A_1022 : vector<16xf32>
      %convert_element_type3A_1041 = arith.fptosi %add3A_1011 : vector<16xf32> to vector<16xi32>
      %and3A_1042 = arith.constant 1 : i32
      %and3A_1043 = vector.broadcast %and3A_1042 : i32 to vector<16xi32>
      %and3A_1044 = arith.andi %convert_element_type3A_1041, %and3A_1043 : vector<16xi32>
      %convert_element_type3A_1045 = arith.sitofp %and3A_1044 : vector<16xi32> to vector<16xf32>
      %mul3A_1046 = arith.constant 2.000000e+00 : f32
      %mul3A_1047 = vector.broadcast %mul3A_1046 : f32 to vector<16xf32>
      %mul3A_1048 = arith.mulf %mul3A_1047, %convert_element_type3A_1045 : vector<16xf32>
      %sub3A_1049 = arith.constant 1.000000e+00 : f32
      %sub3A_1050 = vector.broadcast %sub3A_1049 : f32 to vector<16xf32>
      %sub3A_1051 = arith.subf %sub3A_1050, %mul3A_1048 : vector<16xf32>
      %mul3A_1052 = arith.mulf %add3A_1040, %sub3A_1051 : vector<16xf32>
      %mul3A_1053 = vector.broadcast %convert_element_type3A_450 : f32 to vector<16xf32>
      %mul3A_1054 = arith.mulf %mul3A_1053, %get3A_953 : vector<16xf32>
      %mul3A_1055 = arith.constant 0.318309873 : f32
      %mul3A_1056 = vector.broadcast %mul3A_1055 : f32 to vector<16xf32>
      %mul3A_1057 = arith.mulf %mul3A_1054, %mul3A_1056 : vector<16xf32>
      %add3A_1058 = arith.constant 0x4B400000 : f32
      %add3A_1059 = vector.broadcast %add3A_1058 : f32 to vector<16xf32>
      %add3A_1060 = arith.addf %mul3A_1057, %add3A_1059 : vector<16xf32>
      %sub3A_1061 = arith.constant 0x4B400000 : f32
      %sub3A_1062 = vector.broadcast %sub3A_1061 : f32 to vector<16xf32>
      %sub3A_1063 = arith.subf %add3A_1060, %sub3A_1062 : vector<16xf32>
      %mul3A_1064 = arith.constant 3.14159274 : f32
      %mul3A_1065 = vector.broadcast %mul3A_1064 : f32 to vector<16xf32>
      %mul3A_1066 = arith.mulf %sub3A_1063, %mul3A_1065 : vector<16xf32>
      %sub3A_1067 = arith.subf %mul3A_1054, %mul3A_1066 : vector<16xf32>
      %mul3A_1068 = arith.constant -8.74227765E-8 : f32
      %mul3A_1069 = vector.broadcast %mul3A_1068 : f32 to vector<16xf32>
      %mul3A_1070 = arith.mulf %sub3A_1063, %mul3A_1069 : vector<16xf32>
      %sub3A_1071 = arith.subf %sub3A_1067, %mul3A_1070 : vector<16xf32>
      %mul3A_1072 = arith.mulf %sub3A_1071, %sub3A_1071 : vector<16xf32>
      %mul3A_1073 = arith.constant 2.75573188E-6 : f32
      %mul3A_1074 = vector.broadcast %mul3A_1073 : f32 to vector<16xf32>
      %mul3A_1075 = arith.mulf %mul3A_1072, %mul3A_1074 : vector<16xf32>
      %add3A_1076 = arith.constant -1.98412701E-4 : f32
      %add3A_1077 = vector.broadcast %add3A_1076 : f32 to vector<16xf32>
      %add3A_1078 = arith.addf %mul3A_1075, %add3A_1077 : vector<16xf32>
      %mul3A_1079 = arith.mulf %mul3A_1072, %add3A_1078 : vector<16xf32>
      %add3A_1080 = arith.constant 0.00833333377 : f32
      %add3A_1081 = vector.broadcast %add3A_1080 : f32 to vector<16xf32>
      %add3A_1082 = arith.addf %mul3A_1079, %add3A_1081 : vector<16xf32>
      %mul3A_1083 = arith.mulf %mul3A_1072, %add3A_1082 : vector<16xf32>
      %add3A_1084 = arith.constant -0.166666672 : f32
      %add3A_1085 = vector.broadcast %add3A_1084 : f32 to vector<16xf32>
      %add3A_1086 = arith.addf %mul3A_1083, %add3A_1085 : vector<16xf32>
      %mul3A_1087 = arith.mulf %mul3A_1072, %add3A_1086 : vector<16xf32>
      %mul3A_1088 = arith.mulf %sub3A_1071, %mul3A_1087 : vector<16xf32>
      %add3A_1089 = arith.addf %mul3A_1088, %sub3A_1071 : vector<16xf32>
      %convert_element_type3A_1090 = arith.fptosi %add3A_1060 : vector<16xf32> to vector<16xi32>
      %and3A_1091 = arith.constant 1 : i32
      %and3A_1092 = vector.broadcast %and3A_1091 : i32 to vector<16xi32>
      %and3A_1093 = arith.andi %convert_element_type3A_1090, %and3A_1092 : vector<16xi32>
      %convert_element_type3A_1094 = arith.sitofp %and3A_1093 : vector<16xi32> to vector<16xf32>
      %mul3A_1095 = arith.constant 2.000000e+00 : f32
      %mul3A_1096 = vector.broadcast %mul3A_1095 : f32 to vector<16xf32>
      %mul3A_1097 = arith.mulf %mul3A_1096, %convert_element_type3A_1094 : vector<16xf32>
      %sub3A_1098 = arith.constant 1.000000e+00 : f32
      %sub3A_1099 = vector.broadcast %sub3A_1098 : f32 to vector<16xf32>
      %sub3A_1100 = arith.subf %sub3A_1099, %mul3A_1097 : vector<16xf32>
      %mul3A_1101 = arith.mulf %add3A_1089, %sub3A_1100 : vector<16xf32>
      %mul3A_1102 = vector.broadcast %convert_element_type3A_450 : f32 to vector<16xf32>
      %mul3A_1103 = arith.mulf %mul3A_1102, %get3A_953 : vector<16xf32>
      %add3A_1104 = arith.constant 1.57079637 : f32
      %add3A_1105 = vector.broadcast %add3A_1104 : f32 to vector<16xf32>
      %add3A_1106 = arith.addf %mul3A_1103, %add3A_1105 : vector<16xf32>
      %mul3A_1107 = arith.constant 0.318309873 : f32
      %mul3A_1108 = vector.broadcast %mul3A_1107 : f32 to vector<16xf32>
      %mul3A_1109 = arith.mulf %add3A_1106, %mul3A_1108 : vector<16xf32>
      %add3A_1110 = arith.constant 0x4B400000 : f32
      %add3A_1111 = vector.broadcast %add3A_1110 : f32 to vector<16xf32>
      %add3A_1112 = arith.addf %mul3A_1109, %add3A_1111 : vector<16xf32>
      %sub3A_1113 = arith.constant 0x4B400000 : f32
      %sub3A_1114 = vector.broadcast %sub3A_1113 : f32 to vector<16xf32>
      %sub3A_1115 = arith.subf %add3A_1112, %sub3A_1114 : vector<16xf32>
      %mul3A_1116 = arith.constant 3.14159274 : f32
      %mul3A_1117 = vector.broadcast %mul3A_1116 : f32 to vector<16xf32>
      %mul3A_1118 = arith.mulf %sub3A_1115, %mul3A_1117 : vector<16xf32>
      %sub3A_1119 = arith.subf %add3A_1106, %mul3A_1118 : vector<16xf32>
      %mul3A_1120 = arith.constant -8.74227765E-8 : f32
      %mul3A_1121 = vector.broadcast %mul3A_1120 : f32 to vector<16xf32>
      %mul3A_1122 = arith.mulf %sub3A_1115, %mul3A_1121 : vector<16xf32>
      %sub3A_1123 = arith.subf %sub3A_1119, %mul3A_1122 : vector<16xf32>
      %mul3A_1124 = arith.mulf %sub3A_1123, %sub3A_1123 : vector<16xf32>
      %mul3A_1125 = arith.constant 2.75573188E-6 : f32
      %mul3A_1126 = vector.broadcast %mul3A_1125 : f32 to vector<16xf32>
      %mul3A_1127 = arith.mulf %mul3A_1124, %mul3A_1126 : vector<16xf32>
      %add3A_1128 = arith.constant -1.98412701E-4 : f32
      %add3A_1129 = vector.broadcast %add3A_1128 : f32 to vector<16xf32>
      %add3A_1130 = arith.addf %mul3A_1127, %add3A_1129 : vector<16xf32>
      %mul3A_1131 = arith.mulf %mul3A_1124, %add3A_1130 : vector<16xf32>
      %add3A_1132 = arith.constant 0.00833333377 : f32
      %add3A_1133 = vector.broadcast %add3A_1132 : f32 to vector<16xf32>
      %add3A_1134 = arith.addf %mul3A_1131, %add3A_1133 : vector<16xf32>
      %mul3A_1135 = arith.mulf %mul3A_1124, %add3A_1134 : vector<16xf32>
      %add3A_1136 = arith.constant -0.166666672 : f32
      %add3A_1137 = vector.broadcast %add3A_1136 : f32 to vector<16xf32>
      %add3A_1138 = arith.addf %mul3A_1135, %add3A_1137 : vector<16xf32>
      %mul3A_1139 = arith.mulf %mul3A_1124, %add3A_1138 : vector<16xf32>
      %mul3A_1140 = arith.mulf %sub3A_1123, %mul3A_1139 : vector<16xf32>
      %add3A_1141 = arith.addf %mul3A_1140, %sub3A_1123 : vector<16xf32>
      %convert_element_type3A_1142 = arith.fptosi %add3A_1112 : vector<16xf32> to vector<16xi32>
      %and3A_1143 = arith.constant 1 : i32
      %and3A_1144 = vector.broadcast %and3A_1143 : i32 to vector<16xi32>
      %and3A_1145 = arith.andi %convert_element_type3A_1142, %and3A_1144 : vector<16xi32>
      %convert_element_type3A_1146 = arith.sitofp %and3A_1145 : vector<16xi32> to vector<16xf32>
      %mul3A_1147 = arith.constant 2.000000e+00 : f32
      %mul3A_1148 = vector.broadcast %mul3A_1147 : f32 to vector<16xf32>
      %mul3A_1149 = arith.mulf %mul3A_1148, %convert_element_type3A_1146 : vector<16xf32>
      %sub3A_1150 = arith.constant 1.000000e+00 : f32
      %sub3A_1151 = vector.broadcast %sub3A_1150 : f32 to vector<16xf32>
      %sub3A_1152 = arith.subf %sub3A_1151, %mul3A_1149 : vector<16xf32>
      %mul3A_1153 = arith.mulf %add3A_1141, %sub3A_1152 : vector<16xf32>
      %get3A_1154 = arith.index_cast %multiple_of3A : i32 to index
      %get3A_1155 = tpu.vector_load %arg7[%get3A_1154] {strides = array<i32>} : memref<512xf32, #tpu.memory_space<vmem>>, vector<16xf32>,
      %get3A_1156 = vector.shape_cast %get3A_1155 : vector<16xf32> to vector<16xf32>
      %get3A_1157 = arith.index_cast %multiple_of3A : i32 to index
      %get3A_1158 = tpu.vector_load %arg8[%get3A_1157] {strides = array<i32>} : memref<512xf32, #tpu.memory_space<vmem>>, vector<16xf32>,
      %get3A_1159 = vector.shape_cast %get3A_1158 : vector<16xf32> to vector<16xf32>
      %get3A_1160 = arith.index_cast %multiple_of3A_948 : i32 to index
      %get3A_1161 = tpu.vector_load %arg7[%get3A_1160] {strides = array<i32>} : memref<512xf32, #tpu.memory_space<vmem>>, vector<16xf32>,
      %get3A_1162 = vector.shape_cast %get3A_1161 : vector<16xf32> to vector<16xf32>
      %get3A_1163 = arith.index_cast %multiple_of3A_948 : i32 to index
      %get3A_1164 = tpu.vector_load %arg8[%get3A_1163] {strides = array<i32>} : memref<512xf32, #tpu.memory_space<vmem>>, vector<16xf32>,
      %get3A_1165 = vector.shape_cast %get3A_1164 : vector<16xf32> to vector<16xf32>
      %scan3A_1166 = arith.constant 0 : i32
      %scan3A_1167 = arith.constant 16 : i32
      %scan3A_1168 = arith.addi %scan3A_1166, %scan3A_1167 : i32
      %scan3A_1169 = arith.constant 1 : i32
      %scan3A_1170:4 = scf.for %scan3A_1172 = %scan3A_1166 to %scan3A_1168 step %scan3A_1169 iter_args(%scan3A_1173 = %mul3A_1000, %scan3A_1174 = %mul3A_1052, %scan3A_1175 = %mul3A_1101, %scan3A_1176 = %mul3A_1153) -> (vector<16xf32>, vector<16xf32>, vector<16xf32>, vector<16xf32>)  : i32 {
        %swap3A = arith.index_cast %scan3A_1172 : i32 to index
        %swap3A_1177 = arith.index_cast %multiple_of3A : i32 to index
        %swap3A_1178 = tpu.vector_load %arg9[%swap3A, %swap3A_1177] {strides = array<i32>} : memref<16x1024xf32, #tpu.memory_space<vmem>>, vector<1x16xf32>,
        %swap3A_1179 = vector.shape_cast %swap3A_1178 : vector<1x16xf32> to vector<16xf32>
        %swap3A_1180 = vector.shape_cast %scan3A_1173 : vector<16xf32> to vector<1x16xf32>
        tpu.vector_store %arg9[%swap3A, %swap3A_1177], %swap3A_1180 {strides = array<i32>} : memref<16x1024xf32, #tpu.memory_space<vmem>>, vector<1x16xf32>,
        %add3A_1181 = arith.constant 512 : i32
        %add3A_1182 = arith.addi %add3A_1181, %multiple_of3A : i32
        %multiple_of3A_1183 = tpu.assume_multiple %add3A_1182, 16 : i32
        %swap3A_1184 = arith.index_cast %scan3A_1172 : i32 to index
        %swap3A_1185 = arith.index_cast %multiple_of3A_1183 : i32 to index
        %swap3A_1186 = tpu.vector_load %arg9[%swap3A_1184, %swap3A_1185] {strides = array<i32>} : memref<16x1024xf32, #tpu.memory_space<vmem>>, vector<1x16xf32>,
        %swap3A_1187 = vector.shape_cast %swap3A_1186 : vector<1x16xf32> to vector<16xf32>
        %swap3A_1188 = vector.shape_cast %scan3A_1174 : vector<16xf32> to vector<1x16xf32>
        tpu.vector_store %arg9[%swap3A_1184, %swap3A_1185], %swap3A_1188 {strides = array<i32>} : memref<16x1024xf32, #tpu.memory_space<vmem>>, vector<1x16xf32>,
        %swap3A_1189 = arith.index_cast %scan3A_1172 : i32 to index
        %swap3A_1190 = arith.index_cast %multiple_of3A_948 : i32 to index
        %swap3A_1191 = tpu.vector_load %arg9[%swap3A_1189, %swap3A_1190] {strides = array<i32>} : memref<16x1024xf32, #tpu.memory_space<vmem>>, vector<1x16xf32>,
        %swap3A_1192 = vector.shape_cast %swap3A_1191 : vector<1x16xf32> to vector<16xf32>
        %swap3A_1193 = vector.shape_cast %scan3A_1175 : vector<16xf32> to vector<1x16xf32>
        tpu.vector_store %arg9[%swap3A_1189, %swap3A_1190], %swap3A_1193 {strides = array<i32>} : memref<16x1024xf32, #tpu.memory_space<vmem>>, vector<1x16xf32>,
        %add3A_1194 = arith.constant 512 : i32
        %add3A_1195 = arith.addi %add3A_1194, %multiple_of3A_948 : i32
        %multiple_of3A_1196 = tpu.assume_multiple %add3A_1195, 16 : i32
        %swap3A_1197 = arith.index_cast %scan3A_1172 : i32 to index
        %swap3A_1198 = arith.index_cast %multiple_of3A_1196 : i32 to index
        %swap3A_1199 = tpu.vector_load %arg9[%swap3A_1197, %swap3A_1198] {strides = array<i32>} : memref<16x1024xf32, #tpu.memory_space<vmem>>, vector<1x16xf32>,
        %swap3A_1200 = vector.shape_cast %swap3A_1199 : vector<1x16xf32> to vector<16xf32>
        %swap3A_1201 = vector.shape_cast %scan3A_1176 : vector<16xf32> to vector<1x16xf32>
        tpu.vector_store %arg9[%swap3A_1197, %swap3A_1198], %swap3A_1201 {strides = array<i32>} : memref<16x1024xf32, #tpu.memory_space<vmem>>, vector<1x16xf32>,
        %mul3A_1202 = arith.mulf %scan3A_1173, %get3A_1156 : vector<16xf32>
        %mul3A_1203 = arith.mulf %scan3A_1174, %get3A_1159 : vector<16xf32>
        %add3A_1204 = arith.addf %mul3A_1202, %mul3A_1203 : vector<16xf32>
        %mul3A_1205 = arith.mulf %scan3A_1174, %get3A_1156 : vector<16xf32>
        %mul3A_1206 = arith.mulf %scan3A_1173, %get3A_1159 : vector<16xf32>
        %sub3A_1207 = arith.subf %mul3A_1205, %mul3A_1206 : vector<16xf32>
        %mul3A_1208 = arith.mulf %scan3A_1175, %get3A_1162 : vector<16xf32>
        %mul3A_1209 = arith.mulf %scan3A_1176, %get3A_1165 : vector<16xf32>
        %add3A_1210 = arith.addf %mul3A_1208, %mul3A_1209 : vector<16xf32>
        %mul3A_1211 = arith.mulf %scan3A_1176, %get3A_1162 : vector<16xf32>
        %mul3A_1212 = arith.mulf %scan3A_1175, %get3A_1165 : vector<16xf32>
        %sub3A_1213 = arith.subf %mul3A_1211, %mul3A_1212 : vector<16xf32>
        scf.yield %add3A_1204, %sub3A_1207, %add3A_1210, %sub3A_1213 : vector<16xf32>, vector<16xf32>, vector<16xf32>, vector<16xf32>
      }
      %scan3A_1171 = arith.constant 16 : i32
    }
    %scan3A_456 = arith.constant 16 : i32
    %dma_wait3A_457 = arith.constant 4 : i32
    %dma_wait3A_458 = arith.constant 0 : i32
    %dma_wait3A_459 = tpu.memref_slice %arg5[%dma_wait3A_457, %dma_wait3A_458] : memref<8x32xi32, #tpu.memory_space<vmem>> -> memref<1x32xi32, #tpu.memory_space<vmem>>
    %dma_wait3A_460 = tpu.memref_squeeze %dma_wait3A_459 : memref<1x32xi32, #tpu.memory_space<vmem>> -> memref<32xi32, #tpu.memory_space<vmem>>
    %dma_wait3A_461 = arith.constant 0 : i32
    %dma_wait3A_462 = arith.constant 0 : i32
    %dma_wait3A_463 = tpu.memref_slice %arg2[%dma_wait3A_461, %dma_wait3A_462] : memref<100000x1024xf32, #tpu.memory_space<hbm>> -> memref<100000x1024xf32, #tpu.memory_space<hbm>>
    tpu.wait_indirect_dma semaphore(%arg14 : memref<!tpu.dma_semaphore, #tpu.memory_space<semaphore_mem>>) src(%dma_wait3A_463 : memref<100000x1024xf32, #tpu.memory_space<hbm>>) dst(%arg11 : memref<32x1024xf32, #tpu.memory_space<vmem>>)
    %dma_wait3A_464 = arith.constant 0 : i32
    %dma_wait3A_465 = arith.constant 0 : i32
    %dma_wait3A_466 = tpu.memref_slice %arg10[%dma_wait3A_464, %dma_wait3A_465] : memref<32x1024xf32, #tpu.memory_space<vmem>> -> memref<8x1024xf32, #tpu.memory_space<vmem>>
    %dma_wait3A_467 = arith.constant 0 : i32
    %dma_wait3A_468 = tpu.memref_slice %arg4[%add3A_395, %dma_wait3A_467] : memref<8192x1024xf32, #tpu.memory_space<hbm>> -> memref<8x1024xf32, #tpu.memory_space<hbm>>
    %dma_wait3A_469 = arith.constant 0 : i32
    %dma_wait3A_470 = tpu.memref_slice %arg4[%add3A_395, %dma_wait3A_469] : memref<8192x1024xf32, #tpu.memory_space<hbm>> -> memref<8x1024xf32, #tpu.memory_space<hbm>>
    %dma_wait3A_471 = arith.constant 0 : i32
    %dma_wait3A_472 = arith.constant 0 : i32
    %dma_wait3A_473 = tpu.memref_slice %arg10[%dma_wait3A_471, %dma_wait3A_472] : memref<32x1024xf32, #tpu.memory_space<vmem>> -> memref<8x1024xf32, #tpu.memory_space<vmem>>
    tpu.wait_dma2 semaphore(%arg16 : memref<!tpu.dma_semaphore, #tpu.memory_space<semaphore_mem>>) src(%dma_wait3A_473 : memref<8x1024xf32, #tpu.memory_space<vmem>>) dst(%dma_wait3A_470 : memref<8x1024xf32, #tpu.memory_space<hbm>>)
    %dma_wait3A_474 = arith.constant 8 : i32
    %dma_wait3A_475 = arith.constant 0 : i32
    %dma_wait3A_476 = tpu.memref_slice %arg10[%dma_wait3A_474, %dma_wait3A_475] : memref<32x1024xf32, #tpu.memory_space<vmem>> -> memref<8x1024xf32, #tpu.memory_space<vmem>>
    %dma_wait3A_477 = arith.constant 0 : i32
    %dma_wait3A_478 = tpu.memref_slice %arg4[%add3A_409, %dma_wait3A_477] : memref<8192x1024xf32, #tpu.memory_space<hbm>> -> memref<8x1024xf32, #tpu.memory_space<hbm>>
    %dma_wait3A_479 = arith.constant 0 : i32
    %dma_wait3A_480 = tpu.memref_slice %arg4[%add3A_409, %dma_wait3A_479] : memref<8192x1024xf32, #tpu.memory_space<hbm>> -> memref<8x1024xf32, #tpu.memory_space<hbm>>
    %dma_wait3A_481 = arith.constant 8 : i32
    %dma_wait3A_482 = arith.constant 0 : i32
    %dma_wait3A_483 = tpu.memref_slice %arg10[%dma_wait3A_481, %dma_wait3A_482] : memref<32x1024xf32, #tpu.memory_space<vmem>> -> memref<8x1024xf32, #tpu.memory_space<vmem>>
    tpu.wait_dma2 semaphore(%arg16 : memref<!tpu.dma_semaphore, #tpu.memory_space<semaphore_mem>>) src(%dma_wait3A_483 : memref<8x1024xf32, #tpu.memory_space<vmem>>) dst(%dma_wait3A_480 : memref<8x1024xf32, #tpu.memory_space<hbm>>)
    %dma_wait3A_484 = arith.constant 16 : i32
    %dma_wait3A_485 = arith.constant 0 : i32
    %dma_wait3A_486 = tpu.memref_slice %arg10[%dma_wait3A_484, %dma_wait3A_485] : memref<32x1024xf32, #tpu.memory_space<vmem>> -> memref<8x1024xf32, #tpu.memory_space<vmem>>
    %dma_wait3A_487 = arith.constant 0 : i32
    %dma_wait3A_488 = tpu.memref_slice %arg4[%add3A_423, %dma_wait3A_487] : memref<8192x1024xf32, #tpu.memory_space<hbm>> -> memref<8x1024xf32, #tpu.memory_space<hbm>>
    %dma_wait3A_489 = arith.constant 0 : i32
    %dma_wait3A_490 = tpu.memref_slice %arg4[%add3A_423, %dma_wait3A_489] : memref<8192x1024xf32, #tpu.memory_space<hbm>> -> memref<8x1024xf32, #tpu.memory_space<hbm>>
    %dma_wait3A_491 = arith.constant 16 : i32
    %dma_wait3A_492 = arith.constant 0 : i32
    %dma_wait3A_493 = tpu.memref_slice %arg10[%dma_wait3A_491, %dma_wait3A_492] : memref<32x1024xf32, #tpu.memory_space<vmem>> -> memref<8x1024xf32, #tpu.memory_space<vmem>>
    tpu.wait_dma2 semaphore(%arg16 : memref<!tpu.dma_semaphore, #tpu.memory_space<semaphore_mem>>) src(%dma_wait3A_493 : memref<8x1024xf32, #tpu.memory_space<vmem>>) dst(%dma_wait3A_490 : memref<8x1024xf32, #tpu.memory_space<hbm>>)
    %dma_wait3A_494 = arith.constant 24 : i32
    %dma_wait3A_495 = arith.constant 0 : i32
    %dma_wait3A_496 = tpu.memref_slice %arg10[%dma_wait3A_494, %dma_wait3A_495] : memref<32x1024xf32, #tpu.memory_space<vmem>> -> memref<8x1024xf32, #tpu.memory_space<vmem>>
    %dma_wait3A_497 = arith.constant 0 : i32
    %dma_wait3A_498 = tpu.memref_slice %arg4[%add3A_437, %dma_wait3A_497] : memref<8192x1024xf32, #tpu.memory_space<hbm>> -> memref<8x1024xf32, #tpu.memory_space<hbm>>
    %dma_wait3A_499 = arith.constant 0 : i32
    %dma_wait3A_500 = tpu.memref_slice %arg4[%add3A_437, %dma_wait3A_499] : memref<8192x1024xf32, #tpu.memory_space<hbm>> -> memref<8x1024xf32, #tpu.memory_space<hbm>>
    %dma_wait3A_501 = arith.constant 24 : i32
    %dma_wait3A_502 = arith.constant 0 : i32
    %dma_wait3A_503 = tpu.memref_slice %arg10[%dma_wait3A_501, %dma_wait3A_502] : memref<32x1024xf32, #tpu.memory_space<vmem>> -> memref<8x1024xf32, #tpu.memory_space<vmem>>
    tpu.wait_dma2 semaphore(%arg16 : memref<!tpu.dma_semaphore, #tpu.memory_space<semaphore_mem>>) src(%dma_wait3A_503 : memref<8x1024xf32, #tpu.memory_space<vmem>>) dst(%dma_wait3A_500 : memref<8x1024xf32, #tpu.memory_space<hbm>>)
    %dma_start3A_504 = arith.constant 6 : i32
    %dma_start3A_505 = arith.constant 0 : i32
    %dma_start3A_506 = tpu.memref_slice %arg5[%dma_start3A_504, %dma_start3A_505] : memref<8x32xi32, #tpu.memory_space<vmem>> -> memref<1x32xi32, #tpu.memory_space<vmem>>
    %dma_start3A_507 = tpu.memref_squeeze %dma_start3A_506 : memref<1x32xi32, #tpu.memory_space<vmem>> -> memref<32xi32, #tpu.memory_space<vmem>>
    %dma_start3A_508 = arith.constant 0 : i32
    %dma_start3A_509 = arith.constant 0 : i32
    %dma_start3A_510 = tpu.memref_slice %arg2[%dma_start3A_508, %dma_start3A_509] : memref<100000x1024xf32, #tpu.memory_space<hbm>> -> memref<100000x1024xf32, #tpu.memory_space<hbm>>
    tpu.enqueue_indirect_dma source(%dma_start3A_510 : memref<100000x1024xf32, #tpu.memory_space<hbm>>) target(%arg10 : memref<32x1024xf32, #tpu.memory_space<vmem>>) offsets(%dma_start3A_507 : memref<32xi32, #tpu.memory_space<vmem>>) semaphore(%arg13 : memref<!tpu.dma_semaphore, #tpu.memory_space<semaphore_mem>>)
    %parallel_loop3A_511 = arith.constant 0 : i32
    %parallel_loop3A_512 = arith.constant 512 : i32
    %parallel_loop3A_513 = arith.constant 1 : i32
    scf.for %parallel_loop3A_944 = %parallel_loop3A_511 to %parallel_loop3A_512 step %parallel_loop3A_513  : i32 {
      %parallel_loop3A_945 = arith.constant 6 : i32
      %parallel_loop3A_946 = arith.shrui %parallel_loop3A_944, %parallel_loop3A_945 : i32
      %parallel_loop3A_947 = arith.constant 63 : i32
      %parallel_loop3A_948 = arith.andi %parallel_loop3A_944, %parallel_loop3A_947 : i32
      %parallel_loop3A_949 = arith.constant 4 : i32
      %parallel_loop3A_950 = arith.shli %parallel_loop3A_948, %parallel_loop3A_949 : i32
      %parallel_loop3A_951 = tpu.assume_multiple %parallel_loop3A_950, 16 : i32
      %parallel_loop3A_952 = arith.constant 0 : i32
      %parallel_loop3A_953 = arith.addi %parallel_loop3A_952, %parallel_loop3A_946 : i32
      %parallel_loop3A_954 = arith.index_cast %parallel_loop3A_953 : i32 to index
      %parallel_loop3A_955 = arith.index_cast %parallel_loop3A_951 : i32 to index
      %parallel_loop3A_956 = tpu.vector_load %arg9[%parallel_loop3A_954, %parallel_loop3A_955] {strides = array<i32>} : memref<16x1024xf32, #tpu.memory_space<vmem>>, vector<1x16xf32>,
      %parallel_loop3A_957 = vector.shape_cast %parallel_loop3A_956 : vector<1x16xf32> to vector<16xf32>
      %parallel_loop3A_958 = arith.constant 0 : i32
      %parallel_loop3A_959 = arith.addi %parallel_loop3A_958, %parallel_loop3A_946 : i32
      %parallel_loop3A_960 = arith.index_cast %parallel_loop3A_959 : i32 to index
      %parallel_loop3A_961 = arith.index_cast %parallel_loop3A_951 : i32 to index
      %parallel_loop3A_962 = tpu.vector_load %arg11[%parallel_loop3A_960, %parallel_loop3A_961] {strides = array<i32>} : memref<32x1024xf32, #tpu.memory_space<vmem>>, vector<1x16xf32>,
      %parallel_loop3A_963 = vector.shape_cast %parallel_loop3A_962 : vector<1x16xf32> to vector<16xf32>
      %parallel_loop3A_964 = arith.constant 3.200000e+01 : f32
      %parallel_loop3A_965 = vector.broadcast %parallel_loop3A_964 : f32 to vector<16xf32>
      %parallel_loop3A_966 = arith.mulf %parallel_loop3A_963, %parallel_loop3A_965 : vector<16xf32>
      %parallel_loop3A_967 = arith.addf %parallel_loop3A_966, %parallel_loop3A_957 : vector<16xf32>
      %parallel_loop3A_968 = arith.index_cast %parallel_loop3A_959 : i32 to index
      %parallel_loop3A_969 = arith.index_cast %parallel_loop3A_951 : i32 to index
      %parallel_loop3A_970 = tpu.vector_load %arg11[%parallel_loop3A_968, %parallel_loop3A_969] {strides = array<i32>} : memref<32x1024xf32, #tpu.memory_space<vmem>>, vector<1x16xf32>,
      %parallel_loop3A_971 = vector.shape_cast %parallel_loop3A_970 : vector<1x16xf32> to vector<16xf32>
      %parallel_loop3A_972 = vector.shape_cast %parallel_loop3A_967 : vector<16xf32> to vector<1x16xf32>
      tpu.vector_store %arg11[%parallel_loop3A_968, %parallel_loop3A_969], %parallel_loop3A_972 {strides = array<i32>} : memref<32x1024xf32, #tpu.memory_space<vmem>>, vector<1x16xf32>,
      %parallel_loop3A_973 = arith.constant 8 : i32
      %parallel_loop3A_974 = arith.addi %parallel_loop3A_973, %parallel_loop3A_946 : i32
      %parallel_loop3A_975 = arith.index_cast %parallel_loop3A_974 : i32 to index
      %parallel_loop3A_976 = arith.index_cast %parallel_loop3A_951 : i32 to index
      %parallel_loop3A_977 = tpu.vector_load %arg11[%parallel_loop3A_975, %parallel_loop3A_976] {strides = array<i32>} : memref<32x1024xf32, #tpu.memory_space<vmem>>, vector<1x16xf32>,
      %parallel_loop3A_978 = vector.shape_cast %parallel_loop3A_977 : vector<1x16xf32> to vector<16xf32>
      %parallel_loop3A_979 = arith.constant 3.200000e+01 : f32
      %parallel_loop3A_980 = vector.broadcast %parallel_loop3A_979 : f32 to vector<16xf32>
      %parallel_loop3A_981 = arith.mulf %parallel_loop3A_978, %parallel_loop3A_980 : vector<16xf32>
      %parallel_loop3A_982 = arith.addf %parallel_loop3A_981, %parallel_loop3A_957 : vector<16xf32>
      %parallel_loop3A_983 = arith.index_cast %parallel_loop3A_974 : i32 to index
      %parallel_loop3A_984 = arith.index_cast %parallel_loop3A_951 : i32 to index
      %parallel_loop3A_985 = tpu.vector_load %arg11[%parallel_loop3A_983, %parallel_loop3A_984] {strides = array<i32>} : memref<32x1024xf32, #tpu.memory_space<vmem>>, vector<1x16xf32>,
      %parallel_loop3A_986 = vector.shape_cast %parallel_loop3A_985 : vector<1x16xf32> to vector<16xf32>
      %parallel_loop3A_987 = vector.shape_cast %parallel_loop3A_982 : vector<16xf32> to vector<1x16xf32>
      tpu.vector_store %arg11[%parallel_loop3A_983, %parallel_loop3A_984], %parallel_loop3A_987 {strides = array<i32>} : memref<32x1024xf32, #tpu.memory_space<vmem>>, vector<1x16xf32>,
      %parallel_loop3A_988 = arith.constant 16 : i32
      %parallel_loop3A_989 = arith.addi %parallel_loop3A_988, %parallel_loop3A_946 : i32
      %parallel_loop3A_990 = arith.index_cast %parallel_loop3A_989 : i32 to index
      %parallel_loop3A_991 = arith.index_cast %parallel_loop3A_951 : i32 to index
      %parallel_loop3A_992 = tpu.vector_load %arg11[%parallel_loop3A_990, %parallel_loop3A_991] {strides = array<i32>} : memref<32x1024xf32, #tpu.memory_space<vmem>>, vector<1x16xf32>,
      %parallel_loop3A_993 = vector.shape_cast %parallel_loop3A_992 : vector<1x16xf32> to vector<16xf32>
      %parallel_loop3A_994 = arith.constant 3.200000e+01 : f32
      %parallel_loop3A_995 = vector.broadcast %parallel_loop3A_994 : f32 to vector<16xf32>
      %parallel_loop3A_996 = arith.mulf %parallel_loop3A_993, %parallel_loop3A_995 : vector<16xf32>
      %parallel_loop3A_997 = arith.addf %parallel_loop3A_996, %parallel_loop3A_957 : vector<16xf32>
      %parallel_loop3A_998 = arith.index_cast %parallel_loop3A_989 : i32 to index
      %parallel_loop3A_999 = arith.index_cast %parallel_loop3A_951 : i32 to index
      %parallel_loop3A_1000 = tpu.vector_load %arg11[%parallel_loop3A_998, %parallel_loop3A_999] {strides = array<i32>} : memref<32x1024xf32, #tpu.memory_space<vmem>>, vector<1x16xf32>,
      %parallel_loop3A_1001 = vector.shape_cast %parallel_loop3A_1000 : vector<1x16xf32> to vector<16xf32>
      %parallel_loop3A_1002 = vector.shape_cast %parallel_loop3A_997 : vector<16xf32> to vector<1x16xf32>
      tpu.vector_store %arg11[%parallel_loop3A_998, %parallel_loop3A_999], %parallel_loop3A_1002 {strides = array<i32>} : memref<32x1024xf32, #tpu.memory_space<vmem>>, vector<1x16xf32>,
      %parallel_loop3A_1003 = arith.constant 24 : i32
      %parallel_loop3A_1004 = arith.addi %parallel_loop3A_1003, %parallel_loop3A_946 : i32
      %parallel_loop3A_1005 = arith.index_cast %parallel_loop3A_1004 : i32 to index
      %parallel_loop3A_1006 = arith.index_cast %parallel_loop3A_951 : i32 to index
      %parallel_loop3A_1007 = tpu.vector_load %arg11[%parallel_loop3A_1005, %parallel_loop3A_1006] {strides = array<i32>} : memref<32x1024xf32, #tpu.memory_space<vmem>>, vector<1x16xf32>,
      %parallel_loop3A_1008 = vector.shape_cast %parallel_loop3A_1007 : vector<1x16xf32> to vector<16xf32>
      %parallel_loop3A_1009 = arith.constant 3.200000e+01 : f32
      %parallel_loop3A_1010 = vector.broadcast %parallel_loop3A_1009 : f32 to vector<16xf32>
      %parallel_loop3A_1011 = arith.mulf %parallel_loop3A_1008, %parallel_loop3A_1010 : vector<16xf32>
      %parallel_loop3A_1012 = arith.addf %parallel_loop3A_1011, %parallel_loop3A_957 : vector<16xf32>
      %parallel_loop3A_1013 = arith.index_cast %parallel_loop3A_1004 : i32 to index
      %parallel_loop3A_1014 = arith.index_cast %parallel_loop3A_951 : i32 to index
      %parallel_loop3A_1015 = tpu.vector_load %arg11[%parallel_loop3A_1013, %parallel_loop3A_1014] {strides = array<i32>} : memref<32x1024xf32, #tpu.memory_space<vmem>>, vector<1x16xf32>,
      %parallel_loop3A_1016 = vector.shape_cast %parallel_loop3A_1015 : vector<1x16xf32> to vector<16xf32>
      %parallel_loop3A_1017 = vector.shape_cast %parallel_loop3A_1012 : vector<16xf32> to vector<1x16xf32>
      tpu.vector_store %arg11[%parallel_loop3A_1013, %parallel_loop3A_1014], %parallel_loop3A_1017 {strides = array<i32>} : memref<32x1024xf32, #tpu.memory_space<vmem>>, vector<1x16xf32>,
    } {sc.loop_unroll_factor = 8 : i64, sc.parallel_access}
    %add3A_514 = arith.constant 0 : i32
    %add3A_515 = arith.addi %add3A_514, %mul3A_2 : i32
    %add3A_516 = arith.constant 32 : i32
    %add3A_517 = arith.addi %add3A_515, %add3A_516 : i32
    %dma_start3A_518 = arith.constant 0 : i32
    %dma_start3A_519 = arith.constant 0 : i32
    %dma_start3A_520 = tpu.memref_slice %arg11[%dma_start3A_518, %dma_start3A_519] : memref<32x1024xf32, #tpu.memory_space<vmem>> -> memref<8x1024xf32, #tpu.memory_space<vmem>>
    %dma_start3A_521 = arith.constant 0 : i32
    %dma_start3A_522 = tpu.memref_slice %arg4[%add3A_517, %dma_start3A_521] : memref<8192x1024xf32, #tpu.memory_space<hbm>> -> memref<8x1024xf32, #tpu.memory_space<hbm>>
    %dma_start3A_523 = arith.constant 0 : i32
    %dma_start3A_524 = tpu.memref_slice %arg4[%add3A_517, %dma_start3A_523] : memref<8192x1024xf32, #tpu.memory_space<hbm>> -> memref<8x1024xf32, #tpu.memory_space<hbm>>
    %dma_start3A_525 = arith.constant 0 : i32
    %dma_start3A_526 = arith.constant 0 : i32
    %dma_start3A_527 = tpu.memref_slice %arg11[%dma_start3A_525, %dma_start3A_526] : memref<32x1024xf32, #tpu.memory_space<vmem>> -> memref<8x1024xf32, #tpu.memory_space<vmem>>
    tpu.enqueue_dma source(%dma_start3A_527 : memref<8x1024xf32, #tpu.memory_space<vmem>>) target(%dma_start3A_524 : memref<8x1024xf32, #tpu.memory_space<hbm>>) target_semaphore(%arg17 : memref<!tpu.dma_semaphore, #tpu.memory_space<semaphore_mem>>)
    %add3A_528 = arith.constant 2048 : i32
    %add3A_529 = arith.addi %add3A_528, %mul3A_2 : i32
    %add3A_530 = arith.constant 32 : i32
    %add3A_531 = arith.addi %add3A_529, %add3A_530 : i32
    %dma_start3A_532 = arith.constant 8 : i32
    %dma_start3A_533 = arith.constant 0 : i32
    %dma_start3A_534 = tpu.memref_slice %arg11[%dma_start3A_532, %dma_start3A_533] : memref<32x1024xf32, #tpu.memory_space<vmem>> -> memref<8x1024xf32, #tpu.memory_space<vmem>>
    %dma_start3A_535 = arith.constant 0 : i32
    %dma_start3A_536 = tpu.memref_slice %arg4[%add3A_531, %dma_start3A_535] : memref<8192x1024xf32, #tpu.memory_space<hbm>> -> memref<8x1024xf32, #tpu.memory_space<hbm>>
    %dma_start3A_537 = arith.constant 0 : i32
    %dma_start3A_538 = tpu.memref_slice %arg4[%add3A_531, %dma_start3A_537] : memref<8192x1024xf32, #tpu.memory_space<hbm>> -> memref<8x1024xf32, #tpu.memory_space<hbm>>
    %dma_start3A_539 = arith.constant 8 : i32
    %dma_start3A_540 = arith.constant 0 : i32
    %dma_start3A_541 = tpu.memref_slice %arg11[%dma_start3A_539, %dma_start3A_540] : memref<32x1024xf32, #tpu.memory_space<vmem>> -> memref<8x1024xf32, #tpu.memory_space<vmem>>
    tpu.enqueue_dma source(%dma_start3A_541 : memref<8x1024xf32, #tpu.memory_space<vmem>>) target(%dma_start3A_538 : memref<8x1024xf32, #tpu.memory_space<hbm>>) target_semaphore(%arg17 : memref<!tpu.dma_semaphore, #tpu.memory_space<semaphore_mem>>)
    %add3A_542 = arith.constant 4096 : i32
    %add3A_543 = arith.addi %add3A_542, %mul3A_2 : i32
    %add3A_544 = arith.constant 32 : i32
    %add3A_545 = arith.addi %add3A_543, %add3A_544 : i32
    %dma_start3A_546 = arith.constant 16 : i32
    %dma_start3A_547 = arith.constant 0 : i32
    %dma_start3A_548 = tpu.memref_slice %arg11[%dma_start3A_546, %dma_start3A_547] : memref<32x1024xf32, #tpu.memory_space<vmem>> -> memref<8x1024xf32, #tpu.memory_space<vmem>>
    %dma_start3A_549 = arith.constant 0 : i32
    %dma_start3A_550 = tpu.memref_slice %arg4[%add3A_545, %dma_start3A_549] : memref<8192x1024xf32, #tpu.memory_space<hbm>> -> memref<8x1024xf32, #tpu.memory_space<hbm>>
    %dma_start3A_551 = arith.constant 0 : i32
    %dma_start3A_552 = tpu.memref_slice %arg4[%add3A_545, %dma_start3A_551] : memref<8192x1024xf32, #tpu.memory_space<hbm>> -> memref<8x1024xf32, #tpu.memory_space<hbm>>
    %dma_start3A_553 = arith.constant 16 : i32
    %dma_start3A_554 = arith.constant 0 : i32
    %dma_start3A_555 = tpu.memref_slice %arg11[%dma_start3A_553, %dma_start3A_554] : memref<32x1024xf32, #tpu.memory_space<vmem>> -> memref<8x1024xf32, #tpu.memory_space<vmem>>
    tpu.enqueue_dma source(%dma_start3A_555 : memref<8x1024xf32, #tpu.memory_space<vmem>>) target(%dma_start3A_552 : memref<8x1024xf32, #tpu.memory_space<hbm>>) target_semaphore(%arg17 : memref<!tpu.dma_semaphore, #tpu.memory_space<semaphore_mem>>)
    %add3A_556 = arith.constant 6144 : i32
    %add3A_557 = arith.addi %add3A_556, %mul3A_2 : i32
    %add3A_558 = arith.constant 32 : i32
    %add3A_559 = arith.addi %add3A_557, %add3A_558 : i32
    %dma_start3A_560 = arith.constant 24 : i32
    %dma_start3A_561 = arith.constant 0 : i32
    %dma_start3A_562 = tpu.memref_slice %arg11[%dma_start3A_560, %dma_start3A_561] : memref<32x1024xf32, #tpu.memory_space<vmem>> -> memref<8x1024xf32, #tpu.memory_space<vmem>>
    %dma_start3A_563 = arith.constant 0 : i32
    %dma_start3A_564 = tpu.memref_slice %arg4[%add3A_559, %dma_start3A_563] : memref<8192x1024xf32, #tpu.memory_space<hbm>> -> memref<8x1024xf32, #tpu.memory_space<hbm>>
    %dma_start3A_565 = arith.constant 0 : i32
    %dma_start3A_566 = tpu.memref_slice %arg4[%add3A_559, %dma_start3A_565] : memref<8192x1024xf32, #tpu.memory_space<hbm>> -> memref<8x1024xf32, #tpu.memory_space<hbm>>
    %dma_start3A_567 = arith.constant 24 : i32
    %dma_start3A_568 = arith.constant 0 : i32
    %dma_start3A_569 = tpu.memref_slice %arg11[%dma_start3A_567, %dma_start3A_568] : memref<32x1024xf32, #tpu.memory_space<vmem>> -> memref<8x1024xf32, #tpu.memory_space<vmem>>
    tpu.enqueue_dma source(%dma_start3A_569 : memref<8x1024xf32, #tpu.memory_space<vmem>>) target(%dma_start3A_566 : memref<8x1024xf32, #tpu.memory_space<hbm>>) target_semaphore(%arg17 : memref<!tpu.dma_semaphore, #tpu.memory_space<semaphore_mem>>)
    %dma_wait3A_570 = arith.constant 5 : i32
    %dma_wait3A_571 = arith.constant 0 : i32
    %dma_wait3A_572 = tpu.memref_slice %arg5[%dma_wait3A_570, %dma_wait3A_571] : memref<8x32xi32, #tpu.memory_space<vmem>> -> memref<1x32xi32, #tpu.memory_space<vmem>>
    %dma_wait3A_573 = tpu.memref_squeeze %dma_wait3A_572 : memref<1x32xi32, #tpu.memory_space<vmem>> -> memref<32xi32, #tpu.memory_space<vmem>>
    %dma_wait3A_574 = arith.constant 0 : i32
    %dma_wait3A_575 = arith.constant 0 : i32
    %dma_wait3A_576 = tpu.memref_slice %arg2[%dma_wait3A_574, %dma_wait3A_575] : memref<100000x1024xf32, #tpu.memory_space<hbm>> -> memref<100000x1024xf32, #tpu.memory_space<hbm>>
    tpu.wait_indirect_dma semaphore(%arg15 : memref<!tpu.dma_semaphore, #tpu.memory_space<semaphore_mem>>) src(%dma_wait3A_576 : memref<100000x1024xf32, #tpu.memory_space<hbm>>) dst(%arg12 : memref<32x1024xf32, #tpu.memory_space<vmem>>)
    %dma_wait3A_577 = arith.constant 0 : i32
    %dma_wait3A_578 = arith.constant 0 : i32
    %dma_wait3A_579 = tpu.memref_slice %arg11[%dma_wait3A_577, %dma_wait3A_578] : memref<32x1024xf32, #tpu.memory_space<vmem>> -> memref<8x1024xf32, #tpu.memory_space<vmem>>
    %dma_wait3A_580 = arith.constant 0 : i32
    %dma_wait3A_581 = tpu.memref_slice %arg4[%add3A_517, %dma_wait3A_580] : memref<8192x1024xf32, #tpu.memory_space<hbm>> -> memref<8x1024xf32, #tpu.memory_space<hbm>>
    %dma_wait3A_582 = arith.constant 0 : i32
    %dma_wait3A_583 = tpu.memref_slice %arg4[%add3A_517, %dma_wait3A_582] : memref<8192x1024xf32, #tpu.memory_space<hbm>> -> memref<8x1024xf32, #tpu.memory_space<hbm>>
    %dma_wait3A_584 = arith.constant 0 : i32
    %dma_wait3A_585 = arith.constant 0 : i32
    %dma_wait3A_586 = tpu.memref_slice %arg11[%dma_wait3A_584, %dma_wait3A_585] : memref<32x1024xf32, #tpu.memory_space<vmem>> -> memref<8x1024xf32, #tpu.memory_space<vmem>>
    tpu.wait_dma2 semaphore(%arg17 : memref<!tpu.dma_semaphore, #tpu.memory_space<semaphore_mem>>) src(%dma_wait3A_586 : memref<8x1024xf32, #tpu.memory_space<vmem>>) dst(%dma_wait3A_583 : memref<8x1024xf32, #tpu.memory_space<hbm>>)
    %dma_wait3A_587 = arith.constant 8 : i32
    %dma_wait3A_588 = arith.constant 0 : i32
    %dma_wait3A_589 = tpu.memref_slice %arg11[%dma_wait3A_587, %dma_wait3A_588] : memref<32x1024xf32, #tpu.memory_space<vmem>> -> memref<8x1024xf32, #tpu.memory_space<vmem>>
    %dma_wait3A_590 = arith.constant 0 : i32
    %dma_wait3A_591 = tpu.memref_slice %arg4[%add3A_531, %dma_wait3A_590] : memref<8192x1024xf32, #tpu.memory_space<hbm>> -> memref<8x1024xf32, #tpu.memory_space<hbm>>
    %dma_wait3A_592 = arith.constant 0 : i32
    %dma_wait3A_593 = tpu.memref_slice %arg4[%add3A_531, %dma_wait3A_592] : memref<8192x1024xf32, #tpu.memory_space<hbm>> -> memref<8x1024xf32, #tpu.memory_space<hbm>>
    %dma_wait3A_594 = arith.constant 8 : i32
    %dma_wait3A_595 = arith.constant 0 : i32
    %dma_wait3A_596 = tpu.memref_slice %arg11[%dma_wait3A_594, %dma_wait3A_595] : memref<32x1024xf32, #tpu.memory_space<vmem>> -> memref<8x1024xf32, #tpu.memory_space<vmem>>
    tpu.wait_dma2 semaphore(%arg17 : memref<!tpu.dma_semaphore, #tpu.memory_space<semaphore_mem>>) src(%dma_wait3A_596 : memref<8x1024xf32, #tpu.memory_space<vmem>>) dst(%dma_wait3A_593 : memref<8x1024xf32, #tpu.memory_space<hbm>>)
    %dma_wait3A_597 = arith.constant 16 : i32
    %dma_wait3A_598 = arith.constant 0 : i32
    %dma_wait3A_599 = tpu.memref_slice %arg11[%dma_wait3A_597, %dma_wait3A_598] : memref<32x1024xf32, #tpu.memory_space<vmem>> -> memref<8x1024xf32, #tpu.memory_space<vmem>>
    %dma_wait3A_600 = arith.constant 0 : i32
    %dma_wait3A_601 = tpu.memref_slice %arg4[%add3A_545, %dma_wait3A_600] : memref<8192x1024xf32, #tpu.memory_space<hbm>> -> memref<8x1024xf32, #tpu.memory_space<hbm>>
    %dma_wait3A_602 = arith.constant 0 : i32
    %dma_wait3A_603 = tpu.memref_slice %arg4[%add3A_545, %dma_wait3A_602] : memref<8192x1024xf32, #tpu.memory_space<hbm>> -> memref<8x1024xf32, #tpu.memory_space<hbm>>
    %dma_wait3A_604 = arith.constant 16 : i32
    %dma_wait3A_605 = arith.constant 0 : i32
    %dma_wait3A_606 = tpu.memref_slice %arg11[%dma_wait3A_604, %dma_wait3A_605] : memref<32x1024xf32, #tpu.memory_space<vmem>> -> memref<8x1024xf32, #tpu.memory_space<vmem>>
    tpu.wait_dma2 semaphore(%arg17 : memref<!tpu.dma_semaphore, #tpu.memory_space<semaphore_mem>>) src(%dma_wait3A_606 : memref<8x1024xf32, #tpu.memory_space<vmem>>) dst(%dma_wait3A_603 : memref<8x1024xf32, #tpu.memory_space<hbm>>)
    %dma_wait3A_607 = arith.constant 24 : i32
    %dma_wait3A_608 = arith.constant 0 : i32
    %dma_wait3A_609 = tpu.memref_slice %arg11[%dma_wait3A_607, %dma_wait3A_608] : memref<32x1024xf32, #tpu.memory_space<vmem>> -> memref<8x1024xf32, #tpu.memory_space<vmem>>
    %dma_wait3A_610 = arith.constant 0 : i32
    %dma_wait3A_611 = tpu.memref_slice %arg4[%add3A_559, %dma_wait3A_610] : memref<8192x1024xf32, #tpu.memory_space<hbm>> -> memref<8x1024xf32, #tpu.memory_space<hbm>>
    %dma_wait3A_612 = arith.constant 0 : i32
    %dma_wait3A_613 = tpu.memref_slice %arg4[%add3A_559, %dma_wait3A_612] : memref<8192x1024xf32, #tpu.memory_space<hbm>> -> memref<8x1024xf32, #tpu.memory_space<hbm>>
    %dma_wait3A_614 = arith.constant 24 : i32
    %dma_wait3A_615 = arith.constant 0 : i32
    %dma_wait3A_616 = tpu.memref_slice %arg11[%dma_wait3A_614, %dma_wait3A_615] : memref<32x1024xf32, #tpu.memory_space<vmem>> -> memref<8x1024xf32, #tpu.memory_space<vmem>>
    tpu.wait_dma2 semaphore(%arg17 : memref<!tpu.dma_semaphore, #tpu.memory_space<semaphore_mem>>) src(%dma_wait3A_616 : memref<8x1024xf32, #tpu.memory_space<vmem>>) dst(%dma_wait3A_613 : memref<8x1024xf32, #tpu.memory_space<hbm>>)
    %dma_start3A_617 = arith.constant 7 : i32
    %dma_start3A_618 = arith.constant 0 : i32
    %dma_start3A_619 = tpu.memref_slice %arg5[%dma_start3A_617, %dma_start3A_618] : memref<8x32xi32, #tpu.memory_space<vmem>> -> memref<1x32xi32, #tpu.memory_space<vmem>>
    %dma_start3A_620 = tpu.memref_squeeze %dma_start3A_619 : memref<1x32xi32, #tpu.memory_space<vmem>> -> memref<32xi32, #tpu.memory_space<vmem>>
    %dma_start3A_621 = arith.constant 0 : i32
    %dma_start3A_622 = arith.constant 0 : i32
    %dma_start3A_623 = tpu.memref_slice %arg2[%dma_start3A_621, %dma_start3A_622] : memref<100000x1024xf32, #tpu.memory_space<hbm>> -> memref<100000x1024xf32, #tpu.memory_space<hbm>>
    tpu.enqueue_indirect_dma source(%dma_start3A_623 : memref<100000x1024xf32, #tpu.memory_space<hbm>>) target(%arg11 : memref<32x1024xf32, #tpu.memory_space<vmem>>) offsets(%dma_start3A_620 : memref<32xi32, #tpu.memory_space<vmem>>) semaphore(%arg14 : memref<!tpu.dma_semaphore, #tpu.memory_space<semaphore_mem>>)
    %parallel_loop3A_624 = arith.constant 0 : i32
    %parallel_loop3A_625 = arith.constant 512 : i32
    %parallel_loop3A_626 = arith.constant 1 : i32
    scf.for %parallel_loop3A_944 = %parallel_loop3A_624 to %parallel_loop3A_625 step %parallel_loop3A_626  : i32 {
      %parallel_loop3A_945 = arith.constant 6 : i32
      %parallel_loop3A_946 = arith.shrui %parallel_loop3A_944, %parallel_loop3A_945 : i32
      %parallel_loop3A_947 = arith.constant 63 : i32
      %parallel_loop3A_948 = arith.andi %parallel_loop3A_944, %parallel_loop3A_947 : i32
      %parallel_loop3A_949 = arith.constant 4 : i32
      %parallel_loop3A_950 = arith.shli %parallel_loop3A_948, %parallel_loop3A_949 : i32
      %parallel_loop3A_951 = tpu.assume_multiple %parallel_loop3A_950, 16 : i32
      %parallel_loop3A_952 = arith.constant 8 : i32
      %parallel_loop3A_953 = arith.addi %parallel_loop3A_952, %parallel_loop3A_946 : i32
      %parallel_loop3A_954 = arith.index_cast %parallel_loop3A_953 : i32 to index
      %parallel_loop3A_955 = arith.index_cast %parallel_loop3A_951 : i32 to index
      %parallel_loop3A_956 = tpu.vector_load %arg9[%parallel_loop3A_954, %parallel_loop3A_955] {strides = array<i32>} : memref<16x1024xf32, #tpu.memory_space<vmem>>, vector<1x16xf32>,
      %parallel_loop3A_957 = vector.shape_cast %parallel_loop3A_956 : vector<1x16xf32> to vector<16xf32>
      %parallel_loop3A_958 = arith.constant 0 : i32
      %parallel_loop3A_959 = arith.addi %parallel_loop3A_958, %parallel_loop3A_946 : i32
      %parallel_loop3A_960 = arith.index_cast %parallel_loop3A_959 : i32 to index
      %parallel_loop3A_961 = arith.index_cast %parallel_loop3A_951 : i32 to index
      %parallel_loop3A_962 = tpu.vector_load %arg12[%parallel_loop3A_960, %parallel_loop3A_961] {strides = array<i32>} : memref<32x1024xf32, #tpu.memory_space<vmem>>, vector<1x16xf32>,
      %parallel_loop3A_963 = vector.shape_cast %parallel_loop3A_962 : vector<1x16xf32> to vector<16xf32>
      %parallel_loop3A_964 = arith.constant 3.200000e+01 : f32
      %parallel_loop3A_965 = vector.broadcast %parallel_loop3A_964 : f32 to vector<16xf32>
      %parallel_loop3A_966 = arith.mulf %parallel_loop3A_963, %parallel_loop3A_965 : vector<16xf32>
      %parallel_loop3A_967 = arith.addf %parallel_loop3A_966, %parallel_loop3A_957 : vector<16xf32>
      %parallel_loop3A_968 = arith.index_cast %parallel_loop3A_959 : i32 to index
      %parallel_loop3A_969 = arith.index_cast %parallel_loop3A_951 : i32 to index
      %parallel_loop3A_970 = tpu.vector_load %arg12[%parallel_loop3A_968, %parallel_loop3A_969] {strides = array<i32>} : memref<32x1024xf32, #tpu.memory_space<vmem>>, vector<1x16xf32>,
      %parallel_loop3A_971 = vector.shape_cast %parallel_loop3A_970 : vector<1x16xf32> to vector<16xf32>
      %parallel_loop3A_972 = vector.shape_cast %parallel_loop3A_967 : vector<16xf32> to vector<1x16xf32>
      tpu.vector_store %arg12[%parallel_loop3A_968, %parallel_loop3A_969], %parallel_loop3A_972 {strides = array<i32>} : memref<32x1024xf32, #tpu.memory_space<vmem>>, vector<1x16xf32>,
      %parallel_loop3A_973 = arith.constant 8 : i32
      %parallel_loop3A_974 = arith.addi %parallel_loop3A_973, %parallel_loop3A_946 : i32
      %parallel_loop3A_975 = arith.index_cast %parallel_loop3A_974 : i32 to index
      %parallel_loop3A_976 = arith.index_cast %parallel_loop3A_951 : i32 to index
      %parallel_loop3A_977 = tpu.vector_load %arg12[%parallel_loop3A_975, %parallel_loop3A_976] {strides = array<i32>} : memref<32x1024xf32, #tpu.memory_space<vmem>>, vector<1x16xf32>,
      %parallel_loop3A_978 = vector.shape_cast %parallel_loop3A_977 : vector<1x16xf32> to vector<16xf32>
      %parallel_loop3A_979 = arith.constant 3.200000e+01 : f32
      %parallel_loop3A_980 = vector.broadcast %parallel_loop3A_979 : f32 to vector<16xf32>
      %parallel_loop3A_981 = arith.mulf %parallel_loop3A_978, %parallel_loop3A_980 : vector<16xf32>
      %parallel_loop3A_982 = arith.addf %parallel_loop3A_981, %parallel_loop3A_957 : vector<16xf32>
      %parallel_loop3A_983 = arith.index_cast %parallel_loop3A_974 : i32 to index
      %parallel_loop3A_984 = arith.index_cast %parallel_loop3A_951 : i32 to index
      %parallel_loop3A_985 = tpu.vector_load %arg12[%parallel_loop3A_983, %parallel_loop3A_984] {strides = array<i32>} : memref<32x1024xf32, #tpu.memory_space<vmem>>, vector<1x16xf32>,
      %parallel_loop3A_986 = vector.shape_cast %parallel_loop3A_985 : vector<1x16xf32> to vector<16xf32>
      %parallel_loop3A_987 = vector.shape_cast %parallel_loop3A_982 : vector<16xf32> to vector<1x16xf32>
      tpu.vector_store %arg12[%parallel_loop3A_983, %parallel_loop3A_984], %parallel_loop3A_987 {strides = array<i32>} : memref<32x1024xf32, #tpu.memory_space<vmem>>, vector<1x16xf32>,
      %parallel_loop3A_988 = arith.constant 16 : i32
      %parallel_loop3A_989 = arith.addi %parallel_loop3A_988, %parallel_loop3A_946 : i32
      %parallel_loop3A_990 = arith.index_cast %parallel_loop3A_989 : i32 to index
      %parallel_loop3A_991 = arith.index_cast %parallel_loop3A_951 : i32 to index
      %parallel_loop3A_992 = tpu.vector_load %arg12[%parallel_loop3A_990, %parallel_loop3A_991] {strides = array<i32>} : memref<32x1024xf32, #tpu.memory_space<vmem>>, vector<1x16xf32>,
      %parallel_loop3A_993 = vector.shape_cast %parallel_loop3A_992 : vector<1x16xf32> to vector<16xf32>
      %parallel_loop3A_994 = arith.constant 3.200000e+01 : f32
      %parallel_loop3A_995 = vector.broadcast %parallel_loop3A_994 : f32 to vector<16xf32>
      %parallel_loop3A_996 = arith.mulf %parallel_loop3A_993, %parallel_loop3A_995 : vector<16xf32>
      %parallel_loop3A_997 = arith.addf %parallel_loop3A_996, %parallel_loop3A_957 : vector<16xf32>
      %parallel_loop3A_998 = arith.index_cast %parallel_loop3A_989 : i32 to index
      %parallel_loop3A_999 = arith.index_cast %parallel_loop3A_951 : i32 to index
      %parallel_loop3A_1000 = tpu.vector_load %arg12[%parallel_loop3A_998, %parallel_loop3A_999] {strides = array<i32>} : memref<32x1024xf32, #tpu.memory_space<vmem>>, vector<1x16xf32>,
      %parallel_loop3A_1001 = vector.shape_cast %parallel_loop3A_1000 : vector<1x16xf32> to vector<16xf32>
      %parallel_loop3A_1002 = vector.shape_cast %parallel_loop3A_997 : vector<16xf32> to vector<1x16xf32>
      tpu.vector_store %arg12[%parallel_loop3A_998, %parallel_loop3A_999], %parallel_loop3A_1002 {strides = array<i32>} : memref<32x1024xf32, #tpu.memory_space<vmem>>, vector<1x16xf32>,
      %parallel_loop3A_1003 = arith.constant 24 : i32
      %parallel_loop3A_1004 = arith.addi %parallel_loop3A_1003, %parallel_loop3A_946 : i32
      %parallel_loop3A_1005 = arith.index_cast %parallel_loop3A_1004 : i32 to index
      %parallel_loop3A_1006 = arith.index_cast %parallel_loop3A_951 : i32 to index
      %parallel_loop3A_1007 = tpu.vector_load %arg12[%parallel_loop3A_1005, %parallel_loop3A_1006] {strides = array<i32>} : memref<32x1024xf32, #tpu.memory_space<vmem>>, vector<1x16xf32>,
      %parallel_loop3A_1008 = vector.shape_cast %parallel_loop3A_1007 : vector<1x16xf32> to vector<16xf32>
      %parallel_loop3A_1009 = arith.constant 3.200000e+01 : f32
      %parallel_loop3A_1010 = vector.broadcast %parallel_loop3A_1009 : f32 to vector<16xf32>
      %parallel_loop3A_1011 = arith.mulf %parallel_loop3A_1008, %parallel_loop3A_1010 : vector<16xf32>
      %parallel_loop3A_1012 = arith.addf %parallel_loop3A_1011, %parallel_loop3A_957 : vector<16xf32>
      %parallel_loop3A_1013 = arith.index_cast %parallel_loop3A_1004 : i32 to index
      %parallel_loop3A_1014 = arith.index_cast %parallel_loop3A_951 : i32 to index
      %parallel_loop3A_1015 = tpu.vector_load %arg12[%parallel_loop3A_1013, %parallel_loop3A_1014] {strides = array<i32>} : memref<32x1024xf32, #tpu.memory_space<vmem>>, vector<1x16xf32>,
      %parallel_loop3A_1016 = vector.shape_cast %parallel_loop3A_1015 : vector<1x16xf32> to vector<16xf32>
      %parallel_loop3A_1017 = vector.shape_cast %parallel_loop3A_1012 : vector<16xf32> to vector<1x16xf32>
      tpu.vector_store %arg12[%parallel_loop3A_1013, %parallel_loop3A_1014], %parallel_loop3A_1017 {strides = array<i32>} : memref<32x1024xf32, #tpu.memory_space<vmem>>, vector<1x16xf32>,
    } {sc.loop_unroll_factor = 8 : i64, sc.parallel_access}
    %add3A_627 = arith.constant 0 : i32
    %add3A_628 = arith.addi %add3A_627, %mul3A_2 : i32
    %add3A_629 = arith.constant 40 : i32
    %add3A_630 = arith.addi %add3A_628, %add3A_629 : i32
    %dma_start3A_631 = arith.constant 0 : i32
    %dma_start3A_632 = arith.constant 0 : i32
    %dma_start3A_633 = tpu.memref_slice %arg12[%dma_start3A_631, %dma_start3A_632] : memref<32x1024xf32, #tpu.memory_space<vmem>> -> memref<8x1024xf32, #tpu.memory_space<vmem>>
    %dma_start3A_634 = arith.constant 0 : i32
    %dma_start3A_635 = tpu.memref_slice %arg4[%add3A_630, %dma_start3A_634] : memref<8192x1024xf32, #tpu.memory_space<hbm>> -> memref<8x1024xf32, #tpu.memory_space<hbm>>
    %dma_start3A_636 = arith.constant 0 : i32
    %dma_start3A_637 = tpu.memref_slice %arg4[%add3A_630, %dma_start3A_636] : memref<8192x1024xf32, #tpu.memory_space<hbm>> -> memref<8x1024xf32, #tpu.memory_space<hbm>>
    %dma_start3A_638 = arith.constant 0 : i32
    %dma_start3A_639 = arith.constant 0 : i32
    %dma_start3A_640 = tpu.memref_slice %arg12[%dma_start3A_638, %dma_start3A_639] : memref<32x1024xf32, #tpu.memory_space<vmem>> -> memref<8x1024xf32, #tpu.memory_space<vmem>>
    tpu.enqueue_dma source(%dma_start3A_640 : memref<8x1024xf32, #tpu.memory_space<vmem>>) target(%dma_start3A_637 : memref<8x1024xf32, #tpu.memory_space<hbm>>) target_semaphore(%arg18 : memref<!tpu.dma_semaphore, #tpu.memory_space<semaphore_mem>>)
    %add3A_641 = arith.constant 2048 : i32
    %add3A_642 = arith.addi %add3A_641, %mul3A_2 : i32
    %add3A_643 = arith.constant 40 : i32
    %add3A_644 = arith.addi %add3A_642, %add3A_643 : i32
    %dma_start3A_645 = arith.constant 8 : i32
    %dma_start3A_646 = arith.constant 0 : i32
    %dma_start3A_647 = tpu.memref_slice %arg12[%dma_start3A_645, %dma_start3A_646] : memref<32x1024xf32, #tpu.memory_space<vmem>> -> memref<8x1024xf32, #tpu.memory_space<vmem>>
    %dma_start3A_648 = arith.constant 0 : i32
    %dma_start3A_649 = tpu.memref_slice %arg4[%add3A_644, %dma_start3A_648] : memref<8192x1024xf32, #tpu.memory_space<hbm>> -> memref<8x1024xf32, #tpu.memory_space<hbm>>
    %dma_start3A_650 = arith.constant 0 : i32
    %dma_start3A_651 = tpu.memref_slice %arg4[%add3A_644, %dma_start3A_650] : memref<8192x1024xf32, #tpu.memory_space<hbm>> -> memref<8x1024xf32, #tpu.memory_space<hbm>>
    %dma_start3A_652 = arith.constant 8 : i32
    %dma_start3A_653 = arith.constant 0 : i32
    %dma_start3A_654 = tpu.memref_slice %arg12[%dma_start3A_652, %dma_start3A_653] : memref<32x1024xf32, #tpu.memory_space<vmem>> -> memref<8x1024xf32, #tpu.memory_space<vmem>>
    tpu.enqueue_dma source(%dma_start3A_654 : memref<8x1024xf32, #tpu.memory_space<vmem>>) target(%dma_start3A_651 : memref<8x1024xf32, #tpu.memory_space<hbm>>) target_semaphore(%arg18 : memref<!tpu.dma_semaphore, #tpu.memory_space<semaphore_mem>>)
    %add3A_655 = arith.constant 4096 : i32
    %add3A_656 = arith.addi %add3A_655, %mul3A_2 : i32
    %add3A_657 = arith.constant 40 : i32
    %add3A_658 = arith.addi %add3A_656, %add3A_657 : i32
    %dma_start3A_659 = arith.constant 16 : i32
    %dma_start3A_660 = arith.constant 0 : i32
    %dma_start3A_661 = tpu.memref_slice %arg12[%dma_start3A_659, %dma_start3A_660] : memref<32x1024xf32, #tpu.memory_space<vmem>> -> memref<8x1024xf32, #tpu.memory_space<vmem>>
    %dma_start3A_662 = arith.constant 0 : i32
    %dma_start3A_663 = tpu.memref_slice %arg4[%add3A_658, %dma_start3A_662] : memref<8192x1024xf32, #tpu.memory_space<hbm>> -> memref<8x1024xf32, #tpu.memory_space<hbm>>
    %dma_start3A_664 = arith.constant 0 : i32
    %dma_start3A_665 = tpu.memref_slice %arg4[%add3A_658, %dma_start3A_664] : memref<8192x1024xf32, #tpu.memory_space<hbm>> -> memref<8x1024xf32, #tpu.memory_space<hbm>>
    %dma_start3A_666 = arith.constant 16 : i32
    %dma_start3A_667 = arith.constant 0 : i32
    %dma_start3A_668 = tpu.memref_slice %arg12[%dma_start3A_666, %dma_start3A_667] : memref<32x1024xf32, #tpu.memory_space<vmem>> -> memref<8x1024xf32, #tpu.memory_space<vmem>>
    tpu.enqueue_dma source(%dma_start3A_668 : memref<8x1024xf32, #tpu.memory_space<vmem>>) target(%dma_start3A_665 : memref<8x1024xf32, #tpu.memory_space<hbm>>) target_semaphore(%arg18 : memref<!tpu.dma_semaphore, #tpu.memory_space<semaphore_mem>>)
    %add3A_669 = arith.constant 6144 : i32
    %add3A_670 = arith.addi %add3A_669, %mul3A_2 : i32
    %add3A_671 = arith.constant 40 : i32
    %add3A_672 = arith.addi %add3A_670, %add3A_671 : i32
    %dma_start3A_673 = arith.constant 24 : i32
    %dma_start3A_674 = arith.constant 0 : i32
    %dma_start3A_675 = tpu.memref_slice %arg12[%dma_start3A_673, %dma_start3A_674] : memref<32x1024xf32, #tpu.memory_space<vmem>> -> memref<8x1024xf32, #tpu.memory_space<vmem>>
    %dma_start3A_676 = arith.constant 0 : i32
    %dma_start3A_677 = tpu.memref_slice %arg4[%add3A_672, %dma_start3A_676] : memref<8192x1024xf32, #tpu.memory_space<hbm>> -> memref<8x1024xf32, #tpu.memory_space<hbm>>
    %dma_start3A_678 = arith.constant 0 : i32
    %dma_start3A_679 = tpu.memref_slice %arg4[%add3A_672, %dma_start3A_678] : memref<8192x1024xf32, #tpu.memory_space<hbm>> -> memref<8x1024xf32, #tpu.memory_space<hbm>>
    %dma_start3A_680 = arith.constant 24 : i32
    %dma_start3A_681 = arith.constant 0 : i32
    %dma_start3A_682 = tpu.memref_slice %arg12[%dma_start3A_680, %dma_start3A_681] : memref<32x1024xf32, #tpu.memory_space<vmem>> -> memref<8x1024xf32, #tpu.memory_space<vmem>>
    tpu.enqueue_dma source(%dma_start3A_682 : memref<8x1024xf32, #tpu.memory_space<vmem>>) target(%dma_start3A_679 : memref<8x1024xf32, #tpu.memory_space<hbm>>) target_semaphore(%arg18 : memref<!tpu.dma_semaphore, #tpu.memory_space<semaphore_mem>>)
    %add3A_683 = arith.constant 48 : i32
    %add3A_684 = arith.addi %mul3A_2, %add3A_683 : i32
    %convert_element_type3A_685 = arith.sitofp %add3A_684 : i32 to f32
    %scan3A_686 = arith.constant 0 : i32
    %scan3A_687 = arith.constant 0 : i32
    %scan3A_688 = arith.constant 16 : i32
    %scan3A_689 = arith.addi %scan3A_687, %scan3A_688 : i32
    %scan3A_690 = arith.constant 1 : i32
    scf.for %scan3A_944 = %scan3A_687 to %scan3A_689 step %scan3A_690  : i32 {
      %shift_left3A = arith.constant 5 : i32
      %shift_left3A_945 = arith.shli %scan3A_944, %shift_left3A : i32
      %multiple_of3A = tpu.assume_multiple %shift_left3A_945, 16 : i32
      %add3A_946 = arith.constant 16 : i32
      %add3A_947 = arith.addi %multiple_of3A, %add3A_946 : i32
      %multiple_of3A_948 = tpu.assume_multiple %add3A_947, 16 : i32
      %get3A = arith.index_cast %multiple_of3A : i32 to index
      %get3A_949 = tpu.vector_load %arg6[%get3A] {strides = array<i32>} : memref<512xf32, #tpu.memory_space<vmem>>, vector<16xf32>,
      %get3A_950 = vector.shape_cast %get3A_949 : vector<16xf32> to vector<16xf32>
      %get3A_951 = arith.index_cast %multiple_of3A_948 : i32 to index
      %get3A_952 = tpu.vector_load %arg6[%get3A_951] {strides = array<i32>} : memref<512xf32, #tpu.memory_space<vmem>>, vector<16xf32>,
      %get3A_953 = vector.shape_cast %get3A_952 : vector<16xf32> to vector<16xf32>
      %mul3A_954 = vector.broadcast %convert_element_type3A_685 : f32 to vector<16xf32>
      %mul3A_955 = arith.mulf %mul3A_954, %get3A_950 : vector<16xf32>
      %mul3A_956 = arith.constant 0.318309873 : f32
      %mul3A_957 = vector.broadcast %mul3A_956 : f32 to vector<16xf32>
      %mul3A_958 = arith.mulf %mul3A_955, %mul3A_957 : vector<16xf32>
      %add3A_959 = arith.constant 0x4B400000 : f32
      %add3A_960 = vector.broadcast %add3A_959 : f32 to vector<16xf32>
      %add3A_961 = arith.addf %mul3A_958, %add3A_960 : vector<16xf32>
      %sub3A = arith.constant 0x4B400000 : f32
      %sub3A_962 = vector.broadcast %sub3A : f32 to vector<16xf32>
      %sub3A_963 = arith.subf %add3A_961, %sub3A_962 : vector<16xf32>
      %mul3A_964 = arith.constant 3.14159274 : f32
      %mul3A_965 = vector.broadcast %mul3A_964 : f32 to vector<16xf32>
      %mul3A_966 = arith.mulf %sub3A_963, %mul3A_965 : vector<16xf32>
      %sub3A_967 = arith.subf %mul3A_955, %mul3A_966 : vector<16xf32>
      %mul3A_968 = arith.constant -8.74227765E-8 : f32
      %mul3A_969 = vector.broadcast %mul3A_968 : f32 to vector<16xf32>
      %mul3A_970 = arith.mulf %sub3A_963, %mul3A_969 : vector<16xf32>
      %sub3A_971 = arith.subf %sub3A_967, %mul3A_970 : vector<16xf32>
      %mul3A_972 = arith.mulf %sub3A_971, %sub3A_971 : vector<16xf32>
      %mul3A_973 = arith.constant 2.75573188E-6 : f32
      %mul3A_974 = vector.broadcast %mul3A_973 : f32 to vector<16xf32>
      %mul3A_975 = arith.mulf %mul3A_972, %mul3A_974 : vector<16xf32>
      %add3A_976 = arith.constant -1.98412701E-4 : f32
      %add3A_977 = vector.broadcast %add3A_976 : f32 to vector<16xf32>
      %add3A_978 = arith.addf %mul3A_975, %add3A_977 : vector<16xf32>
      %mul3A_979 = arith.mulf %mul3A_972, %add3A_978 : vector<16xf32>
      %add3A_980 = arith.constant 0.00833333377 : f32
      %add3A_981 = vector.broadcast %add3A_980 : f32 to vector<16xf32>
      %add3A_982 = arith.addf %mul3A_979, %add3A_981 : vector<16xf32>
      %mul3A_983 = arith.mulf %mul3A_972, %add3A_982 : vector<16xf32>
      %add3A_984 = arith.constant -0.166666672 : f32
      %add3A_985 = vector.broadcast %add3A_984 : f32 to vector<16xf32>
      %add3A_986 = arith.addf %mul3A_983, %add3A_985 : vector<16xf32>
      %mul3A_987 = arith.mulf %mul3A_972, %add3A_986 : vector<16xf32>
      %mul3A_988 = arith.mulf %sub3A_971, %mul3A_987 : vector<16xf32>
      %add3A_989 = arith.addf %mul3A_988, %sub3A_971 : vector<16xf32>
      %convert_element_type3A_990 = arith.fptosi %add3A_961 : vector<16xf32> to vector<16xi32>
      %and3A = arith.constant 1 : i32
      %and3A_991 = vector.broadcast %and3A : i32 to vector<16xi32>
      %and3A_992 = arith.andi %convert_element_type3A_990, %and3A_991 : vector<16xi32>
      %convert_element_type3A_993 = arith.sitofp %and3A_992 : vector<16xi32> to vector<16xf32>
      %mul3A_994 = arith.constant 2.000000e+00 : f32
      %mul3A_995 = vector.broadcast %mul3A_994 : f32 to vector<16xf32>
      %mul3A_996 = arith.mulf %mul3A_995, %convert_element_type3A_993 : vector<16xf32>
      %sub3A_997 = arith.constant 1.000000e+00 : f32
      %sub3A_998 = vector.broadcast %sub3A_997 : f32 to vector<16xf32>
      %sub3A_999 = arith.subf %sub3A_998, %mul3A_996 : vector<16xf32>
      %mul3A_1000 = arith.mulf %add3A_989, %sub3A_999 : vector<16xf32>
      %mul3A_1001 = vector.broadcast %convert_element_type3A_685 : f32 to vector<16xf32>
      %mul3A_1002 = arith.mulf %mul3A_1001, %get3A_950 : vector<16xf32>
      %add3A_1003 = arith.constant 1.57079637 : f32
      %add3A_1004 = vector.broadcast %add3A_1003 : f32 to vector<16xf32>
      %add3A_1005 = arith.addf %mul3A_1002, %add3A_1004 : vector<16xf32>
      %mul3A_1006 = arith.constant 0.318309873 : f32
      %mul3A_1007 = vector.broadcast %mul3A_1006 : f32 to vector<16xf32>
      %mul3A_1008 = arith.mulf %add3A_1005, %mul3A_1007 : vector<16xf32>
      %add3A_1009 = arith.constant 0x4B400000 : f32
      %add3A_1010 = vector.broadcast %add3A_1009 : f32 to vector<16xf32>
      %add3A_1011 = arith.addf %mul3A_1008, %add3A_1010 : vector<16xf32>
      %sub3A_1012 = arith.constant 0x4B400000 : f32
      %sub3A_1013 = vector.broadcast %sub3A_1012 : f32 to vector<16xf32>
      %sub3A_1014 = arith.subf %add3A_1011, %sub3A_1013 : vector<16xf32>
      %mul3A_1015 = arith.constant 3.14159274 : f32
      %mul3A_1016 = vector.broadcast %mul3A_1015 : f32 to vector<16xf32>
      %mul3A_1017 = arith.mulf %sub3A_1014, %mul3A_1016 : vector<16xf32>
      %sub3A_1018 = arith.subf %add3A_1005, %mul3A_1017 : vector<16xf32>
      %mul3A_1019 = arith.constant -8.74227765E-8 : f32
      %mul3A_1020 = vector.broadcast %mul3A_1019 : f32 to vector<16xf32>
      %mul3A_1021 = arith.mulf %sub3A_1014, %mul3A_1020 : vector<16xf32>
      %sub3A_1022 = arith.subf %sub3A_1018, %mul3A_1021 : vector<16xf32>
      %mul3A_1023 = arith.mulf %sub3A_1022, %sub3A_1022 : vector<16xf32>
      %mul3A_1024 = arith.constant 2.75573188E-6 : f32
      %mul3A_1025 = vector.broadcast %mul3A_1024 : f32 to vector<16xf32>
      %mul3A_1026 = arith.mulf %mul3A_1023, %mul3A_1025 : vector<16xf32>
      %add3A_1027 = arith.constant -1.98412701E-4 : f32
      %add3A_1028 = vector.broadcast %add3A_1027 : f32 to vector<16xf32>
      %add3A_1029 = arith.addf %mul3A_1026, %add3A_1028 : vector<16xf32>
      %mul3A_1030 = arith.mulf %mul3A_1023, %add3A_1029 : vector<16xf32>
      %add3A_1031 = arith.constant 0.00833333377 : f32
      %add3A_1032 = vector.broadcast %add3A_1031 : f32 to vector<16xf32>
      %add3A_1033 = arith.addf %mul3A_1030, %add3A_1032 : vector<16xf32>
      %mul3A_1034 = arith.mulf %mul3A_1023, %add3A_1033 : vector<16xf32>
      %add3A_1035 = arith.constant -0.166666672 : f32
      %add3A_1036 = vector.broadcast %add3A_1035 : f32 to vector<16xf32>
      %add3A_1037 = arith.addf %mul3A_1034, %add3A_1036 : vector<16xf32>
      %mul3A_1038 = arith.mulf %mul3A_1023, %add3A_1037 : vector<16xf32>
      %mul3A_1039 = arith.mulf %sub3A_1022, %mul3A_1038 : vector<16xf32>
      %add3A_1040 = arith.addf %mul3A_1039, %sub3A_1022 : vector<16xf32>
      %convert_element_type3A_1041 = arith.fptosi %add3A_1011 : vector<16xf32> to vector<16xi32>
      %and3A_1042 = arith.constant 1 : i32
      %and3A_1043 = vector.broadcast %and3A_1042 : i32 to vector<16xi32>
      %and3A_1044 = arith.andi %convert_element_type3A_1041, %and3A_1043 : vector<16xi32>
      %convert_element_type3A_1045 = arith.sitofp %and3A_1044 : vector<16xi32> to vector<16xf32>
      %mul3A_1046 = arith.constant 2.000000e+00 : f32
      %mul3A_1047 = vector.broadcast %mul3A_1046 : f32 to vector<16xf32>
      %mul3A_1048 = arith.mulf %mul3A_1047, %convert_element_type3A_1045 : vector<16xf32>
      %sub3A_1049 = arith.constant 1.000000e+00 : f32
      %sub3A_1050 = vector.broadcast %sub3A_1049 : f32 to vector<16xf32>
      %sub3A_1051 = arith.subf %sub3A_1050, %mul3A_1048 : vector<16xf32>
      %mul3A_1052 = arith.mulf %add3A_1040, %sub3A_1051 : vector<16xf32>
      %mul3A_1053 = vector.broadcast %convert_element_type3A_685 : f32 to vector<16xf32>
      %mul3A_1054 = arith.mulf %mul3A_1053, %get3A_953 : vector<16xf32>
      %mul3A_1055 = arith.constant 0.318309873 : f32
      %mul3A_1056 = vector.broadcast %mul3A_1055 : f32 to vector<16xf32>
      %mul3A_1057 = arith.mulf %mul3A_1054, %mul3A_1056 : vector<16xf32>
      %add3A_1058 = arith.constant 0x4B400000 : f32
      %add3A_1059 = vector.broadcast %add3A_1058 : f32 to vector<16xf32>
      %add3A_1060 = arith.addf %mul3A_1057, %add3A_1059 : vector<16xf32>
      %sub3A_1061 = arith.constant 0x4B400000 : f32
      %sub3A_1062 = vector.broadcast %sub3A_1061 : f32 to vector<16xf32>
      %sub3A_1063 = arith.subf %add3A_1060, %sub3A_1062 : vector<16xf32>
      %mul3A_1064 = arith.constant 3.14159274 : f32
      %mul3A_1065 = vector.broadcast %mul3A_1064 : f32 to vector<16xf32>
      %mul3A_1066 = arith.mulf %sub3A_1063, %mul3A_1065 : vector<16xf32>
      %sub3A_1067 = arith.subf %mul3A_1054, %mul3A_1066 : vector<16xf32>
      %mul3A_1068 = arith.constant -8.74227765E-8 : f32
      %mul3A_1069 = vector.broadcast %mul3A_1068 : f32 to vector<16xf32>
      %mul3A_1070 = arith.mulf %sub3A_1063, %mul3A_1069 : vector<16xf32>
      %sub3A_1071 = arith.subf %sub3A_1067, %mul3A_1070 : vector<16xf32>
      %mul3A_1072 = arith.mulf %sub3A_1071, %sub3A_1071 : vector<16xf32>
      %mul3A_1073 = arith.constant 2.75573188E-6 : f32
      %mul3A_1074 = vector.broadcast %mul3A_1073 : f32 to vector<16xf32>
      %mul3A_1075 = arith.mulf %mul3A_1072, %mul3A_1074 : vector<16xf32>
      %add3A_1076 = arith.constant -1.98412701E-4 : f32
      %add3A_1077 = vector.broadcast %add3A_1076 : f32 to vector<16xf32>
      %add3A_1078 = arith.addf %mul3A_1075, %add3A_1077 : vector<16xf32>
      %mul3A_1079 = arith.mulf %mul3A_1072, %add3A_1078 : vector<16xf32>
      %add3A_1080 = arith.constant 0.00833333377 : f32
      %add3A_1081 = vector.broadcast %add3A_1080 : f32 to vector<16xf32>
      %add3A_1082 = arith.addf %mul3A_1079, %add3A_1081 : vector<16xf32>
      %mul3A_1083 = arith.mulf %mul3A_1072, %add3A_1082 : vector<16xf32>
      %add3A_1084 = arith.constant -0.166666672 : f32
      %add3A_1085 = vector.broadcast %add3A_1084 : f32 to vector<16xf32>
      %add3A_1086 = arith.addf %mul3A_1083, %add3A_1085 : vector<16xf32>
      %mul3A_1087 = arith.mulf %mul3A_1072, %add3A_1086 : vector<16xf32>
      %mul3A_1088 = arith.mulf %sub3A_1071, %mul3A_1087 : vector<16xf32>
      %add3A_1089 = arith.addf %mul3A_1088, %sub3A_1071 : vector<16xf32>
      %convert_element_type3A_1090 = arith.fptosi %add3A_1060 : vector<16xf32> to vector<16xi32>
      %and3A_1091 = arith.constant 1 : i32
      %and3A_1092 = vector.broadcast %and3A_1091 : i32 to vector<16xi32>
      %and3A_1093 = arith.andi %convert_element_type3A_1090, %and3A_1092 : vector<16xi32>
      %convert_element_type3A_1094 = arith.sitofp %and3A_1093 : vector<16xi32> to vector<16xf32>
      %mul3A_1095 = arith.constant 2.000000e+00 : f32
      %mul3A_1096 = vector.broadcast %mul3A_1095 : f32 to vector<16xf32>
      %mul3A_1097 = arith.mulf %mul3A_1096, %convert_element_type3A_1094 : vector<16xf32>
      %sub3A_1098 = arith.constant 1.000000e+00 : f32
      %sub3A_1099 = vector.broadcast %sub3A_1098 : f32 to vector<16xf32>
      %sub3A_1100 = arith.subf %sub3A_1099, %mul3A_1097 : vector<16xf32>
      %mul3A_1101 = arith.mulf %add3A_1089, %sub3A_1100 : vector<16xf32>
      %mul3A_1102 = vector.broadcast %convert_element_type3A_685 : f32 to vector<16xf32>
      %mul3A_1103 = arith.mulf %mul3A_1102, %get3A_953 : vector<16xf32>
      %add3A_1104 = arith.constant 1.57079637 : f32
      %add3A_1105 = vector.broadcast %add3A_1104 : f32 to vector<16xf32>
      %add3A_1106 = arith.addf %mul3A_1103, %add3A_1105 : vector<16xf32>
      %mul3A_1107 = arith.constant 0.318309873 : f32
      %mul3A_1108 = vector.broadcast %mul3A_1107 : f32 to vector<16xf32>
      %mul3A_1109 = arith.mulf %add3A_1106, %mul3A_1108 : vector<16xf32>
      %add3A_1110 = arith.constant 0x4B400000 : f32
      %add3A_1111 = vector.broadcast %add3A_1110 : f32 to vector<16xf32>
      %add3A_1112 = arith.addf %mul3A_1109, %add3A_1111 : vector<16xf32>
      %sub3A_1113 = arith.constant 0x4B400000 : f32
      %sub3A_1114 = vector.broadcast %sub3A_1113 : f32 to vector<16xf32>
      %sub3A_1115 = arith.subf %add3A_1112, %sub3A_1114 : vector<16xf32>
      %mul3A_1116 = arith.constant 3.14159274 : f32
      %mul3A_1117 = vector.broadcast %mul3A_1116 : f32 to vector<16xf32>
      %mul3A_1118 = arith.mulf %sub3A_1115, %mul3A_1117 : vector<16xf32>
      %sub3A_1119 = arith.subf %add3A_1106, %mul3A_1118 : vector<16xf32>
      %mul3A_1120 = arith.constant -8.74227765E-8 : f32
      %mul3A_1121 = vector.broadcast %mul3A_1120 : f32 to vector<16xf32>
      %mul3A_1122 = arith.mulf %sub3A_1115, %mul3A_1121 : vector<16xf32>
      %sub3A_1123 = arith.subf %sub3A_1119, %mul3A_1122 : vector<16xf32>
      %mul3A_1124 = arith.mulf %sub3A_1123, %sub3A_1123 : vector<16xf32>
      %mul3A_1125 = arith.constant 2.75573188E-6 : f32
      %mul3A_1126 = vector.broadcast %mul3A_1125 : f32 to vector<16xf32>
      %mul3A_1127 = arith.mulf %mul3A_1124, %mul3A_1126 : vector<16xf32>
      %add3A_1128 = arith.constant -1.98412701E-4 : f32
      %add3A_1129 = vector.broadcast %add3A_1128 : f32 to vector<16xf32>
      %add3A_1130 = arith.addf %mul3A_1127, %add3A_1129 : vector<16xf32>
      %mul3A_1131 = arith.mulf %mul3A_1124, %add3A_1130 : vector<16xf32>
      %add3A_1132 = arith.constant 0.00833333377 : f32
      %add3A_1133 = vector.broadcast %add3A_1132 : f32 to vector<16xf32>
      %add3A_1134 = arith.addf %mul3A_1131, %add3A_1133 : vector<16xf32>
      %mul3A_1135 = arith.mulf %mul3A_1124, %add3A_1134 : vector<16xf32>
      %add3A_1136 = arith.constant -0.166666672 : f32
      %add3A_1137 = vector.broadcast %add3A_1136 : f32 to vector<16xf32>
      %add3A_1138 = arith.addf %mul3A_1135, %add3A_1137 : vector<16xf32>
      %mul3A_1139 = arith.mulf %mul3A_1124, %add3A_1138 : vector<16xf32>
      %mul3A_1140 = arith.mulf %sub3A_1123, %mul3A_1139 : vector<16xf32>
      %add3A_1141 = arith.addf %mul3A_1140, %sub3A_1123 : vector<16xf32>
      %convert_element_type3A_1142 = arith.fptosi %add3A_1112 : vector<16xf32> to vector<16xi32>
      %and3A_1143 = arith.constant 1 : i32
      %and3A_1144 = vector.broadcast %and3A_1143 : i32 to vector<16xi32>
      %and3A_1145 = arith.andi %convert_element_type3A_1142, %and3A_1144 : vector<16xi32>
      %convert_element_type3A_1146 = arith.sitofp %and3A_1145 : vector<16xi32> to vector<16xf32>
      %mul3A_1147 = arith.constant 2.000000e+00 : f32
      %mul3A_1148 = vector.broadcast %mul3A_1147 : f32 to vector<16xf32>
      %mul3A_1149 = arith.mulf %mul3A_1148, %convert_element_type3A_1146 : vector<16xf32>
      %sub3A_1150 = arith.constant 1.000000e+00 : f32
      %sub3A_1151 = vector.broadcast %sub3A_1150 : f32 to vector<16xf32>
      %sub3A_1152 = arith.subf %sub3A_1151, %mul3A_1149 : vector<16xf32>
      %mul3A_1153 = arith.mulf %add3A_1141, %sub3A_1152 : vector<16xf32>
      %get3A_1154 = arith.index_cast %multiple_of3A : i32 to index
      %get3A_1155 = tpu.vector_load %arg7[%get3A_1154] {strides = array<i32>} : memref<512xf32, #tpu.memory_space<vmem>>, vector<16xf32>,
      %get3A_1156 = vector.shape_cast %get3A_1155 : vector<16xf32> to vector<16xf32>
      %get3A_1157 = arith.index_cast %multiple_of3A : i32 to index
      %get3A_1158 = tpu.vector_load %arg8[%get3A_1157] {strides = array<i32>} : memref<512xf32, #tpu.memory_space<vmem>>, vector<16xf32>,
      %get3A_1159 = vector.shape_cast %get3A_1158 : vector<16xf32> to vector<16xf32>
      %get3A_1160 = arith.index_cast %multiple_of3A_948 : i32 to index
      %get3A_1161 = tpu.vector_load %arg7[%get3A_1160] {strides = array<i32>} : memref<512xf32, #tpu.memory_space<vmem>>, vector<16xf32>,
      %get3A_1162 = vector.shape_cast %get3A_1161 : vector<16xf32> to vector<16xf32>
      %get3A_1163 = arith.index_cast %multiple_of3A_948 : i32 to index
      %get3A_1164 = tpu.vector_load %arg8[%get3A_1163] {strides = array<i32>} : memref<512xf32, #tpu.memory_space<vmem>>, vector<16xf32>,
      %get3A_1165 = vector.shape_cast %get3A_1164 : vector<16xf32> to vector<16xf32>
      %scan3A_1166 = arith.constant 0 : i32
      %scan3A_1167 = arith.constant 16 : i32
      %scan3A_1168 = arith.addi %scan3A_1166, %scan3A_1167 : i32
      %scan3A_1169 = arith.constant 1 : i32
      %scan3A_1170:4 = scf.for %scan3A_1172 = %scan3A_1166 to %scan3A_1168 step %scan3A_1169 iter_args(%scan3A_1173 = %mul3A_1000, %scan3A_1174 = %mul3A_1052, %scan3A_1175 = %mul3A_1101, %scan3A_1176 = %mul3A_1153) -> (vector<16xf32>, vector<16xf32>, vector<16xf32>, vector<16xf32>)  : i32 {
        %swap3A = arith.index_cast %scan3A_1172 : i32 to index
        %swap3A_1177 = arith.index_cast %multiple_of3A : i32 to index
        %swap3A_1178 = tpu.vector_load %arg9[%swap3A, %swap3A_1177] {strides = array<i32>} : memref<16x1024xf32, #tpu.memory_space<vmem>>, vector<1x16xf32>,
        %swap3A_1179 = vector.shape_cast %swap3A_1178 : vector<1x16xf32> to vector<16xf32>
        %swap3A_1180 = vector.shape_cast %scan3A_1173 : vector<16xf32> to vector<1x16xf32>
        tpu.vector_store %arg9[%swap3A, %swap3A_1177], %swap3A_1180 {strides = array<i32>} : memref<16x1024xf32, #tpu.memory_space<vmem>>, vector<1x16xf32>,
        %add3A_1181 = arith.constant 512 : i32
        %add3A_1182 = arith.addi %add3A_1181, %multiple_of3A : i32
        %multiple_of3A_1183 = tpu.assume_multiple %add3A_1182, 16 : i32
        %swap3A_1184 = arith.index_cast %scan3A_1172 : i32 to index
        %swap3A_1185 = arith.index_cast %multiple_of3A_1183 : i32 to index
        %swap3A_1186 = tpu.vector_load %arg9[%swap3A_1184, %swap3A_1185] {strides = array<i32>} : memref<16x1024xf32, #tpu.memory_space<vmem>>, vector<1x16xf32>,
        %swap3A_1187 = vector.shape_cast %swap3A_1186 : vector<1x16xf32> to vector<16xf32>
        %swap3A_1188 = vector.shape_cast %scan3A_1174 : vector<16xf32> to vector<1x16xf32>
        tpu.vector_store %arg9[%swap3A_1184, %swap3A_1185], %swap3A_1188 {strides = array<i32>} : memref<16x1024xf32, #tpu.memory_space<vmem>>, vector<1x16xf32>,
        %swap3A_1189 = arith.index_cast %scan3A_1172 : i32 to index
        %swap3A_1190 = arith.index_cast %multiple_of3A_948 : i32 to index
        %swap3A_1191 = tpu.vector_load %arg9[%swap3A_1189, %swap3A_1190] {strides = array<i32>} : memref<16x1024xf32, #tpu.memory_space<vmem>>, vector<1x16xf32>,
        %swap3A_1192 = vector.shape_cast %swap3A_1191 : vector<1x16xf32> to vector<16xf32>
        %swap3A_1193 = vector.shape_cast %scan3A_1175 : vector<16xf32> to vector<1x16xf32>
        tpu.vector_store %arg9[%swap3A_1189, %swap3A_1190], %swap3A_1193 {strides = array<i32>} : memref<16x1024xf32, #tpu.memory_space<vmem>>, vector<1x16xf32>,
        %add3A_1194 = arith.constant 512 : i32
        %add3A_1195 = arith.addi %add3A_1194, %multiple_of3A_948 : i32
        %multiple_of3A_1196 = tpu.assume_multiple %add3A_1195, 16 : i32
        %swap3A_1197 = arith.index_cast %scan3A_1172 : i32 to index
        %swap3A_1198 = arith.index_cast %multiple_of3A_1196 : i32 to index
        %swap3A_1199 = tpu.vector_load %arg9[%swap3A_1197, %swap3A_1198] {strides = array<i32>} : memref<16x1024xf32, #tpu.memory_space<vmem>>, vector<1x16xf32>,
        %swap3A_1200 = vector.shape_cast %swap3A_1199 : vector<1x16xf32> to vector<16xf32>
        %swap3A_1201 = vector.shape_cast %scan3A_1176 : vector<16xf32> to vector<1x16xf32>
        tpu.vector_store %arg9[%swap3A_1197, %swap3A_1198], %swap3A_1201 {strides = array<i32>} : memref<16x1024xf32, #tpu.memory_space<vmem>>, vector<1x16xf32>,
        %mul3A_1202 = arith.mulf %scan3A_1173, %get3A_1156 : vector<16xf32>
        %mul3A_1203 = arith.mulf %scan3A_1174, %get3A_1159 : vector<16xf32>
        %add3A_1204 = arith.addf %mul3A_1202, %mul3A_1203 : vector<16xf32>
        %mul3A_1205 = arith.mulf %scan3A_1174, %get3A_1156 : vector<16xf32>
        %mul3A_1206 = arith.mulf %scan3A_1173, %get3A_1159 : vector<16xf32>
        %sub3A_1207 = arith.subf %mul3A_1205, %mul3A_1206 : vector<16xf32>
        %mul3A_1208 = arith.mulf %scan3A_1175, %get3A_1162 : vector<16xf32>
        %mul3A_1209 = arith.mulf %scan3A_1176, %get3A_1165 : vector<16xf32>
        %add3A_1210 = arith.addf %mul3A_1208, %mul3A_1209 : vector<16xf32>
        %mul3A_1211 = arith.mulf %scan3A_1176, %get3A_1162 : vector<16xf32>
        %mul3A_1212 = arith.mulf %scan3A_1175, %get3A_1165 : vector<16xf32>
        %sub3A_1213 = arith.subf %mul3A_1211, %mul3A_1212 : vector<16xf32>
        scf.yield %add3A_1204, %sub3A_1207, %add3A_1210, %sub3A_1213 : vector<16xf32>, vector<16xf32>, vector<16xf32>, vector<16xf32>
      }
      %scan3A_1171 = arith.constant 16 : i32
    }
    %scan3A_691 = arith.constant 16 : i32
    %dma_wait3A_692 = arith.constant 6 : i32
    %dma_wait3A_693 = arith.constant 0 : i32
    %dma_wait3A_694 = tpu.memref_slice %arg5[%dma_wait3A_692, %dma_wait3A_693] : memref<8x32xi32, #tpu.memory_space<vmem>> -> memref<1x32xi32, #tpu.memory_space<vmem>>
    %dma_wait3A_695 = tpu.memref_squeeze %dma_wait3A_694 : memref<1x32xi32, #tpu.memory_space<vmem>> -> memref<32xi32, #tpu.memory_space<vmem>>
    %dma_wait3A_696 = arith.constant 0 : i32
    %dma_wait3A_697 = arith.constant 0 : i32
    %dma_wait3A_698 = tpu.memref_slice %arg2[%dma_wait3A_696, %dma_wait3A_697] : memref<100000x1024xf32, #tpu.memory_space<hbm>> -> memref<100000x1024xf32, #tpu.memory_space<hbm>>
    tpu.wait_indirect_dma semaphore(%arg13 : memref<!tpu.dma_semaphore, #tpu.memory_space<semaphore_mem>>) src(%dma_wait3A_698 : memref<100000x1024xf32, #tpu.memory_space<hbm>>) dst(%arg10 : memref<32x1024xf32, #tpu.memory_space<vmem>>)
    %parallel_loop3A_699 = arith.constant 0 : i32
    %parallel_loop3A_700 = arith.constant 512 : i32
    %parallel_loop3A_701 = arith.constant 1 : i32
    scf.for %parallel_loop3A_944 = %parallel_loop3A_699 to %parallel_loop3A_700 step %parallel_loop3A_701  : i32 {
      %parallel_loop3A_945 = arith.constant 6 : i32
      %parallel_loop3A_946 = arith.shrui %parallel_loop3A_944, %parallel_loop3A_945 : i32
      %parallel_loop3A_947 = arith.constant 63 : i32
      %parallel_loop3A_948 = arith.andi %parallel_loop3A_944, %parallel_loop3A_947 : i32
      %parallel_loop3A_949 = arith.constant 4 : i32
      %parallel_loop3A_950 = arith.shli %parallel_loop3A_948, %parallel_loop3A_949 : i32
      %parallel_loop3A_951 = tpu.assume_multiple %parallel_loop3A_950, 16 : i32
      %parallel_loop3A_952 = arith.constant 0 : i32
      %parallel_loop3A_953 = arith.addi %parallel_loop3A_952, %parallel_loop3A_946 : i32
      %parallel_loop3A_954 = arith.index_cast %parallel_loop3A_953 : i32 to index
      %parallel_loop3A_955 = arith.index_cast %parallel_loop3A_951 : i32 to index
      %parallel_loop3A_956 = tpu.vector_load %arg9[%parallel_loop3A_954, %parallel_loop3A_955] {strides = array<i32>} : memref<16x1024xf32, #tpu.memory_space<vmem>>, vector<1x16xf32>,
      %parallel_loop3A_957 = vector.shape_cast %parallel_loop3A_956 : vector<1x16xf32> to vector<16xf32>
      %parallel_loop3A_958 = arith.constant 0 : i32
      %parallel_loop3A_959 = arith.addi %parallel_loop3A_958, %parallel_loop3A_946 : i32
      %parallel_loop3A_960 = arith.index_cast %parallel_loop3A_959 : i32 to index
      %parallel_loop3A_961 = arith.index_cast %parallel_loop3A_951 : i32 to index
      %parallel_loop3A_962 = tpu.vector_load %arg10[%parallel_loop3A_960, %parallel_loop3A_961] {strides = array<i32>} : memref<32x1024xf32, #tpu.memory_space<vmem>>, vector<1x16xf32>,
      %parallel_loop3A_963 = vector.shape_cast %parallel_loop3A_962 : vector<1x16xf32> to vector<16xf32>
      %parallel_loop3A_964 = arith.constant 3.200000e+01 : f32
      %parallel_loop3A_965 = vector.broadcast %parallel_loop3A_964 : f32 to vector<16xf32>
      %parallel_loop3A_966 = arith.mulf %parallel_loop3A_963, %parallel_loop3A_965 : vector<16xf32>
      %parallel_loop3A_967 = arith.addf %parallel_loop3A_966, %parallel_loop3A_957 : vector<16xf32>
      %parallel_loop3A_968 = arith.index_cast %parallel_loop3A_959 : i32 to index
      %parallel_loop3A_969 = arith.index_cast %parallel_loop3A_951 : i32 to index
      %parallel_loop3A_970 = tpu.vector_load %arg10[%parallel_loop3A_968, %parallel_loop3A_969] {strides = array<i32>} : memref<32x1024xf32, #tpu.memory_space<vmem>>, vector<1x16xf32>,
      %parallel_loop3A_971 = vector.shape_cast %parallel_loop3A_970 : vector<1x16xf32> to vector<16xf32>
      %parallel_loop3A_972 = vector.shape_cast %parallel_loop3A_967 : vector<16xf32> to vector<1x16xf32>
      tpu.vector_store %arg10[%parallel_loop3A_968, %parallel_loop3A_969], %parallel_loop3A_972 {strides = array<i32>} : memref<32x1024xf32, #tpu.memory_space<vmem>>, vector<1x16xf32>,
      %parallel_loop3A_973 = arith.constant 8 : i32
      %parallel_loop3A_974 = arith.addi %parallel_loop3A_973, %parallel_loop3A_946 : i32
      %parallel_loop3A_975 = arith.index_cast %parallel_loop3A_974 : i32 to index
      %parallel_loop3A_976 = arith.index_cast %parallel_loop3A_951 : i32 to index
      %parallel_loop3A_977 = tpu.vector_load %arg10[%parallel_loop3A_975, %parallel_loop3A_976] {strides = array<i32>} : memref<32x1024xf32, #tpu.memory_space<vmem>>, vector<1x16xf32>,
      %parallel_loop3A_978 = vector.shape_cast %parallel_loop3A_977 : vector<1x16xf32> to vector<16xf32>
      %parallel_loop3A_979 = arith.constant 3.200000e+01 : f32
      %parallel_loop3A_980 = vector.broadcast %parallel_loop3A_979 : f32 to vector<16xf32>
      %parallel_loop3A_981 = arith.mulf %parallel_loop3A_978, %parallel_loop3A_980 : vector<16xf32>
      %parallel_loop3A_982 = arith.addf %parallel_loop3A_981, %parallel_loop3A_957 : vector<16xf32>
      %parallel_loop3A_983 = arith.index_cast %parallel_loop3A_974 : i32 to index
      %parallel_loop3A_984 = arith.index_cast %parallel_loop3A_951 : i32 to index
      %parallel_loop3A_985 = tpu.vector_load %arg10[%parallel_loop3A_983, %parallel_loop3A_984] {strides = array<i32>} : memref<32x1024xf32, #tpu.memory_space<vmem>>, vector<1x16xf32>,
      %parallel_loop3A_986 = vector.shape_cast %parallel_loop3A_985 : vector<1x16xf32> to vector<16xf32>
      %parallel_loop3A_987 = vector.shape_cast %parallel_loop3A_982 : vector<16xf32> to vector<1x16xf32>
      tpu.vector_store %arg10[%parallel_loop3A_983, %parallel_loop3A_984], %parallel_loop3A_987 {strides = array<i32>} : memref<32x1024xf32, #tpu.memory_space<vmem>>, vector<1x16xf32>,
      %parallel_loop3A_988 = arith.constant 16 : i32
      %parallel_loop3A_989 = arith.addi %parallel_loop3A_988, %parallel_loop3A_946 : i32
      %parallel_loop3A_990 = arith.index_cast %parallel_loop3A_989 : i32 to index
      %parallel_loop3A_991 = arith.index_cast %parallel_loop3A_951 : i32 to index
      %parallel_loop3A_992 = tpu.vector_load %arg10[%parallel_loop3A_990, %parallel_loop3A_991] {strides = array<i32>} : memref<32x1024xf32, #tpu.memory_space<vmem>>, vector<1x16xf32>,
      %parallel_loop3A_993 = vector.shape_cast %parallel_loop3A_992 : vector<1x16xf32> to vector<16xf32>
      %parallel_loop3A_994 = arith.constant 3.200000e+01 : f32
      %parallel_loop3A_995 = vector.broadcast %parallel_loop3A_994 : f32 to vector<16xf32>
      %parallel_loop3A_996 = arith.mulf %parallel_loop3A_993, %parallel_loop3A_995 : vector<16xf32>
      %parallel_loop3A_997 = arith.addf %parallel_loop3A_996, %parallel_loop3A_957 : vector<16xf32>
      %parallel_loop3A_998 = arith.index_cast %parallel_loop3A_989 : i32 to index
      %parallel_loop3A_999 = arith.index_cast %parallel_loop3A_951 : i32 to index
      %parallel_loop3A_1000 = tpu.vector_load %arg10[%parallel_loop3A_998, %parallel_loop3A_999] {strides = array<i32>} : memref<32x1024xf32, #tpu.memory_space<vmem>>, vector<1x16xf32>,
      %parallel_loop3A_1001 = vector.shape_cast %parallel_loop3A_1000 : vector<1x16xf32> to vector<16xf32>
      %parallel_loop3A_1002 = vector.shape_cast %parallel_loop3A_997 : vector<16xf32> to vector<1x16xf32>
      tpu.vector_store %arg10[%parallel_loop3A_998, %parallel_loop3A_999], %parallel_loop3A_1002 {strides = array<i32>} : memref<32x1024xf32, #tpu.memory_space<vmem>>, vector<1x16xf32>,
      %parallel_loop3A_1003 = arith.constant 24 : i32
      %parallel_loop3A_1004 = arith.addi %parallel_loop3A_1003, %parallel_loop3A_946 : i32
      %parallel_loop3A_1005 = arith.index_cast %parallel_loop3A_1004 : i32 to index
      %parallel_loop3A_1006 = arith.index_cast %parallel_loop3A_951 : i32 to index
      %parallel_loop3A_1007 = tpu.vector_load %arg10[%parallel_loop3A_1005, %parallel_loop3A_1006] {strides = array<i32>} : memref<32x1024xf32, #tpu.memory_space<vmem>>, vector<1x16xf32>,
      %parallel_loop3A_1008 = vector.shape_cast %parallel_loop3A_1007 : vector<1x16xf32> to vector<16xf32>
      %parallel_loop3A_1009 = arith.constant 3.200000e+01 : f32
      %parallel_loop3A_1010 = vector.broadcast %parallel_loop3A_1009 : f32 to vector<16xf32>
      %parallel_loop3A_1011 = arith.mulf %parallel_loop3A_1008, %parallel_loop3A_1010 : vector<16xf32>
      %parallel_loop3A_1012 = arith.addf %parallel_loop3A_1011, %parallel_loop3A_957 : vector<16xf32>
      %parallel_loop3A_1013 = arith.index_cast %parallel_loop3A_1004 : i32 to index
      %parallel_loop3A_1014 = arith.index_cast %parallel_loop3A_951 : i32 to index
      %parallel_loop3A_1015 = tpu.vector_load %arg10[%parallel_loop3A_1013, %parallel_loop3A_1014] {strides = array<i32>} : memref<32x1024xf32, #tpu.memory_space<vmem>>, vector<1x16xf32>,
      %parallel_loop3A_1016 = vector.shape_cast %parallel_loop3A_1015 : vector<1x16xf32> to vector<16xf32>
      %parallel_loop3A_1017 = vector.shape_cast %parallel_loop3A_1012 : vector<16xf32> to vector<1x16xf32>
      tpu.vector_store %arg10[%parallel_loop3A_1013, %parallel_loop3A_1014], %parallel_loop3A_1017 {strides = array<i32>} : memref<32x1024xf32, #tpu.memory_space<vmem>>, vector<1x16xf32>,
    } {sc.loop_unroll_factor = 8 : i64, sc.parallel_access}
    %add3A_702 = arith.constant 0 : i32
    %add3A_703 = arith.addi %add3A_702, %mul3A_2 : i32
    %add3A_704 = arith.constant 48 : i32
    %add3A_705 = arith.addi %add3A_703, %add3A_704 : i32
    %dma_start3A_706 = arith.constant 0 : i32
    %dma_start3A_707 = arith.constant 0 : i32
    %dma_start3A_708 = tpu.memref_slice %arg10[%dma_start3A_706, %dma_start3A_707] : memref<32x1024xf32, #tpu.memory_space<vmem>> -> memref<8x1024xf32, #tpu.memory_space<vmem>>
    %dma_start3A_709 = arith.constant 0 : i32
    %dma_start3A_710 = tpu.memref_slice %arg4[%add3A_705, %dma_start3A_709] : memref<8192x1024xf32, #tpu.memory_space<hbm>> -> memref<8x1024xf32, #tpu.memory_space<hbm>>
    %dma_start3A_711 = arith.constant 0 : i32
    %dma_start3A_712 = tpu.memref_slice %arg4[%add3A_705, %dma_start3A_711] : memref<8192x1024xf32, #tpu.memory_space<hbm>> -> memref<8x1024xf32, #tpu.memory_space<hbm>>
    %dma_start3A_713 = arith.constant 0 : i32
    %dma_start3A_714 = arith.constant 0 : i32
    %dma_start3A_715 = tpu.memref_slice %arg10[%dma_start3A_713, %dma_start3A_714] : memref<32x1024xf32, #tpu.memory_space<vmem>> -> memref<8x1024xf32, #tpu.memory_space<vmem>>
    tpu.enqueue_dma source(%dma_start3A_715 : memref<8x1024xf32, #tpu.memory_space<vmem>>) target(%dma_start3A_712 : memref<8x1024xf32, #tpu.memory_space<hbm>>) target_semaphore(%arg16 : memref<!tpu.dma_semaphore, #tpu.memory_space<semaphore_mem>>)
    %add3A_716 = arith.constant 2048 : i32
    %add3A_717 = arith.addi %add3A_716, %mul3A_2 : i32
    %add3A_718 = arith.constant 48 : i32
    %add3A_719 = arith.addi %add3A_717, %add3A_718 : i32
    %dma_start3A_720 = arith.constant 8 : i32
    %dma_start3A_721 = arith.constant 0 : i32
    %dma_start3A_722 = tpu.memref_slice %arg10[%dma_start3A_720, %dma_start3A_721] : memref<32x1024xf32, #tpu.memory_space<vmem>> -> memref<8x1024xf32, #tpu.memory_space<vmem>>
    %dma_start3A_723 = arith.constant 0 : i32
    %dma_start3A_724 = tpu.memref_slice %arg4[%add3A_719, %dma_start3A_723] : memref<8192x1024xf32, #tpu.memory_space<hbm>> -> memref<8x1024xf32, #tpu.memory_space<hbm>>
    %dma_start3A_725 = arith.constant 0 : i32
    %dma_start3A_726 = tpu.memref_slice %arg4[%add3A_719, %dma_start3A_725] : memref<8192x1024xf32, #tpu.memory_space<hbm>> -> memref<8x1024xf32, #tpu.memory_space<hbm>>
    %dma_start3A_727 = arith.constant 8 : i32
    %dma_start3A_728 = arith.constant 0 : i32
    %dma_start3A_729 = tpu.memref_slice %arg10[%dma_start3A_727, %dma_start3A_728] : memref<32x1024xf32, #tpu.memory_space<vmem>> -> memref<8x1024xf32, #tpu.memory_space<vmem>>
    tpu.enqueue_dma source(%dma_start3A_729 : memref<8x1024xf32, #tpu.memory_space<vmem>>) target(%dma_start3A_726 : memref<8x1024xf32, #tpu.memory_space<hbm>>) target_semaphore(%arg16 : memref<!tpu.dma_semaphore, #tpu.memory_space<semaphore_mem>>)
    %add3A_730 = arith.constant 4096 : i32
    %add3A_731 = arith.addi %add3A_730, %mul3A_2 : i32
    %add3A_732 = arith.constant 48 : i32
    %add3A_733 = arith.addi %add3A_731, %add3A_732 : i32
    %dma_start3A_734 = arith.constant 16 : i32
    %dma_start3A_735 = arith.constant 0 : i32
    %dma_start3A_736 = tpu.memref_slice %arg10[%dma_start3A_734, %dma_start3A_735] : memref<32x1024xf32, #tpu.memory_space<vmem>> -> memref<8x1024xf32, #tpu.memory_space<vmem>>
    %dma_start3A_737 = arith.constant 0 : i32
    %dma_start3A_738 = tpu.memref_slice %arg4[%add3A_733, %dma_start3A_737] : memref<8192x1024xf32, #tpu.memory_space<hbm>> -> memref<8x1024xf32, #tpu.memory_space<hbm>>
    %dma_start3A_739 = arith.constant 0 : i32
    %dma_start3A_740 = tpu.memref_slice %arg4[%add3A_733, %dma_start3A_739] : memref<8192x1024xf32, #tpu.memory_space<hbm>> -> memref<8x1024xf32, #tpu.memory_space<hbm>>
    %dma_start3A_741 = arith.constant 16 : i32
    %dma_start3A_742 = arith.constant 0 : i32
    %dma_start3A_743 = tpu.memref_slice %arg10[%dma_start3A_741, %dma_start3A_742] : memref<32x1024xf32, #tpu.memory_space<vmem>> -> memref<8x1024xf32, #tpu.memory_space<vmem>>
    tpu.enqueue_dma source(%dma_start3A_743 : memref<8x1024xf32, #tpu.memory_space<vmem>>) target(%dma_start3A_740 : memref<8x1024xf32, #tpu.memory_space<hbm>>) target_semaphore(%arg16 : memref<!tpu.dma_semaphore, #tpu.memory_space<semaphore_mem>>)
    %add3A_744 = arith.constant 6144 : i32
    %add3A_745 = arith.addi %add3A_744, %mul3A_2 : i32
    %add3A_746 = arith.constant 48 : i32
    %add3A_747 = arith.addi %add3A_745, %add3A_746 : i32
    %dma_start3A_748 = arith.constant 24 : i32
    %dma_start3A_749 = arith.constant 0 : i32
    %dma_start3A_750 = tpu.memref_slice %arg10[%dma_start3A_748, %dma_start3A_749] : memref<32x1024xf32, #tpu.memory_space<vmem>> -> memref<8x1024xf32, #tpu.memory_space<vmem>>
    %dma_start3A_751 = arith.constant 0 : i32
    %dma_start3A_752 = tpu.memref_slice %arg4[%add3A_747, %dma_start3A_751] : memref<8192x1024xf32, #tpu.memory_space<hbm>> -> memref<8x1024xf32, #tpu.memory_space<hbm>>
    %dma_start3A_753 = arith.constant 0 : i32
    %dma_start3A_754 = tpu.memref_slice %arg4[%add3A_747, %dma_start3A_753] : memref<8192x1024xf32, #tpu.memory_space<hbm>> -> memref<8x1024xf32, #tpu.memory_space<hbm>>
    %dma_start3A_755 = arith.constant 24 : i32
    %dma_start3A_756 = arith.constant 0 : i32
    %dma_start3A_757 = tpu.memref_slice %arg10[%dma_start3A_755, %dma_start3A_756] : memref<32x1024xf32, #tpu.memory_space<vmem>> -> memref<8x1024xf32, #tpu.memory_space<vmem>>
    tpu.enqueue_dma source(%dma_start3A_757 : memref<8x1024xf32, #tpu.memory_space<vmem>>) target(%dma_start3A_754 : memref<8x1024xf32, #tpu.memory_space<hbm>>) target_semaphore(%arg16 : memref<!tpu.dma_semaphore, #tpu.memory_space<semaphore_mem>>)
    %dma_wait3A_758 = arith.constant 7 : i32
    %dma_wait3A_759 = arith.constant 0 : i32
    %dma_wait3A_760 = tpu.memref_slice %arg5[%dma_wait3A_758, %dma_wait3A_759] : memref<8x32xi32, #tpu.memory_space<vmem>> -> memref<1x32xi32, #tpu.memory_space<vmem>>
    %dma_wait3A_761 = tpu.memref_squeeze %dma_wait3A_760 : memref<1x32xi32, #tpu.memory_space<vmem>> -> memref<32xi32, #tpu.memory_space<vmem>>
    %dma_wait3A_762 = arith.constant 0 : i32
    %dma_wait3A_763 = arith.constant 0 : i32
    %dma_wait3A_764 = tpu.memref_slice %arg2[%dma_wait3A_762, %dma_wait3A_763] : memref<100000x1024xf32, #tpu.memory_space<hbm>> -> memref<100000x1024xf32, #tpu.memory_space<hbm>>
    tpu.wait_indirect_dma semaphore(%arg14 : memref<!tpu.dma_semaphore, #tpu.memory_space<semaphore_mem>>) src(%dma_wait3A_764 : memref<100000x1024xf32, #tpu.memory_space<hbm>>) dst(%arg11 : memref<32x1024xf32, #tpu.memory_space<vmem>>)
    %parallel_loop3A_765 = arith.constant 0 : i32
    %parallel_loop3A_766 = arith.constant 512 : i32
    %parallel_loop3A_767 = arith.constant 1 : i32
    scf.for %parallel_loop3A_944 = %parallel_loop3A_765 to %parallel_loop3A_766 step %parallel_loop3A_767  : i32 {
      %parallel_loop3A_945 = arith.constant 6 : i32
      %parallel_loop3A_946 = arith.shrui %parallel_loop3A_944, %parallel_loop3A_945 : i32
      %parallel_loop3A_947 = arith.constant 63 : i32
      %parallel_loop3A_948 = arith.andi %parallel_loop3A_944, %parallel_loop3A_947 : i32
      %parallel_loop3A_949 = arith.constant 4 : i32
      %parallel_loop3A_950 = arith.shli %parallel_loop3A_948, %parallel_loop3A_949 : i32
      %parallel_loop3A_951 = tpu.assume_multiple %parallel_loop3A_950, 16 : i32
      %parallel_loop3A_952 = arith.constant 8 : i32
      %parallel_loop3A_953 = arith.addi %parallel_loop3A_952, %parallel_loop3A_946 : i32
      %parallel_loop3A_954 = arith.index_cast %parallel_loop3A_953 : i32 to index
      %parallel_loop3A_955 = arith.index_cast %parallel_loop3A_951 : i32 to index
      %parallel_loop3A_956 = tpu.vector_load %arg9[%parallel_loop3A_954, %parallel_loop3A_955] {strides = array<i32>} : memref<16x1024xf32, #tpu.memory_space<vmem>>, vector<1x16xf32>,
      %parallel_loop3A_957 = vector.shape_cast %parallel_loop3A_956 : vector<1x16xf32> to vector<16xf32>
      %parallel_loop3A_958 = arith.constant 0 : i32
      %parallel_loop3A_959 = arith.addi %parallel_loop3A_958, %parallel_loop3A_946 : i32
      %parallel_loop3A_960 = arith.index_cast %parallel_loop3A_959 : i32 to index
      %parallel_loop3A_961 = arith.index_cast %parallel_loop3A_951 : i32 to index
      %parallel_loop3A_962 = tpu.vector_load %arg11[%parallel_loop3A_960, %parallel_loop3A_961] {strides = array<i32>} : memref<32x1024xf32, #tpu.memory_space<vmem>>, vector<1x16xf32>,
      %parallel_loop3A_963 = vector.shape_cast %parallel_loop3A_962 : vector<1x16xf32> to vector<16xf32>
      %parallel_loop3A_964 = arith.constant 3.200000e+01 : f32
      %parallel_loop3A_965 = vector.broadcast %parallel_loop3A_964 : f32 to vector<16xf32>
      %parallel_loop3A_966 = arith.mulf %parallel_loop3A_963, %parallel_loop3A_965 : vector<16xf32>
      %parallel_loop3A_967 = arith.addf %parallel_loop3A_966, %parallel_loop3A_957 : vector<16xf32>
      %parallel_loop3A_968 = arith.index_cast %parallel_loop3A_959 : i32 to index
      %parallel_loop3A_969 = arith.index_cast %parallel_loop3A_951 : i32 to index
      %parallel_loop3A_970 = tpu.vector_load %arg11[%parallel_loop3A_968, %parallel_loop3A_969] {strides = array<i32>} : memref<32x1024xf32, #tpu.memory_space<vmem>>, vector<1x16xf32>,
      %parallel_loop3A_971 = vector.shape_cast %parallel_loop3A_970 : vector<1x16xf32> to vector<16xf32>
      %parallel_loop3A_972 = vector.shape_cast %parallel_loop3A_967 : vector<16xf32> to vector<1x16xf32>
      tpu.vector_store %arg11[%parallel_loop3A_968, %parallel_loop3A_969], %parallel_loop3A_972 {strides = array<i32>} : memref<32x1024xf32, #tpu.memory_space<vmem>>, vector<1x16xf32>,
      %parallel_loop3A_973 = arith.constant 8 : i32
      %parallel_loop3A_974 = arith.addi %parallel_loop3A_973, %parallel_loop3A_946 : i32
      %parallel_loop3A_975 = arith.index_cast %parallel_loop3A_974 : i32 to index
      %parallel_loop3A_976 = arith.index_cast %parallel_loop3A_951 : i32 to index
      %parallel_loop3A_977 = tpu.vector_load %arg11[%parallel_loop3A_975, %parallel_loop3A_976] {strides = array<i32>} : memref<32x1024xf32, #tpu.memory_space<vmem>>, vector<1x16xf32>,
      %parallel_loop3A_978 = vector.shape_cast %parallel_loop3A_977 : vector<1x16xf32> to vector<16xf32>
      %parallel_loop3A_979 = arith.constant 3.200000e+01 : f32
      %parallel_loop3A_980 = vector.broadcast %parallel_loop3A_979 : f32 to vector<16xf32>
      %parallel_loop3A_981 = arith.mulf %parallel_loop3A_978, %parallel_loop3A_980 : vector<16xf32>
      %parallel_loop3A_982 = arith.addf %parallel_loop3A_981, %parallel_loop3A_957 : vector<16xf32>
      %parallel_loop3A_983 = arith.index_cast %parallel_loop3A_974 : i32 to index
      %parallel_loop3A_984 = arith.index_cast %parallel_loop3A_951 : i32 to index
      %parallel_loop3A_985 = tpu.vector_load %arg11[%parallel_loop3A_983, %parallel_loop3A_984] {strides = array<i32>} : memref<32x1024xf32, #tpu.memory_space<vmem>>, vector<1x16xf32>,
      %parallel_loop3A_986 = vector.shape_cast %parallel_loop3A_985 : vector<1x16xf32> to vector<16xf32>
      %parallel_loop3A_987 = vector.shape_cast %parallel_loop3A_982 : vector<16xf32> to vector<1x16xf32>
      tpu.vector_store %arg11[%parallel_loop3A_983, %parallel_loop3A_984], %parallel_loop3A_987 {strides = array<i32>} : memref<32x1024xf32, #tpu.memory_space<vmem>>, vector<1x16xf32>,
      %parallel_loop3A_988 = arith.constant 16 : i32
      %parallel_loop3A_989 = arith.addi %parallel_loop3A_988, %parallel_loop3A_946 : i32
      %parallel_loop3A_990 = arith.index_cast %parallel_loop3A_989 : i32 to index
      %parallel_loop3A_991 = arith.index_cast %parallel_loop3A_951 : i32 to index
      %parallel_loop3A_992 = tpu.vector_load %arg11[%parallel_loop3A_990, %parallel_loop3A_991] {strides = array<i32>} : memref<32x1024xf32, #tpu.memory_space<vmem>>, vector<1x16xf32>,
      %parallel_loop3A_993 = vector.shape_cast %parallel_loop3A_992 : vector<1x16xf32> to vector<16xf32>
      %parallel_loop3A_994 = arith.constant 3.200000e+01 : f32
      %parallel_loop3A_995 = vector.broadcast %parallel_loop3A_994 : f32 to vector<16xf32>
      %parallel_loop3A_996 = arith.mulf %parallel_loop3A_993, %parallel_loop3A_995 : vector<16xf32>
      %parallel_loop3A_997 = arith.addf %parallel_loop3A_996, %parallel_loop3A_957 : vector<16xf32>
      %parallel_loop3A_998 = arith.index_cast %parallel_loop3A_989 : i32 to index
      %parallel_loop3A_999 = arith.index_cast %parallel_loop3A_951 : i32 to index
      %parallel_loop3A_1000 = tpu.vector_load %arg11[%parallel_loop3A_998, %parallel_loop3A_999] {strides = array<i32>} : memref<32x1024xf32, #tpu.memory_space<vmem>>, vector<1x16xf32>,
      %parallel_loop3A_1001 = vector.shape_cast %parallel_loop3A_1000 : vector<1x16xf32> to vector<16xf32>
      %parallel_loop3A_1002 = vector.shape_cast %parallel_loop3A_997 : vector<16xf32> to vector<1x16xf32>
      tpu.vector_store %arg11[%parallel_loop3A_998, %parallel_loop3A_999], %parallel_loop3A_1002 {strides = array<i32>} : memref<32x1024xf32, #tpu.memory_space<vmem>>, vector<1x16xf32>,
      %parallel_loop3A_1003 = arith.constant 24 : i32
      %parallel_loop3A_1004 = arith.addi %parallel_loop3A_1003, %parallel_loop3A_946 : i32
      %parallel_loop3A_1005 = arith.index_cast %parallel_loop3A_1004 : i32 to index
      %parallel_loop3A_1006 = arith.index_cast %parallel_loop3A_951 : i32 to index
      %parallel_loop3A_1007 = tpu.vector_load %arg11[%parallel_loop3A_1005, %parallel_loop3A_1006] {strides = array<i32>} : memref<32x1024xf32, #tpu.memory_space<vmem>>, vector<1x16xf32>,
      %parallel_loop3A_1008 = vector.shape_cast %parallel_loop3A_1007 : vector<1x16xf32> to vector<16xf32>
      %parallel_loop3A_1009 = arith.constant 3.200000e+01 : f32
      %parallel_loop3A_1010 = vector.broadcast %parallel_loop3A_1009 : f32 to vector<16xf32>
      %parallel_loop3A_1011 = arith.mulf %parallel_loop3A_1008, %parallel_loop3A_1010 : vector<16xf32>
      %parallel_loop3A_1012 = arith.addf %parallel_loop3A_1011, %parallel_loop3A_957 : vector<16xf32>
      %parallel_loop3A_1013 = arith.index_cast %parallel_loop3A_1004 : i32 to index
      %parallel_loop3A_1014 = arith.index_cast %parallel_loop3A_951 : i32 to index
      %parallel_loop3A_1015 = tpu.vector_load %arg11[%parallel_loop3A_1013, %parallel_loop3A_1014] {strides = array<i32>} : memref<32x1024xf32, #tpu.memory_space<vmem>>, vector<1x16xf32>,
      %parallel_loop3A_1016 = vector.shape_cast %parallel_loop3A_1015 : vector<1x16xf32> to vector<16xf32>
      %parallel_loop3A_1017 = vector.shape_cast %parallel_loop3A_1012 : vector<16xf32> to vector<1x16xf32>
      tpu.vector_store %arg11[%parallel_loop3A_1013, %parallel_loop3A_1014], %parallel_loop3A_1017 {strides = array<i32>} : memref<32x1024xf32, #tpu.memory_space<vmem>>, vector<1x16xf32>,
    } {sc.loop_unroll_factor = 8 : i64, sc.parallel_access}
    %add3A_768 = arith.constant 0 : i32
    %add3A_769 = arith.addi %add3A_768, %mul3A_2 : i32
    %add3A_770 = arith.constant 56 : i32
    %add3A_771 = arith.addi %add3A_769, %add3A_770 : i32
    %dma_start3A_772 = arith.constant 0 : i32
    %dma_start3A_773 = arith.constant 0 : i32
    %dma_start3A_774 = tpu.memref_slice %arg11[%dma_start3A_772, %dma_start3A_773] : memref<32x1024xf32, #tpu.memory_space<vmem>> -> memref<8x1024xf32, #tpu.memory_space<vmem>>
    %dma_start3A_775 = arith.constant 0 : i32
    %dma_start3A_776 = tpu.memref_slice %arg4[%add3A_771, %dma_start3A_775] : memref<8192x1024xf32, #tpu.memory_space<hbm>> -> memref<8x1024xf32, #tpu.memory_space<hbm>>
    %dma_start3A_777 = arith.constant 0 : i32
    %dma_start3A_778 = tpu.memref_slice %arg4[%add3A_771, %dma_start3A_777] : memref<8192x1024xf32, #tpu.memory_space<hbm>> -> memref<8x1024xf32, #tpu.memory_space<hbm>>
    %dma_start3A_779 = arith.constant 0 : i32
    %dma_start3A_780 = arith.constant 0 : i32
    %dma_start3A_781 = tpu.memref_slice %arg11[%dma_start3A_779, %dma_start3A_780] : memref<32x1024xf32, #tpu.memory_space<vmem>> -> memref<8x1024xf32, #tpu.memory_space<vmem>>
    tpu.enqueue_dma source(%dma_start3A_781 : memref<8x1024xf32, #tpu.memory_space<vmem>>) target(%dma_start3A_778 : memref<8x1024xf32, #tpu.memory_space<hbm>>) target_semaphore(%arg17 : memref<!tpu.dma_semaphore, #tpu.memory_space<semaphore_mem>>)
    %add3A_782 = arith.constant 2048 : i32
    %add3A_783 = arith.addi %add3A_782, %mul3A_2 : i32
    %add3A_784 = arith.constant 56 : i32
    %add3A_785 = arith.addi %add3A_783, %add3A_784 : i32
    %dma_start3A_786 = arith.constant 8 : i32
    %dma_start3A_787 = arith.constant 0 : i32
    %dma_start3A_788 = tpu.memref_slice %arg11[%dma_start3A_786, %dma_start3A_787] : memref<32x1024xf32, #tpu.memory_space<vmem>> -> memref<8x1024xf32, #tpu.memory_space<vmem>>
    %dma_start3A_789 = arith.constant 0 : i32
    %dma_start3A_790 = tpu.memref_slice %arg4[%add3A_785, %dma_start3A_789] : memref<8192x1024xf32, #tpu.memory_space<hbm>> -> memref<8x1024xf32, #tpu.memory_space<hbm>>
    %dma_start3A_791 = arith.constant 0 : i32
    %dma_start3A_792 = tpu.memref_slice %arg4[%add3A_785, %dma_start3A_791] : memref<8192x1024xf32, #tpu.memory_space<hbm>> -> memref<8x1024xf32, #tpu.memory_space<hbm>>
    %dma_start3A_793 = arith.constant 8 : i32
    %dma_start3A_794 = arith.constant 0 : i32
    %dma_start3A_795 = tpu.memref_slice %arg11[%dma_start3A_793, %dma_start3A_794] : memref<32x1024xf32, #tpu.memory_space<vmem>> -> memref<8x1024xf32, #tpu.memory_space<vmem>>
    tpu.enqueue_dma source(%dma_start3A_795 : memref<8x1024xf32, #tpu.memory_space<vmem>>) target(%dma_start3A_792 : memref<8x1024xf32, #tpu.memory_space<hbm>>) target_semaphore(%arg17 : memref<!tpu.dma_semaphore, #tpu.memory_space<semaphore_mem>>)
    %add3A_796 = arith.constant 4096 : i32
    %add3A_797 = arith.addi %add3A_796, %mul3A_2 : i32
    %add3A_798 = arith.constant 56 : i32
    %add3A_799 = arith.addi %add3A_797, %add3A_798 : i32
    %dma_start3A_800 = arith.constant 16 : i32
    %dma_start3A_801 = arith.constant 0 : i32
    %dma_start3A_802 = tpu.memref_slice %arg11[%dma_start3A_800, %dma_start3A_801] : memref<32x1024xf32, #tpu.memory_space<vmem>> -> memref<8x1024xf32, #tpu.memory_space<vmem>>
    %dma_start3A_803 = arith.constant 0 : i32
    %dma_start3A_804 = tpu.memref_slice %arg4[%add3A_799, %dma_start3A_803] : memref<8192x1024xf32, #tpu.memory_space<hbm>> -> memref<8x1024xf32, #tpu.memory_space<hbm>>
    %dma_start3A_805 = arith.constant 0 : i32
    %dma_start3A_806 = tpu.memref_slice %arg4[%add3A_799, %dma_start3A_805] : memref<8192x1024xf32, #tpu.memory_space<hbm>> -> memref<8x1024xf32, #tpu.memory_space<hbm>>
    %dma_start3A_807 = arith.constant 16 : i32
    %dma_start3A_808 = arith.constant 0 : i32
    %dma_start3A_809 = tpu.memref_slice %arg11[%dma_start3A_807, %dma_start3A_808] : memref<32x1024xf32, #tpu.memory_space<vmem>> -> memref<8x1024xf32, #tpu.memory_space<vmem>>
    tpu.enqueue_dma source(%dma_start3A_809 : memref<8x1024xf32, #tpu.memory_space<vmem>>) target(%dma_start3A_806 : memref<8x1024xf32, #tpu.memory_space<hbm>>) target_semaphore(%arg17 : memref<!tpu.dma_semaphore, #tpu.memory_space<semaphore_mem>>)
    %add3A_810 = arith.constant 6144 : i32
    %add3A_811 = arith.addi %add3A_810, %mul3A_2 : i32
    %add3A_812 = arith.constant 56 : i32
    %add3A_813 = arith.addi %add3A_811, %add3A_812 : i32
    %dma_start3A_814 = arith.constant 24 : i32
    %dma_start3A_815 = arith.constant 0 : i32
    %dma_start3A_816 = tpu.memref_slice %arg11[%dma_start3A_814, %dma_start3A_815] : memref<32x1024xf32, #tpu.memory_space<vmem>> -> memref<8x1024xf32, #tpu.memory_space<vmem>>
    %dma_start3A_817 = arith.constant 0 : i32
    %dma_start3A_818 = tpu.memref_slice %arg4[%add3A_813, %dma_start3A_817] : memref<8192x1024xf32, #tpu.memory_space<hbm>> -> memref<8x1024xf32, #tpu.memory_space<hbm>>
    %dma_start3A_819 = arith.constant 0 : i32
    %dma_start3A_820 = tpu.memref_slice %arg4[%add3A_813, %dma_start3A_819] : memref<8192x1024xf32, #tpu.memory_space<hbm>> -> memref<8x1024xf32, #tpu.memory_space<hbm>>
    %dma_start3A_821 = arith.constant 24 : i32
    %dma_start3A_822 = arith.constant 0 : i32
    %dma_start3A_823 = tpu.memref_slice %arg11[%dma_start3A_821, %dma_start3A_822] : memref<32x1024xf32, #tpu.memory_space<vmem>> -> memref<8x1024xf32, #tpu.memory_space<vmem>>
    tpu.enqueue_dma source(%dma_start3A_823 : memref<8x1024xf32, #tpu.memory_space<vmem>>) target(%dma_start3A_820 : memref<8x1024xf32, #tpu.memory_space<hbm>>) target_semaphore(%arg17 : memref<!tpu.dma_semaphore, #tpu.memory_space<semaphore_mem>>)
    %dma_wait3A_824 = arith.constant 0 : i32
    %dma_wait3A_825 = arith.constant 0 : i32
    %dma_wait3A_826 = tpu.memref_slice %arg10[%dma_wait3A_824, %dma_wait3A_825] : memref<32x1024xf32, #tpu.memory_space<vmem>> -> memref<8x1024xf32, #tpu.memory_space<vmem>>
    %dma_wait3A_827 = arith.constant 0 : i32
    %dma_wait3A_828 = tpu.memref_slice %arg4[%add3A_705, %dma_wait3A_827] : memref<8192x1024xf32, #tpu.memory_space<hbm>> -> memref<8x1024xf32, #tpu.memory_space<hbm>>
    %dma_wait3A_829 = arith.constant 0 : i32
    %dma_wait3A_830 = tpu.memref_slice %arg4[%add3A_705, %dma_wait3A_829] : memref<8192x1024xf32, #tpu.memory_space<hbm>> -> memref<8x1024xf32, #tpu.memory_space<hbm>>
    %dma_wait3A_831 = arith.constant 0 : i32
    %dma_wait3A_832 = arith.constant 0 : i32
    %dma_wait3A_833 = tpu.memref_slice %arg10[%dma_wait3A_831, %dma_wait3A_832] : memref<32x1024xf32, #tpu.memory_space<vmem>> -> memref<8x1024xf32, #tpu.memory_space<vmem>>
    tpu.wait_dma2 semaphore(%arg16 : memref<!tpu.dma_semaphore, #tpu.memory_space<semaphore_mem>>) src(%dma_wait3A_833 : memref<8x1024xf32, #tpu.memory_space<vmem>>) dst(%dma_wait3A_830 : memref<8x1024xf32, #tpu.memory_space<hbm>>)
    %dma_wait3A_834 = arith.constant 8 : i32
    %dma_wait3A_835 = arith.constant 0 : i32
    %dma_wait3A_836 = tpu.memref_slice %arg10[%dma_wait3A_834, %dma_wait3A_835] : memref<32x1024xf32, #tpu.memory_space<vmem>> -> memref<8x1024xf32, #tpu.memory_space<vmem>>
    %dma_wait3A_837 = arith.constant 0 : i32
    %dma_wait3A_838 = tpu.memref_slice %arg4[%add3A_719, %dma_wait3A_837] : memref<8192x1024xf32, #tpu.memory_space<hbm>> -> memref<8x1024xf32, #tpu.memory_space<hbm>>
    %dma_wait3A_839 = arith.constant 0 : i32
    %dma_wait3A_840 = tpu.memref_slice %arg4[%add3A_719, %dma_wait3A_839] : memref<8192x1024xf32, #tpu.memory_space<hbm>> -> memref<8x1024xf32, #tpu.memory_space<hbm>>
    %dma_wait3A_841 = arith.constant 8 : i32
    %dma_wait3A_842 = arith.constant 0 : i32
    %dma_wait3A_843 = tpu.memref_slice %arg10[%dma_wait3A_841, %dma_wait3A_842] : memref<32x1024xf32, #tpu.memory_space<vmem>> -> memref<8x1024xf32, #tpu.memory_space<vmem>>
    tpu.wait_dma2 semaphore(%arg16 : memref<!tpu.dma_semaphore, #tpu.memory_space<semaphore_mem>>) src(%dma_wait3A_843 : memref<8x1024xf32, #tpu.memory_space<vmem>>) dst(%dma_wait3A_840 : memref<8x1024xf32, #tpu.memory_space<hbm>>)
    %dma_wait3A_844 = arith.constant 16 : i32
    %dma_wait3A_845 = arith.constant 0 : i32
    %dma_wait3A_846 = tpu.memref_slice %arg10[%dma_wait3A_844, %dma_wait3A_845] : memref<32x1024xf32, #tpu.memory_space<vmem>> -> memref<8x1024xf32, #tpu.memory_space<vmem>>
    %dma_wait3A_847 = arith.constant 0 : i32
    %dma_wait3A_848 = tpu.memref_slice %arg4[%add3A_733, %dma_wait3A_847] : memref<8192x1024xf32, #tpu.memory_space<hbm>> -> memref<8x1024xf32, #tpu.memory_space<hbm>>
    %dma_wait3A_849 = arith.constant 0 : i32
    %dma_wait3A_850 = tpu.memref_slice %arg4[%add3A_733, %dma_wait3A_849] : memref<8192x1024xf32, #tpu.memory_space<hbm>> -> memref<8x1024xf32, #tpu.memory_space<hbm>>
    %dma_wait3A_851 = arith.constant 16 : i32
    %dma_wait3A_852 = arith.constant 0 : i32
    %dma_wait3A_853 = tpu.memref_slice %arg10[%dma_wait3A_851, %dma_wait3A_852] : memref<32x1024xf32, #tpu.memory_space<vmem>> -> memref<8x1024xf32, #tpu.memory_space<vmem>>
    tpu.wait_dma2 semaphore(%arg16 : memref<!tpu.dma_semaphore, #tpu.memory_space<semaphore_mem>>) src(%dma_wait3A_853 : memref<8x1024xf32, #tpu.memory_space<vmem>>) dst(%dma_wait3A_850 : memref<8x1024xf32, #tpu.memory_space<hbm>>)
    %dma_wait3A_854 = arith.constant 24 : i32
    %dma_wait3A_855 = arith.constant 0 : i32
    %dma_wait3A_856 = tpu.memref_slice %arg10[%dma_wait3A_854, %dma_wait3A_855] : memref<32x1024xf32, #tpu.memory_space<vmem>> -> memref<8x1024xf32, #tpu.memory_space<vmem>>
    %dma_wait3A_857 = arith.constant 0 : i32
    %dma_wait3A_858 = tpu.memref_slice %arg4[%add3A_747, %dma_wait3A_857] : memref<8192x1024xf32, #tpu.memory_space<hbm>> -> memref<8x1024xf32, #tpu.memory_space<hbm>>
    %dma_wait3A_859 = arith.constant 0 : i32
    %dma_wait3A_860 = tpu.memref_slice %arg4[%add3A_747, %dma_wait3A_859] : memref<8192x1024xf32, #tpu.memory_space<hbm>> -> memref<8x1024xf32, #tpu.memory_space<hbm>>
    %dma_wait3A_861 = arith.constant 24 : i32
    %dma_wait3A_862 = arith.constant 0 : i32
    %dma_wait3A_863 = tpu.memref_slice %arg10[%dma_wait3A_861, %dma_wait3A_862] : memref<32x1024xf32, #tpu.memory_space<vmem>> -> memref<8x1024xf32, #tpu.memory_space<vmem>>
    tpu.wait_dma2 semaphore(%arg16 : memref<!tpu.dma_semaphore, #tpu.memory_space<semaphore_mem>>) src(%dma_wait3A_863 : memref<8x1024xf32, #tpu.memory_space<vmem>>) dst(%dma_wait3A_860 : memref<8x1024xf32, #tpu.memory_space<hbm>>)
    %dma_wait3A_864 = arith.constant 0 : i32
    %dma_wait3A_865 = arith.constant 0 : i32
    %dma_wait3A_866 = tpu.memref_slice %arg11[%dma_wait3A_864, %dma_wait3A_865] : memref<32x1024xf32, #tpu.memory_space<vmem>> -> memref<8x1024xf32, #tpu.memory_space<vmem>>
    %dma_wait3A_867 = arith.constant 0 : i32
    %dma_wait3A_868 = tpu.memref_slice %arg4[%add3A_771, %dma_wait3A_867] : memref<8192x1024xf32, #tpu.memory_space<hbm>> -> memref<8x1024xf32, #tpu.memory_space<hbm>>
    %dma_wait3A_869 = arith.constant 0 : i32
    %dma_wait3A_870 = tpu.memref_slice %arg4[%add3A_771, %dma_wait3A_869] : memref<8192x1024xf32, #tpu.memory_space<hbm>> -> memref<8x1024xf32, #tpu.memory_space<hbm>>
    %dma_wait3A_871 = arith.constant 0 : i32
    %dma_wait3A_872 = arith.constant 0 : i32
    %dma_wait3A_873 = tpu.memref_slice %arg11[%dma_wait3A_871, %dma_wait3A_872] : memref<32x1024xf32, #tpu.memory_space<vmem>> -> memref<8x1024xf32, #tpu.memory_space<vmem>>
    tpu.wait_dma2 semaphore(%arg17 : memref<!tpu.dma_semaphore, #tpu.memory_space<semaphore_mem>>) src(%dma_wait3A_873 : memref<8x1024xf32, #tpu.memory_space<vmem>>) dst(%dma_wait3A_870 : memref<8x1024xf32, #tpu.memory_space<hbm>>)
    %dma_wait3A_874 = arith.constant 8 : i32
    %dma_wait3A_875 = arith.constant 0 : i32
    %dma_wait3A_876 = tpu.memref_slice %arg11[%dma_wait3A_874, %dma_wait3A_875] : memref<32x1024xf32, #tpu.memory_space<vmem>> -> memref<8x1024xf32, #tpu.memory_space<vmem>>
    %dma_wait3A_877 = arith.constant 0 : i32
    %dma_wait3A_878 = tpu.memref_slice %arg4[%add3A_785, %dma_wait3A_877] : memref<8192x1024xf32, #tpu.memory_space<hbm>> -> memref<8x1024xf32, #tpu.memory_space<hbm>>
    %dma_wait3A_879 = arith.constant 0 : i32
    %dma_wait3A_880 = tpu.memref_slice %arg4[%add3A_785, %dma_wait3A_879] : memref<8192x1024xf32, #tpu.memory_space<hbm>> -> memref<8x1024xf32, #tpu.memory_space<hbm>>
    %dma_wait3A_881 = arith.constant 8 : i32
    %dma_wait3A_882 = arith.constant 0 : i32
    %dma_wait3A_883 = tpu.memref_slice %arg11[%dma_wait3A_881, %dma_wait3A_882] : memref<32x1024xf32, #tpu.memory_space<vmem>> -> memref<8x1024xf32, #tpu.memory_space<vmem>>
    tpu.wait_dma2 semaphore(%arg17 : memref<!tpu.dma_semaphore, #tpu.memory_space<semaphore_mem>>) src(%dma_wait3A_883 : memref<8x1024xf32, #tpu.memory_space<vmem>>) dst(%dma_wait3A_880 : memref<8x1024xf32, #tpu.memory_space<hbm>>)
    %dma_wait3A_884 = arith.constant 16 : i32
    %dma_wait3A_885 = arith.constant 0 : i32
    %dma_wait3A_886 = tpu.memref_slice %arg11[%dma_wait3A_884, %dma_wait3A_885] : memref<32x1024xf32, #tpu.memory_space<vmem>> -> memref<8x1024xf32, #tpu.memory_space<vmem>>
    %dma_wait3A_887 = arith.constant 0 : i32
    %dma_wait3A_888 = tpu.memref_slice %arg4[%add3A_799, %dma_wait3A_887] : memref<8192x1024xf32, #tpu.memory_space<hbm>> -> memref<8x1024xf32, #tpu.memory_space<hbm>>
    %dma_wait3A_889 = arith.constant 0 : i32
    %dma_wait3A_890 = tpu.memref_slice %arg4[%add3A_799, %dma_wait3A_889] : memref<8192x1024xf32, #tpu.memory_space<hbm>> -> memref<8x1024xf32, #tpu.memory_space<hbm>>
    %dma_wait3A_891 = arith.constant 16 : i32
    %dma_wait3A_892 = arith.constant 0 : i32
    %dma_wait3A_893 = tpu.memref_slice %arg11[%dma_wait3A_891, %dma_wait3A_892] : memref<32x1024xf32, #tpu.memory_space<vmem>> -> memref<8x1024xf32, #tpu.memory_space<vmem>>
    tpu.wait_dma2 semaphore(%arg17 : memref<!tpu.dma_semaphore, #tpu.memory_space<semaphore_mem>>) src(%dma_wait3A_893 : memref<8x1024xf32, #tpu.memory_space<vmem>>) dst(%dma_wait3A_890 : memref<8x1024xf32, #tpu.memory_space<hbm>>)
    %dma_wait3A_894 = arith.constant 24 : i32
    %dma_wait3A_895 = arith.constant 0 : i32
    %dma_wait3A_896 = tpu.memref_slice %arg11[%dma_wait3A_894, %dma_wait3A_895] : memref<32x1024xf32, #tpu.memory_space<vmem>> -> memref<8x1024xf32, #tpu.memory_space<vmem>>
    %dma_wait3A_897 = arith.constant 0 : i32
    %dma_wait3A_898 = tpu.memref_slice %arg4[%add3A_813, %dma_wait3A_897] : memref<8192x1024xf32, #tpu.memory_space<hbm>> -> memref<8x1024xf32, #tpu.memory_space<hbm>>
    %dma_wait3A_899 = arith.constant 0 : i32
    %dma_wait3A_900 = tpu.memref_slice %arg4[%add3A_813, %dma_wait3A_899] : memref<8192x1024xf32, #tpu.memory_space<hbm>> -> memref<8x1024xf32, #tpu.memory_space<hbm>>
    %dma_wait3A_901 = arith.constant 24 : i32
    %dma_wait3A_902 = arith.constant 0 : i32
    %dma_wait3A_903 = tpu.memref_slice %arg11[%dma_wait3A_901, %dma_wait3A_902] : memref<32x1024xf32, #tpu.memory_space<vmem>> -> memref<8x1024xf32, #tpu.memory_space<vmem>>
    tpu.wait_dma2 semaphore(%arg17 : memref<!tpu.dma_semaphore, #tpu.memory_space<semaphore_mem>>) src(%dma_wait3A_903 : memref<8x1024xf32, #tpu.memory_space<vmem>>) dst(%dma_wait3A_900 : memref<8x1024xf32, #tpu.memory_space<hbm>>)
    %dma_wait3A_904 = arith.constant 0 : i32
    %dma_wait3A_905 = arith.constant 0 : i32
    %dma_wait3A_906 = tpu.memref_slice %arg12[%dma_wait3A_904, %dma_wait3A_905] : memref<32x1024xf32, #tpu.memory_space<vmem>> -> memref<8x1024xf32, #tpu.memory_space<vmem>>
    %dma_wait3A_907 = arith.constant 0 : i32
    %dma_wait3A_908 = tpu.memref_slice %arg4[%add3A_630, %dma_wait3A_907] : memref<8192x1024xf32, #tpu.memory_space<hbm>> -> memref<8x1024xf32, #tpu.memory_space<hbm>>
    %dma_wait3A_909 = arith.constant 0 : i32
    %dma_wait3A_910 = tpu.memref_slice %arg4[%add3A_630, %dma_wait3A_909] : memref<8192x1024xf32, #tpu.memory_space<hbm>> -> memref<8x1024xf32, #tpu.memory_space<hbm>>
    %dma_wait3A_911 = arith.constant 0 : i32
    %dma_wait3A_912 = arith.constant 0 : i32
    %dma_wait3A_913 = tpu.memref_slice %arg12[%dma_wait3A_911, %dma_wait3A_912] : memref<32x1024xf32, #tpu.memory_space<vmem>> -> memref<8x1024xf32, #tpu.memory_space<vmem>>
    tpu.wait_dma2 semaphore(%arg18 : memref<!tpu.dma_semaphore, #tpu.memory_space<semaphore_mem>>) src(%dma_wait3A_913 : memref<8x1024xf32, #tpu.memory_space<vmem>>) dst(%dma_wait3A_910 : memref<8x1024xf32, #tpu.memory_space<hbm>>)
    %dma_wait3A_914 = arith.constant 8 : i32
    %dma_wait3A_915 = arith.constant 0 : i32
    %dma_wait3A_916 = tpu.memref_slice %arg12[%dma_wait3A_914, %dma_wait3A_915] : memref<32x1024xf32, #tpu.memory_space<vmem>> -> memref<8x1024xf32, #tpu.memory_space<vmem>>
    %dma_wait3A_917 = arith.constant 0 : i32
    %dma_wait3A_918 = tpu.memref_slice %arg4[%add3A_644, %dma_wait3A_917] : memref<8192x1024xf32, #tpu.memory_space<hbm>> -> memref<8x1024xf32, #tpu.memory_space<hbm>>
    %dma_wait3A_919 = arith.constant 0 : i32
    %dma_wait3A_920 = tpu.memref_slice %arg4[%add3A_644, %dma_wait3A_919] : memref<8192x1024xf32, #tpu.memory_space<hbm>> -> memref<8x1024xf32, #tpu.memory_space<hbm>>
    %dma_wait3A_921 = arith.constant 8 : i32
    %dma_wait3A_922 = arith.constant 0 : i32
    %dma_wait3A_923 = tpu.memref_slice %arg12[%dma_wait3A_921, %dma_wait3A_922] : memref<32x1024xf32, #tpu.memory_space<vmem>> -> memref<8x1024xf32, #tpu.memory_space<vmem>>
    tpu.wait_dma2 semaphore(%arg18 : memref<!tpu.dma_semaphore, #tpu.memory_space<semaphore_mem>>) src(%dma_wait3A_923 : memref<8x1024xf32, #tpu.memory_space<vmem>>) dst(%dma_wait3A_920 : memref<8x1024xf32, #tpu.memory_space<hbm>>)
    %dma_wait3A_924 = arith.constant 16 : i32
    %dma_wait3A_925 = arith.constant 0 : i32
    %dma_wait3A_926 = tpu.memref_slice %arg12[%dma_wait3A_924, %dma_wait3A_925] : memref<32x1024xf32, #tpu.memory_space<vmem>> -> memref<8x1024xf32, #tpu.memory_space<vmem>>
    %dma_wait3A_927 = arith.constant 0 : i32
    %dma_wait3A_928 = tpu.memref_slice %arg4[%add3A_658, %dma_wait3A_927] : memref<8192x1024xf32, #tpu.memory_space<hbm>> -> memref<8x1024xf32, #tpu.memory_space<hbm>>
    %dma_wait3A_929 = arith.constant 0 : i32
    %dma_wait3A_930 = tpu.memref_slice %arg4[%add3A_658, %dma_wait3A_929] : memref<8192x1024xf32, #tpu.memory_space<hbm>> -> memref<8x1024xf32, #tpu.memory_space<hbm>>
    %dma_wait3A_931 = arith.constant 16 : i32
    %dma_wait3A_932 = arith.constant 0 : i32
    %dma_wait3A_933 = tpu.memref_slice %arg12[%dma_wait3A_931, %dma_wait3A_932] : memref<32x1024xf32, #tpu.memory_space<vmem>> -> memref<8x1024xf32, #tpu.memory_space<vmem>>
    tpu.wait_dma2 semaphore(%arg18 : memref<!tpu.dma_semaphore, #tpu.memory_space<semaphore_mem>>) src(%dma_wait3A_933 : memref<8x1024xf32, #tpu.memory_space<vmem>>) dst(%dma_wait3A_930 : memref<8x1024xf32, #tpu.memory_space<hbm>>)
    %dma_wait3A_934 = arith.constant 24 : i32
    %dma_wait3A_935 = arith.constant 0 : i32
    %dma_wait3A_936 = tpu.memref_slice %arg12[%dma_wait3A_934, %dma_wait3A_935] : memref<32x1024xf32, #tpu.memory_space<vmem>> -> memref<8x1024xf32, #tpu.memory_space<vmem>>
    %dma_wait3A_937 = arith.constant 0 : i32
    %dma_wait3A_938 = tpu.memref_slice %arg4[%add3A_672, %dma_wait3A_937] : memref<8192x1024xf32, #tpu.memory_space<hbm>> -> memref<8x1024xf32, #tpu.memory_space<hbm>>
    %dma_wait3A_939 = arith.constant 0 : i32
    %dma_wait3A_940 = tpu.memref_slice %arg4[%add3A_672, %dma_wait3A_939] : memref<8192x1024xf32, #tpu.memory_space<hbm>> -> memref<8x1024xf32, #tpu.memory_space<hbm>>
    %dma_wait3A_941 = arith.constant 24 : i32
    %dma_wait3A_942 = arith.constant 0 : i32
    %dma_wait3A_943 = tpu.memref_slice %arg12[%dma_wait3A_941, %dma_wait3A_942] : memref<32x1024xf32, #tpu.memory_space<vmem>> -> memref<8x1024xf32, #tpu.memory_space<vmem>>
    tpu.wait_dma2 semaphore(%arg18 : memref<!tpu.dma_semaphore, #tpu.memory_space<semaphore_mem>>) src(%dma_wait3A_943 : memref<8x1024xf32, #tpu.memory_space<vmem>>) dst(%dma_wait3A_940 : memref<8x1024xf32, #tpu.memory_space<hbm>>)
    return
  }
}

</mosaic_0001>

<sc_bundles>
// kernel: kernel.3.cloned.1.call-start
scs
__scs_entry_jumppad:
0x0: {  	(pc) =	sbr.rel $0x88, $3  }
0x1: {  	(tag) =	ssettag $0x0;
	lr =	simm.s32 $0x1  }
0x2: {  	[smem:$0x3F9F] =	sst lr;
	_ =	strace $0xD0000000  }
0x3: {  	_ = 	snop  }
0x4: {  	_ = 	snop  }
0x5: {  	_ = 	snop  }
0x6: {  	_ = 	snop  }
0x7: {  	_ = 	snop  }
__scs_overlays_trampoline_lowered:
0x8: {  	[smem:$0x3FAE] =	sst s0  }
0x9: {  	[smem:$0x3FAF] =	sst s1  }
0xa: {  	[smem:$0x3FB0] =	sst s2  }
0xb: {  	[smem:$0x3FB1] =	sst s3  }
0xc: {  	[smem:$0x3FB2] =	sst s4  }
0xd: {  	[smem:$0x3FB3] =	sst s5  }
0xe: {  	[smem:$0x3FB4] =	sst s6  }
0xf: {  	[smem:$0x3FB5] =	sst s7  }
0x10: {  	[smem:$0x3FB6] =	sst s8  }
0x11: {  	[smem:$0x3FB7] =	sst s9;
	s0 =	simm.s32 @!p0 $0x0  }
0x12: {  	s1 =	sld [smem:$0x3F9D];
	s0 =	simm.s32 @p0 $0x1  }
0x13: {  	[smem:$0x3FB8] =	sst s0;
	s0 =	simm.s32 @!p1 $0x0  }
0x14: {  	s2 =	sld [smem:$0x3F9C];
	s0 =	simm.s32 @p1 $0x1  }
0x15: {  	[smem:$0x3FB9] =	sst s0;
	s0 =	simm.s32 @!p2 $0x0  }
0x16: {  	s3 =	sld [smem:$0x3FDB];
	s0 =	simm.s32 @p2 $0x1  }
0x17: {  	s4 =	simm.s32 $0x1BF5;
	[smem:$0x3FBB] =	sst s0  }
0x18: {  	s0 =	sld [smem:$0x3F9E];
	_ =	swait.ge [sflag:s4], $0x0  }
0x19: {  	s7 =	sld [smem:$0x3F9F]  }
0x1a: {  	s8 =	sadd.s32 $0xFFFFE003, lr  }
0x1b: {  	s9 =	sadd.s32 $0xFFFFFEF7, lr;
	s5 =	simm.s32 $0xFFFFFFFF;
	p2 =	slt.u32 s8, $0xFFFFF086  }
0x1c: {  	p1 =	slt.u32 s9, $0xF7A;
	s5 =	simm.s32 @!p2 $0x0  }
0x1d: {  	s5 =	simm.s32 @p1 $0x1;
	p0 =	seq.s32 s7, s2  }
0x1e: {  	s7 =	smul.u32 @!p0 $0xF7A, s2;
	p2 =	seq.s32 @!p0 s5, $0x0  }
0x1f: {  	s9 =	smul.u32 $0xF7A, s1;
	s8 =	simm.s32 @!p0 $0x1BF5;
	p2 =	por !p2, p0  }
0x20: {  	[sflag:s8] =	ssyncset.s32 @!p0 $0xFFFFF086;
	s6 =	sadd.s32 @!p0 s3, s7;
	s7 =	simm.s32 @!p0 $0x108  }
0x21: {  	s3 =	sadd.s32 s3, s9;
	s6 =	sadd.s32 @!p0 $0x88, s6;
	s7 =	simm.s32 @p2 $0x1082  }
0x22: {  	[simem:s7], [sflag:s8] =	dma.local @!p0 [hbm:s6], $0xF7A  }
0x23: {  	s9 =	sor.u32 $0xD0000000, s2;
	s6 =	simm.s32 $0x108;
	_ =	swait.ge @!p0 [sflag:s8], $0x0  }
0x24: {  	s3 =	sadd.s32 $0x88, s3;
	s6 =	simm.s32 @!p1 $0x1082;
	[sflag:s4] =	ssyncset.s32 $0xFFFFF086  }
0x25: {  	[simem:s6], [sflag:s4] =	dma.local [hbm:s3], $0xF7A  }
0x26: {  	[smem:$0x3F9F] =	sst s1;
	(tag) =	ssettag s2;
	_ =	strace s9  }
0x27: {  	s1 =	sld [smem:$0x3FAF]  }
0x28: {  	s2 =	sld [smem:$0x3FB0]  }
0x29: {  	s4 =	sld [smem:$0x3FB2]  }
0x2a: {  	p0 =	seq.s32 s5, $0x0;
	s5 =	sld [smem:$0x3FB3]  }
0x2b: {  	s6 =	sld [smem:$0x3FB4]  }
0x2c: {  	s7 =	sld [smem:$0x3FB5]  }
0x2d: {  	s3 =	simm.s32 $0x108;
	s8 =	sld [smem:$0x3FB6]  }
0x2e: {  	s3 =	simm.s32 @!p0 $0x1082;
	s9 =	sld [smem:$0x3FB7]  }
0x2f: {  	lr =	sadd.s32 s0, s3;
	s0 =	sld [smem:$0x3FAE]  }
0x30: {  	s3 =	sld [smem:$0x3FB1]  }
0x31: {  	[smem:$0x3FBA] =	sst s10  }
0x32: {  	s10 =	sld [smem:$0x3FB8];
	_ =	sdelay $0x3  }
0x33: {  	p0 =	seq.s32 s10, $0x1;
	s10 =	sld [smem:$0x3FBA];
	_ =	sdelay $0x3  }
0x34: {  	[smem:$0x3FBA] =	sst s10  }
0x35: {  	s10 =	sld [smem:$0x3FB9];
	_ =	sdelay $0x3  }
0x36: {  	p1 =	seq.s32 s10, $0x1;
	s10 =	sld [smem:$0x3FBA];
	_ =	sdelay $0x3  }
0x37: {  	[smem:$0x3FBA] =	sst s10  }
0x38: {  	s10 =	sld [smem:$0x3FBB]  }
0x39: {  	_ = 	snop;
	(pc) =	sbr.ind lr, $3  }
0x3a: {  	_ = 	snop  }
0x3b: {  	_ = 	snop  }
0x3c: {  	p2 =	seq.s32 s10, $0x1;
	s10 =	sld [smem:$0x3FBA]  }
0x3d: {  	_ =	shalt  }
0x3e: {  	_ =	shalt  }
0x3f: {  	_ =	shalt  }
0x40: {  	_ =	shalt  }
0x41: {  	_ =	shalt  }
0x42: {  	_ =	shalt  }
0x43: {  	_ =	shalt  }
0x44: {  	_ =	shalt  }
0x45: {  	_ =	shalt  }
0x46: {  	_ =	shalt  }
0x47: {  	_ =	shalt  }
0x48: {  	_ =	shalt  }
0x49: {  	_ =	shalt  }
0x4a: {  	_ =	shalt  }
0x4b: {  	_ =	shalt  }
0x4c: {  	_ =	shalt  }
0x4d: {  	_ =	shalt  }
0x4e: {  	_ =	shalt  }
0x4f: {  	_ =	shalt  }
0x50: {  	_ =	shalt  }
0x51: {  	_ =	shalt  }
0x52: {  	_ =	shalt  }
0x53: {  	_ =	shalt  }
0x54: {  	_ =	shalt  }
0x55: {  	_ =	shalt  }
0x56: {  	_ =	shalt  }
0x57: {  	_ =	shalt  }
0x58: {  	_ =	shalt  }
0x59: {  	_ =	shalt  }
0x5a: {  	_ =	shalt  }
0x5b: {  	_ =	shalt  }
0x5c: {  	_ =	shalt  }
0x5d: {  	_ =	shalt  }
0x5e: {  	_ =	shalt  }
0x5f: {  	_ =	shalt  }
0x60: {  	_ =	shalt  }
0x61: {  	_ =	shalt  }
0x62: {  	_ =	shalt  }
0x63: {  	_ =	shalt  }
0x64: {  	_ =	shalt  }
0x65: {  	_ =	shalt  }
0x66: {  	_ =	shalt  }
0x67: {  	_ =	shalt  }
0x68: {  	_ =	shalt  }
0x69: {  	_ =	shalt  }
0x6a: {  	_ =	shalt  }
0x6b: {  	_ =	shalt  }
0x6c: {  	_ =	shalt  }
0x6d: {  	_ =	shalt  }
0x6e: {  	_ =	shalt  }
0x6f: {  	_ =	shalt  }
0x70: {  	_ =	shalt  }
0x71: {  	_ =	shalt  }
0x72: {  	_ =	shalt  }
0x73: {  	_ =	shalt  }
0x74: {  	_ =	shalt  }
0x75: {  	_ =	shalt  }
0x76: {  	_ =	shalt  }
0x77: {  	_ =	shalt  }
0x78: {  	_ =	shalt  }
0x79: {  	_ =	shalt  }
0x7a: {  	_ =	shalt  }
0x7b: {  	_ =	shalt  }
0x7c: {  	_ =	shalt  }
0x7d: {  	_ =	shalt  }
0x7e: {  	_ =	shalt  }
0x7f: {  	_ =	shalt  }
0x80: {  	_ =	shalt  }
0x81: {  	_ =	shalt  }
0x82: {  	_ =	shalt  }
0x83: {  	_ =	shalt  }
0x84: {  	_ =	shalt  }
0x85: {  	_ =	shalt  }
0x86: {  	_ =	shalt  }
0x87: {  	_ =	shalt  }
.Lfunc_end0:
.L_simem_size_0:
called_computation_lowered:
.L_overlay_start_0:
0x88: {  	s2 =	sld [smem:$0x3FD9]  }
0x89: {  	s3 =	sld [smem:$0x3FFE];
	_ =	sdelay $0x1  }
0x8a: {  	s1 =	srdreg.scid  }
0x8b: {  	s0 =	sand.u32 $0x1, s1  }
0x8c: {  	s17 =	sshll.u32 s0, $0xA;
	s2 =	sadd.s32 s3, s2  }
0x8d: {  	s2 =	sadd.s32 s2, s17  }
0x8e: {  	[smem:$0x3FC6] =	sst s2  }
0x8f: {  	_ = 	snop  }
0x90: {  	s2 =	sld [smem:$0x3FC8]  }
0x91: {  	s18 =	sld [smem:$0x3FD0];
	(tm) =	ssettm $0x1  }
0x92: {  	s4 =	sld [smem:$0x3FFB];
	_ =	sdelay $0x3  }
0x93: {  	_ =	strace s4  }
0x94: {  	s4 =	sld [smem:$0x3FFC];
	_ =	sdelay $0x3  }
0x95: {  	_ =	strace s4  }
0x96: {  	s4 =	sld [smem:$0x3FFD];
	_ =	sdelay $0x3  }
0x97: {  	_ =	strace s4  }
0x98: {  	_ =	strace $0x8FFFFFFF  }
0x99: {  	s19 =	sld [smem:$0x3FDB];
	_ =	sdelay $0x1  }
0x9a: {  	s5 =	simm.s32 $_scs_section_size  }
0x9b: {  	s6 =	simm.s32 $_size__tile_overlayer_lowered;
	s7 =	simm.s32 $_tile_overlayer_lowered  }
0x9c: {  	s22 =	simm.s32 $0x1BFF;
	s21 =	sshll.u32 s7, $0x1;
	s4 =	sadd.s32 s5, s19  }
0x9d: {  	s8 =	simm.s32 $0x0;
	s20 =	sshll.u32 s6, $0x1;
	s6 =	sadd.s32 s21, s4  }
0x9e: {  	[timem:s8], [sflag:s22] =	dma.local [hbm:s6], s20  }
0x9f: {  	_ =	swait.ge [sflag:s22], s20  }
0xa0: {  	s5 =	ssub.s32 $0x0, s20;
	[sflag:s22] =	ssyncset.done $0x0  }
0xa1: {  	[sflag:s22] =	ssyncadd.s32 s5;
	_ =	sdelay $0x1  }
0xa2: {  	s23 =	simm.s32 $0x1B8B  }
0xa3: {  	_ =	swait.ge [sflag:s23], $0x1  }
0xa4: {  	[sflag:s23] =	ssyncset.done $0x0  }
0xa5: {  	s25 =	simm.s32 $0x1B8E;
	s24 =	sld [smem:$0x3FFE];
	[sflag:s23] =	ssyncadd.s32 $0xFFFFFFFF  }
0xa6: {  	s26 =	simm.s32 $execute0_lowered;
	[smem:$0x3FD2] =	sst s25  }
0xa7: {  	s6 =	sshll.u32 s26, $0x1;
	_ =	strace $0x80000046;
	[dreg:$0x1] =	wrdreg $0xFFFFFFFF  }
0xa8: {  	s28 =	simm.s32 $_size_execute0_lowered;
	s4 =	sadd.s32 s4, s6;
	[dreg:$0x0] =	wrdreg $0x0  }
0xa9: {  	s6 =	sshll.u32 s28, $0x1;
	[dreg:$0x2] =	wrdreg s4  }
0xaa: {  	[dreg:$0x3] =	wrdreg s6  }
0xab: {  	[dreg:$0x4] =	wrdreg $0xC0  }
0xac: {  	_ =	task [dreg:s8], $0x5FFFF  }
0xad: {  	[dreg:$0x1] =	wrdreg $0xFFFFFFFF  }
0xae: {  	[dreg:$0x0] =	wrdreg $0x60  }
0xaf: {  	[dreg:$0x2] =	wrdreg s2  }
0xb0: {  	[dreg:$0x3] =	wrdreg s24  }
0xb1: {  	[dreg:$0x4] =	wrdreg s18  }
0xb2: {  	[dreg:$0x5] =	wrdreg $0x9  }
0xb3: {  	_ =	task.clear_ibuf [dreg:s8], $0x6FFFF;
	_ =	strace $0x90000046  }
0xb4: {  	s29 =	simm.s32 $0x9;
	_ =	strace $0x80000048  }
0xb5: {  	_ =	swait.ge [sflag:s29], $0x1  }
0xb6: {  	[sflag:s29] =	ssyncadd.s32 $0xFFFFFFFF  }
0xb7: {  	_ =	strace $0x90000048  }
0xb8: {  	_ =	sfence  }
0xb9: {  	s30 =	sld [smem:$0x0];
	_ =	sdelay $0x2  }
0xba: {  	s31 =	sshll.u32 s1, $0xD;
	s1 =	sshrl.u32 s1, $0x2  }
0xbb: {  	s3 =	sand.u32 $0x4000, s31;
	s1 =	sadd.s32 s1, s30  }
0xbc: {  	s0 =	sor.u32 s3, s0;
	s1 =	sshll.u32 s1, $0x11  }
0xbd: {  	s0 =	sor.u32 s1, s0  }
0xbe: {  	s0 =	sadd.s32 $0x8F2B, s0  }
0xbf: {  	[sflag:s0] =	ssyncadd.remote.s32 $0x1  }
0xc0: {  	_ =	sfence.sel $0xFFFF  }
0xc1: {  	[dreg:$0x0] =	wrdreg $0xFFFFFFFF;
	(pc) =	sbr.abs _section_cstart, $3  }
0xc2: {  	[dreg:$0x1] =	wrdreg $0xFFFFFFFF  }
0xc3: {  	_ =	task.clear_ibuf [dreg:s8], $0x2FFFF;
	_ =	strace $0x9FFFFFFF  }
0xc4: {  	(tm) =	ssettm $0x7FFFFFFF  }
0xc5: {  	_ =	shalt  }
tec
execute0_lowered:
.L_overlay_start_1:
0x0: {  	(tag) =	ssettag $0x1  }
0x1: {  	s2 =	rddreg [dreg:$0x0]  }
0x2: {  	s1 =	srdreg.scid;
	s3 =	stileid.u32  }
0x3: {  	s0 =	rddreg [dreg:$0x1];
	s1 =	sand.u32 $0x1, s1;
	s5 =	sshll.u32 s3, $0x1  }
0x4: {  	s4 =	rddreg [dreg:$0x2];
	s5 =	sor.u32 s1, s5  }
0x5: {  	s3 =	simm.s32 $0x0;
	s6 =	sshll.u32 s5, $0x7;
	s16 =	sshll.u32 s5, $0xD  }
0x6: {  	[smem:$0x7FF] =	sst s3;
	s0 =	sadd.s32 s6, s0;
	s13 =	sadd.s32 s4, s16  }
0x7: {  	_ =	strace $0x80000047;
	s0 =	sadd.s32 $0x400, s0;
	[dreg:$0x5] =	wrdreg s13  }
0x8: {  	s17 =	sadd.s32 $0x80000, s13;
	[dreg:$0x4] =	wrdreg s0  }
0x9: {  	s18 =	sadd.s32 $0xC0000, s13;
	[dreg:$0x7] =	wrdreg s17  }
0xa: {  	s30 =	simm.s32 $0x4A00;
	s19 =	sadd.s32 $0x400, s13;
	[dreg:$0x8] =	wrdreg s18  }
0xb: {  	s28 =	simm.s32 $0x1;
	s20 =	sadd.s32 $0x40400, s13;
	[dreg:$0x9] =	wrdreg s19  }
0xc: {  	s8 =	sadd.s32 $0x300, s2;
	s21 =	sadd.s32 $0x80400, s13;
	[dreg:$0xa] =	wrdreg s20  }
0xd: {  	s1 =	ssub.s32 $0x2, s1;
	s23 =	sadd.s32 $0xC0400, s13;
	[dreg:$0xb] =	wrdreg s21  }
0xe: {  	s7 =	sshrl.u32 s1, $0x1;
	s10 =	sadd.s32 $0x40800, s13;
	[dreg:$0xc] =	wrdreg s23  }
0xf: {  	s11 =	ssub.s32 s1, s7;
	s26 =	sadd.s32 $0x80800, s13;
	[dreg:$0xe] =	wrdreg s10  }
0x10: {  	s9 =	sshll.u32 s5, $0x6;
	s29 =	smax.u32 s11, $0x1;
	[dreg:$0x11] =	wrdreg s26  }
0x11: {  	s5 =	sadd.s32 $0x100, s2;
	s31 =	sadd.s32 $0xC0800, s13;
	[dreg:$0x12] =	wrdreg s29  }
0x12: {  	s6 =	sadd.s32 $0x200, s2;
	s11 =	sadd.s32 $0x40C00, s13;
	[dreg:$0x13] =	wrdreg s31  }
0x13: {  	s1 =	scvt.s32.f32 s9;
	s14 =	sadd.s32 $0xC0C00, s13;
	[dreg:$0x15] =	wrdreg s11  }
0x14: {  	s22 =	sor.u32 $0x10, s9;
	s15 =	sadd.s32 $0x41000, s13;
	[dreg:$0x17] =	wrdreg s14  }
0x15: {  	s24 =	sor.u32 $0x20, s9;
	s16 =	sadd.s32 $0x81000, s13;
	[dreg:$0x18] =	wrdreg s15  }
0x16: {  	s25 =	sshll.u32 s24, $0x7;
	s0 =	sadd.s32 $0x40000, s13;
	[dreg:$0x19] =	wrdreg s16  }
0x17: {  	s9 =	sor.u32 $0x30, s9;
	s10 =	sadd.s32 s4, s25;
	[dreg:$0x6] =	wrdreg s0  }
0x18: {  	s7 =	scvt.s32.f32 s22;
	s17 =	sadd.s32 $0xC1000, s13;
	[dreg:$0xf] =	wrdreg s10  }
0x19: {  	s12 =	sshll.u32 s9, $0x7;
	s18 =	sadd.s32 $0x1400, s13;
	[dreg:$0x1a] =	wrdreg s17  }
0x1a: {  	s9 =	scvt.s32.f32 s9;
	s19 =	sadd.s32 $0x41400, s13;
	[dreg:$0x1b] =	wrdreg s18  }
0x1b: {  	s20 =	sadd.s32 $0x81400, s13;
	s21 =	sadd.s32 $0xC1400, s13;
	[dreg:$0x1c] =	wrdreg s19  }
0x1c: {  	s23 =	sadd.s32 $0x81800, s13;
	s25 =	sadd.s32 $0x1C00, s13;
	[dreg:$0x1d] =	wrdreg s20  }
0x1d: {  	s26 =	sadd.s32 $0x41C00, s13;
	s29 =	sadd.s32 $0x81C00, s13;
	[dreg:$0x1e] =	wrdreg s21  }
0x1e: {  	s31 =	sadd.s32 $0xC1C00, s13;
	s16 =	simm.s32 $0x8A00;
	[smem:$0x7F8] =	sst s23  }
0x1f: {  	s11 =	simm.s32 $0xD200;
	s14 =	simm.s32 $0x6;
	[smem:$0x7FA] =	sst s25  }
0x20: {  	s15 =	simm.s32 $0x0;
	s0 =	sshll.u32 s22, $0x7;
	[smem:$0x7FB] =	sst s26  }
0x21: {  	s10 =	scvt.s32.f32 s24;
	s22 =	sadd.s32 $0x41800, s13;
	[smem:$0x7FC] =	sst s29  }
0x22: {  	s24 =	sadd.s32 $0xC1800, s13;
	[smem:$0x7FD] =	sst s31;
	s17 =	simm.s32 $0xEA00  }
0x23: {  	s18 =	simm.s32 $0x10A00;
	s19 =	simm.s32 $0x12A00;
	[dreg:$0x1f] =	wrdreg s22  }
0x24: {  	v4 =	vmov s9;
	s9 =	simm.s32 $0x2;
	s0 =	sadd.s32 s4, s0;
	[smem:$0x7F9] =	sst s24  }
0x25: {  	v3 =	vlaneseq.u32;
	s4 =	sadd.s32 s4, s12;
	s12 =	sadd.s32 $0x80C00, s13;
	[dreg:$0xd] =	wrdreg s0  }
0x26: {  	vm0 =	vmmov $0xffff;
	v5 =	vand.u32 $0x7, v3;
	s22 =	simm.s32 $0xAA00;
	[dreg:$0x10] =	wrdreg s4;
	s4 =	sadd.s32 $0xC00, s13  }
0x27: {  	v6 =	vshrl.u32 v3, $0x3;
	v7 =	vor.u32 $0x8, v3;
	[dreg:$0x16] =	wrdreg s12;
	s12 =	simm.s32 $0x6A00;
	v2 =	vmov s10;
	s10 =	simm.s32 $0x4  }
0x28: {  	v6 =	vmul.u32 $0x8, v6;
	v0 =	vmov s1;
	v1 =	vmov s7;
	s13 =	simm.s32 $0x5;
	[dreg:$0x14] =	wrdreg s4;
	s4 =	simm.s32 $0xCA00  }
.LBB2_1:
0x29: {  	s0 =	rddreg [dreg:$0x4];
	s1 =	simm.s32 $0x7  }
0x2a: {  	[tilespmem:s3], [sflag:$0x7] =	stream.linear.gather [hbm4b:s0+s3], $0x400, $0x38;
	[tilespmem:$0x1CA00] =	vst v63  }
0x2b: {  	_ =	swait.ge [sflag:s1], $0x400  }
0x2c: {  	[sflag:s1] =	ssyncset.done $0x0  }
0x2d: {  	[sflag:s1] =	ssyncadd.s32 $0xFFFFFC00  }
0x2e: {  	v8 =	vld [tilespmem:$0x0];
	_ =	sdelay $0x4  }
0x2f: {  	v9 =	vshll.u32 v8, $0x3  }
0x30: {  	v8 =	vand.u32 $0x7, v8;
	v9 =	vand.u32 $0xFFFFFFC0, v9  }
0x31: {  	v8 =	vor.u32 v8, v9  }
0x32: {  	v9 =	vperm.xlane v8, v5;
	_ =	sdelay $0x1  }
0x33: {  	v9 =	vadd.s32 v6, v9;
	_ =	sdelay $0x4  }
0x34: {  	[tilespmem:s30], [sflag:$0x1] =	stream.indirect_vreg.gather [hbm4b:s2+s3], $0x80, v9, vm0, $0xb8;
	[tilespmem:$0x1CA00] =	vst v63  }
0x35: {  	s7 =	simm.s32 $0x5200;
	v8 =	vperm.xlane v8, v7  }
0x36: {  	[tilespmem:s7], [sflag:$0x1] =	stream.indirect_vreg.gather [hbm4b:s5+s3], $0x80, v9, vm0, $0xb8;
	[tilespmem:$0x1CA00] =	vst v63  }
0x37: {  	s20 =	simm.s32 $0x5A00;
	v8 =	vadd.s32 v6, v8  }
0x38: {  	[tilespmem:s20], [sflag:$0x1] =	stream.indirect_vreg.gather [hbm4b:s6+s3], $0x80, v9, vm0, $0xb8;
	[tilespmem:$0x1CA00] =	vst v63  }
0x39: {  	s21 =	simm.s32 $0x6200  }
0x3a: {  	[tilespmem:s21], [sflag:$0x1] =	stream.indirect_vreg.gather [hbm4b:s8+s3], $0x80, v9, vm0, $0xb8;
	[tilespmem:$0x1CA00] =	vst v63  }
0x3b: {  	_ = 	snop  }
0x3c: {  	[tilespmem:s12], [sflag:$0x1] =	stream.indirect_vreg.gather [hbm4b:s2+s3], $0x80, v8, vm0, $0xb8;
	[tilespmem:$0x1CA00] =	vst v63  }
0x3d: {  	s23 =	simm.s32 $0x7200  }
0x3e: {  	[tilespmem:s23], [sflag:$0x1] =	stream.indirect_vreg.gather [hbm4b:s5+s3], $0x80, v8, vm0, $0xb8;
	[tilespmem:$0x1CA00] =	vst v63  }
0x3f: {  	s24 =	simm.s32 $0x7A00  }
0x40: {  	[tilespmem:s24], [sflag:$0x1] =	stream.indirect_vreg.gather [hbm4b:s6+s3], $0x80, v8, vm0, $0xb8;
	[tilespmem:$0x1CA00] =	vst v63  }
0x41: {  	s25 =	simm.s32 $0x8200  }
0x42: {  	[tilespmem:s25], [sflag:$0x1] =	stream.indirect_vreg.gather [hbm4b:s8+s3], $0x80, v8, vm0, $0xb8;
	[tilespmem:$0x1CA00] =	vst v63  }
0x43: {  	v8 =	vld [tilespmem:$0x10];
	_ =	sdelay $0x4  }
0x44: {  	v9 =	vshll.u32 v8, $0x3  }
0x45: {  	v8 =	vand.u32 $0x7, v8;
	v9 =	vand.u32 $0xFFFFFFC0, v9  }
0x46: {  	v8 =	vor.u32 v8, v9  }
0x47: {  	v9 =	vperm.xlane v8, v5;
	_ =	sdelay $0x1  }
0x48: {  	v9 =	vadd.s32 v6, v9;
	_ =	sdelay $0x4  }
0x49: {  	[tilespmem:s16], [sflag:$0x1] =	stream.indirect_vreg.gather [hbm4b:s2+s3], $0x80, v9, vm0, $0xb8;
	[tilespmem:$0x1CA00] =	vst v63  }
0x4a: {  	s26 =	simm.s32 $0x9200;
	v8 =	vperm.xlane v8, v7  }
0x4b: {  	[tilespmem:s26], [sflag:$0x1] =	stream.indirect_vreg.gather [hbm4b:s5+s3], $0x80, v9, vm0, $0xb8;
	[tilespmem:$0x1CA00] =	vst v63  }
0x4c: {  	s29 =	simm.s32 $0x9A00;
	v8 =	vadd.s32 v6, v8  }
0x4d: {  	[tilespmem:s29], [sflag:$0x1] =	stream.indirect_vreg.gather [hbm4b:s6+s3], $0x80, v9, vm0, $0xb8;
	[tilespmem:$0x1CA00] =	vst v63  }
0x4e: {  	s30 =	simm.s32 $0xA200  }
0x4f: {  	[tilespmem:s30], [sflag:$0x1] =	stream.indirect_vreg.gather [hbm4b:s8+s3], $0x80, v9, vm0, $0xb8;
	[tilespmem:$0x1CA00] =	vst v63  }
0x50: {  	_ = 	snop  }
0x51: {  	[tilespmem:s22], [sflag:$0x1] =	stream.indirect_vreg.gather [hbm4b:s2+s3], $0x80, v8, vm0, $0xb8;
	[tilespmem:$0x1CA00] =	vst v63  }
0x52: {  	s31 =	simm.s32 $0xB200  }
0x53: {  	[tilespmem:s31], [sflag:$0x1] =	stream.indirect_vreg.gather [hbm4b:s5+s3], $0x80, v8, vm0, $0xb8;
	[tilespmem:$0x1CA00] =	vst v63  }
0x54: {  	s1 =	simm.s32 $0xBA00  }
0x55: {  	[tilespmem:s1], [sflag:$0x1] =	stream.indirect_vreg.gather [hbm4b:s6+s3], $0x80, v8, vm0, $0xb8;
	[tilespmem:$0x1CA00] =	vst v63  }
0x56: {  	s7 =	simm.s32 $0xC200  }
0x57: {  	[tilespmem:s7], [sflag:$0x1] =	stream.indirect_vreg.gather [hbm4b:s8+s3], $0x80, v8, vm0, $0xb8;
	[tilespmem:$0x1CA00] =	vst v63  }
0x58: {  	v8 =	vld [tilespmem:$0x80];
	_ =	sdelay $0x4  }
0x59: {  	v9 =	vshll.u32 v8, $0x3  }
0x5a: {  	v8 =	vand.u32 $0x7, v8;
	v9 =	vand.u32 $0xFFFFFFC0, v9  }
0x5b: {  	v8 =	vor.u32 v8, v9  }
0x5c: {  	v9 =	vperm.xlane v8, v5;
	_ =	sdelay $0x1  }
0x5d: {  	v9 =	vadd.s32 v6, v9  }
0x5e: {  	v10 =	vor.u32 s3, v3  }
0x5f: {  	v10 =	vcvt.s32.f32 v10;
	_ =	sdelay $0x1  }
0x60: {  	v10 =	vmul.f32 $-1.798894630e-02, v10  }
0x61: {  	[tilespmem:s4], [sflag:$0x2] =	stream.indirect_vreg.gather [hbm4b:s2+s3], $0x80, v9, vm0, $0xb8;
	[tilespmem:$0x1CA00] =	vst v63  }
0x62: {  	v10 =	vmul.f32 $1.442695020e+00, v10;
	v8 =	vperm.xlane v8, v7  }
0x63: {  	[tilespmem:s11], [sflag:$0x2] =	stream.indirect_vreg.gather [hbm4b:s5+s3], $0x80, v9, vm0, $0xb8;
	[tilespmem:$0x1CA00] =	vst v63  }
0x64: {  	(erf) = vpow2.f32 v10;
	s12 =	simm.s32 $0xDA00;
	v8 =	vadd.s32 v6, v8  }
0x65: {  	[tilespmem:s12], [sflag:$0x2] =	stream.indirect_vreg.gather [hbm4b:s6+s3], $0x80, v9, vm0, $0xb8;
	[tilespmem:$0x1CA00] =	vst v63  }
0x66: {  	s16 =	simm.s32 $0xE200  }
0x67: {  	[tilespmem:s16], [sflag:$0x2] =	stream.indirect_vreg.gather [hbm4b:s8+s3], $0x80, v9, vm0, $0xb8;
	[tilespmem:$0x1CA00] =	vst v63  }
0x68: {  	_ = 	snop  }
0x69: {  	[tilespmem:s17], [sflag:$0x2] =	stream.indirect_vreg.gather [hbm4b:s2+s3], $0x80, v8, vm0, $0xb8;
	[tilespmem:$0x1CA00] =	vst v63  }
0x6a: {  	s17 =	simm.s32 $0xF200  }
0x6b: {  	[tilespmem:s17], [sflag:$0x2] =	stream.indirect_vreg.gather [hbm4b:s5+s3], $0x80, v8, vm0, $0xb8;
	[tilespmem:$0x1CA00] =	vst v63  }
0x6c: {  	s20 =	simm.s32 $0xFA00;
	s22 =	simm.s32 $0x10  }
0x6d: {  	v10 =	vpop (erf);
	[tilespmem:s20], [sflag:$0x2] =	stream.indirect_vreg.gather [hbm4b:s6+s3], $0x80, v8, vm0, $0xb8;
	[tilespmem:$0x1CA00] =	vst v63  }
0x6e: {  	v11 =	vadd.f32 $1.570796370e+00, v10;
	s21 =	simm.s32 $0x10200;
	v12 =	vor.u32 s22, v3;
	v9 =	vmul.f32 $3.183098730e-01, v10  }
0x6f: {  	v12 =	vcvt.s32.f32 v12;
	[tilespmem:s21], [sflag:$0x2] =	stream.indirect_vreg.gather [hbm4b:s8+s3], $0x80, v8, vm0, $0xb8;
	[tilespmem:$0x1CA00] =	vst v63  }
0x70: {  	v13 =	vmul.f32 $3.183098730e-01, v11;
	v9 =	vadd.f32 $1.258291200e+07, v9;
	v8 =	vld [tilespmem:$0x90]  }
0x71: {  	v12 =	vmul.f32 $-1.798894630e-02, v12  }
0x72: {  	v13 =	vadd.f32 $1.258291200e+07, v13;
	v14 =	vadd.f32 $-1.258291200e+07, v9  }
0x73: {  	s23 =	simm.s32 $0x20;
	v12 =	vmul.f32 $1.442695020e+00, v12  }
0x74: {  	v17 =	vadd.f32 $-1.258291200e+07, v13;
	v21 =	vor.u32 s23, v3;
	v16 =	vmul.f32 $3.141592740e+00, v14  }
0x75: {  	(erf) = vpow2.f32 v12;
	v15 =	vand.u32 $0x7, v8;
	v8 =	vshll.u32 v8, $0x3  }
0x76: {  	v12 =	vmul.f32 $8.742277650e-08, v14;
	v14 =	vsub.f32 v10, v16;
	v8 =	vand.u32 $0xFFFFFFC0, v8  }
0x77: {  	v9 =	vtrunc.f32 v9;
	v8 =	vor.u32 v15, v8;
	v15 =	vmul.f32 $3.141592740e+00, v17  }
0x78: {  	v21 =	vcvt.s32.f32 v21;
	v9 =	vcvt.f32.s32 v9;
	v14 =	vadd.f32 v12, v14  }
0x79: {  	v12 =	vmul.f32 $8.742277650e-08, v17;
	v16 =	vperm.xlane v8, v5;
	v11 =	vsub.f32 v11, v15  }
0x7a: {  	v21 =	vmul.f32 $-1.798894630e-02, v21;
	v9 =	vand.u32 $0x1, v9;
	v8 =	vperm.xlane v8, v7  }
0x7b: {  	v15 =	vadd.s32 v6, v16;
	v16 =	vmul.f32 v14, v14;
	v17 =	vadd.f32 v12, v11  }
0x7c: {  	v9 =	vcvt.s32.f32 v9;
	v18 =	vadd.s32 v6, v8;
	v8 =	vtrunc.f32 v13  }
0x7d: {  	v11 =	vmul.f32 $2.755731880e-06, v16;
	v12 =	vmul.f32 v17, v17  }
0x7e: {  	v21 =	vmul.f32 $1.442695020e+00, v21;
	v13 =	vcvt.f32.s32 v8  }
0x7f: {  	v9 =	vadd.f32 v9, v9;
	v8 =	vpop (erf);
	v11 =	vadd.f32 $-1.984127010e-04, v11;
	v19 =	vmul.f32 $2.755731880e-06, v12  }
0x80: {  	v13 =	vand.u32 $0x1, v13;
	v20 =	vmul.f32 $3.183098730e-01, v8;
	v22 =	vadd.f32 $1.570796370e+00, v8;
	[tilespmem:s18], [sflag:$0x2] =	stream.indirect_vreg.gather [hbm4b:s2+s3], $0x80, v15, vm0, $0xb8;
	[tilespmem:$0x1CA00] =	vst v63  }
0x81: {  	s24 =	simm.s32 $0x11200;
	v13 =	vcvt.s32.f32 v13;
	v11 =	vmul.f32 v11, v16;
	v19 =	vadd.f32 $-1.984127010e-04, v19  }
0x82: {  	v26 =	vsub.f32 $1.000000000e+00, v9;
	v20 =	vadd.f32 $1.258291200e+07, v20;
	v23 =	vmul.f32 $3.183098730e-01, v22;
	[tilespmem:s24], [sflag:$0x2] =	stream.indirect_vreg.gather [hbm4b:s5+s3], $0x80, v15, vm0, $0xb8;
	[tilespmem:$0x1CA00] =	vst v63  }
0x83: {  	s25 =	simm.s32 $0x11A00;
	v60 =	vadd.f32 v13, v13;
	v11 =	vadd.f32 $8.333333770e-03, v11;
	v19 =	vmul.f32 v19, v12  }
0x84: {  	(erf) = vpow2.f32 v21;
	v24 =	vadd.f32 $-1.258291200e+07, v20;
	v23 =	vadd.f32 $1.258291200e+07, v23;
	[tilespmem:s25], [sflag:$0x2] =	stream.indirect_vreg.gather [hbm4b:s6+s3], $0x80, v15, vm0, $0xb8;
	[tilespmem:$0x1CA00] =	vst v63  }
0x85: {  	s26 =	simm.s32 $0x12200;
	v20 =	vtrunc.f32 v20;
	v11 =	vmul.f32 v11, v16;
	v19 =	vadd.f32 $8.333333770e-03, v19  }
0x86: {  	v9 =	vcvt.f32.s32 v20;
	v25 =	vmul.f32 $3.141592740e+00, v24;
	[tilespmem:s26], [sflag:$0x2] =	stream.indirect_vreg.gather [hbm4b:s8+s3], $0x80, v15, vm0, $0xb8;
	v15 =	vadd.f32 $-1.258291200e+07, v23;
	[tilespmem:$0x1CA00] =	vst v63  }
0x87: {  	v13 =	vmul.f32 $8.742277650e-08, v24;
	v11 =	vadd.f32 $-1.666666720e-01, v11;
	v19 =	vmul.f32 v19, v12  }
0x88: {  	v20 =	vand.u32 $0x1, v9;
	v61 =	vsub.f32 v8, v25;
	[tilespmem:s19], [sflag:$0x2] =	stream.indirect_vreg.gather [hbm4b:s2+s3], $0x80, v18, vm0, $0xb8;
	v62 =	vmul.f32 $3.141592740e+00, v15;
	[tilespmem:$0x1CA00] =	vst v63  }
0x89: {  	s29 =	simm.s32 $0x13200;
	v20 =	vcvt.s32.f32 v20;
	v16 =	vmul.f32 v11, v16;
	v19 =	vadd.f32 $-1.666666720e-01, v19  }
0x8a: {  	v15 =	vmul.f32 $8.742277650e-08, v15;
	v11 =	vadd.f32 v13, v61;
	[tilespmem:s29], [sflag:$0x2] =	stream.indirect_vreg.gather [hbm4b:s5+s3], $0x80, v18, vm0, $0xb8;
	v13 =	vsub.f32 v22, v62;
	[tilespmem:$0x1CA00] =	vst v63  }
0x8b: {  	s30 =	simm.s32 $0x13A00;
	v16 =	vmul.f32 v16, v14;
	v19 =	vmul.f32 v19, v12  }
0x8c: {  	[tilespmem:s30], [sflag:$0x2] =	stream.indirect_vreg.gather [hbm4b:s6+s3], $0x80, v18, vm0, $0xb8;
	v12 =	vmul.f32 v11, v11;
	v9 =	vadd.f32 v15, v13;
	v13 =	vtrunc.f32 v23;
	[tilespmem:$0x1CA00] =	vst v63  }
0x8d: {  	s31 =	simm.s32 $0x14200;
	v15 =	vcvt.f32.s32 v13;
	v14 =	vadd.f32 v16, v14;
	v16 =	vmul.f32 v19, v17  }
0x8e: {  	[tilespmem:s31], [sflag:$0x2] =	stream.indirect_vreg.gather [hbm4b:s8+s3], $0x80, v18, vm0, $0xb8;
	v18 =	vmul.f32 $2.755731880e-06, v12;
	v13 =	vmul.f32 v9, v9;
	[tilespmem:$0x1CA00] =	vst v63  }
0x8f: {  	s20 =	simm.s32 $0x400;
	v19 =	vsub.f32 $1.000000000e+00, v60;
	v14 =	vmul.f32 v14, v26;
	v63 =	vadd.f32 v16, v17  }
0x90: {  	s19 =	simm.s32 $0x800;
	[tilespmem:s20+$0x0] =	vst v10;
	v17 =	vadd.f32 $-1.984127010e-04, v18;
	v18 =	vmul.f32 $2.755731880e-06, v13;
	v16 =	vand.u32 $0x1, v15  }
0x91: {  	s0 =	simm.s32 $0x30;
	s23 =	simm.s32 $0x600;
	s18 =	simm.s32 $0x610;
	v10 =	vpop (erf);
	v15 =	vadd.f32 v20, v20;
	v16 =	vcvt.s32.f32 v16;
	[tilespmem:s19+$0x0] =	vst v14;
	v14 =	vmul.f32 v63, v19  }
.LBB2_2:
0x92: {  	s20 =	sadd.s32 $0x10, s20  }
0x93: {  	v19 =	vmul.f32 $3.183098730e-01, v10;
	v20 =	vadd.f32 $1.570796370e+00, v10;
	v18 =	vadd.f32 $-1.984127010e-04, v18;
	s19 =	sadd.s32 $0x10, s19;
	s1 =	smov.u32 s0;
	s7 =	sadd.s32 $0x10, s0  }
0x94: {  	p0 =	sne.s32 s0, $0x1F0;
	v17 =	vmul.f32 v17, v12;
	v21 =	vor.u32 s1, v3;
	v16 =	vadd.f32 v16, v16;
	[tilespmem:s23+$0x0] =	vst v14;
	s23 =	smov.u32 s18  }
0x95: {  	v14 =	vcvt.s32.f32 v21;
	v19 =	vadd.f32 $1.258291200e+07, v19;
	v21 =	vmul.f32 $3.183098730e-01, v20  }
0x96: {  	v15 =	vsub.f32 $1.000000000e+00, v15;
	v17 =	vadd.f32 $8.333333770e-03, v17;
	v18 =	vmul.f32 v18, v13  }
0x97: {  	v14 =	vmul.f32 $-1.798894630e-02, v14;
	v22 =	vadd.f32 $-1.258291200e+07, v19;
	v21 =	vadd.f32 $1.258291200e+07, v21  }
0x98: {  	v19 =	vtrunc.f32 v19;
	v17 =	vmul.f32 v17, v12;
	v18 =	vadd.f32 $8.333333770e-03, v18  }
0x99: {  	v14 =	vmul.f32 $1.442695020e+00, v14;
	v23 =	vmul.f32 $3.141592740e+00, v22;
	v24 =	vadd.f32 $-1.258291200e+07, v21  }
0x9a: {  	v22 =	vmul.f32 $8.742277650e-08, v22;
	v17 =	vadd.f32 $-1.666666720e-01, v17;
	v18 =	vmul.f32 v18, v13  }
0x9b: {  	(erf) = vpow2.f32 v14;
	v14 =	vsub.f32 v10, v23;
	v23 =	vmul.f32 $3.141592740e+00, v24  }
0x9c: {  	v19 =	vcvt.f32.s32 v19;
	v12 =	vmul.f32 v17, v12;
	v17 =	vadd.f32 $-1.666666720e-01, v18  }
0x9d: {  	v14 =	vadd.f32 v22, v14;
	v18 =	vsub.f32 v20, v23;
	v20 =	vmul.f32 $8.742277650e-08, v24  }
0x9e: {  	v19 =	vand.u32 $0x1, v19;
	v22 =	vmul.f32 v12, v11;
	v13 =	vmul.f32 v17, v13  }
0x9f: {  	v12 =	vmul.f32 v14, v14;
	v17 =	vadd.f32 v20, v18;
	v18 =	vtrunc.f32 v21  }
.Ltmp0:
0xa0: {  	v21 =	vmul.f32 v13, v9;
	v20 =	vcvt.f32.s32 v18;
	v18 =	vadd.f32 v22, v11;
	v11 =	vmovc v14;
	(pc) =	sbr.rel @p0 .LBB2_2-.Ltmp0, $4  }
0xa1: {  	v22 =	vsub.f32 $1.000000000e+00, v16;
	v14 =	vmul.f32 $2.755731880e-06, v12;
	v13 =	vmul.f32 v17, v17  }
0xa2: {  	v16 =	vcvt.s32.f32 v19;
	v21 =	vadd.f32 v21, v9;
	v9 =	vmovc v17;
	v19 =	vmul.f32 v18, v15  }
0xa3: {  	v17 =	vadd.f32 $-1.984127010e-04, v14;
	v18 =	vmul.f32 $2.755731880e-06, v13;
	v14 =	vand.u32 $0x1, v20;
	[tilespmem:s20+$0x0] =	vst v8;
	v8 =	vmovc v10  }
0xa4: {  	s18 =	sadd.s32 $0x10, s18;
	s0 =	smov.u32 s7;
	v15 =	vadd.f32 v16, v16;
	v10 =	vpop (erf);
	v16 =	vcvt.s32.f32 v14;
	[tilespmem:s19+$0x0] =	vst v19;
	v14 =	vmul.f32 v21, v22  }
0xa5: {  	v19 =	vadd.f32 $1.570796370e+00, v10  }
0xa6: {  	v20 =	vmul.f32 $3.183098730e-01, v10  }
0xa7: {  	v21 =	vmul.f32 $3.183098730e-01, v19  }
0xa8: {  	v20 =	vadd.f32 $1.258291200e+07, v20  }
0xa9: {  	v21 =	vadd.f32 $1.258291200e+07, v21  }
0xaa: {  	v22 =	vadd.f32 $-1.258291200e+07, v20  }
0xab: {  	v23 =	vadd.f32 $-1.258291200e+07, v21  }
0xac: {  	v24 =	vmul.f32 $3.141592740e+00, v22  }
0xad: {  	v25 =	vmul.f32 $3.141592740e+00, v23  }
0xae: {  	v22 =	vmul.f32 $8.742277650e-08, v22;
	v24 =	vsub.f32 v10, v24  }
0xaf: {  	v23 =	vmul.f32 $8.742277650e-08, v23;
	v19 =	vsub.f32 v19, v25  }
0xb0: {  	v22 =	vadd.f32 v22, v24  }
0xb1: {  	v19 =	vadd.f32 v23, v19  }
0xb2: {  	v46 =	vmul.f32 v22, v22  }
0xb3: {  	v18 =	vadd.f32 $-1.984127010e-04, v18;
	v17 =	vmul.f32 v17, v12;
	v47 =	vmul.f32 v19, v19  }
0xb4: {  	v48 =	vmul.f32 $2.755731880e-06, v46  }
0xb5: {  	v18 =	vmul.f32 v18, v13;
	v17 =	vadd.f32 $8.333333770e-03, v17;
	v26 =	vmul.f32 $2.755731880e-06, v47  }
0xb6: {  	v25 =	vadd.f32 $-1.984127010e-04, v48  }
0xb7: {  	v18 =	vadd.f32 $8.333333770e-03, v18;
	v17 =	vmul.f32 v17, v12;
	v26 =	vadd.f32 $-1.984127010e-04, v26  }
0xb8: {  	v16 =	vadd.f32 v16, v16;
	v25 =	vmul.f32 v25, v46  }
0xb9: {  	v18 =	vmul.f32 v18, v13;
	v17 =	vadd.f32 $-1.666666720e-01, v17;
	v26 =	vmul.f32 v26, v47  }
0xba: {  	v50 =	vtrunc.f32 v20;
	v21 =	vtrunc.f32 v21;
	v51 =	vadd.f32 $8.333333770e-03, v25  }
0xbb: {  	v18 =	vadd.f32 $-1.666666720e-01, v18;
	v49 =	vmul.f32 v17, v12;
	v53 =	vadd.f32 $8.333333770e-03, v26  }
0xbc: {  	v15 =	vsub.f32 $1.000000000e+00, v15;
	v17 =	vcvt.f32.s32 v50;
	v20 =	vmul.f32 v51, v46  }
0xbd: {  	v16 =	vsub.f32 $1.000000000e+00, v16;
	v52 =	vmul.f32 v18, v13;
	v18 =	vmul.f32 v53, v47  }
0xbe: {  	v21 =	vcvt.f32.s32 v21;
	v17 =	vand.u32 $0x1, v17;
	v20 =	vadd.f32 $-1.666666720e-01, v20  }
0xbf: {  	v12 =	vmul.f32 v49, v11;
	v17 =	vcvt.s32.f32 v17;
	v55 =	vadd.f32 $-1.666666720e-01, v18  }
0xc0: {  	v56 =	vand.u32 $0x1, v21;
	v54 =	vmul.f32 v52, v9;
	v20 =	vmul.f32 v20, v46  }
0xc1: {  	v11 =	vadd.f32 v12, v11;
	v18 =	vcvt.s32.f32 v56;
	v13 =	vmul.f32 v55, v47  }
0xc2: {  	v57 =	vadd.f32 v17, v17;
	v9 =	vadd.f32 v54, v9;
	v58 =	vmul.f32 v20, v22  }
0xc3: {  	s0 =	sadd.s32 $0x10, s20;
	[tilespmem:s23+$0x0] =	vst v14;
	v11 =	vmul.f32 v11, v15;
	v59 =	vadd.f32 v18, v18;
	v13 =	vmul.f32 v13, v19  }
0xc4: {  	s1 =	sadd.s32 $0x10, s19;
	[tilespmem:s0+$0x0] =	vst v8;
	v60 =	vsub.f32 $1.000000000e+00, v57;
	v8 =	vmul.f32 v9, v16;
	v61 =	vadd.f32 v58, v22  }
0xc5: {  	[tilespmem:s1+$0x0] =	vst v11;
	v62 =	vsub.f32 $1.000000000e+00, v59;
	v13 =	vadd.f32 v13, v19  }
0xc6: {  	s0 =	sadd.s32 $0x10, s0;
	[tilespmem:s18+$0x0] =	vst v8;
	v8 =	vmul.f32 v61, v60  }
0xc7: {  	s1 =	sadd.s32 $0x10, s1;
	[tilespmem:s0+$0x0] =	vst v10;
	v63 =	vmul.f32 v13, v62  }
0xc8: {  	s31 =	sadd.s32 $0x10, s18;
	[tilespmem:s1+$0x0] =	vst v8  }
0xc9: {  	s11 =	simm.s32 $0xCA00;
	s19 =	simm.s32 $0x0;
	s18 =	simm.s32 $0x0;
	[tilespmem:s31+$0x0] =	vst v63  }
.LBB2_4:
0xca: {  	s7 =	sshll.u32 s19, $0x5  }
0xcb: {  	v8 =	vld [tilespmem:s7+$0x400];
	_ =	sdelay $0x1  }
0xcc: {  	v9 =	vld [tilespmem:s7+$0x410];
	_ =	sdelay $0x2  }
0xcd: {  	v8 =	vmul.f32 v8, v0;
	_ =	sdelay $0x1  }
0xce: {  	v9 =	vmul.f32 v9, v0;
	v10 =	vadd.f32 $1.570796370e+00, v8  }
0xcf: {  	v11 =	vmul.f32 $3.183098730e-01, v8  }
0xd0: {  	v13 =	vadd.f32 $1.570796370e+00, v9;
	v12 =	vmul.f32 $3.183098730e-01, v10  }
0xd1: {  	v11 =	vadd.f32 $1.258291200e+07, v11  }
0xd2: {  	v15 =	vmul.f32 $3.183098730e-01, v13;
	v12 =	vadd.f32 $1.258291200e+07, v12  }
0xd3: {  	v16 =	vadd.f32 $-1.258291200e+07, v11  }
0xd4: {  	v15 =	vadd.f32 $1.258291200e+07, v15;
	v17 =	vadd.f32 $-1.258291200e+07, v12  }
0xd5: {  	v14 =	vmul.f32 $3.183098730e-01, v9;
	v18 =	vmul.f32 $3.141592740e+00, v16  }
0xd6: {  	v21 =	vadd.f32 $-1.258291200e+07, v15;
	v20 =	vmul.f32 $3.141592740e+00, v17  }
0xd7: {  	v14 =	vadd.f32 $1.258291200e+07, v14;
	v16 =	vmul.f32 $8.742277650e-08, v16;
	v8 =	vsub.f32 v8, v18  }
0xd8: {  	v17 =	vmul.f32 $8.742277650e-08, v17;
	v10 =	vsub.f32 v10, v20;
	v20 =	vmul.f32 $3.141592740e+00, v21  }
0xd9: {  	v19 =	vadd.f32 $-1.258291200e+07, v14;
	v8 =	vadd.f32 v16, v8  }
0xda: {  	v16 =	vmul.f32 $8.742277650e-08, v21;
	v13 =	vsub.f32 v13, v20;
	v10 =	vadd.f32 v17, v10  }
0xdb: {  	v18 =	vmul.f32 $3.141592740e+00, v19  }
0xdc: {  	v13 =	vadd.f32 v16, v13;
	v16 =	vmul.f32 v10, v10  }
0xdd: {  	v9 =	vsub.f32 v9, v18;
	v18 =	vmul.f32 $8.742277650e-08, v19  }
0xde: {  	v21 =	vmul.f32 $2.755731880e-06, v16  }
0xdf: {  	v9 =	vadd.f32 v18, v9;
	v17 =	vmul.f32 v8, v8  }
0xe0: {  	v21 =	vadd.f32 $-1.984127010e-04, v21  }
0xe1: {  	v18 =	vmul.f32 v9, v9;
	v19 =	vmul.f32 $2.755731880e-06, v17  }
0xe2: {  	v20 =	vmul.f32 v13, v13;
	v21 =	vmul.f32 v21, v16  }
0xe3: {  	v22 =	vmul.f32 $2.755731880e-06, v18;
	v19 =	vadd.f32 $-1.984127010e-04, v19  }
0xe4: {  	v23 =	vmul.f32 $2.755731880e-06, v20;
	v21 =	vadd.f32 $8.333333770e-03, v21  }
0xe5: {  	v22 =	vadd.f32 $-1.984127010e-04, v22;
	v19 =	vmul.f32 v19, v17  }
0xe6: {  	v23 =	vadd.f32 $-1.984127010e-04, v23;
	v21 =	vmul.f32 v21, v16  }
0xe7: {  	v22 =	vmul.f32 v22, v18;
	v19 =	vadd.f32 $8.333333770e-03, v19  }
0xe8: {  	v11 =	vtrunc.f32 v11;
	v23 =	vmul.f32 v23, v20;
	v21 =	vadd.f32 $-1.666666720e-01, v21  }
0xe9: {  	v11 =	vcvt.f32.s32 v11;
	v22 =	vadd.f32 $8.333333770e-03, v22;
	v19 =	vmul.f32 v19, v17  }
0xea: {  	v15 =	vtrunc.f32 v15;
	v23 =	vadd.f32 $8.333333770e-03, v23;
	v16 =	vmul.f32 v21, v16  }
0xeb: {  	v12 =	vtrunc.f32 v12;
	v22 =	vmul.f32 v22, v18;
	v19 =	vadd.f32 $-1.666666720e-01, v19  }
0xec: {  	v11 =	vand.u32 $0x1, v11;
	v23 =	vmul.f32 v23, v20;
	v16 =	vmul.f32 v16, v10  }
0xed: {  	v11 =	vcvt.s32.f32 v11;
	v22 =	vadd.f32 $-1.666666720e-01, v22;
	v17 =	vmul.f32 v19, v17  }
0xee: {  	v19 =	vadd.f32 $-1.666666720e-01, v23;
	v16 =	vadd.f32 v16, v10;
	v10 =	vcvt.f32.s32 v12  }
0xef: {  	v15 =	vcvt.f32.s32 v15;
	v11 =	vadd.f32 v11, v11;
	v18 =	vmul.f32 v22, v18  }
0xf0: {  	v19 =	vmul.f32 v19, v20;
	v12 =	vtrunc.f32 v14;
	v10 =	vand.u32 $0x1, v10  }
0xf1: {  	v14 =	vand.u32 $0x1, v15;
	v12 =	vcvt.f32.s32 v12;
	v10 =	vcvt.s32.f32 v10  }
0xf2: {  	v11 =	vsub.f32 $1.000000000e+00, v11;
	v17 =	vmul.f32 v17, v8;
	v14 =	vcvt.s32.f32 v14  }
0xf3: {  	v15 =	vmul.f32 v19, v13;
	v12 =	vand.u32 $0x1, v12;
	v10 =	vadd.f32 v10, v10  }
0xf4: {  	v8 =	vadd.f32 v17, v8;
	v14 =	vadd.f32 v14, v14;
	v17 =	vcvt.s32.f32 v12  }
0xf5: {  	p1 =	por $0x1, $0x1;
	v13 =	vadd.f32 v15, v13;
	v15 =	vmul.f32 v18, v9;
	v12 =	vld [tilespmem:s7+$0x810];
	v18 =	vsub.f32 $1.000000000e+00, v10  }
.Ltmp1:
0xf6: {  	v14 =	vsub.f32 $1.000000000e+00, v14;
	v17 =	vadd.f32 v17, v17;
	(pc) =	sbr.rel @!p1 .LBB2_5-.Ltmp1, $4  }
0xf7: {  	s1 =	sshll.u32 s19, $0x8;
	s29 =	simm.s32 $0x400;
	v19 =	vadd.f32 v15, v9;
	v9 =	vmul.f32 v8, v11;
	v8 =	vmul.f32 v16, v18;
	v16 =	vld [tilespmem:s7+$0x610]  }
0xf8: {  	p0 =	por $0x0, $0x0;
	s0 =	sor.u32 $0x10, s7;
	s31 =	sor.u32 $0x210, s7;
	v10 =	vmul.f32 v13, v14;
	v17 =	vsub.f32 $1.000000000e+00, v17  }
0xf9: {  	s20 =	sand.u32 $0x60, s7;
	s23 =	sand.u32 $0x70, s0;
	s0 =	sshll.u32 s31, $0x3;
	v15 =	vld [tilespmem:s7+$0x800]  }
0xfa: {  	s26 =	sand.u32 $0xC00, s1;
	s24 =	sand.u32 $0x70, s31;
	v14 =	vld [tilespmem:s7+$0x600];
	s7 =	sand.u32 $0x1C00, s0;
	v21 =	vmul.f32 v10, v12;
	v11 =	vmul.f32 v19, v17  }
0xfb: {  	_ = 	snop  }
0xfc: {  	s0 =	sand.u32 $0x2000, s18;
	p1 =	por $0x1, $0x1  }
.Ltmp2:
0xfd: {  	v13 =	vmul.f32 v10, v16;
	s0 =	sor.u32 $0xA00, s0;
	v17 =	vmul.f32 v11, v12;
	(pc) =	sbr.rel @!p1 .LBB2_7-.Ltmp2, $4  }
0xfe: {  	s21 =	simm.s32 $0x800;
	s17 =	sand.u32 $0x380, s18;
	v24 =	vmul.f32 v11, v16;
	s1 =	sadd.s32 s26, s0  }
0xff: {  	p0 =	por $0x1, $0x1;
	s0 =	sadd.s32 s7, s0;
	v22 =	vmul.f32 v9, v15;
	s31 =	sadd.s32 s20, s1;
	v13 =	vsub.f32 v13, v17;
	v23 =	vmul.f32 v8, v14  }
0x100: {  	s25 =	sadd.s32 s24, s0;
	s1 =	sadd.s32 s23, s1;
	v20 =	vmul.f32 v8, v15;
	v21 =	vadd.f32 v21, v24;
	s0 =	sadd.s32 s17, s31  }
0x101: {  	s31 =	sadd.s32 s17, s25;
	v18 =	vmul.f32 v9, v14;
	s17 =	sadd.s32 s17, s1;
	s1 =	simm.s32 $0x0;
	v19 =	vmul.f32 v13, v12;
	[tilespmem:s0+$0x0] =	vst v9;
	v17 =	vsub.f32 v23, v22  }
.LBB2_8:
0x102: {  	s25 =	sand.u32 $0x2000, s29;
	s1 =	sadd.s32 $0x80, s1  }
0x103: {  	v22 =	vmul.f32 v13, v16;
	[tilespmem:s17+$0x0] =	vst v11;
	v23 =	vadd.f32 v20, v18;
	s29 =	smov.u32 s21;
	s30 =	sadd.s32 $0x400, s21;
	p1 =	sne.s32 s21, $0x3C00  }
.Ltmp3:
0x104: {  	s17 =	sor.u32 $0xA00, s25;
	v18 =	vmul.f32 v21, v12;
	[tilespmem:s0+$0x1000] =	vst v8;
	v8 =	vmov v17;
	v11 =	vmov v21;
	(pc) =	sbr.rel @p1 .LBB2_8-.Ltmp3, $4  }
0x105: {  	s21 =	sand.u32 $0x380, s1;
	s0 =	sadd.s32 s26, s17;
	s17 =	sadd.s32 s7, s17;
	v24 =	vmul.f32 v23, v15;
	[tilespmem:s31+$0x0] =	vst v10;
	v10 =	vmov v13  }
0x106: {  	v25 =	vmul.f32 v17, v14;
	v21 =	vmul.f32 v21, v16;
	s25 =	sadd.s32 s20, s0;
	s4 =	sadd.s32 s23, s0;
	s17 =	sadd.s32 s24, s17;
	v13 =	vsub.f32 v22, v18  }
0x107: {  	v20 =	vmul.f32 v17, v15;
	v18 =	vmul.f32 v23, v14;
	s0 =	sadd.s32 s21, s25;
	s31 =	sadd.s32 s21, s17  }
0x108: {  	v21 =	vadd.f32 v19, v21;
	s17 =	sadd.s32 s21, s4;
	v17 =	vsub.f32 v25, v24;
	s21 =	smov.u32 s30;
	[tilespmem:s0+$0x0] =	vst v23;
	v19 =	vmul.f32 v13, v12  }
0x109: {  	_ = 	snop  }
0x10a: {  	v12 =	vmovc v11;
	v14 =	vmov v8;
	v11 =	vmov v21;
	v8 =	vmov v17  }
.LBB2_10:
0x10b: {  	s4 =	sand.u32 $0x2000, s29  }
0x10c: {  	s1 =	sadd.s32 @p0 $0x80, s1;
	s21 =	simm.s32 $0x0;
	[tilespmem:s17+$0x0] =	vst @p0 v12;
	v12 =	vadd.f32 @p0 v20, v18;
	s4 =	sor.u32 $0xA00, s4  }
0x10d: {  	[tilespmem:s0+$0x1000] =	vst @p0 v14;
	s19 =	sadd.s32 $0x1, s19;
	s21 =	smov.u32 @p0 s1;
	s26 =	sadd.s32 s26, s4  }
0x10e: {  	[tilespmem:s31+$0x0] =	vst @p0 v10;
	s29 =	sand.u32 $0x380, s21;
	v9 =	vpsel p0, v12, v9;
	p0 =	sne.s32 s19, $0x10;
	s30 =	sadd.s32 s20, s26  }
.Ltmp4:
0x10f: {  	s17 =	sadd.s32 s29, s30;
	(pc) =	sbr.rel @p0 .LBB2_4-.Ltmp4, $4  }
.Ltmp5:
0x110: {  	s4 =	sadd.s32 s7, s4;
	s1 =	sadd.s32 s23, s26;
	[tilespmem:s17+$0x0] =	vst v9;
	(pc) =	sbr.rel @!p0 .LBB2_11-.Ltmp5, $4  }
0x111: {  	s4 =	sadd.s32 s24, s4;
	s1 =	sadd.s32 s29, s1;
	[tilespmem:s17+$0x1000] =	vst v8  }
0x112: {  	s0 =	sadd.s32 s29, s4;
	[tilespmem:s1+$0x0] =	vst v11  }
0x113: {  	[tilespmem:s0+$0x0] =	vst v13  }
0x114: {  	_ = 	snop  }
.LBB2_5:
.Ltmp6:
0x115: {  	(pc) =	sbr.rel .LBB2_10-.Ltmp6, $2  }
0x116: {  	_ =	sdelay $0x2  }
0x117: {  	v13 =	vmov v10;
	s29 =	simm.s32 $0x0;
	s1 =	simm.s32 $0x0  }
.LBB2_7:
.Ltmp7:
0x118: {  	(pc) =	sbr.rel .LBB2_10-.Ltmp7, $2  }
0x119: {  	_ =	sdelay $0x2  }
0x11a: {  	v12 =	vmovc v11;
	v14 =	vmov v8;
	s1 =	simm.s32 $0x0;
	v11 =	vmov v21;
	v8 =	vmov v17  }
.LBB2_11:
0x11b: {  	_ =	swait.ge [sflag:s28], $0x8000  }
0x11c: {  	[sflag:s28] =	ssyncset.done $0x0  }
0x11d: {  	[sflag:s28] =	ssyncadd.s32 $0xFFFF8000  }
0x11e: {  	v8 =	vld [tilespmem:$0x100];
	_ =	sdelay $0x4  }
0x11f: {  	v9 =	vshll.u32 v8, $0x3  }
0x120: {  	v8 =	vand.u32 $0x7, v8;
	v9 =	vand.u32 $0xFFFFFFC0, v9  }
0x121: {  	v8 =	vor.u32 v8, v9  }
0x122: {  	v9 =	vperm.xlane v8, v5;
	_ =	sdelay $0x1  }
0x123: {  	v9 =	vadd.s32 v6, v9;
	_ =	sdelay $0x3  }
0x124: {  	s18 =	simm.s32 $0x0;
	s0 =	simm.s32 $0x14A00  }
0x125: {  	[tilespmem:s0], [sflag:$0x3] =	stream.indirect_vreg.gather [hbm4b:s2+s18], $0x80, v9, vm0, $0xb8;
	[tilespmem:$0x1CA00] =	vst v63  }
0x126: {  	s4 =	simm.s32 $0x15200;
	v8 =	vperm.xlane v8, v7  }
0x127: {  	[tilespmem:s4], [sflag:$0x3] =	stream.indirect_vreg.gather [hbm4b:s5+s18], $0x80, v9, vm0, $0xb8;
	[tilespmem:$0x1CA00] =	vst v63  }
0x128: {  	s7 =	simm.s32 $0x15A00;
	v8 =	vadd.s32 v6, v8  }
0x129: {  	[tilespmem:s7], [sflag:$0x3] =	stream.indirect_vreg.gather [hbm4b:s6+s18], $0x80, v9, vm0, $0xb8;
	[tilespmem:$0x1CA00] =	vst v63  }
0x12a: {  	s12 =	simm.s32 $0x16200  }
0x12b: {  	[tilespmem:s12], [sflag:$0x3] =	stream.indirect_vreg.gather [hbm4b:s8+s18], $0x80, v9, vm0, $0xb8;
	[tilespmem:$0x1CA00] =	vst v63  }
0x12c: {  	s16 =	simm.s32 $0x16A00  }
0x12d: {  	[tilespmem:s16], [sflag:$0x3] =	stream.indirect_vreg.gather [hbm4b:s2+s18], $0x80, v8, vm0, $0xb8;
	[tilespmem:$0x1CA00] =	vst v63  }
0x12e: {  	s17 =	simm.s32 $0x17200  }
0x12f: {  	[tilespmem:s17], [sflag:$0x3] =	stream.indirect_vreg.gather [hbm4b:s5+s18], $0x80, v8, vm0, $0xb8;
	[tilespmem:$0x1CA00] =	vst v63  }
0x130: {  	s19 =	simm.s32 $0x17A00  }
0x131: {  	[tilespmem:s19], [sflag:$0x3] =	stream.indirect_vreg.gather [hbm4b:s6+s18], $0x80, v8, vm0, $0xb8;
	[tilespmem:$0x1CA00] =	vst v63  }
0x132: {  	s20 =	simm.s32 $0x18200  }
0x133: {  	[tilespmem:s20], [sflag:$0x3] =	stream.indirect_vreg.gather [hbm4b:s8+s18], $0x80, v8, vm0, $0xb8;
	[tilespmem:$0x1CA00] =	vst v63  }
0x134: {  	v8 =	vld [tilespmem:$0x110];
	_ =	sdelay $0x4  }
0x135: {  	v9 =	vshll.u32 v8, $0x3  }
0x136: {  	v8 =	vand.u32 $0x7, v8;
	v9 =	vand.u32 $0xFFFFFFC0, v9  }
0x137: {  	v8 =	vor.u32 v8, v9  }
0x138: {  	v9 =	vperm.xlane v8, v5;
	_ =	sdelay $0x1  }
0x139: {  	v9 =	vadd.s32 v6, v9;
	_ =	sdelay $0x3  }
0x13a: {  	s21 =	simm.s32 $0x18A00  }
0x13b: {  	[tilespmem:s21], [sflag:$0x3] =	stream.indirect_vreg.gather [hbm4b:s2+s18], $0x80, v9, vm0, $0xb8;
	[tilespmem:$0x1CA00] =	vst v63  }
0x13c: {  	s22 =	simm.s32 $0x19200;
	v8 =	vperm.xlane v8, v7  }
0x13d: {  	[tilespmem:s22], [sflag:$0x3] =	stream.indirect_vreg.gather [hbm4b:s5+s18], $0x80, v9, vm0, $0xb8;
	[tilespmem:$0x1CA00] =	vst v63  }
0x13e: {  	s23 =	simm.s32 $0x19A00;
	v8 =	vadd.s32 v6, v8  }
0x13f: {  	[tilespmem:s23], [sflag:$0x3] =	stream.indirect_vreg.gather [hbm4b:s6+s18], $0x80, v9, vm0, $0xb8;
	[tilespmem:$0x1CA00] =	vst v63  }
0x140: {  	s24 =	simm.s32 $0x1A200  }
0x141: {  	[tilespmem:s24], [sflag:$0x3] =	stream.indirect_vreg.gather [hbm4b:s8+s18], $0x80, v9, vm0, $0xb8;
	[tilespmem:$0x1CA00] =	vst v63  }
0x142: {  	s25 =	simm.s32 $0x1AA00  }
0x143: {  	[tilespmem:s25], [sflag:$0x3] =	stream.indirect_vreg.gather [hbm4b:s2+s18], $0x80, v8, vm0, $0xb8;
	[tilespmem:$0x1CA00] =	vst v63  }
0x144: {  	s26 =	simm.s32 $0x1B200;
	s31 =	simm.s32 $0x0  }
0x145: {  	[tilespmem:s26], [sflag:$0x3] =	stream.indirect_vreg.gather [hbm4b:s5+s18], $0x80, v8, vm0, $0xb8;
	[tilespmem:$0x1CA00] =	vst v63  }
0x146: {  	s29 =	simm.s32 $0x1BA00;
	s1 =	sand.u32 $0x1C00, s18;
	s4 =	sand.u32 $0xFFFFFF80, s31  }
0x147: {  	[tilespmem:s29], [sflag:$0x3] =	stream.indirect_vreg.gather [hbm4b:s6+s18], $0x80, v8, vm0, $0xb8;
	[tilespmem:$0x1CA00] =	vst v63  }
0x148: {  	s30 =	simm.s32 $0x1C200;
	s4 =	sadd.s32 s1, s4  }
0x149: {  	[tilespmem:s30], [sflag:$0x3] =	stream.indirect_vreg.gather [hbm4b:s8+s18], $0x80, v8, vm0, $0xb8;
	[tilespmem:$0x1CA00] =	vst v63  }
0x14a: {  	v9 =	vld [tilespmem:s4+$0x4A70]  }
0x14b: {  	v10 =	vld [tilespmem:s4+$0x4A00]  }
0x14c: {  	v8 =	vld [tilespmem:s4+$0xA70]  }
0x14d: {  	v12 =	vld [tilespmem:s4+$0x4A10]  }
0x14e: {  	v13 =	vld [tilespmem:s4+$0x4A20]  }
0x14f: {  	v14 =	vld [tilespmem:s4+$0x4A30]  }
0x150: {  	v15 =	vld [tilespmem:s4+$0x4A40]  }
0x151: {  	v16 =	vld [tilespmem:s4+$0x4A50];
	v9 =	vmul.f32 $3.200000000e+01, v9  }
0x152: {  	v18 =	vld [tilespmem:s4+$0xA00]  }
0x153: {  	v17 =	vld [tilespmem:s4+$0x4A60];
	v9 =	vadd.f32 v9, v8  }
0x154: {  	s0 =	sand.u32 $0x3FFFFF80, s31;
	v19 =	vld [tilespmem:s4+$0xA10]  }
0x155: {  	s19 =	sadd.s32 s1, s0;
	v20 =	vld [tilespmem:s4+$0xA20];
	v10 =	vmul.f32 $3.200000000e+01, v10;
	[tilespmem:s4+$0x4A70] =	vst v9  }
0x156: {  	v9 =	vld [tilespmem:s19+$0xAA70]  }
0x157: {  	v21 =	vld [tilespmem:s4+$0xA30];
	v22 =	vadd.f32 v10, v18  }
0x158: {  	v11 =	vld [tilespmem:s4+$0xA40];
	v12 =	vmul.f32 $3.200000000e+01, v12  }
0x159: {  	v13 =	vmul.f32 $3.200000000e+01, v13;
	v10 =	vld [tilespmem:s4+$0xA50];
	[tilespmem:s4+$0x4A00] =	vst v22  }
0x15a: {  	v14 =	vmul.f32 $3.200000000e+01, v14;
	v12 =	vadd.f32 v12, v19;
	v22 =	vld [tilespmem:s19+$0x6A00]  }
0x15b: {  	v13 =	vadd.f32 v13, v20;
	v24 =	vld [tilespmem:s19+$0x8A00];
	v23 =	vmul.f32 $3.200000000e+01, v9  }
0x15c: {  	v14 =	vadd.f32 v14, v21;
	[tilespmem:s4+$0x4A10] =	vst v12;
	v12 =	vld [tilespmem:s19+$0xAA00]  }
0x15d: {  	v15 =	vmul.f32 $3.200000000e+01, v15;
	[tilespmem:s4+$0x4A20] =	vst v13;
	v9 =	vld [tilespmem:s4+$0xA60];
	v23 =	vadd.f32 v23, v8  }
0x15e: {  	v16 =	vmul.f32 $3.200000000e+01, v16;
	[tilespmem:s4+$0x4A30] =	vst v14;
	v13 =	vld [tilespmem:s19+$0x8A10]  }
0x15f: {  	v15 =	vadd.f32 v15, v11;
	v14 =	vmul.f32 $3.200000000e+01, v22;
	[tilespmem:s19+$0xAA70] =	vst v23;
	v23 =	vld [tilespmem:s19+$0x6A10]  }
0x160: {  	v17 =	vmul.f32 $3.200000000e+01, v17;
	v63 =	vld [tilespmem:s19+$0x6A20];
	v16 =	vadd.f32 v16, v10  }
0x161: {  	[tilespmem:s4+$0x4A40] =	vst v15;
	v22 =	vld [tilespmem:s19+$0xAA10];
	v12 =	vmul.f32 $3.200000000e+01, v12;
	v14 =	vadd.f32 v14, v18  }
0x162: {  	[tilespmem:s4+$0x4A50] =	vst v16;
	v15 =	vmul.f32 $3.200000000e+01, v24;
	v17 =	vadd.f32 v17, v9  }
0x163: {  	v16 =	vld [tilespmem:s19+$0x8A20];
	v13 =	vmul.f32 $3.200000000e+01, v13;
	v12 =	vadd.f32 v12, v18;
	[tilespmem:s19+$0x6A00] =	vst v14  }
0x164: {  	v15 =	vadd.f32 v15, v18;
	[tilespmem:s4+$0x4A60] =	vst v17;
	v17 =	vmul.f32 $3.200000000e+01, v23;
	v23 =	vld [tilespmem:s19+$0xAA20]  }
0x165: {  	v14 =	vld [tilespmem:s19+$0x6A30];
	[tilespmem:s19+$0xAA00] =	vst v12;
	v12 =	vadd.f32 v13, v19  }
0x166: {  	v18 =	vld [tilespmem:s19+$0x8A30];
	[tilespmem:s19+$0x8A00] =	vst v15;
	v13 =	vmul.f32 $3.200000000e+01, v63;
	v15 =	vadd.f32 v17, v19;
	v17 =	vmul.f32 $3.200000000e+01, v22  }
0x167: {  	[tilespmem:s19+$0x8A10] =	vst v12;
	v22 =	vld [tilespmem:s19+$0xAA30]  }
0x168: {  	v16 =	vmul.f32 $3.200000000e+01, v16;
	v12 =	vadd.f32 v13, v20;
	[tilespmem:s19+$0x6A10] =	vst v15;
	v15 =	vadd.f32 v17, v19;
	v17 =	vld [tilespmem:s19+$0x6A40]  }
0x169: {  	v13 =	vmul.f32 $3.200000000e+01, v23;
	v23 =	vld [tilespmem:s19+$0x8A40]  }
0x16a: {  	[tilespmem:s19+$0x6A20] =	vst v12;
	v14 =	vmul.f32 $3.200000000e+01, v14;
	v19 =	vadd.f32 v16, v20;
	v16 =	vld [tilespmem:s19+$0xAA40]  }
0x16b: {  	[tilespmem:s19+$0xAA10] =	vst v15;
	v15 =	vld [tilespmem:s19+$0x6A50];
	v12 =	vadd.f32 v13, v20;
	v13 =	vmul.f32 $3.200000000e+01, v18  }
0x16c: {  	[tilespmem:s19+$0x8A20] =	vst v19;
	v18 =	vadd.f32 v14, v21;
	v22 =	vmul.f32 $3.200000000e+01, v22;
	v14 =	vld [tilespmem:s19+$0x8A50]  }
0x16d: {  	[tilespmem:s19+$0xAA20] =	vst v12;
	v19 =	vadd.f32 v13, v21;
	v12 =	vld [tilespmem:s19+$0xAA50];
	v20 =	vmul.f32 $3.200000000e+01, v17  }
0x16e: {  	s20 =	simm.s32 $0x0;
	[tilespmem:s19+$0x6A30] =	vst v18;
	v17 =	vadd.f32 v22, v21;
	v13 =	vld [tilespmem:s19+$0x6A60];
	v18 =	vmul.f32 $3.200000000e+01, v23  }
.LBB2_12:
0x16f: {  	s20 =	sadd.s32 $0x8, s20;
	[tilespmem:s19+$0x8A30] =	vst v19;
	v19 =	vadd.f32 v20, v11;
	v16 =	vmul.f32 $3.200000000e+01, v16;
	v20 =	vld [tilespmem:s19+$0x8A60]  }
0x170: {  	s18 =	sadd.s32 $0x400, s18;
	s0 =	sshll.u32 s20, $0x1;
	p0 =	slt.u32 s20, $0x1F8;
	[tilespmem:s19+$0xAA30] =	vst v17;
	v17 =	vadd.f32 v18, v11;
	v15 =	vmul.f32 $3.200000000e+01, v15;
	v18 =	vld [tilespmem:s19+$0xAA60]  }
0x171: {  	s1 =	sand.u32 $0x1C00, s18;
	s4 =	sand.u32 $0xFFFFFF80, s0;
	[tilespmem:s19+$0x6A40] =	vst v19;
	v11 =	vadd.f32 v16, v11;
	v14 =	vmul.f32 $3.200000000e+01, v14;
	v16 =	vld [tilespmem:s19+$0x6A70]  }
0x172: {  	s7 =	sadd.s32 s1, s4;
	[tilespmem:s19+$0x8A40] =	vst v17;
	v15 =	vadd.f32 v15, v10;
	v12 =	vmul.f32 $3.200000000e+01, v12;
	v17 =	vld [tilespmem:s19+$0x8A70]  }
0x173: {  	v19 =	vld [tilespmem:s7+$0x4A70];
	[tilespmem:s19+$0xAA40] =	vst v11;
	v11 =	vadd.f32 v14, v10;
	v13 =	vmul.f32 $3.200000000e+01, v13  }
0x174: {  	v14 =	vld [tilespmem:s7+$0x4A00];
	[tilespmem:s19+$0x6A50] =	vst v15;
	v10 =	vadd.f32 v12, v10;
	v12 =	vmul.f32 $3.200000000e+01, v20  }
0x175: {  	v15 =	vld [tilespmem:s7+$0xA70];
	[tilespmem:s19+$0x8A50] =	vst v11;
	v11 =	vadd.f32 v13, v9;
	v13 =	vmul.f32 $3.200000000e+01, v18  }
0x176: {  	v18 =	vld [tilespmem:s7+$0x4A10];
	[tilespmem:s19+$0xAA50] =	vst v10;
	v10 =	vadd.f32 v12, v9;
	v12 =	vmul.f32 $3.200000000e+01, v16  }
0x177: {  	v16 =	vld [tilespmem:s7+$0x4A20];
	[tilespmem:s19+$0x6A60] =	vst v11;
	v9 =	vadd.f32 v13, v9;
	v11 =	vmul.f32 $3.200000000e+01, v17  }
0x178: {  	v13 =	vld [tilespmem:s7+$0x4A30];
	v17 =	vmul.f32 $3.200000000e+01, v19;
	[tilespmem:s19+$0x8A60] =	vst v10;
	v10 =	vadd.f32 v12, v8  }
0x179: {  	v12 =	vmul.f32 $3.200000000e+01, v14;
	v14 =	vld [tilespmem:s7+$0x4A40];
	[tilespmem:s19+$0xAA60] =	vst v9;
	v9 =	vadd.f32 v11, v8  }
0x17a: {  	v11 =	vld [tilespmem:s7+$0x4A50];
	v17 =	vadd.f32 v17, v15;
	[tilespmem:s19+$0x6A70] =	vst v10;
	v8 =	vmov v15  }
0x17b: {  	s0 =	sand.u32 $0x3FFFFF80, s0;
	v15 =	vmul.f32 $3.200000000e+01, v18;
	v10 =	vld [tilespmem:s7+$0x4A60];
	[tilespmem:s19+$0x8A70] =	vst v9  }
0x17c: {  	s19 =	sadd.s32 s1, s0;
	v18 =	vld [tilespmem:s7+$0xA00];
	v16 =	vmul.f32 $3.200000000e+01, v16;
	[tilespmem:s7+$0x4A70] =	vst v17  }
0x17d: {  	v13 =	vmul.f32 $3.200000000e+01, v13;
	v9 =	vld [tilespmem:s19+$0xAA70]  }
0x17e: {  	v17 =	vld [tilespmem:s7+$0xA10];
	v14 =	vmul.f32 $3.200000000e+01, v14  }
0x17f: {  	v19 =	vld [tilespmem:s7+$0xA20];
	v20 =	vmul.f32 $3.200000000e+01, v11  }
0x180: {  	v21 =	vld [tilespmem:s7+$0xA30];
	v22 =	vmul.f32 $3.200000000e+01, v10  }
0x181: {  	v12 =	vadd.f32 v12, v18;
	v11 =	vld [tilespmem:s7+$0xA40]  }
0x182: {  	v10 =	vld [tilespmem:s7+$0xA50];
	v23 =	vmul.f32 $3.200000000e+01, v9  }
0x183: {  	[tilespmem:s7+$0x4A00] =	vst v12;
	v12 =	vadd.f32 v15, v17;
	v9 =	vld [tilespmem:s7+$0xA60]  }
0x184: {  	v15 =	vld [tilespmem:s19+$0x6A00];
	v16 =	vadd.f32 v16, v19;
	v23 =	vadd.f32 v23, v8  }
0x185: {  	v24 =	vld [tilespmem:s19+$0x8A00];
	[tilespmem:s7+$0x4A10] =	vst v12;
	v12 =	vadd.f32 v13, v21  }
0x186: {  	v13 =	vld [tilespmem:s19+$0xAA00];
	v14 =	vadd.f32 v14, v11;
	[tilespmem:s19+$0xAA70] =	vst v23  }
0x187: {  	v23 =	vld [tilespmem:s19+$0x6A10];
	[tilespmem:s7+$0x4A20] =	vst v16;
	v16 =	vadd.f32 v20, v10  }
0x188: {  	v20 =	vld [tilespmem:s19+$0x8A10];
	[tilespmem:s7+$0x4A30] =	vst v12;
	v12 =	vadd.f32 v22, v9  }
0x189: {  	v15 =	vmul.f32 $3.200000000e+01, v15;
	v22 =	vld [tilespmem:s19+$0xAA10];
	[tilespmem:s7+$0x4A40] =	vst v14  }
0x18a: {  	v14 =	vmul.f32 $3.200000000e+01, v24;
	v24 =	vld [tilespmem:s19+$0x6A20];
	[tilespmem:s7+$0x4A50] =	vst v16  }
0x18b: {  	v15 =	vadd.f32 v15, v18;
	v13 =	vmul.f32 $3.200000000e+01, v13;
	v16 =	vld [tilespmem:s19+$0x8A20];
	[tilespmem:s7+$0x4A60] =	vst v12  }
0x18c: {  	v12 =	vadd.f32 v14, v18;
	v14 =	vmul.f32 $3.200000000e+01, v23;
	v23 =	vld [tilespmem:s19+$0xAA20]  }
0x18d: {  	[tilespmem:s19+$0x6A00] =	vst v15;
	v13 =	vadd.f32 v13, v18;
	v15 =	vmul.f32 $3.200000000e+01, v20;
	v18 =	vld [tilespmem:s19+$0x6A30]  }
0x18e: {  	[tilespmem:s19+$0x8A00] =	vst v12;
	v12 =	vadd.f32 v14, v17;
	v14 =	vmul.f32 $3.200000000e+01, v22;
	v20 =	vld [tilespmem:s19+$0x8A30]  }
0x18f: {  	[tilespmem:s19+$0xAA00] =	vst v13;
	v13 =	vadd.f32 v15, v17;
	v15 =	vmul.f32 $3.200000000e+01, v24;
	v22 =	vld [tilespmem:s19+$0xAA30]  }
0x190: {  	[tilespmem:s19+$0x6A10] =	vst v12;
	v12 =	vadd.f32 v14, v17;
	v14 =	vmul.f32 $3.200000000e+01, v16;
	v17 =	vld [tilespmem:s19+$0x6A40]  }
0x191: {  	[tilespmem:s19+$0x8A10] =	vst v13;
	v13 =	vadd.f32 v15, v19;
	v15 =	vmul.f32 $3.200000000e+01, v23;
	v23 =	vld [tilespmem:s19+$0x8A40]  }
.Ltmp8:
0x192: {  	[tilespmem:s19+$0xAA10] =	vst v12;
	v12 =	vadd.f32 v14, v19;
	v14 =	vmul.f32 $3.200000000e+01, v18;
	v16 =	vld [tilespmem:s19+$0xAA40];
	(pc) =	sbr.rel @p0 .LBB2_12-.Ltmp8, $4  }
0x193: {  	[tilespmem:s19+$0x6A20] =	vst v13;
	v13 =	vadd.f32 v15, v19;
	v18 =	vmul.f32 $3.200000000e+01, v20;
	v15 =	vld [tilespmem:s19+$0x6A50]  }
0x194: {  	[tilespmem:s19+$0x8A20] =	vst v12;
	v24 =	vadd.f32 v14, v21;
	v22 =	vmul.f32 $3.200000000e+01, v22;
	v14 =	vld [tilespmem:s19+$0x8A50]  }
0x195: {  	[tilespmem:s19+$0xAA20] =	vst v13;
	v19 =	vadd.f32 v18, v21;
	v20 =	vmul.f32 $3.200000000e+01, v17;
	v12 =	vld [tilespmem:s19+$0xAA50]  }
0x196: {  	[tilespmem:s19+$0x6A30] =	vst v24;
	v17 =	vadd.f32 v22, v21;
	v18 =	vmul.f32 $3.200000000e+01, v23;
	v13 =	vld [tilespmem:s19+$0x6A60]  }
0x197: {  	[tilespmem:s19+$0x8A30] =	vst v19;
	v19 =	vadd.f32 v20, v11;
	v16 =	vmul.f32 $3.200000000e+01, v16;
	v20 =	vld [tilespmem:s19+$0x8A60]  }
0x198: {  	[tilespmem:s19+$0xAA30] =	vst v17;
	v17 =	vadd.f32 v18, v11;
	v15 =	vmul.f32 $3.200000000e+01, v15;
	v18 =	vld [tilespmem:s19+$0xAA60]  }
0x199: {  	[tilespmem:s19+$0x6A40] =	vst v19;
	v11 =	vadd.f32 v16, v11;
	v14 =	vmul.f32 $3.200000000e+01, v14;
	v16 =	vld [tilespmem:s19+$0x6A70]  }
0x19a: {  	[tilespmem:s19+$0x8A40] =	vst v17;
	v15 =	vadd.f32 v15, v10;
	v12 =	vmul.f32 $3.200000000e+01, v12;
	v17 =	vld [tilespmem:s19+$0x8A70]  }
0x19b: {  	[tilespmem:s19+$0xAA40] =	vst v11;
	v11 =	vadd.f32 v14, v10;
	v13 =	vmul.f32 $3.200000000e+01, v13  }
0x19c: {  	[tilespmem:s19+$0x6A50] =	vst v15;
	v10 =	vadd.f32 v12, v10;
	v12 =	vmul.f32 $3.200000000e+01, v20  }
0x19d: {  	[tilespmem:s19+$0x8A50] =	vst v11;
	v11 =	vadd.f32 v13, v9;
	v13 =	vmul.f32 $3.200000000e+01, v18  }
0x19e: {  	[tilespmem:s19+$0xAA50] =	vst v10;
	v10 =	vadd.f32 v12, v9;
	v12 =	vmul.f32 $3.200000000e+01, v16  }
0x19f: {  	[tilespmem:s19+$0x6A60] =	vst v11;
	v9 =	vadd.f32 v13, v9;
	v11 =	vmul.f32 $3.200000000e+01, v17  }
0x1a0: {  	[tilespmem:s19+$0x8A60] =	vst v10;
	v10 =	vadd.f32 v12, v8  }
0x1a1: {  	[tilespmem:s19+$0xAA60] =	vst v9;
	v8 =	vadd.f32 v11, v8  }
0x1a2: {  	[tilespmem:s19+$0x6A70] =	vst v10  }
0x1a3: {  	[tilespmem:s19+$0x8A70] =	vst v8  }
0x1a4: {  	s18 =	simm.s32 $0x0;
	s1 =	simm.s32 $0x4A00;
	s0 =	rddreg [dreg:$0x5]  }
0x1a5: {  	[hbm4b:s0+s18] =	stream.linear.scatter [tilespmem:s1], [sflag:$0x4], $0x2000, $0x38;
	[tilespmem:$0x1CA00] =	vst v63  }
0x1a6: {  	s4 =	simm.s32 $0x6A00;
	s22 =	rddreg [dreg:$0x6]  }
0x1a7: {  	[hbm4b:s22+s18] =	stream.linear.scatter [tilespmem:s4], [sflag:$0x4], $0x2000, $0x38;
	[tilespmem:$0x1CA00] =	vst v63  }
0x1a8: {  	s7 =	simm.s32 $0x8A00;
	s23 =	rddreg [dreg:$0x7]  }
0x1a9: {  	[hbm4b:s23+s18] =	stream.linear.scatter [tilespmem:s7], [sflag:$0x4], $0x2000, $0x38;
	[tilespmem:$0x1CA00] =	vst v63  }
0x1aa: {  	s17 =	simm.s32 $0xAA00;
	s24 =	rddreg [dreg:$0x8]  }
0x1ab: {  	[hbm4b:s24+s18] =	stream.linear.scatter [tilespmem:s17], [sflag:$0x4], $0x2000, $0x38;
	[tilespmem:$0x1CA00] =	vst v63  }
0x1ac: {  	_ =	swait.ge [sflag:s9], $0x8000  }
0x1ad: {  	[sflag:s9] =	ssyncset.done $0x0  }
0x1ae: {  	[sflag:s9] =	ssyncadd.s32 $0xFFFF8000  }
0x1af: {  	_ =	swait.ge [sflag:s10], $0x2000  }
0x1b0: {  	[sflag:s10] =	ssyncset.done $0x0  }
0x1b1: {  	[sflag:s10] =	ssyncadd.s32 $0xFFFFE000  }
0x1b2: {  	_ =	swait.ge [sflag:s10], $0x2000  }
0x1b3: {  	[sflag:s10] =	ssyncset.done $0x0  }
0x1b4: {  	[sflag:s10] =	ssyncadd.s32 $0xFFFFE000  }
0x1b5: {  	_ =	swait.ge [sflag:s10], $0x2000  }
0x1b6: {  	[sflag:s10] =	ssyncset.done $0x0  }
0x1b7: {  	[sflag:s10] =	ssyncadd.s32 $0xFFFFE000  }
0x1b8: {  	_ =	swait.ge [sflag:s10], $0x2000  }
0x1b9: {  	[sflag:s10] =	ssyncset.done $0x0  }
0x1ba: {  	[sflag:s10] =	ssyncadd.s32 $0xFFFFE000  }
0x1bb: {  	v8 =	vld [tilespmem:$0x180];
	_ =	sdelay $0x4  }
0x1bc: {  	v9 =	vshll.u32 v8, $0x3  }
0x1bd: {  	v8 =	vand.u32 $0x7, v8;
	v9 =	vand.u32 $0xFFFFFFC0, v9  }
0x1be: {  	v8 =	vor.u32 v8, v9  }
0x1bf: {  	v9 =	vperm.xlane v8, v5;
	_ =	sdelay $0x1  }
0x1c0: {  	v9 =	vadd.s32 v6, v9;
	_ =	sdelay $0x4  }
0x1c1: {  	[tilespmem:s1], [sflag:$0x1] =	stream.indirect_vreg.gather [hbm4b:s2+s18], $0x80, v9, vm0, $0xb8;
	[tilespmem:$0x1CA00] =	vst v63  }
0x1c2: {  	s25 =	simm.s32 $0x5200;
	v8 =	vperm.xlane v8, v7  }
0x1c3: {  	[tilespmem:s25], [sflag:$0x1] =	stream.indirect_vreg.gather [hbm4b:s5+s18], $0x80, v9, vm0, $0xb8;
	[tilespmem:$0x1CA00] =	vst v63  }
0x1c4: {  	s26 =	simm.s32 $0x5A00;
	v8 =	vadd.s32 v6, v8  }
0x1c5: {  	[tilespmem:s26], [sflag:$0x1] =	stream.indirect_vreg.gather [hbm4b:s6+s18], $0x80, v9, vm0, $0xb8;
	[tilespmem:$0x1CA00] =	vst v63  }
0x1c6: {  	s29 =	simm.s32 $0x6200  }
0x1c7: {  	[tilespmem:s29], [sflag:$0x1] =	stream.indirect_vreg.gather [hbm4b:s8+s18], $0x80, v9, vm0, $0xb8;
	[tilespmem:$0x1CA00] =	vst v63  }
0x1c8: {  	_ = 	snop  }
0x1c9: {  	[tilespmem:s4], [sflag:$0x1] =	stream.indirect_vreg.gather [hbm4b:s2+s18], $0x80, v8, vm0, $0xb8;
	[tilespmem:$0x1CA00] =	vst v63  }
0x1ca: {  	s31 =	simm.s32 $0x7200  }
0x1cb: {  	[tilespmem:s31], [sflag:$0x1] =	stream.indirect_vreg.gather [hbm4b:s5+s18], $0x80, v8, vm0, $0xb8;
	[tilespmem:$0x1CA00] =	vst v63  }
0x1cc: {  	s1 =	simm.s32 $0x7A00  }
0x1cd: {  	[tilespmem:s1], [sflag:$0x1] =	stream.indirect_vreg.gather [hbm4b:s6+s18], $0x80, v8, vm0, $0xb8;
	[tilespmem:$0x1CA00] =	vst v63  }
0x1ce: {  	s4 =	simm.s32 $0x8200  }
0x1cf: {  	[tilespmem:s4], [sflag:$0x1] =	stream.indirect_vreg.gather [hbm4b:s8+s18], $0x80, v8, vm0, $0xb8;
	[tilespmem:$0x1CA00] =	vst v63  }
0x1d0: {  	v8 =	vld [tilespmem:$0x190];
	_ =	sdelay $0x4  }
0x1d1: {  	v9 =	vshll.u32 v8, $0x3  }
0x1d2: {  	v8 =	vand.u32 $0x7, v8;
	v9 =	vand.u32 $0xFFFFFFC0, v9  }
0x1d3: {  	v8 =	vor.u32 v8, v9  }
0x1d4: {  	v9 =	vperm.xlane v8, v5;
	_ =	sdelay $0x1  }
0x1d5: {  	v9 =	vadd.s32 v6, v9;
	_ =	sdelay $0x4  }
0x1d6: {  	[tilespmem:s7], [sflag:$0x1] =	stream.indirect_vreg.gather [hbm4b:s2+s18], $0x80, v9, vm0, $0xb8;
	[tilespmem:$0x1CA00] =	vst v63  }
0x1d7: {  	v8 =	vperm.xlane v8, v7;
	s7 =	simm.s32 $0x9200  }
0x1d8: {  	[tilespmem:s7], [sflag:$0x1] =	stream.indirect_vreg.gather [hbm4b:s5+s18], $0x80, v9, vm0, $0xb8;
	[tilespmem:$0x1CA00] =	vst v63  }
0x1d9: {  	s19 =	simm.s32 $0x9A00;
	v8 =	vadd.s32 v6, v8  }
0x1da: {  	[tilespmem:s19], [sflag:$0x1] =	stream.indirect_vreg.gather [hbm4b:s6+s18], $0x80, v9, vm0, $0xb8;
	[tilespmem:$0x1CA00] =	vst v63  }
0x1db: {  	s20 =	simm.s32 $0xA200  }
0x1dc: {  	[tilespmem:s20], [sflag:$0x1] =	stream.indirect_vreg.gather [hbm4b:s8+s18], $0x80, v9, vm0, $0xb8;
	[tilespmem:$0x1CA00] =	vst v63  }
0x1dd: {  	_ = 	snop  }
0x1de: {  	[tilespmem:s17], [sflag:$0x1] =	stream.indirect_vreg.gather [hbm4b:s2+s18], $0x80, v8, vm0, $0xb8;
	[tilespmem:$0x1CA00] =	vst v63  }
0x1df: {  	s21 =	simm.s32 $0xB200;
	s25 =	simm.s32 $0x0  }
0x1e0: {  	[tilespmem:s21], [sflag:$0x1] =	stream.indirect_vreg.gather [hbm4b:s5+s18], $0x80, v8, vm0, $0xb8;
	[tilespmem:$0x1CA00] =	vst v63  }
0x1e1: {  	s23 =	simm.s32 $0xBA00;
	s26 =	sand.u32 $0x1C00, s18;
	s29 =	sand.u32 $0x3FFFFF80, s25  }
0x1e2: {  	[tilespmem:s23], [sflag:$0x1] =	stream.indirect_vreg.gather [hbm4b:s6+s18], $0x80, v8, vm0, $0xb8;
	[tilespmem:$0x1CA00] =	vst v63  }
0x1e3: {  	s24 =	simm.s32 $0xC200;
	s20 =	sadd.s32 s26, s29  }
0x1e4: {  	[tilespmem:s24], [sflag:$0x1] =	stream.indirect_vreg.gather [hbm4b:s8+s18], $0x80, v8, vm0, $0xb8;
	[tilespmem:$0x1CA00] =	vst v63  }
0x1e5: {  	s0 =	sand.u32 $0xFFFFFF80, s25;
	v8 =	vld [tilespmem:s20+$0xCA70]  }
0x1e6: {  	s31 =	sadd.s32 s26, s0;
	v9 =	vld [tilespmem:s20+$0xCA00]  }
0x1e7: {  	v14 =	vld [tilespmem:s31+$0x2A70]  }
0x1e8: {  	v10 =	vld [tilespmem:s20+$0xCA10]  }
0x1e9: {  	v15 =	vld [tilespmem:s20+$0xCA20]  }
0x1ea: {  	v16 =	vld [tilespmem:s20+$0xCA30]  }
0x1eb: {  	v17 =	vld [tilespmem:s20+$0xCA40]  }
0x1ec: {  	v18 =	vld [tilespmem:s20+$0xCA50];
	v8 =	vmul.f32 $3.200000000e+01, v8  }
0x1ed: {  	v21 =	vld [tilespmem:s31+$0x2A00]  }
0x1ee: {  	v19 =	vld [tilespmem:s20+$0xCA60];
	v8 =	vadd.f32 v8, v14  }
0x1ef: {  	v13 =	vld [tilespmem:s31+$0x2A10]  }
0x1f0: {  	v12 =	vld [tilespmem:s31+$0x2A20];
	v9 =	vmul.f32 $3.200000000e+01, v9;
	[tilespmem:s20+$0xCA70] =	vst v8  }
0x1f1: {  	v8 =	vld [tilespmem:s31+$0xEA70]  }
0x1f2: {  	v11 =	vld [tilespmem:s31+$0x2A30];
	v22 =	vadd.f32 v9, v21  }
0x1f3: {  	v20 =	vmul.f32 $3.200000000e+01, v10;
	v10 =	vld [tilespmem:s31+$0x2A40]  }
0x1f4: {  	v9 =	vld [tilespmem:s31+$0x2A50];
	[tilespmem:s20+$0xCA00] =	vst v22  }
0x1f5: {  	v15 =	vmul.f32 $3.200000000e+01, v15;
	v20 =	vadd.f32 v20, v13;
	v22 =	vld [tilespmem:s31+$0xEA00]  }
0x1f6: {  	v23 =	vmul.f32 $3.200000000e+01, v8;
	v8 =	vld [tilespmem:s31+$0x2A60]  }
0x1f7: {  	v16 =	vmul.f32 $3.200000000e+01, v16;
	v15 =	vadd.f32 v15, v12;
	[tilespmem:s20+$0xCA10] =	vst v20  }
0x1f8: {  	v17 =	vmul.f32 $3.200000000e+01, v17;
	v20 =	vld [tilespmem:s31+$0xEA10];
	v23 =	vadd.f32 v23, v14  }
0x1f9: {  	v18 =	vmul.f32 $3.200000000e+01, v18;
	v19 =	vmul.f32 $3.200000000e+01, v19;
	v16 =	vadd.f32 v16, v11;
	[tilespmem:s20+$0xCA20] =	vst v15  }
0x1fa: {  	s19 =	sadd.s32 $0xCA00, s20;
	v17 =	vadd.f32 v17, v10;
	[tilespmem:s31+$0xEA70] =	vst v23;
	v23 =	vld [tilespmem:s31+$0xEA20]  }
0x1fb: {  	[tilespmem:s20+$0xCA30] =	vst v16;
	v18 =	vadd.f32 v18, v9;
	v15 =	vld [tilespmem:s19+$0x6070];
	v16 =	vadd.f32 v19, v8;
	v19 =	vmul.f32 $3.200000000e+01, v22  }
0x1fc: {  	[tilespmem:s20+$0xCA40] =	vst v17;
	v22 =	vld [tilespmem:s31+$0xEA30]  }
0x1fd: {  	v17 =	vld [tilespmem:s31+$0xEA40];
	[tilespmem:s20+$0xCA50] =	vst v18;
	v18 =	vadd.f32 v19, v21;
	v19 =	vmul.f32 $3.200000000e+01, v20  }
0x1fe: {  	v20 =	vld [tilespmem:s31+$0xEA50];
	[tilespmem:s20+$0xCA60] =	vst v16  }
0x1ff: {  	v16 =	vld [tilespmem:s31+$0xEA60];
	[tilespmem:s31+$0xEA00] =	vst v18;
	v18 =	vadd.f32 v19, v13;
	v19 =	vmul.f32 $3.200000000e+01, v23  }
0x200: {  	v23 =	vld [tilespmem:s19+$0x4070];
	v15 =	vmul.f32 $3.200000000e+01, v15  }
0x201: {  	v24 =	vld [tilespmem:s20+$0x10A00];
	v22 =	vmul.f32 $3.200000000e+01, v22;
	[tilespmem:s31+$0xEA10] =	vst v18;
	v18 =	vadd.f32 v19, v12  }
0x202: {  	v17 =	vmul.f32 $3.200000000e+01, v17;
	v25 =	vld [tilespmem:s20+$0x12A00];
	v15 =	vadd.f32 v15, v14  }
0x203: {  	v19 =	vld [tilespmem:s19+$0x4010];
	v22 =	vadd.f32 v22, v11;
	v20 =	vmul.f32 $3.200000000e+01, v20;
	[tilespmem:s31+$0xEA20] =	vst v18  }
0x204: {  	v26 =	vadd.f32 v17, v10;
	v16 =	vmul.f32 $3.200000000e+01, v16;
	[tilespmem:s19+$0x6070] =	vst v15;
	v15 =	vld [tilespmem:s19+$0x6010]  }
0x205: {  	v18 =	vld [tilespmem:s19+$0x4020];
	[tilespmem:s31+$0xEA30] =	vst v22;
	v20 =	vadd.f32 v20, v9;
	v22 =	vmul.f32 $3.200000000e+01, v23  }
0x206: {  	[tilespmem:s31+$0xEA40] =	vst v26;
	v17 =	vld [tilespmem:s19+$0x6020];
	v23 =	vmul.f32 $3.200000000e+01, v24;
	v62 =	vadd.f32 v16, v8  }
0x207: {  	v25 =	vmul.f32 $3.200000000e+01, v25;
	v16 =	vld [tilespmem:s19+$0x4030];
	[tilespmem:s31+$0xEA50] =	vst v20;
	v63 =	vadd.f32 v22, v14  }
0x208: {  	s30 =	simm.s32 $0x4A00;
	s12 =	simm.s32 $0x6A00;
	v14 =	vld [tilespmem:s19+$0x6030];
	v20 =	vadd.f32 v23, v21;
	[tilespmem:s31+$0xEA60] =	vst v62;
	v22 =	vmul.f32 $3.200000000e+01, v19  }
0x209: {  	s16 =	simm.s32 $0x8A00;
	s22 =	simm.s32 $0xAA00;
	s23 =	simm.s32 $0x0;
	v21 =	vadd.f32 v25, v21;
	[tilespmem:s19+$0x4070] =	vst v63;
	v19 =	vmul.f32 $3.200000000e+01, v15;
	v15 =	vld [tilespmem:s19+$0x4040]  }
.LBB2_14:
0x20a: {  	s23 =	sadd.s32 $0x8, s23;
	[tilespmem:s20+$0x10A00] =	vst v20;
	v20 =	vadd.f32 v22, v13;
	v18 =	vmul.f32 $3.200000000e+01, v18;
	v22 =	vld [tilespmem:s19+$0x6040]  }
0x20b: {  	s18 =	sadd.s32 $0x400, s18;
	s0 =	sshll.u32 s23, $0x1;
	p0 =	slt.u32 s23, $0x1F8;
	[tilespmem:s20+$0x12A00] =	vst v21;
	v13 =	vadd.f32 v19, v13;
	v17 =	vmul.f32 $3.200000000e+01, v17;
	v19 =	vld [tilespmem:s19+$0x4050]  }
0x20c: {  	s1 =	sand.u32 $0x1C00, s18;
	s4 =	sand.u32 $0x3FFFFF80, s0;
	[tilespmem:s19+$0x4010] =	vst v20;
	v18 =	vadd.f32 v18, v12;
	v16 =	vmul.f32 $3.200000000e+01, v16;
	v20 =	vld [tilespmem:s19+$0x6050]  }
0x20d: {  	s20 =	sadd.s32 s1, s4;
	[tilespmem:s19+$0x6010] =	vst v13;
	v12 =	vadd.f32 v17, v12;
	v13 =	vmul.f32 $3.200000000e+01, v14;
	v17 =	vld [tilespmem:s19+$0x4060]  }
0x20e: {  	s0 =	sand.u32 $0xFFFFFF80, s0;
	v21 =	vld [tilespmem:s20+$0xCA70];
	[tilespmem:s19+$0x4020] =	vst v18;
	v16 =	vadd.f32 v16, v11;
	v15 =	vmul.f32 $3.200000000e+01, v15  }
0x20f: {  	s24 =	sadd.s32 s1, s0;
	v18 =	vld [tilespmem:s20+$0xCA00];
	[tilespmem:s19+$0x6020] =	vst v12;
	v11 =	vadd.f32 v13, v11;
	v12 =	vmul.f32 $3.200000000e+01, v22  }
0x210: {  	v14 =	vld [tilespmem:s24+$0x2A70];
	[tilespmem:s19+$0x4030] =	vst v16;
	v13 =	vadd.f32 v15, v10;
	v15 =	vmul.f32 $3.200000000e+01, v19  }
0x211: {  	v16 =	vld [tilespmem:s20+$0xCA10];
	[tilespmem:s19+$0x6030] =	vst v11;
	v10 =	vadd.f32 v12, v10;
	v11 =	vmul.f32 $3.200000000e+01, v20  }
0x212: {  	v12 =	vld [tilespmem:s20+$0xCA20];
	[tilespmem:s19+$0x4040] =	vst v13;
	v13 =	vadd.f32 v15, v9;
	v15 =	vmul.f32 $3.200000000e+01, v17  }
0x213: {  	v17 =	vld [tilespmem:s20+$0xCA30];
	v19 =	vmul.f32 $3.200000000e+01, v21;
	[tilespmem:s19+$0x6040] =	vst v10;
	v9 =	vadd.f32 v11, v9  }
0x214: {  	v10 =	vmul.f32 $3.200000000e+01, v18;
	v11 =	vld [tilespmem:s20+$0xCA40];
	[tilespmem:s19+$0x4050] =	vst v13;
	v13 =	vadd.f32 v15, v8  }
0x215: {  	v15 =	vld [tilespmem:s20+$0xCA50];
	v18 =	vadd.f32 v19, v14;
	[tilespmem:s19+$0x6050] =	vst v9  }
0x216: {  	v16 =	vmul.f32 $3.200000000e+01, v16;
	v9 =	vld [tilespmem:s20+$0xCA60];
	[tilespmem:s19+$0x4060] =	vst v13  }
0x217: {  	v19 =	vld [tilespmem:s24+$0x2A00];
	v20 =	vmul.f32 $3.200000000e+01, v12;
	[tilespmem:s20+$0xCA70] =	vst v18  }
0x218: {  	v17 =	vmul.f32 $3.200000000e+01, v17;
	v18 =	vld [tilespmem:s24+$0xEA70]  }
0x219: {  	v13 =	vld [tilespmem:s24+$0x2A10];
	v21 =	vmul.f32 $3.200000000e+01, v11  }
0x21a: {  	v12 =	vld [tilespmem:s24+$0x2A20];
	v15 =	vmul.f32 $3.200000000e+01, v15  }
0x21b: {  	v11 =	vld [tilespmem:s24+$0x2A30];
	v22 =	vmul.f32 $3.200000000e+01, v9  }
0x21c: {  	v23 =	vadd.f32 v10, v19;
	v10 =	vld [tilespmem:s24+$0x2A40]  }
0x21d: {  	v9 =	vld [tilespmem:s24+$0x2A50];
	v18 =	vmul.f32 $3.200000000e+01, v18  }
0x21e: {  	[tilespmem:s20+$0xCA00] =	vst v23;
	v16 =	vadd.f32 v16, v13;
	v23 =	vld [tilespmem:s24+$0x2A60]  }
0x21f: {  	v24 =	vld [tilespmem:s24+$0xEA00];
	v20 =	vadd.f32 v20, v12;
	v18 =	vadd.f32 v18, v14  }
0x220: {  	[tilespmem:s20+$0xCA10] =	vst v16;
	v16 =	vadd.f32 v17, v11;
	v17 =	vld [tilespmem:s19+$0x6060]  }
0x221: {  	s0 =	sadd.s32 $0xCA00, s20;
	v25 =	vld [tilespmem:s24+$0xEA10];
	v21 =	vadd.f32 v21, v10;
	[tilespmem:s24+$0xEA70] =	vst v18  }
0x222: {  	[tilespmem:s20+$0xCA20] =	vst v20;
	v15 =	vadd.f32 v15, v9;
	v18 =	vld [tilespmem:s0+$0x6070]  }
0x223: {  	v20 =	vld [tilespmem:s24+$0xEA20];
	[tilespmem:s20+$0xCA30] =	vst v16;
	v16 =	vadd.f32 v22, v23  }
0x224: {  	v22 =	vmul.f32 $3.200000000e+01, v24;
	v24 =	vld [tilespmem:s24+$0xEA30];
	[tilespmem:s20+$0xCA40] =	vst v21  }
0x225: {  	v21 =	vld [tilespmem:s24+$0xEA40];
	[tilespmem:s20+$0xCA50] =	vst v15;
	v15 =	vmul.f32 $3.200000000e+01, v17  }
0x226: {  	v17 =	vadd.f32 v22, v19;
	v22 =	vmul.f32 $3.200000000e+01, v25;
	v25 =	vld [tilespmem:s24+$0xEA50];
	[tilespmem:s20+$0xCA60] =	vst v16  }
0x227: {  	v16 =	vld [tilespmem:s24+$0xEA60];
	v18 =	vmul.f32 $3.200000000e+01, v18;
	v15 =	vadd.f32 v15, v8;
	v8 =	vmov v23  }
0x228: {  	[tilespmem:s24+$0xEA00] =	vst v17;
	v17 =	vadd.f32 v22, v13;
	v20 =	vmul.f32 $3.200000000e+01, v20;
	v22 =	vld [tilespmem:s0+$0x4070]  }
0x229: {  	v23 =	vld [tilespmem:s20+$0x10A00];
	v24 =	vmul.f32 $3.200000000e+01, v24;
	v18 =	vadd.f32 v18, v14;
	[tilespmem:s19+$0x6060] =	vst v15;
	s19 =	smov.u32 s0  }
0x22a: {  	v15 =	vld [tilespmem:s20+$0x12A00];
	[tilespmem:s24+$0xEA10] =	vst v17;
	v17 =	vadd.f32 v20, v12;
	v20 =	vmul.f32 $3.200000000e+01, v21  }
0x22b: {  	v21 =	vld [tilespmem:s19+$0x4010];
	v24 =	vadd.f32 v24, v11;
	v25 =	vmul.f32 $3.200000000e+01, v25;
	[tilespmem:s19+$0x6070] =	vst v18  }
0x22c: {  	v26 =	vld [tilespmem:s19+$0x6010];
	[tilespmem:s24+$0xEA20] =	vst v17;
	v20 =	vadd.f32 v20, v10;
	v16 =	vmul.f32 $3.200000000e+01, v16  }
.Ltmp9:
0x22d: {  	v18 =	vld [tilespmem:s19+$0x4020];
	[tilespmem:s24+$0xEA30] =	vst v24;
	v24 =	vadd.f32 v25, v9;
	v22 =	vmul.f32 $3.200000000e+01, v22;
	(pc) =	sbr.rel @p0 .LBB2_14-.Ltmp9, $4  }
0x22e: {  	v23 =	vmul.f32 $3.200000000e+01, v23;
	v17 =	vld [tilespmem:s19+$0x6020];
	[tilespmem:s24+$0xEA40] =	vst v20;
	v25 =	vadd.f32 v16, v8  }
0x22f: {  	v15 =	vmul.f32 $3.200000000e+01, v15;
	v16 =	vld [tilespmem:s19+$0x4030];
	[tilespmem:s24+$0xEA50] =	vst v24;
	v24 =	vadd.f32 v22, v14  }
0x230: {  	v20 =	vadd.f32 v23, v19;
	v22 =	vmul.f32 $3.200000000e+01, v21;
	v14 =	vld [tilespmem:s19+$0x6030];
	[tilespmem:s24+$0xEA60] =	vst v25  }
0x231: {  	v21 =	vadd.f32 v15, v19;
	v19 =	vmul.f32 $3.200000000e+01, v26;
	v15 =	vld [tilespmem:s19+$0x4040];
	[tilespmem:s19+$0x4070] =	vst v24  }
0x232: {  	v23 =	vld [tilespmem:s19+$0x4060];
	[tilespmem:s20+$0x10A00] =	vst v20;
	v46 =	vadd.f32 v22, v13;
	v18 =	vmul.f32 $3.200000000e+01, v18  }
0x233: {  	v47 =	vld [tilespmem:s19+$0x6040];
	[tilespmem:s20+$0x12A00] =	vst v21;
	v49 =	vadd.f32 v19, v13;
	v17 =	vmul.f32 $3.200000000e+01, v17  }
0x234: {  	v50 =	vld [tilespmem:s19+$0x4050];
	[tilespmem:s19+$0x4010] =	vst v46;
	v18 =	vadd.f32 v18, v12;
	v16 =	vmul.f32 $3.200000000e+01, v16  }
0x235: {  	v51 =	vld [tilespmem:s19+$0x6050];
	[tilespmem:s19+$0x6010] =	vst v49;
	v52 =	vadd.f32 v17, v12;
	v53 =	vmul.f32 $3.200000000e+01, v14  }
0x236: {  	v54 =	vld [tilespmem:s19+$0x6060];
	[tilespmem:s19+$0x4020] =	vst v18;
	v16 =	vadd.f32 v16, v11;
	v15 =	vmul.f32 $3.200000000e+01, v15  }
0x237: {  	v23 =	vmul.f32 $3.200000000e+01, v23;
	[tilespmem:s19+$0x6020] =	vst v52;
	v55 =	vadd.f32 v53, v11  }
0x238: {  	v56 =	vmul.f32 $3.200000000e+01, v47;
	[tilespmem:s19+$0x4030] =	vst v16;
	v57 =	vadd.f32 v15, v10  }
0x239: {  	v58 =	vmul.f32 $3.200000000e+01, v50;
	v48 =	vadd.f32 v23, v8;
	[tilespmem:s19+$0x6030] =	vst v55  }
0x23a: {  	v60 =	vmul.f32 $3.200000000e+01, v51;
	v59 =	vadd.f32 v56, v10;
	[tilespmem:s19+$0x4040] =	vst v57  }
0x23b: {  	v62 =	vmul.f32 $3.200000000e+01, v54;
	v61 =	vadd.f32 v58, v9;
	[tilespmem:s19+$0x4060] =	vst v48  }
0x23c: {  	v63 =	vadd.f32 v60, v9;
	[tilespmem:s19+$0x6040] =	vst v59  }
0x23d: {  	v8 =	vadd.f32 v62, v8;
	[tilespmem:s19+$0x4050] =	vst v61  }
0x23e: {  	[tilespmem:s19+$0x6050] =	vst v63  }
0x23f: {  	[tilespmem:s19+$0x6060] =	vst v8  }
0x240: {  	s18 =	simm.s32 $0x0;
	s0 =	rddreg [dreg:$0x9]  }
0x241: {  	[hbm4b:s0+s18] =	stream.linear.scatter [tilespmem:s11], [sflag:$0x5], $0x2000, $0x38;
	[tilespmem:$0x1CA00] =	vst v63  }
0x242: {  	s1 =	simm.s32 $0xEA00;
	s24 =	rddreg [dreg:$0xa]  }
0x243: {  	[hbm4b:s24+s18] =	stream.linear.scatter [tilespmem:s1], [sflag:$0x5], $0x2000, $0x38;
	[tilespmem:$0x1CA00] =	vst v63  }
0x244: {  	s26 =	simm.s32 $0x10A00;
	s25 =	rddreg [dreg:$0xb]  }
0x245: {  	[hbm4b:s25+s18] =	stream.linear.scatter [tilespmem:s26], [sflag:$0x5], $0x2000, $0x38;
	[tilespmem:$0x1CA00] =	vst v63  }
0x246: {  	s31 =	simm.s32 $0x12A00;
	s19 =	simm.s32 $0x0;
	s29 =	rddreg [dreg:$0xc]  }
0x247: {  	[hbm4b:s29+s18] =	stream.linear.scatter [tilespmem:s31], [sflag:$0x5], $0x2000, $0x38;
	[tilespmem:$0x1CA00] =	vst v63  }
.LBB2_16:
0x248: {  	s7 =	sshll.u32 s19, $0x5  }
0x249: {  	v8 =	vld [tilespmem:s7+$0x400];
	_ =	sdelay $0x4  }
0x24a: {  	v8 =	vmul.f32 v8, v1;
	_ =	sdelay $0x1  }
0x24b: {  	v9 =	vmul.f32 $3.183098730e-01, v8;
	_ =	sdelay $0x1  }
0x24c: {  	v9 =	vadd.f32 $1.258291200e+07, v9;
	_ =	sdelay $0x1  }
0x24d: {  	v10 =	vadd.f32 $-1.258291200e+07, v9  }
0x24e: {  	v11 =	vld [tilespmem:s7+$0x410]  }
0x24f: {  	v12 =	vmul.f32 $3.141592740e+00, v10;
	_ =	sdelay $0x1  }
0x250: {  	v10 =	vmul.f32 $8.742277650e-08, v10;
	v12 =	vsub.f32 v8, v12  }
0x251: {  	v8 =	vadd.f32 $1.570796370e+00, v8  }
0x252: {  	v11 =	vmul.f32 v11, v1;
	v10 =	vadd.f32 v10, v12  }
0x253: {  	v12 =	vmul.f32 $3.183098730e-01, v8  }
0x254: {  	v14 =	vadd.f32 $1.570796370e+00, v11;
	v13 =	vmul.f32 v10, v10  }
0x255: {  	v15 =	vmul.f32 $3.183098730e-01, v11;
	v12 =	vadd.f32 $1.258291200e+07, v12  }
0x256: {  	v17 =	vmul.f32 $3.183098730e-01, v14;
	v16 =	vmul.f32 $2.755731880e-06, v13  }
0x257: {  	v15 =	vadd.f32 $1.258291200e+07, v15;
	v18 =	vadd.f32 $-1.258291200e+07, v12  }
0x258: {  	v17 =	vadd.f32 $1.258291200e+07, v17;
	v16 =	vadd.f32 $-1.984127010e-04, v16  }
0x259: {  	v20 =	vadd.f32 $-1.258291200e+07, v15;
	v19 =	vmul.f32 $3.141592740e+00, v18  }
0x25a: {  	v21 =	vadd.f32 $-1.258291200e+07, v17;
	v16 =	vmul.f32 v16, v13  }
0x25b: {  	v18 =	vmul.f32 $8.742277650e-08, v18;
	v8 =	vsub.f32 v8, v19;
	v19 =	vmul.f32 $3.141592740e+00, v20  }
0x25c: {  	v22 =	vmul.f32 $3.141592740e+00, v21;
	v16 =	vadd.f32 $8.333333770e-03, v16  }
0x25d: {  	v18 =	vadd.f32 v18, v8;
	v8 =	vsub.f32 v11, v19;
	v11 =	vmul.f32 $8.742277650e-08, v20  }
0x25e: {  	v14 =	vsub.f32 v14, v22;
	v19 =	vmul.f32 $8.742277650e-08, v21  }
0x25f: {  	v16 =	vmul.f32 v16, v13;
	v20 =	vmul.f32 v18, v18;
	v11 =	vadd.f32 v11, v8  }
0x260: {  	v14 =	vadd.f32 v19, v14  }
0x261: {  	v8 =	vadd.f32 $-1.666666720e-01, v16;
	v16 =	vmul.f32 $2.755731880e-06, v20;
	v19 =	vmul.f32 v11, v11  }
0x262: {  	v9 =	vtrunc.f32 v9;
	v21 =	vmul.f32 v14, v14  }
0x263: {  	v8 =	vmul.f32 v8, v13;
	v13 =	vadd.f32 $-1.984127010e-04, v16;
	v16 =	vmul.f32 $2.755731880e-06, v19  }
0x264: {  	v15 =	vtrunc.f32 v15;
	v22 =	vmul.f32 $2.755731880e-06, v21  }
0x265: {  	v9 =	vcvt.f32.s32 v9;
	v13 =	vmul.f32 v13, v20;
	v16 =	vadd.f32 $-1.984127010e-04, v16  }
0x266: {  	v15 =	vcvt.f32.s32 v15;
	v8 =	vmul.f32 v8, v10;
	v22 =	vadd.f32 $-1.984127010e-04, v22  }
0x267: {  	v9 =	vand.u32 $0x1, v9;
	v13 =	vadd.f32 $8.333333770e-03, v13;
	v16 =	vmul.f32 v16, v19  }
0x268: {  	v23 =	vadd.f32 v8, v10;
	v8 =	vcvt.s32.f32 v9;
	v9 =	vmul.f32 v22, v21  }
0x269: {  	v15 =	vand.u32 $0x1, v15;
	v10 =	vmul.f32 v13, v20;
	v13 =	vadd.f32 $8.333333770e-03, v16  }
0x26a: {  	v15 =	vcvt.s32.f32 v15;
	v12 =	vtrunc.f32 v12;
	v9 =	vadd.f32 $8.333333770e-03, v9  }
0x26b: {  	v12 =	vcvt.f32.s32 v12;
	v13 =	vmul.f32 v13, v19  }
0x26c: {  	v15 =	vadd.f32 v15, v15;
	v16 =	vtrunc.f32 v17;
	v9 =	vmul.f32 v9, v21  }
0x26d: {  	v12 =	vand.u32 $0x1, v12;
	v16 =	vcvt.f32.s32 v16;
	v13 =	vadd.f32 $-1.666666720e-01, v13  }
0x26e: {  	v12 =	vcvt.s32.f32 v12;
	v8 =	vadd.f32 v8, v8;
	v9 =	vadd.f32 $-1.666666720e-01, v9  }
0x26f: {  	v10 =	vadd.f32 $-1.666666720e-01, v10;
	v16 =	vand.u32 $0x1, v16;
	v13 =	vmul.f32 v13, v19  }
0x270: {  	v17 =	vsub.f32 $1.000000000e+00, v8;
	v8 =	vmul.f32 v9, v21;
	v9 =	vcvt.s32.f32 v16  }
0x271: {  	v12 =	vadd.f32 v12, v12;
	v10 =	vmul.f32 v10, v20;
	v13 =	vmul.f32 v13, v11  }
0x272: {  	v15 =	vsub.f32 $1.000000000e+00, v15;
	v16 =	vmul.f32 v8, v14;
	v19 =	vadd.f32 v9, v9;
	v8 =	vld [tilespmem:s7+$0x610]  }
0x273: {  	v20 =	vsub.f32 $1.000000000e+00, v12;
	v10 =	vmul.f32 v10, v18;
	v9 =	vld [tilespmem:s7+$0x810];
	v13 =	vadd.f32 v13, v11  }
0x274: {  	v12 =	vld [tilespmem:s7+$0x600];
	v16 =	vadd.f32 v16, v14;
	v19 =	vsub.f32 $1.000000000e+00, v19  }
0x275: {  	s24 =	sshll.u32 s19, $0x8;
	s4 =	sand.u32 $0x2000, s18;
	v18 =	vadd.f32 v10, v18;
	v11 =	vld [tilespmem:s7+$0x800]  }
0x276: {  	s29 =	simm.s32 $0x400;
	s17 =	simm.s32 $0x800;
	s0 =	sor.u32 $0x10, s7;
	v14 =	vmul.f32 v13, v15;
	v10 =	vmul.f32 v16, v19  }
0x277: {  	s20 =	sand.u32 $0x60, s7;
	s1 =	sor.u32 $0x210, s7;
	s26 =	sand.u32 $0xC00, s24;
	v16 =	vmul.f32 v23, v17;
	v13 =	vmul.f32 v18, v20  }
0x278: {  	s25 =	sshll.u32 s1, $0x3;
	s7 =	sand.u32 $0x70, s1;
	s1 =	sor.u32 $0xA00, s4;
	v15 =	vmul.f32 v10, v8;
	v17 =	vmul.f32 v14, v9  }
0x279: {  	s23 =	sand.u32 $0x70, s0;
	s24 =	sand.u32 $0x1C00, s25;
	s4 =	sadd.s32 s26, s1;
	v21 =	vmul.f32 v10, v9;
	v23 =	vmul.f32 v13, v12  }
0x27a: {  	s25 =	sand.u32 $0x380, s18;
	s0 =	sadd.s32 s24, s1;
	s21 =	sadd.s32 s20, s4;
	v24 =	vmul.f32 v14, v8;
	v22 =	vmul.f32 v16, v11;
	v15 =	vsub.f32 v15, v17  }
0x27b: {  	s1 =	sadd.s32 s23, s4;
	s0 =	sadd.s32 s7, s0;
	s31 =	sadd.s32 s25, s21;
	v19 =	vmul.f32 v16, v12;
	v20 =	vmul.f32 v13, v11  }
0x27c: {  	s0 =	sadd.s32 s25, s0;
	s21 =	sadd.s32 s25, s1;
	s1 =	simm.s32 $0x0;
	[tilespmem:s31+$0x0] =	vst v16;
	v17 =	vadd.f32 v21, v24;
	v16 =	vsub.f32 v23, v22;
	v18 =	vmul.f32 v15, v9  }
.LBB2_17:
0x27d: {  	s4 =	sand.u32 $0x2000, s29;
	s1 =	sadd.s32 $0x80, s1  }
0x27e: {  	v21 =	vmul.f32 v15, v8;
	[tilespmem:s21+$0x0] =	vst v14;
	v22 =	vadd.f32 v20, v19;
	s29 =	smov.u32 s17;
	s25 =	sadd.s32 $0x400, s17;
	p0 =	sne.s32 s17, $0x3C00  }
.Ltmp10:
0x27f: {  	s4 =	sor.u32 $0xA00, s4;
	v19 =	vmul.f32 v17, v9;
	[tilespmem:s31+$0x1000] =	vst v13;
	v13 =	vmov v16;
	v14 =	vmov v17;
	(pc) =	sbr.rel @p0 .LBB2_17-.Ltmp10, $4  }
0x280: {  	s17 =	sand.u32 $0x380, s1;
	s21 =	sadd.s32 s26, s4;
	s4 =	sadd.s32 s24, s4;
	v23 =	vmul.f32 v22, v11;
	[tilespmem:s0+$0x0] =	vst v10;
	v10 =	vmov v15  }
0x281: {  	v24 =	vmul.f32 v16, v12;
	v17 =	vmul.f32 v17, v8;
	s0 =	sadd.s32 s20, s21;
	s21 =	sadd.s32 s23, s21;
	s4 =	sadd.s32 s7, s4;
	v15 =	vsub.f32 v21, v19  }
0x282: {  	v20 =	vmul.f32 v16, v11;
	v19 =	vmul.f32 v22, v12;
	s31 =	sadd.s32 s17, s0;
	s0 =	sadd.s32 s17, s4  }
0x283: {  	v17 =	vadd.f32 v18, v17;
	s21 =	sadd.s32 s17, s21;
	v16 =	vsub.f32 v24, v23;
	s17 =	smov.u32 s25;
	[tilespmem:s31+$0x0] =	vst v22;
	v18 =	vmul.f32 v15, v9  }
0x284: {  	s4 =	sand.u32 $0x2000, s29  }
0x285: {  	s4 =	sor.u32 $0xA00, s4  }
0x286: {  	[tilespmem:s21+$0x0] =	vst v14;
	s1 =	sadd.s32 $0x80, s1;
	s19 =	sadd.s32 $0x1, s19;
	s17 =	sadd.s32 s26, s4  }
0x287: {  	v8 =	vadd.f32 v20, v19;
	[tilespmem:s31+$0x1000] =	vst v13;
	s1 =	sand.u32 $0x380, s1;
	p0 =	sne.s32 s19, $0x10;
	s20 =	sadd.s32 s20, s17  }
.Ltmp11:
0x288: {  	[tilespmem:s0+$0x0] =	vst v10;
	s29 =	sadd.s32 s1, s20;
	(pc) =	sbr.rel @p0 .LBB2_16-.Ltmp11, $4  }
0x289: {  	s4 =	sadd.s32 s24, s4;
	s26 =	sadd.s32 s23, s17;
	[tilespmem:s29+$0x0] =	vst v8  }
0x28a: {  	s4 =	sadd.s32 s7, s4;
	s0 =	sadd.s32 s1, s26;
	[tilespmem:s29+$0x1000] =	vst v16  }
0x28b: {  	s31 =	sadd.s32 s1, s4;
	[tilespmem:s0+$0x0] =	vst v17  }
0x28c: {  	[tilespmem:s31+$0x0] =	vst v15  }
0x28d: {  	s0 =	simm.s32 $0x3  }
0x28e: {  	_ =	swait.ge [sflag:s0], $0x8000  }
0x28f: {  	[sflag:s0] =	ssyncset.done $0x0  }
0x290: {  	[sflag:s0] =	ssyncadd.s32 $0xFFFF8000  }
0x291: {  	_ =	swait.ge [sflag:s13], $0x2000  }
0x292: {  	[sflag:s13] =	ssyncset.done $0x0  }
0x293: {  	[sflag:s13] =	ssyncadd.s32 $0xFFFFE000  }
0x294: {  	_ =	swait.ge [sflag:s13], $0x2000  }
0x295: {  	[sflag:s13] =	ssyncset.done $0x0  }
0x296: {  	[sflag:s13] =	ssyncadd.s32 $0xFFFFE000  }
0x297: {  	_ =	swait.ge [sflag:s13], $0x2000  }
0x298: {  	[sflag:s13] =	ssyncset.done $0x0  }
0x299: {  	[sflag:s13] =	ssyncadd.s32 $0xFFFFE000  }
0x29a: {  	_ =	swait.ge [sflag:s13], $0x2000  }
0x29b: {  	[sflag:s13] =	ssyncset.done $0x0  }
0x29c: {  	[sflag:s13] =	ssyncadd.s32 $0xFFFFE000  }
0x29d: {  	v8 =	vld [tilespmem:$0x200];
	_ =	sdelay $0x4  }
0x29e: {  	v9 =	vshll.u32 v8, $0x3  }
0x29f: {  	v8 =	vand.u32 $0x7, v8;
	v9 =	vand.u32 $0xFFFFFFC0, v9  }
0x2a0: {  	v8 =	vor.u32 v8, v9  }
0x2a1: {  	v9 =	vperm.xlane v8, v5;
	_ =	sdelay $0x1  }
0x2a2: {  	v9 =	vadd.s32 v6, v9;
	_ =	sdelay $0x3  }
0x2a3: {  	s18 =	simm.s32 $0x0  }
0x2a4: {  	[tilespmem:s11], [sflag:$0x2] =	stream.indirect_vreg.gather [hbm4b:s2+s18], $0x80, v9, vm0, $0xb8;
	[tilespmem:$0x1CA00] =	vst v63  }
0x2a5: {  	v8 =	vperm.xlane v8, v7;
	s11 =	simm.s32 $0xD200  }
0x2a6: {  	[tilespmem:s11], [sflag:$0x2] =	stream.indirect_vreg.gather [hbm4b:s5+s18], $0x80, v9, vm0, $0xb8;
	[tilespmem:$0x1CA00] =	vst v63  }
0x2a7: {  	s29 =	simm.s32 $0xDA00;
	v8 =	vadd.s32 v6, v8  }
0x2a8: {  	[tilespmem:s29], [sflag:$0x2] =	stream.indirect_vreg.gather [hbm4b:s6+s18], $0x80, v9, vm0, $0xb8;
	[tilespmem:$0x1CA00] =	vst v63  }
0x2a9: {  	s31 =	simm.s32 $0xE200  }
0x2aa: {  	[tilespmem:s31], [sflag:$0x2] =	stream.indirect_vreg.gather [hbm4b:s8+s18], $0x80, v9, vm0, $0xb8;
	[tilespmem:$0x1CA00] =	vst v63  }
0x2ab: {  	s1 =	simm.s32 $0xEA00  }
0x2ac: {  	[tilespmem:s1], [sflag:$0x2] =	stream.indirect_vreg.gather [hbm4b:s2+s18], $0x80, v8, vm0, $0xb8;
	[tilespmem:$0x1CA00] =	vst v63  }
0x2ad: {  	s4 =	simm.s32 $0xF200  }
0x2ae: {  	[tilespmem:s4], [sflag:$0x2] =	stream.indirect_vreg.gather [hbm4b:s5+s18], $0x80, v8, vm0, $0xb8;
	[tilespmem:$0x1CA00] =	vst v63  }
0x2af: {  	s7 =	simm.s32 $0xFA00  }
0x2b0: {  	[tilespmem:s7], [sflag:$0x2] =	stream.indirect_vreg.gather [hbm4b:s6+s18], $0x80, v8, vm0, $0xb8;
	[tilespmem:$0x1CA00] =	vst v63  }
0x2b1: {  	s17 =	simm.s32 $0x10200  }
0x2b2: {  	[tilespmem:s17], [sflag:$0x2] =	stream.indirect_vreg.gather [hbm4b:s8+s18], $0x80, v8, vm0, $0xb8;
	[tilespmem:$0x1CA00] =	vst v63  }
0x2b3: {  	v8 =	vld [tilespmem:$0x210];
	_ =	sdelay $0x4  }
0x2b4: {  	v9 =	vshll.u32 v8, $0x3  }
0x2b5: {  	v8 =	vand.u32 $0x7, v8;
	v9 =	vand.u32 $0xFFFFFFC0, v9  }
0x2b6: {  	v8 =	vor.u32 v8, v9  }
0x2b7: {  	v9 =	vperm.xlane v8, v5;
	_ =	sdelay $0x1  }
0x2b8: {  	v9 =	vadd.s32 v6, v9;
	_ =	sdelay $0x3  }
0x2b9: {  	s19 =	simm.s32 $0x10A00  }
0x2ba: {  	[tilespmem:s19], [sflag:$0x2] =	stream.indirect_vreg.gather [hbm4b:s2+s18], $0x80, v9, vm0, $0xb8;
	[tilespmem:$0x1CA00] =	vst v63  }
0x2bb: {  	s20 =	simm.s32 $0x11200;
	v8 =	vperm.xlane v8, v7  }
0x2bc: {  	[tilespmem:s20], [sflag:$0x2] =	stream.indirect_vreg.gather [hbm4b:s5+s18], $0x80, v9, vm0, $0xb8;
	[tilespmem:$0x1CA00] =	vst v63  }
0x2bd: {  	s21 =	simm.s32 $0x11A00;
	v8 =	vadd.s32 v6, v8  }
0x2be: {  	[tilespmem:s21], [sflag:$0x2] =	stream.indirect_vreg.gather [hbm4b:s6+s18], $0x80, v9, vm0, $0xb8;
	[tilespmem:$0x1CA00] =	vst v63  }
0x2bf: {  	s23 =	simm.s32 $0x12200  }
0x2c0: {  	[tilespmem:s23], [sflag:$0x2] =	stream.indirect_vreg.gather [hbm4b:s8+s18], $0x80, v9, vm0, $0xb8;
	[tilespmem:$0x1CA00] =	vst v63  }
0x2c1: {  	s24 =	simm.s32 $0x12A00  }
0x2c2: {  	[tilespmem:s24], [sflag:$0x2] =	stream.indirect_vreg.gather [hbm4b:s2+s18], $0x80, v8, vm0, $0xb8;
	[tilespmem:$0x1CA00] =	vst v63  }
0x2c3: {  	s25 =	simm.s32 $0x13200;
	s31 =	simm.s32 $0x0  }
0x2c4: {  	[tilespmem:s25], [sflag:$0x2] =	stream.indirect_vreg.gather [hbm4b:s5+s18], $0x80, v8, vm0, $0xb8;
	[tilespmem:$0x1CA00] =	vst v63  }
0x2c5: {  	s26 =	simm.s32 $0x13A00;
	s1 =	sand.u32 $0x1C00, s18;
	s4 =	sand.u32 $0xFFFFFF80, s31  }
0x2c6: {  	[tilespmem:s26], [sflag:$0x2] =	stream.indirect_vreg.gather [hbm4b:s6+s18], $0x80, v8, vm0, $0xb8;
	[tilespmem:$0x1CA00] =	vst v63  }
0x2c7: {  	s29 =	simm.s32 $0x14200;
	s4 =	sadd.s32 s1, s4  }
0x2c8: {  	[tilespmem:s29], [sflag:$0x2] =	stream.indirect_vreg.gather [hbm4b:s8+s18], $0x80, v8, vm0, $0xb8;
	[tilespmem:$0x1CA00] =	vst v63  }
0x2c9: {  	v9 =	vld [tilespmem:s4+$0x14A70]  }
0x2ca: {  	v10 =	vld [tilespmem:s4+$0x14A00]  }
0x2cb: {  	v8 =	vld [tilespmem:s4+$0xA70]  }
0x2cc: {  	v12 =	vld [tilespmem:s4+$0x14A10]  }
0x2cd: {  	v13 =	vld [tilespmem:s4+$0x14A20]  }
0x2ce: {  	v14 =	vld [tilespmem:s4+$0x14A30]  }
0x2cf: {  	v15 =	vld [tilespmem:s4+$0x14A40]  }
0x2d0: {  	v16 =	vld [tilespmem:s4+$0x14A50]  }
0x2d1: {  	v17 =	vld [tilespmem:s4+$0x14A60];
	v9 =	vmul.f32 $3.200000000e+01, v9  }
0x2d2: {  	v18 =	vld [tilespmem:s4+$0xA00]  }
0x2d3: {  	v20 =	vld [tilespmem:s4+$0xA10];
	v9 =	vadd.f32 v9, v8  }
0x2d4: {  	v21 =	vld [tilespmem:s4+$0xA20]  }
0x2d5: {  	s0 =	sand.u32 $0x3FFFFF80, s31;
	v22 =	vld [tilespmem:s4+$0xA30];
	[tilespmem:s4+$0x14A70] =	vst v9;
	v9 =	vmul.f32 $3.200000000e+01, v10  }
0x2d6: {  	s0 =	sadd.s32 s1, s0;
	v11 =	vld [tilespmem:s4+$0xA40]  }
0x2d7: {  	s19 =	sadd.s32 $0x14A00, s0;
	v10 =	vld [tilespmem:s4+$0xA50];
	v9 =	vadd.f32 v9, v18  }
0x2d8: {  	v12 =	vmul.f32 $3.200000000e+01, v12;
	v19 =	vld [tilespmem:s19+$0x6070]  }
0x2d9: {  	v13 =	vmul.f32 $3.200000000e+01, v13;
	[tilespmem:s4+$0x14A00] =	vst v9;
	v9 =	vld [tilespmem:s4+$0xA60]  }
0x2da: {  	v14 =	vmul.f32 $3.200000000e+01, v14;
	v12 =	vadd.f32 v12, v20;
	v23 =	vld [tilespmem:s0+$0x16A00]  }
0x2db: {  	v15 =	vmul.f32 $3.200000000e+01, v15;
	v13 =	vadd.f32 v13, v21;
	v24 =	vld [tilespmem:s0+$0x18A00]  }
0x2dc: {  	v16 =	vmul.f32 $3.200000000e+01, v16;
	[tilespmem:s4+$0x14A10] =	vst v12;
	v12 =	vadd.f32 v14, v22;
	v14 =	vld [tilespmem:s0+$0x1AA00]  }
0x2dd: {  	v17 =	vmul.f32 $3.200000000e+01, v17;
	v15 =	vadd.f32 v15, v11;
	[tilespmem:s4+$0x14A20] =	vst v13;
	v13 =	vld [tilespmem:s19+$0x2010]  }
0x2de: {  	[tilespmem:s4+$0x14A30] =	vst v12;
	v12 =	vld [tilespmem:s19+$0x4010];
	v16 =	vadd.f32 v16, v10;
	v19 =	vmul.f32 $3.200000000e+01, v19  }
0x2df: {  	[tilespmem:s4+$0x14A40] =	vst v15;
	v15 =	vld [tilespmem:s19+$0x6010];
	v17 =	vadd.f32 v17, v9;
	v23 =	vmul.f32 $3.200000000e+01, v23  }
0x2e0: {  	[tilespmem:s4+$0x14A50] =	vst v16;
	v16 =	vld [tilespmem:s19+$0x2020];
	v19 =	vadd.f32 v19, v8;
	v24 =	vmul.f32 $3.200000000e+01, v24  }
0x2e1: {  	v14 =	vmul.f32 $3.200000000e+01, v14;
	[tilespmem:s4+$0x14A60] =	vst v17;
	v17 =	vadd.f32 v23, v18;
	v23 =	vld [tilespmem:s19+$0x4020]  }
0x2e2: {  	v63 =	vld [tilespmem:s19+$0x6020];
	v13 =	vmul.f32 $3.200000000e+01, v13;
	[tilespmem:s19+$0x6070] =	vst v19;
	v19 =	vadd.f32 v24, v18  }
0x2e3: {  	v12 =	vmul.f32 $3.200000000e+01, v12;
	v14 =	vadd.f32 v14, v18;
	[tilespmem:s0+$0x16A00] =	vst v17;
	v17 =	vld [tilespmem:s19+$0x2030]  }
0x2e4: {  	v15 =	vmul.f32 $3.200000000e+01, v15;
	v13 =	vadd.f32 v13, v20;
	v18 =	vld [tilespmem:s19+$0x4030];
	[tilespmem:s0+$0x18A00] =	vst v19  }
0x2e5: {  	v12 =	vadd.f32 v12, v20;
	[tilespmem:s0+$0x1AA00] =	vst v14;
	v14 =	vmul.f32 $3.200000000e+01, v16;
	v19 =	vld [tilespmem:s19+$0x6030]  }
0x2e6: {  	[tilespmem:s19+$0x2010] =	vst v13;
	v13 =	vadd.f32 v15, v20;
	v20 =	vld [tilespmem:s19+$0x2040];
	v15 =	vmul.f32 $3.200000000e+01, v23  }
0x2e7: {  	[tilespmem:s19+$0x4010] =	vst v12;
	v12 =	vadd.f32 v14, v21;
	v14 =	vmul.f32 $3.200000000e+01, v63;
	v23 =	vld [tilespmem:s19+$0x4040]  }
0x2e8: {  	[tilespmem:s19+$0x6010] =	vst v13;
	v16 =	vld [tilespmem:s19+$0x6040];
	v13 =	vadd.f32 v15, v21;
	v17 =	vmul.f32 $3.200000000e+01, v17  }
0x2e9: {  	v18 =	vmul.f32 $3.200000000e+01, v18;
	[tilespmem:s19+$0x2020] =	vst v12;
	v12 =	vadd.f32 v14, v21;
	v15 =	vld [tilespmem:s19+$0x2050]  }
0x2ea: {  	v14 =	vld [tilespmem:s19+$0x4050];
	[tilespmem:s19+$0x4020] =	vst v13;
	v13 =	vadd.f32 v17, v22;
	v17 =	vmul.f32 $3.200000000e+01, v19  }
0x2eb: {  	v20 =	vmul.f32 $3.200000000e+01, v20;
	[tilespmem:s19+$0x6020] =	vst v12;
	v12 =	vld [tilespmem:s19+$0x6050];
	v19 =	vadd.f32 v18, v22  }
0x2ec: {  	s20 =	simm.s32 $0x0;
	v18 =	vmul.f32 $3.200000000e+01, v23;
	[tilespmem:s19+$0x2030] =	vst v13;
	v17 =	vadd.f32 v17, v22;
	v13 =	vld [tilespmem:s19+$0x2060]  }
.LBB2_20:
0x2ed: {  	s20 =	sadd.s32 $0x8, s20;
	[tilespmem:s19+$0x4030] =	vst v19;
	v19 =	vadd.f32 v20, v11;
	v16 =	vmul.f32 $3.200000000e+01, v16;
	v20 =	vld [tilespmem:s19+$0x4060]  }
0x2ee: {  	s18 =	sadd.s32 $0x400, s18;
	s0 =	sshll.u32 s20, $0x1;
	p0 =	slt.u32 s20, $0x1F8;
	[tilespmem:s19+$0x6030] =	vst v17;
	v17 =	vadd.f32 v18, v11;
	v15 =	vmul.f32 $3.200000000e+01, v15;
	v18 =	vld [tilespmem:s19+$0x6060]  }
0x2ef: {  	s1 =	sand.u32 $0x1C00, s18;
	s4 =	sand.u32 $0xFFFFFF80, s0;
	[tilespmem:s19+$0x2040] =	vst v19;
	v11 =	vadd.f32 v16, v11;
	v14 =	vmul.f32 $3.200000000e+01, v14;
	v16 =	vld [tilespmem:s19+$0x2070]  }
0x2f0: {  	s7 =	sadd.s32 s1, s4;
	[tilespmem:s19+$0x4040] =	vst v17;
	v15 =	vadd.f32 v15, v10;
	v12 =	vmul.f32 $3.200000000e+01, v12;
	v17 =	vld [tilespmem:s19+$0x4070]  }
0x2f1: {  	v19 =	vld [tilespmem:s7+$0x14A70];
	[tilespmem:s19+$0x6040] =	vst v11;
	v11 =	vadd.f32 v14, v10;
	v13 =	vmul.f32 $3.200000000e+01, v13  }
0x2f2: {  	v14 =	vld [tilespmem:s7+$0x14A00];
	[tilespmem:s19+$0x2050] =	vst v15;
	v10 =	vadd.f32 v12, v10;
	v12 =	vmul.f32 $3.200000000e+01, v20  }
0x2f3: {  	v15 =	vld [tilespmem:s7+$0xA70];
	[tilespmem:s19+$0x4050] =	vst v11;
	v11 =	vadd.f32 v13, v9;
	v13 =	vmul.f32 $3.200000000e+01, v18  }
0x2f4: {  	v18 =	vld [tilespmem:s7+$0x14A10];
	[tilespmem:s19+$0x6050] =	vst v10;
	v10 =	vadd.f32 v12, v9;
	v12 =	vmul.f32 $3.200000000e+01, v16  }
0x2f5: {  	v16 =	vld [tilespmem:s7+$0x14A20];
	[tilespmem:s19+$0x2060] =	vst v11;
	v9 =	vadd.f32 v13, v9;
	v11 =	vmul.f32 $3.200000000e+01, v17  }
0x2f6: {  	v13 =	vld [tilespmem:s7+$0x14A30];
	v17 =	vmul.f32 $3.200000000e+01, v19;
	[tilespmem:s19+$0x4060] =	vst v10;
	v10 =	vadd.f32 v12, v8  }
0x2f7: {  	v12 =	vmul.f32 $3.200000000e+01, v14;
	v14 =	vld [tilespmem:s7+$0x14A40];
	[tilespmem:s19+$0x6060] =	vst v9;
	v9 =	vadd.f32 v11, v8  }
0x2f8: {  	s0 =	sand.u32 $0x3FFFFF80, s0;
	v11 =	vld [tilespmem:s7+$0x14A50];
	v17 =	vadd.f32 v17, v15;
	[tilespmem:s19+$0x2070] =	vst v10;
	v8 =	vmov v15  }
0x2f9: {  	s23 =	sadd.s32 s1, s0;
	v15 =	vmul.f32 $3.200000000e+01, v18;
	v10 =	vld [tilespmem:s7+$0x14A60];
	[tilespmem:s19+$0x4070] =	vst v9  }
0x2fa: {  	s19 =	sadd.s32 $0x14A00, s23;
	v18 =	vld [tilespmem:s7+$0xA00];
	v16 =	vmul.f32 $3.200000000e+01, v16;
	[tilespmem:s7+$0x14A70] =	vst v17  }
0x2fb: {  	v13 =	vmul.f32 $3.200000000e+01, v13;
	v9 =	vld [tilespmem:s19+$0x6070]  }
0x2fc: {  	v17 =	vld [tilespmem:s7+$0xA10];
	v14 =	vmul.f32 $3.200000000e+01, v14  }
0x2fd: {  	v19 =	vld [tilespmem:s7+$0xA20];
	v20 =	vmul.f32 $3.200000000e+01, v11  }
0x2fe: {  	v21 =	vld [tilespmem:s7+$0xA30];
	v22 =	vmul.f32 $3.200000000e+01, v10  }
0x2ff: {  	v12 =	vadd.f32 v12, v18;
	v11 =	vld [tilespmem:s7+$0xA40]  }
0x300: {  	v10 =	vld [tilespmem:s7+$0xA50];
	v23 =	vmul.f32 $3.200000000e+01, v9  }
0x301: {  	[tilespmem:s7+$0x14A00] =	vst v12;
	v12 =	vadd.f32 v15, v17;
	v9 =	vld [tilespmem:s7+$0xA60]  }
0x302: {  	v15 =	vld [tilespmem:s23+$0x16A00];
	v16 =	vadd.f32 v16, v19;
	v23 =	vadd.f32 v23, v8  }
0x303: {  	v24 =	vld [tilespmem:s23+$0x18A00];
	[tilespmem:s7+$0x14A10] =	vst v12;
	v12 =	vadd.f32 v13, v21  }
0x304: {  	v13 =	vld [tilespmem:s23+$0x1AA00];
	v14 =	vadd.f32 v14, v11;
	[tilespmem:s19+$0x6070] =	vst v23  }
0x305: {  	v23 =	vld [tilespmem:s19+$0x2010];
	[tilespmem:s7+$0x14A20] =	vst v16;
	v16 =	vadd.f32 v20, v10  }
0x306: {  	v20 =	vld [tilespmem:s19+$0x4010];
	[tilespmem:s7+$0x14A30] =	vst v12;
	v12 =	vadd.f32 v22, v9  }
0x307: {  	v15 =	vmul.f32 $3.200000000e+01, v15;
	v22 =	vld [tilespmem:s19+$0x6010];
	[tilespmem:s7+$0x14A40] =	vst v14  }
0x308: {  	v14 =	vmul.f32 $3.200000000e+01, v24;
	v24 =	vld [tilespmem:s19+$0x2020];
	[tilespmem:s7+$0x14A50] =	vst v16  }
0x309: {  	v15 =	vadd.f32 v15, v18;
	v13 =	vmul.f32 $3.200000000e+01, v13;
	v16 =	vld [tilespmem:s19+$0x4020];
	[tilespmem:s7+$0x14A60] =	vst v12  }
0x30a: {  	v12 =	vadd.f32 v14, v18;
	v14 =	vmul.f32 $3.200000000e+01, v23;
	v23 =	vld [tilespmem:s19+$0x6020]  }
0x30b: {  	[tilespmem:s23+$0x16A00] =	vst v15;
	v13 =	vadd.f32 v13, v18;
	v15 =	vmul.f32 $3.200000000e+01, v20;
	v18 =	vld [tilespmem:s19+$0x2030]  }
0x30c: {  	[tilespmem:s23+$0x18A00] =	vst v12;
	v12 =	vadd.f32 v14, v17;
	v14 =	vmul.f32 $3.200000000e+01, v22;
	v20 =	vld [tilespmem:s19+$0x4030]  }
0x30d: {  	[tilespmem:s23+$0x1AA00] =	vst v13;
	v13 =	vadd.f32 v15, v17;
	v15 =	vmul.f32 $3.200000000e+01, v24;
	v22 =	vld [tilespmem:s19+$0x6030]  }
0x30e: {  	[tilespmem:s19+$0x2010] =	vst v12;
	v12 =	vadd.f32 v14, v17;
	v14 =	vmul.f32 $3.200000000e+01, v16;
	v17 =	vld [tilespmem:s19+$0x2040]  }
0x30f: {  	[tilespmem:s19+$0x4010] =	vst v13;
	v13 =	vadd.f32 v15, v19;
	v15 =	vmul.f32 $3.200000000e+01, v23;
	v23 =	vld [tilespmem:s19+$0x4040]  }
.Ltmp12:
0x310: {  	[tilespmem:s19+$0x6010] =	vst v12;
	v12 =	vadd.f32 v14, v19;
	v14 =	vmul.f32 $3.200000000e+01, v18;
	v16 =	vld [tilespmem:s19+$0x6040];
	(pc) =	sbr.rel @p0 .LBB2_20-.Ltmp12, $4  }
0x311: {  	[tilespmem:s19+$0x2020] =	vst v13;
	v13 =	vadd.f32 v15, v19;
	v18 =	vmul.f32 $3.200000000e+01, v20;
	v15 =	vld [tilespmem:s19+$0x2050]  }
0x312: {  	[tilespmem:s19+$0x4020] =	vst v12;
	v24 =	vadd.f32 v14, v21;
	v22 =	vmul.f32 $3.200000000e+01, v22;
	v14 =	vld [tilespmem:s19+$0x4050]  }
0x313: {  	[tilespmem:s19+$0x6020] =	vst v13;
	v19 =	vadd.f32 v18, v21;
	v20 =	vmul.f32 $3.200000000e+01, v17;
	v12 =	vld [tilespmem:s19+$0x6050]  }
0x314: {  	[tilespmem:s19+$0x2030] =	vst v24;
	v17 =	vadd.f32 v22, v21;
	v18 =	vmul.f32 $3.200000000e+01, v23;
	v13 =	vld [tilespmem:s19+$0x2060]  }
0x315: {  	[tilespmem:s19+$0x4030] =	vst v19;
	v19 =	vadd.f32 v20, v11;
	v16 =	vmul.f32 $3.200000000e+01, v16;
	v20 =	vld [tilespmem:s19+$0x4060]  }
0x316: {  	[tilespmem:s19+$0x6030] =	vst v17;
	v17 =	vadd.f32 v18, v11;
	v15 =	vmul.f32 $3.200000000e+01, v15;
	v18 =	vld [tilespmem:s19+$0x6060]  }
0x317: {  	[tilespmem:s19+$0x2040] =	vst v19;
	v11 =	vadd.f32 v16, v11;
	v14 =	vmul.f32 $3.200000000e+01, v14;
	v16 =	vld [tilespmem:s19+$0x2070]  }
0x318: {  	[tilespmem:s19+$0x4040] =	vst v17;
	v15 =	vadd.f32 v15, v10;
	v12 =	vmul.f32 $3.200000000e+01, v12;
	v17 =	vld [tilespmem:s19+$0x4070]  }
0x319: {  	[tilespmem:s19+$0x6040] =	vst v11;
	v11 =	vadd.f32 v14, v10;
	v13 =	vmul.f32 $3.200000000e+01, v13  }
0x31a: {  	[tilespmem:s19+$0x2050] =	vst v15;
	v10 =	vadd.f32 v12, v10;
	v12 =	vmul.f32 $3.200000000e+01, v20  }
0x31b: {  	[tilespmem:s19+$0x4050] =	vst v11;
	v11 =	vadd.f32 v13, v9;
	v13 =	vmul.f32 $3.200000000e+01, v18  }
0x31c: {  	[tilespmem:s19+$0x6050] =	vst v10;
	v10 =	vadd.f32 v12, v9;
	v12 =	vmul.f32 $3.200000000e+01, v16  }
0x31d: {  	[tilespmem:s19+$0x2060] =	vst v11;
	v9 =	vadd.f32 v13, v9;
	v11 =	vmul.f32 $3.200000000e+01, v17  }
0x31e: {  	[tilespmem:s19+$0x4060] =	vst v10;
	v10 =	vadd.f32 v12, v8  }
0x31f: {  	[tilespmem:s19+$0x6060] =	vst v9;
	v8 =	vadd.f32 v11, v8  }
0x320: {  	[tilespmem:s19+$0x2070] =	vst v10  }
0x321: {  	[tilespmem:s19+$0x4070] =	vst v8  }
0x322: {  	s18 =	simm.s32 $0x0;
	s1 =	simm.s32 $0x14A00;
	s0 =	rddreg [dreg:$0xd]  }
0x323: {  	[hbm4b:s0+s18] =	stream.linear.scatter [tilespmem:s1], [sflag:$0x6], $0x2000, $0x38;
	[tilespmem:$0x1CA00] =	vst v63  }
0x324: {  	s4 =	simm.s32 $0x16A00;
	s21 =	rddreg [dreg:$0xe]  }
0x325: {  	[hbm4b:s21+s18] =	stream.linear.scatter [tilespmem:s4], [sflag:$0x6], $0x2000, $0x38;
	[tilespmem:$0x1CA00] =	vst v63  }
0x326: {  	s7 =	simm.s32 $0x18A00;
	s23 =	rddreg [dreg:$0x11]  }
0x327: {  	[hbm4b:s23+s18] =	stream.linear.scatter [tilespmem:s7], [sflag:$0x6], $0x2000, $0x38;
	[tilespmem:$0x1CA00] =	vst v63  }
0x328: {  	s17 =	simm.s32 $0x1AA00;
	s24 =	rddreg [dreg:$0x13]  }
0x329: {  	[hbm4b:s24+s18] =	stream.linear.scatter [tilespmem:s17], [sflag:$0x6], $0x2000, $0x38;
	[tilespmem:$0x1CA00] =	vst v63  }
0x32a: {  	_ =	swait.ge [sflag:s28], $0x8000  }
0x32b: {  	[sflag:s28] =	ssyncset.done $0x0  }
0x32c: {  	[sflag:s28] =	ssyncadd.s32 $0xFFFF8000  }
0x32d: {  	_ =	swait.ge [sflag:s14], $0x2000  }
0x32e: {  	[sflag:s14] =	ssyncset.done $0x0  }
0x32f: {  	[sflag:s14] =	ssyncadd.s32 $0xFFFFE000  }
0x330: {  	_ =	swait.ge [sflag:s14], $0x2000  }
0x331: {  	[sflag:s14] =	ssyncset.done $0x0  }
0x332: {  	[sflag:s14] =	ssyncadd.s32 $0xFFFFE000  }
0x333: {  	_ =	swait.ge [sflag:s14], $0x2000  }
0x334: {  	[sflag:s14] =	ssyncset.done $0x0  }
0x335: {  	[sflag:s14] =	ssyncadd.s32 $0xFFFFE000  }
0x336: {  	_ =	swait.ge [sflag:s14], $0x2000  }
0x337: {  	[sflag:s14] =	ssyncset.done $0x0  }
0x338: {  	[sflag:s14] =	ssyncadd.s32 $0xFFFFE000  }
0x339: {  	v8 =	vld [tilespmem:$0x280];
	_ =	sdelay $0x4  }
0x33a: {  	v9 =	vshll.u32 v8, $0x3  }
0x33b: {  	v8 =	vand.u32 $0x7, v8;
	v9 =	vand.u32 $0xFFFFFFC0, v9  }
0x33c: {  	v8 =	vor.u32 v8, v9  }
0x33d: {  	v9 =	vperm.xlane v8, v5;
	_ =	sdelay $0x1  }
0x33e: {  	v9 =	vadd.s32 v6, v9;
	_ =	sdelay $0x4  }
0x33f: {  	[tilespmem:s1], [sflag:$0x3] =	stream.indirect_vreg.gather [hbm4b:s2+s18], $0x80, v9, vm0, $0xb8;
	[tilespmem:$0x1CA00] =	vst v63  }
0x340: {  	s25 =	simm.s32 $0x15200;
	v8 =	vperm.xlane v8, v7  }
0x341: {  	[tilespmem:s25], [sflag:$0x3] =	stream.indirect_vreg.gather [hbm4b:s5+s18], $0x80, v9, vm0, $0xb8;
	[tilespmem:$0x1CA00] =	vst v63  }
0x342: {  	s26 =	simm.s32 $0x15A00;
	v8 =	vadd.s32 v6, v8  }
0x343: {  	[tilespmem:s26], [sflag:$0x3] =	stream.indirect_vreg.gather [hbm4b:s6+s18], $0x80, v9, vm0, $0xb8;
	[tilespmem:$0x1CA00] =	vst v63  }
0x344: {  	s29 =	simm.s32 $0x16200  }
0x345: {  	[tilespmem:s29], [sflag:$0x3] =	stream.indirect_vreg.gather [hbm4b:s8+s18], $0x80, v9, vm0, $0xb8;
	[tilespmem:$0x1CA00] =	vst v63  }
0x346: {  	_ = 	snop  }
0x347: {  	[tilespmem:s4], [sflag:$0x3] =	stream.indirect_vreg.gather [hbm4b:s2+s18], $0x80, v8, vm0, $0xb8;
	[tilespmem:$0x1CA00] =	vst v63  }
0x348: {  	s31 =	simm.s32 $0x17200  }
0x349: {  	[tilespmem:s31], [sflag:$0x3] =	stream.indirect_vreg.gather [hbm4b:s5+s18], $0x80, v8, vm0, $0xb8;
	[tilespmem:$0x1CA00] =	vst v63  }
0x34a: {  	s1 =	simm.s32 $0x17A00  }
0x34b: {  	[tilespmem:s1], [sflag:$0x3] =	stream.indirect_vreg.gather [hbm4b:s6+s18], $0x80, v8, vm0, $0xb8;
	[tilespmem:$0x1CA00] =	vst v63  }
0x34c: {  	s4 =	simm.s32 $0x18200  }
0x34d: {  	[tilespmem:s4], [sflag:$0x3] =	stream.indirect_vreg.gather [hbm4b:s8+s18], $0x80, v8, vm0, $0xb8;
	[tilespmem:$0x1CA00] =	vst v63  }
0x34e: {  	v8 =	vld [tilespmem:$0x290];
	_ =	sdelay $0x4  }
0x34f: {  	v9 =	vshll.u32 v8, $0x3  }
0x350: {  	v8 =	vand.u32 $0x7, v8;
	v9 =	vand.u32 $0xFFFFFFC0, v9  }
0x351: {  	v8 =	vor.u32 v8, v9  }
0x352: {  	v9 =	vperm.xlane v8, v5;
	_ =	sdelay $0x1  }
0x353: {  	v9 =	vadd.s32 v6, v9;
	_ =	sdelay $0x4  }
0x354: {  	[tilespmem:s7], [sflag:$0x3] =	stream.indirect_vreg.gather [hbm4b:s2+s18], $0x80, v9, vm0, $0xb8;
	[tilespmem:$0x1CA00] =	vst v63  }
0x355: {  	v8 =	vperm.xlane v8, v7;
	s7 =	simm.s32 $0x19200  }
0x356: {  	[tilespmem:s7], [sflag:$0x3] =	stream.indirect_vreg.gather [hbm4b:s5+s18], $0x80, v9, vm0, $0xb8;
	[tilespmem:$0x1CA00] =	vst v63  }
0x357: {  	s19 =	simm.s32 $0x19A00;
	v8 =	vadd.s32 v6, v8  }
0x358: {  	[tilespmem:s19], [sflag:$0x3] =	stream.indirect_vreg.gather [hbm4b:s6+s18], $0x80, v9, vm0, $0xb8;
	[tilespmem:$0x1CA00] =	vst v63  }
0x359: {  	s20 =	simm.s32 $0x1A200  }
0x35a: {  	[tilespmem:s20], [sflag:$0x3] =	stream.indirect_vreg.gather [hbm4b:s8+s18], $0x80, v9, vm0, $0xb8;
	[tilespmem:$0x1CA00] =	vst v63  }
0x35b: {  	_ = 	snop  }
0x35c: {  	[tilespmem:s17], [sflag:$0x3] =	stream.indirect_vreg.gather [hbm4b:s2+s18], $0x80, v8, vm0, $0xb8;
	[tilespmem:$0x1CA00] =	vst v63  }
0x35d: {  	s21 =	simm.s32 $0x1B200;
	s25 =	simm.s32 $0x0  }
0x35e: {  	[tilespmem:s21], [sflag:$0x3] =	stream.indirect_vreg.gather [hbm4b:s5+s18], $0x80, v8, vm0, $0xb8;
	[tilespmem:$0x1CA00] =	vst v63  }
0x35f: {  	s23 =	simm.s32 $0x1BA00;
	s26 =	sand.u32 $0x1C00, s18;
	s29 =	sand.u32 $0x3FFFFF80, s25  }
0x360: {  	[tilespmem:s23], [sflag:$0x3] =	stream.indirect_vreg.gather [hbm4b:s6+s18], $0x80, v8, vm0, $0xb8;
	[tilespmem:$0x1CA00] =	vst v63  }
0x361: {  	s24 =	simm.s32 $0x1C200;
	s19 =	sadd.s32 s26, s29  }
0x362: {  	[tilespmem:s24], [sflag:$0x3] =	stream.indirect_vreg.gather [hbm4b:s8+s18], $0x80, v8, vm0, $0xb8;
	[tilespmem:$0x1CA00] =	vst v63  }
0x363: {  	s0 =	sand.u32 $0xFFFFFF80, s25;
	v8 =	vld [tilespmem:s19+$0x4A70]  }
0x364: {  	s31 =	sadd.s32 s26, s0;
	v9 =	vld [tilespmem:s19+$0x4A00]  }
0x365: {  	v14 =	vld [tilespmem:s31+$0x2A70]  }
0x366: {  	v10 =	vld [tilespmem:s19+$0x4A10]  }
0x367: {  	v15 =	vld [tilespmem:s19+$0x4A20]  }
0x368: {  	v16 =	vld [tilespmem:s19+$0x4A30]  }
0x369: {  	v17 =	vld [tilespmem:s19+$0x4A40]  }
0x36a: {  	v18 =	vld [tilespmem:s19+$0x4A50];
	v8 =	vmul.f32 $3.200000000e+01, v8  }
0x36b: {  	v21 =	vld [tilespmem:s31+$0x2A00]  }
0x36c: {  	v19 =	vld [tilespmem:s19+$0x4A60];
	v8 =	vadd.f32 v8, v14  }
0x36d: {  	v13 =	vld [tilespmem:s31+$0x2A10]  }
0x36e: {  	v12 =	vld [tilespmem:s31+$0x2A20];
	v9 =	vmul.f32 $3.200000000e+01, v9;
	[tilespmem:s19+$0x4A70] =	vst v8  }
0x36f: {  	v8 =	vld [tilespmem:s31+$0x6A70]  }
0x370: {  	v11 =	vld [tilespmem:s31+$0x2A30];
	v22 =	vadd.f32 v9, v21  }
0x371: {  	v20 =	vmul.f32 $3.200000000e+01, v10;
	v10 =	vld [tilespmem:s31+$0x2A40]  }
0x372: {  	v9 =	vld [tilespmem:s31+$0x2A50];
	[tilespmem:s19+$0x4A00] =	vst v22  }
0x373: {  	v15 =	vmul.f32 $3.200000000e+01, v15;
	v20 =	vadd.f32 v20, v13;
	v22 =	vld [tilespmem:s31+$0x6A00]  }
0x374: {  	v23 =	vmul.f32 $3.200000000e+01, v8;
	v8 =	vld [tilespmem:s31+$0x2A60]  }
0x375: {  	v16 =	vmul.f32 $3.200000000e+01, v16;
	v15 =	vadd.f32 v15, v12;
	[tilespmem:s19+$0x4A10] =	vst v20  }
0x376: {  	v17 =	vmul.f32 $3.200000000e+01, v17;
	v20 =	vld [tilespmem:s31+$0x6A10];
	v23 =	vadd.f32 v23, v14  }
0x377: {  	v18 =	vmul.f32 $3.200000000e+01, v18;
	v19 =	vmul.f32 $3.200000000e+01, v19;
	v16 =	vadd.f32 v16, v11;
	[tilespmem:s19+$0x4A20] =	vst v15  }
0x378: {  	v17 =	vadd.f32 v17, v10;
	[tilespmem:s31+$0x6A70] =	vst v23;
	v23 =	vld [tilespmem:s31+$0x6A20]  }
0x379: {  	[tilespmem:s19+$0x4A30] =	vst v16;
	v18 =	vadd.f32 v18, v9;
	v15 =	vld [tilespmem:s19+$0xAA70];
	v16 =	vadd.f32 v19, v8;
	v19 =	vmul.f32 $3.200000000e+01, v22  }
0x37a: {  	[tilespmem:s19+$0x4A40] =	vst v17;
	v22 =	vld [tilespmem:s31+$0x6A30]  }
0x37b: {  	v17 =	vld [tilespmem:s31+$0x6A40];
	[tilespmem:s19+$0x4A50] =	vst v18;
	v18 =	vadd.f32 v19, v21;
	v19 =	vmul.f32 $3.200000000e+01, v20  }
0x37c: {  	v20 =	vld [tilespmem:s31+$0x6A50];
	[tilespmem:s19+$0x4A60] =	vst v16  }
0x37d: {  	v16 =	vld [tilespmem:s31+$0x6A60];
	[tilespmem:s31+$0x6A00] =	vst v18;
	v18 =	vadd.f32 v19, v13;
	v19 =	vmul.f32 $3.200000000e+01, v23  }
0x37e: {  	v23 =	vld [tilespmem:s19+$0x8A70];
	v15 =	vmul.f32 $3.200000000e+01, v15  }
0x37f: {  	v24 =	vld [tilespmem:s19+$0x8A00];
	v22 =	vmul.f32 $3.200000000e+01, v22;
	[tilespmem:s31+$0x6A10] =	vst v18;
	v18 =	vadd.f32 v19, v12  }
0x380: {  	v17 =	vmul.f32 $3.200000000e+01, v17;
	v25 =	vld [tilespmem:s19+$0xAA00];
	v15 =	vadd.f32 v15, v14  }
0x381: {  	v19 =	vld [tilespmem:s19+$0x8A10];
	v22 =	vadd.f32 v22, v11;
	v20 =	vmul.f32 $3.200000000e+01, v20;
	[tilespmem:s31+$0x6A20] =	vst v18  }
0x382: {  	v26 =	vadd.f32 v17, v10;
	v16 =	vmul.f32 $3.200000000e+01, v16;
	[tilespmem:s19+$0xAA70] =	vst v15;
	v15 =	vld [tilespmem:s19+$0xAA10]  }
0x383: {  	v18 =	vld [tilespmem:s19+$0x8A20];
	[tilespmem:s31+$0x6A30] =	vst v22;
	v20 =	vadd.f32 v20, v9;
	v22 =	vmul.f32 $3.200000000e+01, v23  }
0x384: {  	[tilespmem:s31+$0x6A40] =	vst v26;
	v17 =	vld [tilespmem:s19+$0xAA20];
	v23 =	vmul.f32 $3.200000000e+01, v24;
	v62 =	vadd.f32 v16, v8  }
0x385: {  	v25 =	vmul.f32 $3.200000000e+01, v25;
	v16 =	vld [tilespmem:s19+$0x8A30];
	[tilespmem:s31+$0x6A50] =	vst v20;
	v63 =	vadd.f32 v22, v14  }
0x386: {  	v14 =	vld [tilespmem:s19+$0xAA30];
	v20 =	vadd.f32 v23, v21;
	[tilespmem:s31+$0x6A60] =	vst v62;
	v22 =	vmul.f32 $3.200000000e+01, v19  }
0x387: {  	s20 =	simm.s32 $0x0;
	v21 =	vadd.f32 v25, v21;
	[tilespmem:s19+$0x8A70] =	vst v63;
	v19 =	vmul.f32 $3.200000000e+01, v15;
	v15 =	vld [tilespmem:s19+$0x8A40]  }
.LBB2_22:
0x388: {  	s20 =	sadd.s32 $0x8, s20;
	[tilespmem:s19+$0x8A00] =	vst v20;
	v20 =	vadd.f32 v22, v13;
	v18 =	vmul.f32 $3.200000000e+01, v18;
	v22 =	vld [tilespmem:s19+$0xAA40]  }
0x389: {  	s18 =	sadd.s32 $0x400, s18;
	s0 =	sshll.u32 s20, $0x1;
	p0 =	slt.u32 s20, $0x1F8;
	[tilespmem:s19+$0xAA00] =	vst v21;
	v13 =	vadd.f32 v19, v13;
	v17 =	vmul.f32 $3.200000000e+01, v17;
	v19 =	vld [tilespmem:s19+$0x8A50]  }
0x38a: {  	s1 =	sand.u32 $0x1C00, s18;
	s4 =	sand.u32 $0x3FFFFF80, s0;
	[tilespmem:s19+$0x8A10] =	vst v20;
	v18 =	vadd.f32 v18, v12;
	v16 =	vmul.f32 $3.200000000e+01, v16;
	v20 =	vld [tilespmem:s19+$0xAA50]  }
0x38b: {  	s24 =	sadd.s32 s1, s4;
	[tilespmem:s19+$0xAA10] =	vst v13;
	v12 =	vadd.f32 v17, v12;
	v13 =	vmul.f32 $3.200000000e+01, v14;
	v17 =	vld [tilespmem:s19+$0x8A60]  }
0x38c: {  	s0 =	sand.u32 $0xFFFFFF80, s0;
	v21 =	vld [tilespmem:s24+$0x4A70];
	[tilespmem:s19+$0x8A20] =	vst v18;
	v16 =	vadd.f32 v16, v11;
	v15 =	vmul.f32 $3.200000000e+01, v15  }
0x38d: {  	s23 =	sadd.s32 s1, s0;
	v18 =	vld [tilespmem:s24+$0x4A00];
	[tilespmem:s19+$0xAA20] =	vst v12;
	v11 =	vadd.f32 v13, v11;
	v12 =	vmul.f32 $3.200000000e+01, v22  }
0x38e: {  	v14 =	vld [tilespmem:s23+$0x2A70];
	[tilespmem:s19+$0x8A30] =	vst v16;
	v13 =	vadd.f32 v15, v10;
	v15 =	vmul.f32 $3.200000000e+01, v19  }
0x38f: {  	v16 =	vld [tilespmem:s24+$0x4A10];
	[tilespmem:s19+$0xAA30] =	vst v11;
	v10 =	vadd.f32 v12, v10;
	v11 =	vmul.f32 $3.200000000e+01, v20  }
0x390: {  	v12 =	vld [tilespmem:s24+$0x4A20];
	[tilespmem:s19+$0x8A40] =	vst v13;
	v13 =	vadd.f32 v15, v9;
	v15 =	vmul.f32 $3.200000000e+01, v17  }
0x391: {  	v17 =	vld [tilespmem:s24+$0x4A30];
	v19 =	vmul.f32 $3.200000000e+01, v21;
	[tilespmem:s19+$0xAA40] =	vst v10;
	v9 =	vadd.f32 v11, v9  }
0x392: {  	v10 =	vmul.f32 $3.200000000e+01, v18;
	v11 =	vld [tilespmem:s24+$0x4A40];
	[tilespmem:s19+$0x8A50] =	vst v13;
	v13 =	vadd.f32 v15, v8  }
0x393: {  	v15 =	vld [tilespmem:s24+$0x4A50];
	v18 =	vadd.f32 v19, v14;
	[tilespmem:s19+$0xAA50] =	vst v9  }
0x394: {  	v16 =	vmul.f32 $3.200000000e+01, v16;
	v9 =	vld [tilespmem:s24+$0x4A60];
	[tilespmem:s19+$0x8A60] =	vst v13  }
0x395: {  	v19 =	vld [tilespmem:s23+$0x2A00];
	v20 =	vmul.f32 $3.200000000e+01, v12;
	[tilespmem:s24+$0x4A70] =	vst v18  }
0x396: {  	v17 =	vmul.f32 $3.200000000e+01, v17;
	v18 =	vld [tilespmem:s23+$0x6A70]  }
0x397: {  	v13 =	vld [tilespmem:s23+$0x2A10];
	v21 =	vmul.f32 $3.200000000e+01, v11  }
0x398: {  	v12 =	vld [tilespmem:s23+$0x2A20];
	v15 =	vmul.f32 $3.200000000e+01, v15  }
0x399: {  	v11 =	vld [tilespmem:s23+$0x2A30];
	v22 =	vmul.f32 $3.200000000e+01, v9  }
0x39a: {  	v23 =	vadd.f32 v10, v19;
	v10 =	vld [tilespmem:s23+$0x2A40]  }
0x39b: {  	v9 =	vld [tilespmem:s23+$0x2A50];
	v18 =	vmul.f32 $3.200000000e+01, v18  }
0x39c: {  	[tilespmem:s24+$0x4A00] =	vst v23;
	v16 =	vadd.f32 v16, v13;
	v23 =	vld [tilespmem:s23+$0x2A60]  }
0x39d: {  	v24 =	vld [tilespmem:s23+$0x6A00];
	v20 =	vadd.f32 v20, v12;
	v18 =	vadd.f32 v18, v14  }
0x39e: {  	[tilespmem:s24+$0x4A10] =	vst v16;
	v16 =	vadd.f32 v17, v11;
	v17 =	vld [tilespmem:s19+$0xAA60]  }
0x39f: {  	v25 =	vld [tilespmem:s23+$0x6A10];
	v21 =	vadd.f32 v21, v10;
	[tilespmem:s23+$0x6A70] =	vst v18  }
0x3a0: {  	[tilespmem:s24+$0x4A20] =	vst v20;
	v15 =	vadd.f32 v15, v9;
	v18 =	vld [tilespmem:s24+$0xAA70]  }
0x3a1: {  	v20 =	vld [tilespmem:s23+$0x6A20];
	[tilespmem:s24+$0x4A30] =	vst v16;
	v16 =	vadd.f32 v22, v23  }
0x3a2: {  	v22 =	vmul.f32 $3.200000000e+01, v24;
	v24 =	vld [tilespmem:s23+$0x6A30];
	[tilespmem:s24+$0x4A40] =	vst v21  }
0x3a3: {  	v21 =	vld [tilespmem:s23+$0x6A40];
	[tilespmem:s24+$0x4A50] =	vst v15;
	v15 =	vmul.f32 $3.200000000e+01, v17  }
0x3a4: {  	v17 =	vadd.f32 v22, v19;
	v22 =	vmul.f32 $3.200000000e+01, v25;
	v25 =	vld [tilespmem:s23+$0x6A50];
	[tilespmem:s24+$0x4A60] =	vst v16  }
0x3a5: {  	v16 =	vld [tilespmem:s23+$0x6A60];
	v18 =	vmul.f32 $3.200000000e+01, v18;
	v15 =	vadd.f32 v15, v8;
	v8 =	vmov v23  }
0x3a6: {  	[tilespmem:s23+$0x6A00] =	vst v17;
	v17 =	vadd.f32 v22, v13;
	v20 =	vmul.f32 $3.200000000e+01, v20;
	v22 =	vld [tilespmem:s24+$0x8A70]  }
0x3a7: {  	v23 =	vld [tilespmem:s24+$0x8A00];
	v24 =	vmul.f32 $3.200000000e+01, v24;
	v18 =	vadd.f32 v18, v14;
	[tilespmem:s19+$0xAA60] =	vst v15;
	s19 =	smov.u32 s24  }
0x3a8: {  	v15 =	vld [tilespmem:s19+$0xAA00];
	[tilespmem:s23+$0x6A10] =	vst v17;
	v17 =	vadd.f32 v20, v12;
	v20 =	vmul.f32 $3.200000000e+01, v21  }
0x3a9: {  	v21 =	vld [tilespmem:s19+$0x8A10];
	v24 =	vadd.f32 v24, v11;
	v25 =	vmul.f32 $3.200000000e+01, v25;
	[tilespmem:s19+$0xAA70] =	vst v18  }
0x3aa: {  	v26 =	vld [tilespmem:s19+$0xAA10];
	[tilespmem:s23+$0x6A20] =	vst v17;
	v20 =	vadd.f32 v20, v10;
	v16 =	vmul.f32 $3.200000000e+01, v16  }
.Ltmp13:
0x3ab: {  	v18 =	vld [tilespmem:s19+$0x8A20];
	[tilespmem:s23+$0x6A30] =	vst v24;
	v24 =	vadd.f32 v25, v9;
	v22 =	vmul.f32 $3.200000000e+01, v22;
	(pc) =	sbr.rel @p0 .LBB2_22-.Ltmp13, $4  }
0x3ac: {  	v23 =	vmul.f32 $3.200000000e+01, v23;
	v17 =	vld [tilespmem:s19+$0xAA20];
	[tilespmem:s23+$0x6A40] =	vst v20;
	v25 =	vadd.f32 v16, v8  }
0x3ad: {  	v15 =	vmul.f32 $3.200000000e+01, v15;
	v16 =	vld [tilespmem:s19+$0x8A30];
	[tilespmem:s23+$0x6A50] =	vst v24;
	v24 =	vadd.f32 v22, v14  }
0x3ae: {  	v20 =	vadd.f32 v23, v19;
	v22 =	vmul.f32 $3.200000000e+01, v21;
	v14 =	vld [tilespmem:s19+$0xAA30];
	[tilespmem:s23+$0x6A60] =	vst v25  }
0x3af: {  	v21 =	vadd.f32 v15, v19;
	v19 =	vmul.f32 $3.200000000e+01, v26;
	v15 =	vld [tilespmem:s19+$0x8A40];
	[tilespmem:s19+$0x8A70] =	vst v24  }
0x3b0: {  	v23 =	vld [tilespmem:s19+$0x8A60];
	[tilespmem:s19+$0x8A00] =	vst v20;
	v46 =	vadd.f32 v22, v13;
	v18 =	vmul.f32 $3.200000000e+01, v18  }
0x3b1: {  	v47 =	vld [tilespmem:s19+$0xAA40];
	[tilespmem:s19+$0xAA00] =	vst v21;
	v49 =	vadd.f32 v19, v13;
	v17 =	vmul.f32 $3.200000000e+01, v17  }
0x3b2: {  	v50 =	vld [tilespmem:s19+$0x8A50];
	[tilespmem:s19+$0x8A10] =	vst v46;
	v18 =	vadd.f32 v18, v12;
	v16 =	vmul.f32 $3.200000000e+01, v16  }
0x3b3: {  	v51 =	vld [tilespmem:s19+$0xAA50];
	[tilespmem:s19+$0xAA10] =	vst v49;
	v52 =	vadd.f32 v17, v12;
	v53 =	vmul.f32 $3.200000000e+01, v14  }
0x3b4: {  	v54 =	vld [tilespmem:s19+$0xAA60];
	[tilespmem:s19+$0x8A20] =	vst v18;
	v16 =	vadd.f32 v16, v11;
	v15 =	vmul.f32 $3.200000000e+01, v15  }
0x3b5: {  	v23 =	vmul.f32 $3.200000000e+01, v23;
	[tilespmem:s19+$0xAA20] =	vst v52;
	v55 =	vadd.f32 v53, v11  }
0x3b6: {  	v56 =	vmul.f32 $3.200000000e+01, v47;
	[tilespmem:s19+$0x8A30] =	vst v16;
	v57 =	vadd.f32 v15, v10  }
0x3b7: {  	v58 =	vmul.f32 $3.200000000e+01, v50;
	v48 =	vadd.f32 v23, v8;
	[tilespmem:s19+$0xAA30] =	vst v55  }
0x3b8: {  	v60 =	vmul.f32 $3.200000000e+01, v51;
	v59 =	vadd.f32 v56, v10;
	[tilespmem:s19+$0x8A40] =	vst v57  }
0x3b9: {  	v62 =	vmul.f32 $3.200000000e+01, v54;
	v61 =	vadd.f32 v58, v9;
	[tilespmem:s19+$0x8A60] =	vst v48  }
0x3ba: {  	v63 =	vadd.f32 v60, v9;
	[tilespmem:s19+$0xAA40] =	vst v59  }
0x3bb: {  	v8 =	vadd.f32 v62, v8;
	[tilespmem:s19+$0x8A50] =	vst v61  }
0x3bc: {  	[tilespmem:s19+$0xAA50] =	vst v63  }
0x3bd: {  	[tilespmem:s19+$0xAA60] =	vst v8  }
0x3be: {  	s18 =	simm.s32 $0x0;
	s0 =	rddreg [dreg:$0x14]  }
0x3bf: {  	[hbm4b:s0+s18] =	stream.linear.scatter [tilespmem:s30], [sflag:$0x4], $0x2000, $0x38;
	[tilespmem:$0x1CA00] =	vst v63  }
0x3c0: {  	s26 =	rddreg [dreg:$0x15]  }
0x3c1: {  	[hbm4b:s26+s18] =	stream.linear.scatter [tilespmem:s12], [sflag:$0x4], $0x2000, $0x38;
	[tilespmem:$0x1CA00] =	vst v63  }
0x3c2: {  	s29 =	rddreg [dreg:$0x16]  }
0x3c3: {  	[hbm4b:s29+s18] =	stream.linear.scatter [tilespmem:s16], [sflag:$0x4], $0x2000, $0x38;
	[tilespmem:$0x1CA00] =	vst v63  }
0x3c4: {  	s19 =	simm.s32 $0x0;
	s31 =	rddreg [dreg:$0x17]  }
0x3c5: {  	[hbm4b:s31+s18] =	stream.linear.scatter [tilespmem:s22], [sflag:$0x4], $0x2000, $0x38;
	[tilespmem:$0x1CA00] =	vst v63  }
.LBB2_24:
0x3c6: {  	s7 =	sshll.u32 s19, $0x5  }
0x3c7: {  	v8 =	vld [tilespmem:s7+$0x400];
	_ =	sdelay $0x4  }
0x3c8: {  	v8 =	vmul.f32 v8, v2;
	_ =	sdelay $0x1  }
0x3c9: {  	v9 =	vmul.f32 $3.183098730e-01, v8;
	_ =	sdelay $0x1  }
0x3ca: {  	v9 =	vadd.f32 $1.258291200e+07, v9;
	_ =	sdelay $0x1  }
0x3cb: {  	v10 =	vadd.f32 $-1.258291200e+07, v9  }
0x3cc: {  	v11 =	vld [tilespmem:s7+$0x410]  }
0x3cd: {  	v12 =	vmul.f32 $3.141592740e+00, v10;
	_ =	sdelay $0x1  }
0x3ce: {  	v10 =	vmul.f32 $8.742277650e-08, v10;
	v12 =	vsub.f32 v8, v12  }
0x3cf: {  	v8 =	vadd.f32 $1.570796370e+00, v8  }
0x3d0: {  	v11 =	vmul.f32 v11, v2;
	v10 =	vadd.f32 v10, v12  }
0x3d1: {  	v12 =	vmul.f32 $3.183098730e-01, v8  }
0x3d2: {  	v14 =	vadd.f32 $1.570796370e+00, v11;
	v13 =	vmul.f32 v10, v10  }
0x3d3: {  	v15 =	vmul.f32 $3.183098730e-01, v11;
	v12 =	vadd.f32 $1.258291200e+07, v12  }
0x3d4: {  	v17 =	vmul.f32 $3.183098730e-01, v14;
	v16 =	vmul.f32 $2.755731880e-06, v13  }
0x3d5: {  	v15 =	vadd.f32 $1.258291200e+07, v15;
	v18 =	vadd.f32 $-1.258291200e+07, v12  }
0x3d6: {  	v17 =	vadd.f32 $1.258291200e+07, v17;
	v16 =	vadd.f32 $-1.984127010e-04, v16  }
0x3d7: {  	v20 =	vadd.f32 $-1.258291200e+07, v15;
	v19 =	vmul.f32 $3.141592740e+00, v18  }
0x3d8: {  	v21 =	vadd.f32 $-1.258291200e+07, v17;
	v16 =	vmul.f32 v16, v13  }
0x3d9: {  	v18 =	vmul.f32 $8.742277650e-08, v18;
	v8 =	vsub.f32 v8, v19;
	v19 =	vmul.f32 $3.141592740e+00, v20  }
0x3da: {  	v22 =	vmul.f32 $3.141592740e+00, v21;
	v16 =	vadd.f32 $8.333333770e-03, v16  }
0x3db: {  	v18 =	vadd.f32 v18, v8;
	v8 =	vsub.f32 v11, v19;
	v11 =	vmul.f32 $8.742277650e-08, v20  }
0x3dc: {  	v14 =	vsub.f32 v14, v22;
	v19 =	vmul.f32 $8.742277650e-08, v21  }
0x3dd: {  	v16 =	vmul.f32 v16, v13;
	v20 =	vmul.f32 v18, v18;
	v11 =	vadd.f32 v11, v8  }
0x3de: {  	v14 =	vadd.f32 v19, v14  }
0x3df: {  	v8 =	vadd.f32 $-1.666666720e-01, v16;
	v16 =	vmul.f32 $2.755731880e-06, v20;
	v19 =	vmul.f32 v11, v11  }
0x3e0: {  	v9 =	vtrunc.f32 v9;
	v21 =	vmul.f32 v14, v14  }
0x3e1: {  	v8 =	vmul.f32 v8, v13;
	v13 =	vadd.f32 $-1.984127010e-04, v16;
	v16 =	vmul.f32 $2.755731880e-06, v19  }
0x3e2: {  	v15 =	vtrunc.f32 v15;
	v22 =	vmul.f32 $2.755731880e-06, v21  }
0x3e3: {  	v9 =	vcvt.f32.s32 v9;
	v13 =	vmul.f32 v13, v20;
	v16 =	vadd.f32 $-1.984127010e-04, v16  }
0x3e4: {  	v15 =	vcvt.f32.s32 v15;
	v8 =	vmul.f32 v8, v10;
	v22 =	vadd.f32 $-1.984127010e-04, v22  }
0x3e5: {  	v9 =	vand.u32 $0x1, v9;
	v13 =	vadd.f32 $8.333333770e-03, v13;
	v16 =	vmul.f32 v16, v19  }
0x3e6: {  	v23 =	vadd.f32 v8, v10;
	v8 =	vcvt.s32.f32 v9;
	v9 =	vmul.f32 v22, v21  }
0x3e7: {  	v15 =	vand.u32 $0x1, v15;
	v10 =	vmul.f32 v13, v20;
	v13 =	vadd.f32 $8.333333770e-03, v16  }
0x3e8: {  	v15 =	vcvt.s32.f32 v15;
	v12 =	vtrunc.f32 v12;
	v9 =	vadd.f32 $8.333333770e-03, v9  }
0x3e9: {  	v12 =	vcvt.f32.s32 v12;
	v13 =	vmul.f32 v13, v19  }
0x3ea: {  	v15 =	vadd.f32 v15, v15;
	v16 =	vtrunc.f32 v17;
	v9 =	vmul.f32 v9, v21  }
0x3eb: {  	v12 =	vand.u32 $0x1, v12;
	v16 =	vcvt.f32.s32 v16;
	v13 =	vadd.f32 $-1.666666720e-01, v13  }
0x3ec: {  	v12 =	vcvt.s32.f32 v12;
	v8 =	vadd.f32 v8, v8;
	v9 =	vadd.f32 $-1.666666720e-01, v9  }
0x3ed: {  	v10 =	vadd.f32 $-1.666666720e-01, v10;
	v16 =	vand.u32 $0x1, v16;
	v13 =	vmul.f32 v13, v19  }
0x3ee: {  	v17 =	vsub.f32 $1.000000000e+00, v8;
	v8 =	vmul.f32 v9, v21;
	v9 =	vcvt.s32.f32 v16  }
0x3ef: {  	v12 =	vadd.f32 v12, v12;
	v10 =	vmul.f32 v10, v20;
	v13 =	vmul.f32 v13, v11  }
0x3f0: {  	v15 =	vsub.f32 $1.000000000e+00, v15;
	v16 =	vmul.f32 v8, v14;
	v19 =	vadd.f32 v9, v9;
	v8 =	vld [tilespmem:s7+$0x610]  }
0x3f1: {  	v20 =	vsub.f32 $1.000000000e+00, v12;
	v10 =	vmul.f32 v10, v18;
	v9 =	vld [tilespmem:s7+$0x810];
	v13 =	vadd.f32 v13, v11  }
0x3f2: {  	v12 =	vld [tilespmem:s7+$0x600];
	v16 =	vadd.f32 v16, v14;
	v19 =	vsub.f32 $1.000000000e+00, v19  }
0x3f3: {  	s24 =	sshll.u32 s19, $0x8;
	s4 =	sand.u32 $0x2000, s18;
	v18 =	vadd.f32 v10, v18;
	v11 =	vld [tilespmem:s7+$0x800]  }
0x3f4: {  	s29 =	simm.s32 $0x400;
	s17 =	simm.s32 $0x800;
	s0 =	sor.u32 $0x10, s7;
	v14 =	vmul.f32 v13, v15;
	v10 =	vmul.f32 v16, v19  }
0x3f5: {  	s20 =	sand.u32 $0x60, s7;
	s1 =	sor.u32 $0x210, s7;
	s26 =	sand.u32 $0xC00, s24;
	v16 =	vmul.f32 v23, v17;
	v13 =	vmul.f32 v18, v20  }
0x3f6: {  	s25 =	sshll.u32 s1, $0x3;
	s7 =	sand.u32 $0x70, s1;
	s1 =	sor.u32 $0xA00, s4;
	v15 =	vmul.f32 v10, v8;
	v17 =	vmul.f32 v14, v9  }
0x3f7: {  	s23 =	sand.u32 $0x70, s0;
	s24 =	sand.u32 $0x1C00, s25;
	s4 =	sadd.s32 s26, s1;
	v21 =	vmul.f32 v10, v9;
	v23 =	vmul.f32 v13, v12  }
0x3f8: {  	s25 =	sand.u32 $0x380, s18;
	s0 =	sadd.s32 s24, s1;
	s21 =	sadd.s32 s20, s4;
	v24 =	vmul.f32 v14, v8;
	v22 =	vmul.f32 v16, v11;
	v15 =	vsub.f32 v15, v17  }
0x3f9: {  	s1 =	sadd.s32 s23, s4;
	s0 =	sadd.s32 s7, s0;
	s31 =	sadd.s32 s25, s21;
	v19 =	vmul.f32 v16, v12;
	v20 =	vmul.f32 v13, v11  }
0x3fa: {  	s0 =	sadd.s32 s25, s0;
	s21 =	sadd.s32 s25, s1;
	s1 =	simm.s32 $0x0;
	[tilespmem:s31+$0x0] =	vst v16;
	v17 =	vadd.f32 v21, v24;
	v16 =	vsub.f32 v23, v22;
	v18 =	vmul.f32 v15, v9  }
.LBB2_25:
0x3fb: {  	s4 =	sand.u32 $0x2000, s29;
	s1 =	sadd.s32 $0x80, s1  }
0x3fc: {  	v21 =	vmul.f32 v15, v8;
	[tilespmem:s21+$0x0] =	vst v14;
	v22 =	vadd.f32 v20, v19;
	s29 =	smov.u32 s17;
	s25 =	sadd.s32 $0x400, s17;
	p0 =	sne.s32 s17, $0x3C00  }
.Ltmp14:
0x3fd: {  	s4 =	sor.u32 $0xA00, s4;
	v19 =	vmul.f32 v17, v9;
	[tilespmem:s31+$0x1000] =	vst v13;
	v13 =	vmov v16;
	v14 =	vmov v17;
	(pc) =	sbr.rel @p0 .LBB2_25-.Ltmp14, $4  }
0x3fe: {  	s17 =	sand.u32 $0x380, s1;
	s21 =	sadd.s32 s26, s4;
	s4 =	sadd.s32 s24, s4;
	v23 =	vmul.f32 v22, v11;
	[tilespmem:s0+$0x0] =	vst v10;
	v10 =	vmov v15  }
0x3ff: {  	v24 =	vmul.f32 v16, v12;
	v17 =	vmul.f32 v17, v8;
	s0 =	sadd.s32 s20, s21;
	s21 =	sadd.s32 s23, s21;
	s4 =	sadd.s32 s7, s4;
	v15 =	vsub.f32 v21, v19  }
0x400: {  	v20 =	vmul.f32 v16, v11;
	v19 =	vmul.f32 v22, v12;
	s31 =	sadd.s32 s17, s0;
	s0 =	sadd.s32 s17, s4  }
0x401: {  	v17 =	vadd.f32 v18, v17;
	s21 =	sadd.s32 s17, s21;
	v16 =	vsub.f32 v24, v23;
	s17 =	smov.u32 s25;
	[tilespmem:s31+$0x0] =	vst v22;
	v18 =	vmul.f32 v15, v9  }
0x402: {  	s4 =	sand.u32 $0x2000, s29  }
0x403: {  	s4 =	sor.u32 $0xA00, s4  }
0x404: {  	[tilespmem:s21+$0x0] =	vst v14;
	s1 =	sadd.s32 $0x80, s1;
	s19 =	sadd.s32 $0x1, s19;
	s17 =	sadd.s32 s26, s4  }
0x405: {  	v8 =	vadd.f32 v20, v19;
	[tilespmem:s31+$0x1000] =	vst v13;
	s1 =	sand.u32 $0x380, s1;
	p0 =	sne.s32 s19, $0x10;
	s20 =	sadd.s32 s20, s17  }
.Ltmp15:
0x406: {  	[tilespmem:s0+$0x0] =	vst v10;
	s29 =	sadd.s32 s1, s20;
	(pc) =	sbr.rel @p0 .LBB2_24-.Ltmp15, $4  }
0x407: {  	s4 =	sadd.s32 s24, s4;
	s26 =	sadd.s32 s23, s17;
	[tilespmem:s29+$0x0] =	vst v8  }
0x408: {  	s4 =	sadd.s32 s7, s4;
	s0 =	sadd.s32 s1, s26;
	[tilespmem:s29+$0x1000] =	vst v16  }
0x409: {  	s31 =	sadd.s32 s1, s4;
	[tilespmem:s0+$0x0] =	vst v17  }
0x40a: {  	[tilespmem:s31+$0x0] =	vst v15  }
0x40b: {  	_ =	swait.ge [sflag:s9], $0x8000  }
0x40c: {  	[sflag:s9] =	ssyncset.done $0x0  }
0x40d: {  	[sflag:s9] =	ssyncadd.s32 $0xFFFF8000  }
0x40e: {  	_ =	swait.ge [sflag:s10], $0x2000  }
0x40f: {  	[sflag:s10] =	ssyncset.done $0x0  }
0x410: {  	[sflag:s10] =	ssyncadd.s32 $0xFFFFE000  }
0x411: {  	_ =	swait.ge [sflag:s10], $0x2000  }
0x412: {  	[sflag:s10] =	ssyncset.done $0x0  }
0x413: {  	[sflag:s10] =	ssyncadd.s32 $0xFFFFE000  }
0x414: {  	_ =	swait.ge [sflag:s10], $0x2000  }
0x415: {  	[sflag:s10] =	ssyncset.done $0x0  }
0x416: {  	[sflag:s10] =	ssyncadd.s32 $0xFFFFE000  }
0x417: {  	_ =	swait.ge [sflag:s10], $0x2000  }
0x418: {  	[sflag:s10] =	ssyncset.done $0x0  }
0x419: {  	[sflag:s10] =	ssyncadd.s32 $0xFFFFE000  }
0x41a: {  	v8 =	vld [tilespmem:$0x300];
	_ =	sdelay $0x4  }
0x41b: {  	v9 =	vshll.u32 v8, $0x3  }
0x41c: {  	v8 =	vand.u32 $0x7, v8;
	v9 =	vand.u32 $0xFFFFFFC0, v9  }
0x41d: {  	v8 =	vor.u32 v8, v9  }
0x41e: {  	v9 =	vperm.xlane v8, v5;
	_ =	sdelay $0x1  }
0x41f: {  	v9 =	vadd.s32 v6, v9;
	_ =	sdelay $0x3  }
0x420: {  	s18 =	simm.s32 $0x0  }
0x421: {  	[tilespmem:s30], [sflag:$0x1] =	stream.indirect_vreg.gather [hbm4b:s2+s18], $0x80, v9, vm0, $0xb8;
	[tilespmem:$0x1CA00] =	vst v63  }
0x422: {  	s0 =	simm.s32 $0x5200;
	v8 =	vperm.xlane v8, v7  }
0x423: {  	[tilespmem:s0], [sflag:$0x1] =	stream.indirect_vreg.gather [hbm4b:s5+s18], $0x80, v9, vm0, $0xb8;
	[tilespmem:$0x1CA00] =	vst v63  }
0x424: {  	s4 =	simm.s32 $0x5A00;
	v8 =	vadd.s32 v6, v8  }
0x425: {  	[tilespmem:s4], [sflag:$0x1] =	stream.indirect_vreg.gather [hbm4b:s6+s18], $0x80, v9, vm0, $0xb8;
	[tilespmem:$0x1CA00] =	vst v63  }
0x426: {  	s7 =	simm.s32 $0x6200  }
0x427: {  	[tilespmem:s7], [sflag:$0x1] =	stream.indirect_vreg.gather [hbm4b:s8+s18], $0x80, v9, vm0, $0xb8;
	[tilespmem:$0x1CA00] =	vst v63  }
0x428: {  	_ = 	snop  }
0x429: {  	[tilespmem:s12], [sflag:$0x1] =	stream.indirect_vreg.gather [hbm4b:s2+s18], $0x80, v8, vm0, $0xb8;
	[tilespmem:$0x1CA00] =	vst v63  }
0x42a: {  	s17 =	simm.s32 $0x7200  }
0x42b: {  	[tilespmem:s17], [sflag:$0x1] =	stream.indirect_vreg.gather [hbm4b:s5+s18], $0x80, v8, vm0, $0xb8;
	[tilespmem:$0x1CA00] =	vst v63  }
0x42c: {  	s19 =	simm.s32 $0x7A00  }
0x42d: {  	[tilespmem:s19], [sflag:$0x1] =	stream.indirect_vreg.gather [hbm4b:s6+s18], $0x80, v8, vm0, $0xb8;
	[tilespmem:$0x1CA00] =	vst v63  }
0x42e: {  	s20 =	simm.s32 $0x8200  }
0x42f: {  	[tilespmem:s20], [sflag:$0x1] =	stream.indirect_vreg.gather [hbm4b:s8+s18], $0x80, v8, vm0, $0xb8;
	[tilespmem:$0x1CA00] =	vst v63  }
0x430: {  	v8 =	vld [tilespmem:$0x310];
	_ =	sdelay $0x4  }
0x431: {  	v9 =	vshll.u32 v8, $0x3  }
0x432: {  	v8 =	vand.u32 $0x7, v8;
	v9 =	vand.u32 $0xFFFFFFC0, v9  }
0x433: {  	v8 =	vor.u32 v8, v9  }
0x434: {  	v9 =	vperm.xlane v8, v5;
	_ =	sdelay $0x1  }
0x435: {  	v9 =	vadd.s32 v6, v9;
	_ =	sdelay $0x4  }
0x436: {  	[tilespmem:s16], [sflag:$0x1] =	stream.indirect_vreg.gather [hbm4b:s2+s18], $0x80, v9, vm0, $0xb8;
	[tilespmem:$0x1CA00] =	vst v63  }
0x437: {  	s21 =	simm.s32 $0x9200;
	v8 =	vperm.xlane v8, v7  }
0x438: {  	[tilespmem:s21], [sflag:$0x1] =	stream.indirect_vreg.gather [hbm4b:s5+s18], $0x80, v9, vm0, $0xb8;
	[tilespmem:$0x1CA00] =	vst v63  }
0x439: {  	s23 =	simm.s32 $0x9A00;
	v8 =	vadd.s32 v6, v8  }
0x43a: {  	[tilespmem:s23], [sflag:$0x1] =	stream.indirect_vreg.gather [hbm4b:s6+s18], $0x80, v9, vm0, $0xb8;
	[tilespmem:$0x1CA00] =	vst v63  }
0x43b: {  	s24 =	simm.s32 $0xA200  }
0x43c: {  	[tilespmem:s24], [sflag:$0x1] =	stream.indirect_vreg.gather [hbm4b:s8+s18], $0x80, v9, vm0, $0xb8;
	[tilespmem:$0x1CA00] =	vst v63  }
0x43d: {  	_ = 	snop  }
0x43e: {  	[tilespmem:s22], [sflag:$0x1] =	stream.indirect_vreg.gather [hbm4b:s2+s18], $0x80, v8, vm0, $0xb8;
	[tilespmem:$0x1CA00] =	vst v63  }
0x43f: {  	s25 =	simm.s32 $0xB200;
	s31 =	simm.s32 $0x0  }
0x440: {  	[tilespmem:s25], [sflag:$0x1] =	stream.indirect_vreg.gather [hbm4b:s5+s18], $0x80, v8, vm0, $0xb8;
	[tilespmem:$0x1CA00] =	vst v63  }
0x441: {  	s26 =	simm.s32 $0xBA00;
	s1 =	sand.u32 $0x1C00, s18;
	s4 =	sand.u32 $0xFFFFFF80, s31  }
0x442: {  	[tilespmem:s26], [sflag:$0x1] =	stream.indirect_vreg.gather [hbm4b:s6+s18], $0x80, v8, vm0, $0xb8;
	[tilespmem:$0x1CA00] =	vst v63  }
0x443: {  	s29 =	simm.s32 $0xC200;
	s4 =	sadd.s32 s1, s4  }
0x444: {  	[tilespmem:s29], [sflag:$0x1] =	stream.indirect_vreg.gather [hbm4b:s8+s18], $0x80, v8, vm0, $0xb8;
	[tilespmem:$0x1CA00] =	vst v63  }
0x445: {  	v9 =	vld [tilespmem:s4+$0xCA70]  }
0x446: {  	v10 =	vld [tilespmem:s4+$0xCA00]  }
0x447: {  	v8 =	vld [tilespmem:s4+$0xA70]  }
0x448: {  	v12 =	vld [tilespmem:s4+$0xCA10]  }
0x449: {  	v13 =	vld [tilespmem:s4+$0xCA20]  }
0x44a: {  	v14 =	vld [tilespmem:s4+$0xCA30]  }
0x44b: {  	v15 =	vld [tilespmem:s4+$0xCA40];
	v9 =	vmul.f32 $3.200000000e+01, v9  }
0x44c: {  	v16 =	vld [tilespmem:s4+$0xCA50]  }
0x44d: {  	s0 =	sand.u32 $0x3FFFFF80, s31;
	v18 =	vld [tilespmem:s4+$0xA00];
	v9 =	vadd.f32 v9, v8  }
0x44e: {  	s19 =	sadd.s32 s1, s0;
	v17 =	vld [tilespmem:s4+$0xCA60]  }
0x44f: {  	s20 =	sadd.s32 $0xCA00, s19;
	v19 =	vld [tilespmem:s4+$0xA10];
	[tilespmem:s4+$0xCA70] =	vst v9  }
0x450: {  	v10 =	vmul.f32 $3.200000000e+01, v10;
	v9 =	vld [tilespmem:s20+$0x6070]  }
0x451: {  	v20 =	vld [tilespmem:s4+$0xA20]  }
0x452: {  	v21 =	vld [tilespmem:s4+$0xA30];
	v22 =	vadd.f32 v10, v18  }
0x453: {  	v11 =	vld [tilespmem:s4+$0xA40]  }
0x454: {  	v12 =	vmul.f32 $3.200000000e+01, v12;
	v10 =	vld [tilespmem:s4+$0xA50];
	[tilespmem:s4+$0xCA00] =	vst v22  }
0x455: {  	v22 =	vld [tilespmem:s19+$0xEA00];
	v23 =	vmul.f32 $3.200000000e+01, v9  }
0x456: {  	v13 =	vmul.f32 $3.200000000e+01, v13;
	v12 =	vadd.f32 v12, v19;
	v24 =	vld [tilespmem:s19+$0x10A00]  }
0x457: {  	v14 =	vmul.f32 $3.200000000e+01, v14;
	v9 =	vld [tilespmem:s4+$0xA60];
	v23 =	vadd.f32 v23, v8  }
0x458: {  	v15 =	vmul.f32 $3.200000000e+01, v15;
	v13 =	vadd.f32 v13, v20;
	[tilespmem:s4+$0xCA10] =	vst v12;
	v12 =	vld [tilespmem:s19+$0x12A00]  }
0x459: {  	v16 =	vmul.f32 $3.200000000e+01, v16;
	v14 =	vadd.f32 v14, v21;
	[tilespmem:s20+$0x6070] =	vst v23;
	v23 =	vld [tilespmem:s19+$0xEA10]  }
0x45a: {  	v17 =	vmul.f32 $3.200000000e+01, v17;
	v15 =	vadd.f32 v15, v11;
	[tilespmem:s4+$0xCA20] =	vst v13;
	v13 =	vld [tilespmem:s20+$0x4010]  }
0x45b: {  	[tilespmem:s4+$0xCA30] =	vst v14;
	v16 =	vadd.f32 v16, v10;
	v14 =	vmul.f32 $3.200000000e+01, v22;
	v22 =	vld [tilespmem:s20+$0x6010]  }
0x45c: {  	[tilespmem:s4+$0xCA40] =	vst v15;
	v63 =	vld [tilespmem:s19+$0xEA20];
	v15 =	vmul.f32 $3.200000000e+01, v24;
	v17 =	vadd.f32 v17, v9  }
0x45d: {  	[tilespmem:s4+$0xCA50] =	vst v16;
	v16 =	vld [tilespmem:s20+$0x4020];
	v12 =	vmul.f32 $3.200000000e+01, v12;
	v14 =	vadd.f32 v14, v18  }
0x45e: {  	v15 =	vadd.f32 v15, v18;
	[tilespmem:s4+$0xCA60] =	vst v17;
	v17 =	vmul.f32 $3.200000000e+01, v23;
	v23 =	vld [tilespmem:s20+$0x6020]  }
0x45f: {  	v13 =	vmul.f32 $3.200000000e+01, v13;
	v12 =	vadd.f32 v12, v18;
	[tilespmem:s19+$0xEA00] =	vst v14;
	v14 =	vld [tilespmem:s19+$0xEA30]  }
0x460: {  	v18 =	vld [tilespmem:s20+$0x4030];
	[tilespmem:s19+$0x10A00] =	vst v15;
	v15 =	vadd.f32 v17, v19;
	v17 =	vmul.f32 $3.200000000e+01, v22  }
0x461: {  	[tilespmem:s19+$0x12A00] =	vst v12;
	v12 =	vadd.f32 v13, v19;
	v13 =	vmul.f32 $3.200000000e+01, v63;
	v22 =	vld [tilespmem:s20+$0x6030]  }
0x462: {  	v16 =	vmul.f32 $3.200000000e+01, v16;
	[tilespmem:s19+$0xEA10] =	vst v15;
	v15 =	vadd.f32 v17, v19;
	v17 =	vld [tilespmem:s19+$0xEA40]  }
0x463: {  	[tilespmem:s20+$0x4010] =	vst v12;
	v12 =	vadd.f32 v13, v20;
	v13 =	vmul.f32 $3.200000000e+01, v23;
	v23 =	vld [tilespmem:s20+$0x4040]  }
0x464: {  	v14 =	vmul.f32 $3.200000000e+01, v14;
	v19 =	vadd.f32 v16, v20;
	v16 =	vld [tilespmem:s20+$0x6040];
	[tilespmem:s20+$0x6010] =	vst v15  }
0x465: {  	v15 =	vld [tilespmem:s19+$0xEA50];
	[tilespmem:s19+$0xEA20] =	vst v12;
	v12 =	vadd.f32 v13, v20;
	v13 =	vmul.f32 $3.200000000e+01, v18  }
0x466: {  	v18 =	vadd.f32 v14, v21;
	v22 =	vmul.f32 $3.200000000e+01, v22;
	v14 =	vld [tilespmem:s20+$0x4050];
	[tilespmem:s20+$0x4020] =	vst v19  }
0x467: {  	[tilespmem:s20+$0x6020] =	vst v12;
	v19 =	vadd.f32 v13, v21;
	v12 =	vld [tilespmem:s20+$0x6050];
	v20 =	vmul.f32 $3.200000000e+01, v17  }
0x468: {  	s23 =	simm.s32 $0x0;
	[tilespmem:s19+$0xEA30] =	vst v18;
	v17 =	vadd.f32 v22, v21;
	v13 =	vld [tilespmem:s19+$0xEA60];
	v18 =	vmul.f32 $3.200000000e+01, v23  }
.LBB2_28:
0x469: {  	s23 =	sadd.s32 $0x8, s23;
	[tilespmem:s20+$0x4030] =	vst v19;
	v19 =	vadd.f32 v20, v11;
	v16 =	vmul.f32 $3.200000000e+01, v16;
	v20 =	vld [tilespmem:s20+$0x4060]  }
0x46a: {  	s18 =	sadd.s32 $0x400, s18;
	s0 =	sshll.u32 s23, $0x1;
	p0 =	slt.u32 s23, $0x1F8;
	[tilespmem:s20+$0x6030] =	vst v17;
	v17 =	vadd.f32 v18, v11;
	v15 =	vmul.f32 $3.200000000e+01, v15;
	v18 =	vld [tilespmem:s20+$0x6060]  }
0x46b: {  	s1 =	sand.u32 $0x1C00, s18;
	s4 =	sand.u32 $0xFFFFFF80, s0;
	[tilespmem:s19+$0xEA40] =	vst v19;
	v11 =	vadd.f32 v16, v11;
	v14 =	vmul.f32 $3.200000000e+01, v14;
	v16 =	vld [tilespmem:s19+$0xEA70]  }
0x46c: {  	s7 =	sadd.s32 s1, s4;
	[tilespmem:s20+$0x4040] =	vst v17;
	v15 =	vadd.f32 v15, v10;
	v12 =	vmul.f32 $3.200000000e+01, v12;
	v17 =	vld [tilespmem:s20+$0x4070]  }
0x46d: {  	v19 =	vld [tilespmem:s7+$0xCA70];
	[tilespmem:s20+$0x6040] =	vst v11;
	v11 =	vadd.f32 v14, v10;
	v13 =	vmul.f32 $3.200000000e+01, v13  }
0x46e: {  	v14 =	vld [tilespmem:s7+$0xCA00];
	[tilespmem:s19+$0xEA50] =	vst v15;
	v10 =	vadd.f32 v12, v10;
	v12 =	vmul.f32 $3.200000000e+01, v20  }
0x46f: {  	v15 =	vld [tilespmem:s7+$0xA70];
	[tilespmem:s20+$0x4050] =	vst v11;
	v11 =	vadd.f32 v13, v9;
	v13 =	vmul.f32 $3.200000000e+01, v18  }
0x470: {  	v18 =	vld [tilespmem:s7+$0xCA10];
	[tilespmem:s20+$0x6050] =	vst v10;
	v10 =	vadd.f32 v12, v9;
	v12 =	vmul.f32 $3.200000000e+01, v16  }
0x471: {  	v16 =	vld [tilespmem:s7+$0xCA20];
	[tilespmem:s19+$0xEA60] =	vst v11;
	v9 =	vadd.f32 v13, v9;
	v11 =	vmul.f32 $3.200000000e+01, v17  }
0x472: {  	v13 =	vld [tilespmem:s7+$0xCA30];
	v17 =	vmul.f32 $3.200000000e+01, v19;
	[tilespmem:s20+$0x4060] =	vst v10;
	v10 =	vadd.f32 v12, v8  }
0x473: {  	v12 =	vmul.f32 $3.200000000e+01, v14;
	v14 =	vld [tilespmem:s7+$0xCA40];
	[tilespmem:s20+$0x6060] =	vst v9;
	v9 =	vadd.f32 v11, v8  }
0x474: {  	s0 =	sand.u32 $0x3FFFFF80, s0;
	v11 =	vld [tilespmem:s7+$0xCA50];
	v17 =	vadd.f32 v17, v15;
	[tilespmem:s19+$0xEA70] =	vst v10;
	v8 =	vmov v15  }
0x475: {  	s19 =	sadd.s32 s1, s0;
	v15 =	vmul.f32 $3.200000000e+01, v18;
	v10 =	vld [tilespmem:s7+$0xCA60];
	[tilespmem:s20+$0x4070] =	vst v9  }
0x476: {  	s20 =	sadd.s32 $0xCA00, s19;
	v18 =	vld [tilespmem:s7+$0xA00];
	v16 =	vmul.f32 $3.200000000e+01, v16;
	[tilespmem:s7+$0xCA70] =	vst v17  }
0x477: {  	v13 =	vmul.f32 $3.200000000e+01, v13;
	v9 =	vld [tilespmem:s20+$0x6070]  }
0x478: {  	v17 =	vld [tilespmem:s7+$0xA10];
	v14 =	vmul.f32 $3.200000000e+01, v14  }
0x479: {  	v19 =	vld [tilespmem:s7+$0xA20];
	v20 =	vmul.f32 $3.200000000e+01, v11  }
0x47a: {  	v21 =	vld [tilespmem:s7+$0xA30];
	v22 =	vmul.f32 $3.200000000e+01, v10  }
0x47b: {  	v12 =	vadd.f32 v12, v18;
	v11 =	vld [tilespmem:s7+$0xA40]  }
0x47c: {  	v10 =	vld [tilespmem:s7+$0xA50];
	v23 =	vmul.f32 $3.200000000e+01, v9  }
0x47d: {  	[tilespmem:s7+$0xCA00] =	vst v12;
	v12 =	vadd.f32 v15, v17;
	v9 =	vld [tilespmem:s7+$0xA60]  }
0x47e: {  	v15 =	vld [tilespmem:s19+$0xEA00];
	v16 =	vadd.f32 v16, v19;
	v23 =	vadd.f32 v23, v8  }
0x47f: {  	v24 =	vld [tilespmem:s19+$0x10A00];
	[tilespmem:s7+$0xCA10] =	vst v12;
	v12 =	vadd.f32 v13, v21  }
0x480: {  	v13 =	vld [tilespmem:s19+$0x12A00];
	v14 =	vadd.f32 v14, v11;
	[tilespmem:s20+$0x6070] =	vst v23  }
0x481: {  	v23 =	vld [tilespmem:s19+$0xEA10];
	[tilespmem:s7+$0xCA20] =	vst v16;
	v16 =	vadd.f32 v20, v10  }
0x482: {  	v20 =	vld [tilespmem:s20+$0x4010];
	[tilespmem:s7+$0xCA30] =	vst v12;
	v12 =	vadd.f32 v22, v9  }
0x483: {  	v15 =	vmul.f32 $3.200000000e+01, v15;
	v22 =	vld [tilespmem:s20+$0x6010];
	[tilespmem:s7+$0xCA40] =	vst v14  }
0x484: {  	v14 =	vmul.f32 $3.200000000e+01, v24;
	v24 =	vld [tilespmem:s19+$0xEA20];
	[tilespmem:s7+$0xCA50] =	vst v16  }
0x485: {  	v15 =	vadd.f32 v15, v18;
	v13 =	vmul.f32 $3.200000000e+01, v13;
	v16 =	vld [tilespmem:s20+$0x4020];
	[tilespmem:s7+$0xCA60] =	vst v12  }
0x486: {  	v12 =	vadd.f32 v14, v18;
	v14 =	vmul.f32 $3.200000000e+01, v23;
	v23 =	vld [tilespmem:s20+$0x6020]  }
0x487: {  	[tilespmem:s19+$0xEA00] =	vst v15;
	v13 =	vadd.f32 v13, v18;
	v15 =	vmul.f32 $3.200000000e+01, v20;
	v18 =	vld [tilespmem:s19+$0xEA30]  }
0x488: {  	[tilespmem:s19+$0x10A00] =	vst v12;
	v12 =	vadd.f32 v14, v17;
	v14 =	vmul.f32 $3.200000000e+01, v22;
	v20 =	vld [tilespmem:s20+$0x4030]  }
0x489: {  	[tilespmem:s19+$0x12A00] =	vst v13;
	v13 =	vadd.f32 v15, v17;
	v15 =	vmul.f32 $3.200000000e+01, v24;
	v22 =	vld [tilespmem:s20+$0x6030]  }
0x48a: {  	[tilespmem:s19+$0xEA10] =	vst v12;
	v12 =	vadd.f32 v14, v17;
	v14 =	vmul.f32 $3.200000000e+01, v16;
	v17 =	vld [tilespmem:s19+$0xEA40]  }
0x48b: {  	[tilespmem:s20+$0x4010] =	vst v13;
	v13 =	vadd.f32 v15, v19;
	v15 =	vmul.f32 $3.200000000e+01, v23;
	v23 =	vld [tilespmem:s20+$0x4040]  }
.Ltmp16:
0x48c: {  	[tilespmem:s20+$0x6010] =	vst v12;
	v12 =	vadd.f32 v14, v19;
	v14 =	vmul.f32 $3.200000000e+01, v18;
	v16 =	vld [tilespmem:s20+$0x6040];
	(pc) =	sbr.rel @p0 .LBB2_28-.Ltmp16, $4  }
0x48d: {  	[tilespmem:s19+$0xEA20] =	vst v13;
	v13 =	vadd.f32 v15, v19;
	v18 =	vmul.f32 $3.200000000e+01, v20;
	v15 =	vld [tilespmem:s19+$0xEA50]  }
0x48e: {  	[tilespmem:s20+$0x4020] =	vst v12;
	v24 =	vadd.f32 v14, v21;
	v22 =	vmul.f32 $3.200000000e+01, v22;
	v14 =	vld [tilespmem:s20+$0x4050]  }
0x48f: {  	[tilespmem:s20+$0x6020] =	vst v13;
	v19 =	vadd.f32 v18, v21;
	v20 =	vmul.f32 $3.200000000e+01, v17;
	v12 =	vld [tilespmem:s20+$0x6050]  }
0x490: {  	[tilespmem:s19+$0xEA30] =	vst v24;
	v17 =	vadd.f32 v22, v21;
	v18 =	vmul.f32 $3.200000000e+01, v23;
	v13 =	vld [tilespmem:s19+$0xEA60]  }
0x491: {  	[tilespmem:s20+$0x4030] =	vst v19;
	v19 =	vadd.f32 v20, v11;
	v16 =	vmul.f32 $3.200000000e+01, v16;
	v20 =	vld [tilespmem:s20+$0x4060]  }
0x492: {  	[tilespmem:s20+$0x6030] =	vst v17;
	v17 =	vadd.f32 v18, v11;
	v15 =	vmul.f32 $3.200000000e+01, v15;
	v18 =	vld [tilespmem:s20+$0x6060]  }
0x493: {  	[tilespmem:s19+$0xEA40] =	vst v19;
	v11 =	vadd.f32 v16, v11;
	v14 =	vmul.f32 $3.200000000e+01, v14;
	v16 =	vld [tilespmem:s19+$0xEA70]  }
0x494: {  	[tilespmem:s20+$0x4040] =	vst v17;
	v15 =	vadd.f32 v15, v10;
	v12 =	vmul.f32 $3.200000000e+01, v12;
	v17 =	vld [tilespmem:s20+$0x4070]  }
0x495: {  	[tilespmem:s20+$0x6040] =	vst v11;
	v11 =	vadd.f32 v14, v10;
	v13 =	vmul.f32 $3.200000000e+01, v13  }
0x496: {  	[tilespmem:s19+$0xEA50] =	vst v15;
	v10 =	vadd.f32 v12, v10;
	v12 =	vmul.f32 $3.200000000e+01, v20  }
0x497: {  	[tilespmem:s20+$0x4050] =	vst v11;
	v11 =	vadd.f32 v13, v9;
	v13 =	vmul.f32 $3.200000000e+01, v18  }
0x498: {  	[tilespmem:s20+$0x6050] =	vst v10;
	v10 =	vadd.f32 v12, v9;
	v12 =	vmul.f32 $3.200000000e+01, v16  }
0x499: {  	[tilespmem:s19+$0xEA60] =	vst v11;
	v9 =	vadd.f32 v13, v9;
	v11 =	vmul.f32 $3.200000000e+01, v17  }
0x49a: {  	[tilespmem:s20+$0x4060] =	vst v10;
	v10 =	vadd.f32 v12, v8  }
0x49b: {  	[tilespmem:s20+$0x6060] =	vst v9;
	v8 =	vadd.f32 v11, v8  }
0x49c: {  	[tilespmem:s19+$0xEA70] =	vst v10  }
0x49d: {  	[tilespmem:s20+$0x4070] =	vst v8  }
0x49e: {  	s18 =	simm.s32 $0x0;
	s1 =	simm.s32 $0xCA00;
	s0 =	rddreg [dreg:$0xf]  }
0x49f: {  	[hbm4b:s0+s18] =	stream.linear.scatter [tilespmem:s1], [sflag:$0x5], $0x2000, $0x38;
	[tilespmem:$0x1CA00] =	vst v63  }
0x4a0: {  	s4 =	simm.s32 $0xEA00;
	s21 =	rddreg [dreg:$0x18]  }
0x4a1: {  	[hbm4b:s21+s18] =	stream.linear.scatter [tilespmem:s4], [sflag:$0x5], $0x2000, $0x38;
	[tilespmem:$0x1CA00] =	vst v63  }
0x4a2: {  	s7 =	simm.s32 $0x10A00;
	s23 =	rddreg [dreg:$0x19]  }
0x4a3: {  	[hbm4b:s23+s18] =	stream.linear.scatter [tilespmem:s7], [sflag:$0x5], $0x2000, $0x38;
	[tilespmem:$0x1CA00] =	vst v63  }
0x4a4: {  	s17 =	simm.s32 $0x12A00;
	s25 =	simm.s32 $0x3;
	s24 =	rddreg [dreg:$0x1a]  }
0x4a5: {  	[hbm4b:s24+s18] =	stream.linear.scatter [tilespmem:s17], [sflag:$0x5], $0x2000, $0x38;
	[tilespmem:$0x1CA00] =	vst v63  }
0x4a6: {  	_ =	swait.ge [sflag:s25], $0x8000  }
0x4a7: {  	[sflag:s25] =	ssyncset.done $0x0  }
0x4a8: {  	[sflag:s25] =	ssyncadd.s32 $0xFFFF8000  }
0x4a9: {  	_ =	swait.ge [sflag:s13], $0x2000  }
0x4aa: {  	[sflag:s13] =	ssyncset.done $0x0  }
0x4ab: {  	[sflag:s13] =	ssyncadd.s32 $0xFFFFE000  }
0x4ac: {  	_ =	swait.ge [sflag:s13], $0x2000  }
0x4ad: {  	[sflag:s13] =	ssyncset.done $0x0  }
0x4ae: {  	[sflag:s13] =	ssyncadd.s32 $0xFFFFE000  }
0x4af: {  	_ =	swait.ge [sflag:s13], $0x2000  }
0x4b0: {  	[sflag:s13] =	ssyncset.done $0x0  }
0x4b1: {  	[sflag:s13] =	ssyncadd.s32 $0xFFFFE000  }
0x4b2: {  	_ =	swait.ge [sflag:s13], $0x2000  }
0x4b3: {  	[sflag:s13] =	ssyncset.done $0x0  }
0x4b4: {  	[sflag:s13] =	ssyncadd.s32 $0xFFFFE000  }
0x4b5: {  	v8 =	vld [tilespmem:$0x380];
	_ =	sdelay $0x4  }
0x4b6: {  	v9 =	vshll.u32 v8, $0x3  }
0x4b7: {  	v8 =	vand.u32 $0x7, v8;
	v9 =	vand.u32 $0xFFFFFFC0, v9  }
0x4b8: {  	v8 =	vor.u32 v8, v9  }
0x4b9: {  	v9 =	vperm.xlane v8, v5;
	_ =	sdelay $0x1  }
0x4ba: {  	v9 =	vadd.s32 v6, v9;
	_ =	sdelay $0x4  }
0x4bb: {  	[tilespmem:s1], [sflag:$0x2] =	stream.indirect_vreg.gather [hbm4b:s2+s18], $0x80, v9, vm0, $0xb8;
	[tilespmem:$0x1CA00] =	vst v63  }
0x4bc: {  	v8 =	vperm.xlane v8, v7  }
0x4bd: {  	[tilespmem:s11], [sflag:$0x2] =	stream.indirect_vreg.gather [hbm4b:s5+s18], $0x80, v9, vm0, $0xb8;
	[tilespmem:$0x1CA00] =	vst v63  }
0x4be: {  	s26 =	simm.s32 $0xDA00;
	v8 =	vadd.s32 v6, v8  }
0x4bf: {  	[tilespmem:s26], [sflag:$0x2] =	stream.indirect_vreg.gather [hbm4b:s6+s18], $0x80, v9, vm0, $0xb8;
	[tilespmem:$0x1CA00] =	vst v63  }
0x4c0: {  	s29 =	simm.s32 $0xE200  }
0x4c1: {  	[tilespmem:s29], [sflag:$0x2] =	stream.indirect_vreg.gather [hbm4b:s8+s18], $0x80, v9, vm0, $0xb8;
	[tilespmem:$0x1CA00] =	vst v63  }
0x4c2: {  	_ = 	snop  }
0x4c3: {  	[tilespmem:s4], [sflag:$0x2] =	stream.indirect_vreg.gather [hbm4b:s2+s18], $0x80, v8, vm0, $0xb8;
	[tilespmem:$0x1CA00] =	vst v63  }
0x4c4: {  	s31 =	simm.s32 $0xF200  }
0x4c5: {  	[tilespmem:s31], [sflag:$0x2] =	stream.indirect_vreg.gather [hbm4b:s5+s18], $0x80, v8, vm0, $0xb8;
	[tilespmem:$0x1CA00] =	vst v63  }
0x4c6: {  	s1 =	simm.s32 $0xFA00  }
0x4c7: {  	[tilespmem:s1], [sflag:$0x2] =	stream.indirect_vreg.gather [hbm4b:s6+s18], $0x80, v8, vm0, $0xb8;
	[tilespmem:$0x1CA00] =	vst v63  }
0x4c8: {  	s4 =	simm.s32 $0x10200  }
0x4c9: {  	[tilespmem:s4], [sflag:$0x2] =	stream.indirect_vreg.gather [hbm4b:s8+s18], $0x80, v8, vm0, $0xb8;
	[tilespmem:$0x1CA00] =	vst v63  }
0x4ca: {  	v8 =	vld [tilespmem:$0x390];
	_ =	sdelay $0x4  }
0x4cb: {  	v9 =	vshll.u32 v8, $0x3  }
0x4cc: {  	v8 =	vand.u32 $0x7, v8;
	v9 =	vand.u32 $0xFFFFFFC0, v9  }
0x4cd: {  	v8 =	vor.u32 v8, v9  }
0x4ce: {  	v9 =	vperm.xlane v8, v5;
	_ =	sdelay $0x1  }
0x4cf: {  	v9 =	vadd.s32 v6, v9;
	_ =	sdelay $0x4  }
0x4d0: {  	[tilespmem:s7], [sflag:$0x2] =	stream.indirect_vreg.gather [hbm4b:s2+s18], $0x80, v9, vm0, $0xb8;
	[tilespmem:$0x1CA00] =	vst v63  }
0x4d1: {  	v8 =	vperm.xlane v8, v7;
	s7 =	simm.s32 $0x11200  }
0x4d2: {  	[tilespmem:s7], [sflag:$0x2] =	stream.indirect_vreg.gather [hbm4b:s5+s18], $0x80, v9, vm0, $0xb8;
	[tilespmem:$0x1CA00] =	vst v63  }
0x4d3: {  	s19 =	simm.s32 $0x11A00;
	v8 =	vadd.s32 v6, v8  }
0x4d4: {  	[tilespmem:s19], [sflag:$0x2] =	stream.indirect_vreg.gather [hbm4b:s6+s18], $0x80, v9, vm0, $0xb8;
	[tilespmem:$0x1CA00] =	vst v63  }
0x4d5: {  	s20 =	simm.s32 $0x12200  }
0x4d6: {  	[tilespmem:s20], [sflag:$0x2] =	stream.indirect_vreg.gather [hbm4b:s8+s18], $0x80, v9, vm0, $0xb8;
	[tilespmem:$0x1CA00] =	vst v63  }
0x4d7: {  	_ = 	snop  }
0x4d8: {  	[tilespmem:s17], [sflag:$0x2] =	stream.indirect_vreg.gather [hbm4b:s2+s18], $0x80, v8, vm0, $0xb8;
	[tilespmem:$0x1CA00] =	vst v63  }
0x4d9: {  	s21 =	simm.s32 $0x13200;
	s25 =	simm.s32 $0x0  }
0x4da: {  	[tilespmem:s21], [sflag:$0x2] =	stream.indirect_vreg.gather [hbm4b:s5+s18], $0x80, v8, vm0, $0xb8;
	[tilespmem:$0x1CA00] =	vst v63  }
0x4db: {  	s23 =	simm.s32 $0x13A00;
	s26 =	sand.u32 $0x1C00, s18;
	s29 =	sand.u32 $0x3FFFFF80, s25  }
0x4dc: {  	[tilespmem:s23], [sflag:$0x2] =	stream.indirect_vreg.gather [hbm4b:s6+s18], $0x80, v8, vm0, $0xb8;
	[tilespmem:$0x1CA00] =	vst v63  }
0x4dd: {  	s24 =	simm.s32 $0x14200;
	s19 =	sadd.s32 s26, s29  }
0x4de: {  	[tilespmem:s24], [sflag:$0x2] =	stream.indirect_vreg.gather [hbm4b:s8+s18], $0x80, v8, vm0, $0xb8;
	[tilespmem:$0x1CA00] =	vst v63  }
0x4df: {  	s20 =	sadd.s32 $0x14A00, s19;
	v9 =	vld [tilespmem:s19+$0x14A00]  }
0x4e0: {  	s0 =	sand.u32 $0xFFFFFF80, s25;
	v8 =	vld [tilespmem:s20+$0x70]  }
0x4e1: {  	s31 =	sadd.s32 s26, s0;
	v10 =	vld [tilespmem:s20+$0x10]  }
0x4e2: {  	v15 =	vld [tilespmem:s31+$0x2A70]  }
0x4e3: {  	v16 =	vld [tilespmem:s20+$0x20]  }
0x4e4: {  	v17 =	vld [tilespmem:s20+$0x30]  }
0x4e5: {  	v18 =	vld [tilespmem:s20+$0x40];
	v8 =	vmul.f32 $3.200000000e+01, v8  }
0x4e6: {  	v19 =	vld [tilespmem:s20+$0x50]  }
0x4e7: {  	v14 =	vld [tilespmem:s31+$0x2A10];
	v11 =	vadd.f32 v8, v15  }
0x4e8: {  	v8 =	vld [tilespmem:s31+$0x2A00]  }
0x4e9: {  	v20 =	vld [tilespmem:s20+$0x60];
	[tilespmem:s20+$0x70] =	vst v11  }
0x4ea: {  	v21 =	vld [tilespmem:s31+$0x16A70]  }
0x4eb: {  	v13 =	vld [tilespmem:s31+$0x2A20];
	v9 =	vmul.f32 $3.200000000e+01, v9;
	v10 =	vmul.f32 $3.200000000e+01, v10  }
0x4ec: {  	v12 =	vld [tilespmem:s31+$0x2A30]  }
0x4ed: {  	v22 =	vadd.f32 v10, v14;
	v10 =	vld [tilespmem:s31+$0x2A50];
	v9 =	vadd.f32 v9, v8  }
0x4ee: {  	v16 =	vmul.f32 $3.200000000e+01, v16;
	v11 =	vld [tilespmem:s31+$0x2A40]  }
0x4ef: {  	[tilespmem:s19+$0x14A00] =	vst v9;
	v9 =	vld [tilespmem:s31+$0x2A60];
	v21 =	vmul.f32 $3.200000000e+01, v21  }
0x4f0: {  	v17 =	vmul.f32 $3.200000000e+01, v17;
	v16 =	vadd.f32 v16, v13;
	[tilespmem:s20+$0x10] =	vst v22;
	v23 =	vld [tilespmem:s31+$0x16A00]  }
0x4f1: {  	v18 =	vmul.f32 $3.200000000e+01, v18;
	v22 =	vld [tilespmem:s31+$0x16A10];
	v21 =	vadd.f32 v21, v15  }
0x4f2: {  	v19 =	vmul.f32 $3.200000000e+01, v19;
	v17 =	vadd.f32 v17, v12;
	[tilespmem:s20+$0x20] =	vst v16  }
0x4f3: {  	v16 =	vmul.f32 $3.200000000e+01, v20;
	v20 =	vld [tilespmem:s31+$0x16A20];
	v18 =	vadd.f32 v18, v11;
	[tilespmem:s31+$0x16A70] =	vst v21  }
0x4f4: {  	[tilespmem:s20+$0x30] =	vst v17;
	v19 =	vadd.f32 v19, v10;
	v17 =	vld [tilespmem:s20+$0x6070]  }
0x4f5: {  	[tilespmem:s20+$0x40] =	vst v18;
	v16 =	vadd.f32 v16, v9;
	v21 =	vmul.f32 $3.200000000e+01, v23;
	v23 =	vld [tilespmem:s31+$0x16A30]  }
0x4f6: {  	[tilespmem:s20+$0x50] =	vst v19;
	v18 =	vmul.f32 $3.200000000e+01, v22;
	v22 =	vld [tilespmem:s31+$0x16A40]  }
0x4f7: {  	[tilespmem:s20+$0x60] =	vst v16;
	v19 =	vadd.f32 v21, v8;
	v21 =	vld [tilespmem:s31+$0x16A50]  }
0x4f8: {  	v16 =	vadd.f32 v18, v14;
	v18 =	vmul.f32 $3.200000000e+01, v20;
	v20 =	vld [tilespmem:s31+$0x16A60]  }
0x4f9: {  	[tilespmem:s31+$0x16A00] =	vst v19;
	v19 =	vld [tilespmem:s20+$0x4070];
	v17 =	vmul.f32 $3.200000000e+01, v17  }
0x4fa: {  	[tilespmem:s31+$0x16A10] =	vst v16;
	v16 =	vadd.f32 v18, v13;
	v24 =	vld [tilespmem:s19+$0x18A00];
	v18 =	vmul.f32 $3.200000000e+01, v23  }
0x4fb: {  	v22 =	vmul.f32 $3.200000000e+01, v22;
	v23 =	vld [tilespmem:s20+$0x4010];
	v17 =	vadd.f32 v17, v15  }
0x4fc: {  	v25 =	vld [tilespmem:s20+$0x6010];
	[tilespmem:s31+$0x16A20] =	vst v16;
	v16 =	vadd.f32 v18, v12;
	v21 =	vmul.f32 $3.200000000e+01, v21  }
0x4fd: {  	v22 =	vadd.f32 v22, v11;
	v26 =	vld [tilespmem:s20+$0x4020];
	v20 =	vmul.f32 $3.200000000e+01, v20;
	[tilespmem:s20+$0x6070] =	vst v17  }
0x4fe: {  	v18 =	vld [tilespmem:s20+$0x6020];
	[tilespmem:s31+$0x16A30] =	vst v16;
	v17 =	vadd.f32 v21, v10;
	v21 =	vmul.f32 $3.200000000e+01, v19  }
0x4ff: {  	[tilespmem:s31+$0x16A40] =	vst v22;
	v20 =	vadd.f32 v20, v9;
	v24 =	vmul.f32 $3.200000000e+01, v24;
	v19 =	vld [tilespmem:s20+$0x4030]  }
0x500: {  	v27 =	vmul.f32 $3.200000000e+01, v23;
	v16 =	vld [tilespmem:s20+$0x6030];
	[tilespmem:s31+$0x16A50] =	vst v17;
	v28 =	vadd.f32 v21, v15  }
0x501: {  	v23 =	vmul.f32 $3.200000000e+01, v25;
	v15 =	vld [tilespmem:s20+$0x4040];
	[tilespmem:s31+$0x16A60] =	vst v20;
	v22 =	vadd.f32 v24, v8  }
0x502: {  	s23 =	simm.s32 $0x0;
	v21 =	vmul.f32 $3.200000000e+01, v26;
	v17 =	vld [tilespmem:s20+$0x6040];
	v20 =	vadd.f32 v27, v14;
	[tilespmem:s20+$0x4070] =	vst v28  }
.LBB2_30:
0x503: {  	s23 =	sadd.s32 $0x8, s23;
	[tilespmem:s19+$0x18A00] =	vst v22;
	v14 =	vadd.f32 v23, v14;
	v18 =	vmul.f32 $3.200000000e+01, v18;
	v22 =	vld [tilespmem:s20+$0x4050]  }
0x504: {  	s18 =	sadd.s32 $0x400, s18;
	s0 =	sshll.u32 s23, $0x1;
	p0 =	slt.u32 s23, $0x1F8;
	[tilespmem:s20+$0x4010] =	vst v20;
	v20 =	vadd.f32 v21, v13;
	v19 =	vmul.f32 $3.200000000e+01, v19;
	v21 =	vld [tilespmem:s20+$0x6050]  }
0x505: {  	s1 =	sand.u32 $0x1C00, s18;
	s4 =	sand.u32 $0x3FFFFF80, s0;
	[tilespmem:s20+$0x6010] =	vst v14;
	v13 =	vadd.f32 v18, v13;
	v14 =	vmul.f32 $3.200000000e+01, v16;
	v16 =	vld [tilespmem:s20+$0x4060]  }
0x506: {  	s26 =	sadd.s32 s1, s4;
	[tilespmem:s20+$0x4020] =	vst v20;
	v18 =	vadd.f32 v19, v12;
	v15 =	vmul.f32 $3.200000000e+01, v15;
	v19 =	vld [tilespmem:s20+$0x6060]  }
0x507: {  	s4 =	sadd.s32 $0x14A00, s26;
	v20 =	vld [tilespmem:s26+$0x14A00];
	[tilespmem:s20+$0x6020] =	vst v13;
	v12 =	vadd.f32 v14, v12;
	v13 =	vmul.f32 $3.200000000e+01, v17  }
0x508: {  	s0 =	sand.u32 $0xFFFFFF80, s0;
	v14 =	vld [tilespmem:s4+$0x70];
	[tilespmem:s20+$0x4030] =	vst v18;
	v17 =	vadd.f32 v15, v11;
	v18 =	vmul.f32 $3.200000000e+01, v22  }
0x509: {  	s24 =	sadd.s32 s1, s0;
	v22 =	vld [tilespmem:s4+$0x10];
	[tilespmem:s20+$0x6030] =	vst v12;
	v11 =	vadd.f32 v13, v11;
	v12 =	vmul.f32 $3.200000000e+01, v21  }
0x50a: {  	v15 =	vld [tilespmem:s24+$0x2A70];
	[tilespmem:s20+$0x4040] =	vst v17;
	v13 =	vadd.f32 v18, v10;
	v16 =	vmul.f32 $3.200000000e+01, v16  }
0x50b: {  	v17 =	vld [tilespmem:s4+$0x20];
	[tilespmem:s20+$0x6040] =	vst v11;
	v10 =	vadd.f32 v12, v10;
	v11 =	vmul.f32 $3.200000000e+01, v19  }
0x50c: {  	v18 =	vmul.f32 $3.200000000e+01, v20;
	v12 =	vld [tilespmem:s4+$0x30];
	[tilespmem:s20+$0x4050] =	vst v13;
	v13 =	vadd.f32 v16, v9  }
0x50d: {  	v16 =	vld [tilespmem:s4+$0x40];
	v14 =	vmul.f32 $3.200000000e+01, v14;
	[tilespmem:s20+$0x6050] =	vst v10;
	v9 =	vadd.f32 v11, v9  }
0x50e: {  	v10 =	vmul.f32 $3.200000000e+01, v22;
	v11 =	vld [tilespmem:s4+$0x50];
	[tilespmem:s20+$0x4060] =	vst v13  }
0x50f: {  	v19 =	vld [tilespmem:s4+$0x60];
	v13 =	vadd.f32 v14, v15;
	[tilespmem:s20+$0x6060] =	vst v9;
	s20 =	smov.u32 s4  }
0x510: {  	v20 =	vld [tilespmem:s24+$0x2A00];
	v17 =	vmul.f32 $3.200000000e+01, v17  }
0x511: {  	v14 =	vld [tilespmem:s24+$0x2A10];
	v21 =	vmul.f32 $3.200000000e+01, v12;
	[tilespmem:s20+$0x70] =	vst v13  }
0x512: {  	v16 =	vmul.f32 $3.200000000e+01, v16;
	v22 =	vld [tilespmem:s24+$0x16A70]  }
0x513: {  	v13 =	vld [tilespmem:s24+$0x2A20];
	v23 =	vmul.f32 $3.200000000e+01, v11  }
0x514: {  	v12 =	vld [tilespmem:s24+$0x2A30];
	v19 =	vmul.f32 $3.200000000e+01, v19  }
0x515: {  	v9 =	vadd.f32 v18, v20;
	v11 =	vld [tilespmem:s24+$0x2A40]  }
0x516: {  	v18 =	vadd.f32 v10, v14;
	v10 =	vld [tilespmem:s24+$0x2A50]  }
0x517: {  	[tilespmem:s26+$0x14A00] =	vst v9;
	v9 =	vld [tilespmem:s24+$0x2A60];
	v22 =	vmul.f32 $3.200000000e+01, v22  }
0x518: {  	v24 =	vld [tilespmem:s24+$0x16A00];
	[tilespmem:s20+$0x10] =	vst v18;
	v17 =	vadd.f32 v17, v13  }
0x519: {  	v18 =	vld [tilespmem:s24+$0x16A10];
	v21 =	vadd.f32 v21, v12;
	v22 =	vadd.f32 v22, v15  }
0x51a: {  	[tilespmem:s20+$0x20] =	vst v17;
	v16 =	vadd.f32 v16, v11;
	v17 =	vld [tilespmem:s19+$0x1AA00]  }
0x51b: {  	v25 =	vld [tilespmem:s24+$0x16A20];
	v23 =	vadd.f32 v23, v10;
	[tilespmem:s24+$0x16A70] =	vst v22  }
0x51c: {  	[tilespmem:s20+$0x30] =	vst v21;
	v19 =	vadd.f32 v19, v9;
	v21 =	vld [tilespmem:s20+$0x6070]  }
0x51d: {  	v22 =	vmul.f32 $3.200000000e+01, v24;
	v24 =	vld [tilespmem:s24+$0x16A30];
	[tilespmem:s20+$0x40] =	vst v16  }
0x51e: {  	v16 =	vmul.f32 $3.200000000e+01, v18;
	v18 =	vld [tilespmem:s24+$0x16A40];
	[tilespmem:s20+$0x50] =	vst v23  }
0x51f: {  	v22 =	vadd.f32 v22, v20;
	v23 =	vld [tilespmem:s24+$0x16A50];
	[tilespmem:s20+$0x60] =	vst v19;
	v17 =	vmul.f32 $3.200000000e+01, v17  }
0x520: {  	v16 =	vadd.f32 v16, v14;
	v19 =	vmul.f32 $3.200000000e+01, v25;
	v25 =	vld [tilespmem:s24+$0x16A60]  }
0x521: {  	[tilespmem:s24+$0x16A00] =	vst v22;
	v22 =	vld [tilespmem:s20+$0x4070];
	v21 =	vmul.f32 $3.200000000e+01, v21;
	v17 =	vadd.f32 v17, v8;
	v8 =	vmov v20  }
0x522: {  	v20 =	vld [tilespmem:s26+$0x18A00];
	[tilespmem:s24+$0x16A10] =	vst v16;
	v16 =	vadd.f32 v19, v13;
	v19 =	vmul.f32 $3.200000000e+01, v24  }
0x523: {  	v24 =	vld [tilespmem:s20+$0x4010];
	v18 =	vmul.f32 $3.200000000e+01, v18;
	v21 =	vadd.f32 v21, v15;
	[tilespmem:s19+$0x1AA00] =	vst v17;
	s19 =	smov.u32 s26  }
0x524: {  	v17 =	vld [tilespmem:s20+$0x6010];
	[tilespmem:s24+$0x16A20] =	vst v16;
	v16 =	vadd.f32 v19, v12;
	v19 =	vmul.f32 $3.200000000e+01, v23  }
0x525: {  	v26 =	vld [tilespmem:s20+$0x4020];
	v23 =	vadd.f32 v18, v11;
	v25 =	vmul.f32 $3.200000000e+01, v25;
	[tilespmem:s20+$0x6070] =	vst v21  }
.Ltmp17:
0x526: {  	v18 =	vld [tilespmem:s20+$0x6020];
	[tilespmem:s24+$0x16A30] =	vst v16;
	v21 =	vadd.f32 v19, v10;
	v22 =	vmul.f32 $3.200000000e+01, v22;
	(pc) =	sbr.rel @p0 .LBB2_30-.Ltmp17, $4  }
0x527: {  	v20 =	vmul.f32 $3.200000000e+01, v20;
	v19 =	vld [tilespmem:s20+$0x4030];
	[tilespmem:s24+$0x16A40] =	vst v23;
	v25 =	vadd.f32 v25, v9  }
0x528: {  	v24 =	vmul.f32 $3.200000000e+01, v24;
	v16 =	vld [tilespmem:s20+$0x6030];
	[tilespmem:s24+$0x16A50] =	vst v21;
	v27 =	vadd.f32 v22, v15  }
0x529: {  	v22 =	vadd.f32 v20, v8;
	v23 =	vmul.f32 $3.200000000e+01, v17;
	v15 =	vld [tilespmem:s20+$0x4040];
	[tilespmem:s24+$0x16A60] =	vst v25  }
0x52a: {  	v20 =	vadd.f32 v24, v14;
	v21 =	vmul.f32 $3.200000000e+01, v26;
	v17 =	vld [tilespmem:s20+$0x6040];
	[tilespmem:s20+$0x4070] =	vst v27  }
0x52b: {  	[tilespmem:s19+$0x18A00] =	vst v22;
	v14 =	vadd.f32 v23, v14;
	v18 =	vmul.f32 $3.200000000e+01, v18;
	v43 =	vld [tilespmem:s20+$0x4050]  }
0x52c: {  	v45 =	vld [tilespmem:s20+$0x6050];
	[tilespmem:s20+$0x4010] =	vst v20;
	v44 =	vadd.f32 v21, v13;
	v19 =	vmul.f32 $3.200000000e+01, v19  }
0x52d: {  	v48 =	vld [tilespmem:s20+$0x4060];
	[tilespmem:s20+$0x6010] =	vst v14;
	v46 =	vadd.f32 v18, v13;
	v47 =	vmul.f32 $3.200000000e+01, v16  }
0x52e: {  	v50 =	vld [tilespmem:s20+$0x6060];
	[tilespmem:s20+$0x4020] =	vst v44;
	v49 =	vadd.f32 v19, v12;
	v15 =	vmul.f32 $3.200000000e+01, v15  }
0x52f: {  	v53 =	vld [tilespmem:s19+$0x1AA00];
	[tilespmem:s20+$0x6020] =	vst v46;
	v51 =	vadd.f32 v47, v12;
	v52 =	vmul.f32 $3.200000000e+01, v17  }
0x530: {  	[tilespmem:s20+$0x4030] =	vst v49;
	v15 =	vadd.f32 v15, v11;
	v54 =	vmul.f32 $3.200000000e+01, v43  }
0x531: {  	v56 =	vmul.f32 $3.200000000e+01, v45;
	[tilespmem:s20+$0x6030] =	vst v51;
	v55 =	vadd.f32 v52, v11  }
0x532: {  	v58 =	vmul.f32 $3.200000000e+01, v48;
	[tilespmem:s20+$0x4040] =	vst v15;
	v57 =	vadd.f32 v54, v10  }
0x533: {  	v60 =	vmul.f32 $3.200000000e+01, v50;
	v59 =	vadd.f32 v56, v10;
	[tilespmem:s20+$0x6040] =	vst v55  }
0x534: {  	v62 =	vmul.f32 $3.200000000e+01, v53;
	v61 =	vadd.f32 v58, v9;
	[tilespmem:s20+$0x4050] =	vst v57  }
0x535: {  	v63 =	vadd.f32 v60, v9;
	[tilespmem:s20+$0x6050] =	vst v59  }
0x536: {  	v8 =	vadd.f32 v62, v8;
	[tilespmem:s20+$0x4060] =	vst v61  }
0x537: {  	[tilespmem:s20+$0x6060] =	vst v63  }
0x538: {  	[tilespmem:s19+$0x1AA00] =	vst v8  }
0x539: {  	s18 =	simm.s32 $0x0;
	s1 =	simm.s32 $0x14A00;
	s0 =	rddreg [dreg:$0x1b]  }
0x53a: {  	[hbm4b:s0+s18] =	stream.linear.scatter [tilespmem:s1], [sflag:$0x6], $0x2000, $0x38;
	[tilespmem:$0x1CA00] =	vst v63  }
0x53b: {  	s24 =	simm.s32 $0x16A00;
	s23 =	rddreg [dreg:$0x1c]  }
0x53c: {  	[hbm4b:s23+s18] =	stream.linear.scatter [tilespmem:s24], [sflag:$0x6], $0x2000, $0x38;
	[tilespmem:$0x1CA00] =	vst v63  }
0x53d: {  	s26 =	simm.s32 $0x18A00;
	s25 =	rddreg [dreg:$0x1d]  }
0x53e: {  	[hbm4b:s25+s18] =	stream.linear.scatter [tilespmem:s26], [sflag:$0x6], $0x2000, $0x38;
	[tilespmem:$0x1CA00] =	vst v63  }
0x53f: {  	s31 =	simm.s32 $0x1AA00;
	s19 =	simm.s32 $0x0;
	s29 =	rddreg [dreg:$0x1e]  }
0x540: {  	[hbm4b:s29+s18] =	stream.linear.scatter [tilespmem:s31], [sflag:$0x6], $0x2000, $0x38;
	[tilespmem:$0x1CA00] =	vst v63  }
.LBB2_32:
0x541: {  	s7 =	sshll.u32 s19, $0x5  }
0x542: {  	v8 =	vld [tilespmem:s7+$0x400];
	_ =	sdelay $0x4  }
0x543: {  	v8 =	vmul.f32 v8, v4;
	_ =	sdelay $0x1  }
0x544: {  	v9 =	vmul.f32 $3.183098730e-01, v8;
	_ =	sdelay $0x1  }
0x545: {  	v9 =	vadd.f32 $1.258291200e+07, v9;
	_ =	sdelay $0x1  }
0x546: {  	v10 =	vadd.f32 $-1.258291200e+07, v9  }
0x547: {  	v11 =	vld [tilespmem:s7+$0x410]  }
0x548: {  	v12 =	vmul.f32 $3.141592740e+00, v10;
	_ =	sdelay $0x1  }
0x549: {  	v10 =	vmul.f32 $8.742277650e-08, v10;
	v12 =	vsub.f32 v8, v12  }
0x54a: {  	v8 =	vadd.f32 $1.570796370e+00, v8  }
0x54b: {  	v11 =	vmul.f32 v11, v4;
	v10 =	vadd.f32 v10, v12  }
0x54c: {  	v12 =	vmul.f32 $3.183098730e-01, v8  }
0x54d: {  	v14 =	vadd.f32 $1.570796370e+00, v11;
	v13 =	vmul.f32 v10, v10  }
0x54e: {  	v15 =	vmul.f32 $3.183098730e-01, v11;
	v12 =	vadd.f32 $1.258291200e+07, v12  }
0x54f: {  	v17 =	vmul.f32 $3.183098730e-01, v14;
	v16 =	vmul.f32 $2.755731880e-06, v13  }
0x550: {  	v15 =	vadd.f32 $1.258291200e+07, v15;
	v18 =	vadd.f32 $-1.258291200e+07, v12  }
0x551: {  	v17 =	vadd.f32 $1.258291200e+07, v17;
	v16 =	vadd.f32 $-1.984127010e-04, v16  }
0x552: {  	v20 =	vadd.f32 $-1.258291200e+07, v15;
	v19 =	vmul.f32 $3.141592740e+00, v18  }
0x553: {  	v21 =	vadd.f32 $-1.258291200e+07, v17;
	v16 =	vmul.f32 v16, v13  }
0x554: {  	v18 =	vmul.f32 $8.742277650e-08, v18;
	v8 =	vsub.f32 v8, v19;
	v19 =	vmul.f32 $3.141592740e+00, v20  }
0x555: {  	v22 =	vmul.f32 $3.141592740e+00, v21;
	v16 =	vadd.f32 $8.333333770e-03, v16  }
0x556: {  	v18 =	vadd.f32 v18, v8;
	v8 =	vsub.f32 v11, v19;
	v11 =	vmul.f32 $8.742277650e-08, v20  }
0x557: {  	v14 =	vsub.f32 v14, v22;
	v19 =	vmul.f32 $8.742277650e-08, v21  }
0x558: {  	v16 =	vmul.f32 v16, v13;
	v20 =	vmul.f32 v18, v18;
	v11 =	vadd.f32 v11, v8  }
0x559: {  	v14 =	vadd.f32 v19, v14  }
0x55a: {  	v8 =	vadd.f32 $-1.666666720e-01, v16;
	v16 =	vmul.f32 $2.755731880e-06, v20;
	v19 =	vmul.f32 v11, v11  }
0x55b: {  	v9 =	vtrunc.f32 v9;
	v21 =	vmul.f32 v14, v14  }
0x55c: {  	v8 =	vmul.f32 v8, v13;
	v13 =	vadd.f32 $-1.984127010e-04, v16;
	v16 =	vmul.f32 $2.755731880e-06, v19  }
0x55d: {  	v15 =	vtrunc.f32 v15;
	v22 =	vmul.f32 $2.755731880e-06, v21  }
0x55e: {  	v9 =	vcvt.f32.s32 v9;
	v13 =	vmul.f32 v13, v20;
	v16 =	vadd.f32 $-1.984127010e-04, v16  }
0x55f: {  	v15 =	vcvt.f32.s32 v15;
	v8 =	vmul.f32 v8, v10;
	v22 =	vadd.f32 $-1.984127010e-04, v22  }
0x560: {  	v9 =	vand.u32 $0x1, v9;
	v13 =	vadd.f32 $8.333333770e-03, v13;
	v16 =	vmul.f32 v16, v19  }
0x561: {  	v23 =	vadd.f32 v8, v10;
	v8 =	vcvt.s32.f32 v9;
	v9 =	vmul.f32 v22, v21  }
0x562: {  	v15 =	vand.u32 $0x1, v15;
	v10 =	vmul.f32 v13, v20;
	v13 =	vadd.f32 $8.333333770e-03, v16  }
0x563: {  	v15 =	vcvt.s32.f32 v15;
	v12 =	vtrunc.f32 v12;
	v9 =	vadd.f32 $8.333333770e-03, v9  }
0x564: {  	v12 =	vcvt.f32.s32 v12;
	v13 =	vmul.f32 v13, v19  }
0x565: {  	v15 =	vadd.f32 v15, v15;
	v16 =	vtrunc.f32 v17;
	v9 =	vmul.f32 v9, v21  }
0x566: {  	v12 =	vand.u32 $0x1, v12;
	v16 =	vcvt.f32.s32 v16;
	v13 =	vadd.f32 $-1.666666720e-01, v13  }
0x567: {  	v12 =	vcvt.s32.f32 v12;
	v8 =	vadd.f32 v8, v8;
	v9 =	vadd.f32 $-1.666666720e-01, v9  }
0x568: {  	v10 =	vadd.f32 $-1.666666720e-01, v10;
	v16 =	vand.u32 $0x1, v16;
	v13 =	vmul.f32 v13, v19  }
0x569: {  	v17 =	vsub.f32 $1.000000000e+00, v8;
	v8 =	vmul.f32 v9, v21;
	v9 =	vcvt.s32.f32 v16  }
0x56a: {  	v12 =	vadd.f32 v12, v12;
	v10 =	vmul.f32 v10, v20;
	v13 =	vmul.f32 v13, v11  }
0x56b: {  	v15 =	vsub.f32 $1.000000000e+00, v15;
	v16 =	vmul.f32 v8, v14;
	v19 =	vadd.f32 v9, v9;
	v8 =	vld [tilespmem:s7+$0x610]  }
0x56c: {  	v20 =	vsub.f32 $1.000000000e+00, v12;
	v10 =	vmul.f32 v10, v18;
	v9 =	vld [tilespmem:s7+$0x810];
	v13 =	vadd.f32 v13, v11  }
0x56d: {  	v12 =	vld [tilespmem:s7+$0x600];
	v16 =	vadd.f32 v16, v14;
	v19 =	vsub.f32 $1.000000000e+00, v19  }
0x56e: {  	s24 =	sshll.u32 s19, $0x8;
	s4 =	sand.u32 $0x2000, s18;
	v18 =	vadd.f32 v10, v18;
	v11 =	vld [tilespmem:s7+$0x800]  }
0x56f: {  	s29 =	simm.s32 $0x400;
	s17 =	simm.s32 $0x800;
	s0 =	sor.u32 $0x10, s7;
	v14 =	vmul.f32 v13, v15;
	v10 =	vmul.f32 v16, v19  }
0x570: {  	s20 =	sand.u32 $0x60, s7;
	s1 =	sor.u32 $0x210, s7;
	s26 =	sand.u32 $0xC00, s24;
	v16 =	vmul.f32 v23, v17;
	v13 =	vmul.f32 v18, v20  }
0x571: {  	s25 =	sshll.u32 s1, $0x3;
	s7 =	sand.u32 $0x70, s1;
	s1 =	sor.u32 $0xA00, s4;
	v15 =	vmul.f32 v10, v8;
	v17 =	vmul.f32 v14, v9  }
0x572: {  	s23 =	sand.u32 $0x70, s0;
	s24 =	sand.u32 $0x1C00, s25;
	s4 =	sadd.s32 s26, s1;
	v21 =	vmul.f32 v10, v9;
	v23 =	vmul.f32 v13, v12  }
0x573: {  	s25 =	sand.u32 $0x380, s18;
	s0 =	sadd.s32 s24, s1;
	s21 =	sadd.s32 s20, s4;
	v24 =	vmul.f32 v14, v8;
	v22 =	vmul.f32 v16, v11;
	v15 =	vsub.f32 v15, v17  }
0x574: {  	s1 =	sadd.s32 s23, s4;
	s0 =	sadd.s32 s7, s0;
	s31 =	sadd.s32 s25, s21;
	v19 =	vmul.f32 v16, v12;
	v20 =	vmul.f32 v13, v11  }
0x575: {  	s0 =	sadd.s32 s25, s0;
	s21 =	sadd.s32 s25, s1;
	s1 =	simm.s32 $0x0;
	[tilespmem:s31+$0x0] =	vst v16;
	v17 =	vadd.f32 v21, v24;
	v16 =	vsub.f32 v23, v22;
	v18 =	vmul.f32 v15, v9  }
.LBB2_33:
0x576: {  	s4 =	sand.u32 $0x2000, s29;
	s1 =	sadd.s32 $0x80, s1  }
0x577: {  	v21 =	vmul.f32 v15, v8;
	[tilespmem:s21+$0x0] =	vst v14;
	v22 =	vadd.f32 v20, v19;
	s29 =	smov.u32 s17;
	s25 =	sadd.s32 $0x400, s17;
	p0 =	sne.s32 s17, $0x3C00  }
.Ltmp18:
0x578: {  	s4 =	sor.u32 $0xA00, s4;
	v19 =	vmul.f32 v17, v9;
	[tilespmem:s31+$0x1000] =	vst v13;
	v13 =	vmov v16;
	v14 =	vmov v17;
	(pc) =	sbr.rel @p0 .LBB2_33-.Ltmp18, $4  }
0x579: {  	s17 =	sand.u32 $0x380, s1;
	s21 =	sadd.s32 s26, s4;
	s4 =	sadd.s32 s24, s4;
	v23 =	vmul.f32 v22, v11;
	[tilespmem:s0+$0x0] =	vst v10;
	v10 =	vmov v15  }
0x57a: {  	v24 =	vmul.f32 v16, v12;
	v17 =	vmul.f32 v17, v8;
	s0 =	sadd.s32 s20, s21;
	s21 =	sadd.s32 s23, s21;
	s4 =	sadd.s32 s7, s4;
	v15 =	vsub.f32 v21, v19  }
0x57b: {  	v20 =	vmul.f32 v16, v11;
	v19 =	vmul.f32 v22, v12;
	s31 =	sadd.s32 s17, s0;
	s0 =	sadd.s32 s17, s4  }
0x57c: {  	v17 =	vadd.f32 v18, v17;
	s21 =	sadd.s32 s17, s21;
	v16 =	vsub.f32 v24, v23;
	s17 =	smov.u32 s25;
	[tilespmem:s31+$0x0] =	vst v22;
	v18 =	vmul.f32 v15, v9  }
0x57d: {  	s4 =	sand.u32 $0x2000, s29  }
0x57e: {  	s4 =	sor.u32 $0xA00, s4  }
0x57f: {  	[tilespmem:s21+$0x0] =	vst v14;
	s1 =	sadd.s32 $0x80, s1;
	s19 =	sadd.s32 $0x1, s19;
	s17 =	sadd.s32 s26, s4  }
0x580: {  	v8 =	vadd.f32 v20, v19;
	[tilespmem:s31+$0x1000] =	vst v13;
	s1 =	sand.u32 $0x380, s1;
	p0 =	sne.s32 s19, $0x10;
	s20 =	sadd.s32 s20, s17  }
.Ltmp19:
0x581: {  	[tilespmem:s0+$0x0] =	vst v10;
	s29 =	sadd.s32 s1, s20;
	(pc) =	sbr.rel @p0 .LBB2_32-.Ltmp19, $4  }
0x582: {  	s4 =	sadd.s32 s24, s4;
	s26 =	sadd.s32 s23, s17;
	[tilespmem:s29+$0x0] =	vst v8  }
0x583: {  	s4 =	sadd.s32 s7, s4;
	s0 =	sadd.s32 s1, s26;
	[tilespmem:s29+$0x1000] =	vst v16  }
0x584: {  	s31 =	sadd.s32 s1, s4;
	[tilespmem:s0+$0x0] =	vst v17  }
0x585: {  	[tilespmem:s31+$0x0] =	vst v15  }
0x586: {  	_ =	swait.ge [sflag:s28], $0x8000;
	s19 =	simm.s32 $0x0;
	s0 =	simm.s32 $0x0  }
0x587: {  	[sflag:s28] =	ssyncset.done $0x0;
	s1 =	sand.u32 $0x1C00, s19;
	s4 =	sand.u32 $0xFFFFFF80, s0  }
0x588: {  	[sflag:s28] =	ssyncadd.s32 $0xFFFF8000;
	s4 =	sadd.s32 s1, s4  }
0x589: {  	v9 =	vld [tilespmem:s4+$0x4A70]  }
0x58a: {  	v10 =	vld [tilespmem:s4+$0x4A00]  }
0x58b: {  	v8 =	vld [tilespmem:s4+$0xA70]  }
0x58c: {  	v12 =	vld [tilespmem:s4+$0x4A10]  }
0x58d: {  	v13 =	vld [tilespmem:s4+$0x4A20]  }
0x58e: {  	v14 =	vld [tilespmem:s4+$0x4A30]  }
0x58f: {  	v15 =	vld [tilespmem:s4+$0x4A40]  }
0x590: {  	v16 =	vld [tilespmem:s4+$0x4A50];
	v9 =	vmul.f32 $3.200000000e+01, v9  }
0x591: {  	v18 =	vld [tilespmem:s4+$0xA00]  }
0x592: {  	v17 =	vld [tilespmem:s4+$0x4A60];
	v9 =	vadd.f32 v9, v8  }
0x593: {  	s0 =	sand.u32 $0x3FFFFF80, s0;
	v19 =	vld [tilespmem:s4+$0xA10]  }
0x594: {  	s18 =	sadd.s32 s1, s0;
	v20 =	vld [tilespmem:s4+$0xA20];
	v10 =	vmul.f32 $3.200000000e+01, v10;
	[tilespmem:s4+$0x4A70] =	vst v9  }
0x595: {  	v9 =	vld [tilespmem:s18+$0xAA70]  }
0x596: {  	v21 =	vld [tilespmem:s4+$0xA30];
	v22 =	vadd.f32 v10, v18  }
0x597: {  	v11 =	vld [tilespmem:s4+$0xA40];
	v12 =	vmul.f32 $3.200000000e+01, v12  }
0x598: {  	v13 =	vmul.f32 $3.200000000e+01, v13;
	v10 =	vld [tilespmem:s4+$0xA50];
	[tilespmem:s4+$0x4A00] =	vst v22  }
0x599: {  	v14 =	vmul.f32 $3.200000000e+01, v14;
	v12 =	vadd.f32 v12, v19;
	v22 =	vld [tilespmem:s18+$0x6A00]  }
0x59a: {  	v13 =	vadd.f32 v13, v20;
	v24 =	vld [tilespmem:s18+$0x8A00];
	v23 =	vmul.f32 $3.200000000e+01, v9  }
0x59b: {  	v14 =	vadd.f32 v14, v21;
	[tilespmem:s4+$0x4A10] =	vst v12;
	v12 =	vld [tilespmem:s18+$0xAA00]  }
0x59c: {  	v15 =	vmul.f32 $3.200000000e+01, v15;
	[tilespmem:s4+$0x4A20] =	vst v13;
	v9 =	vld [tilespmem:s4+$0xA60];
	v23 =	vadd.f32 v23, v8  }
0x59d: {  	v16 =	vmul.f32 $3.200000000e+01, v16;
	[tilespmem:s4+$0x4A30] =	vst v14;
	v13 =	vld [tilespmem:s18+$0x8A10]  }
0x59e: {  	v15 =	vadd.f32 v15, v11;
	v14 =	vmul.f32 $3.200000000e+01, v22;
	[tilespmem:s18+$0xAA70] =	vst v23;
	v23 =	vld [tilespmem:s18+$0x6A10]  }
0x59f: {  	v17 =	vmul.f32 $3.200000000e+01, v17;
	v63 =	vld [tilespmem:s18+$0x6A20];
	v16 =	vadd.f32 v16, v10  }
0x5a0: {  	[tilespmem:s4+$0x4A40] =	vst v15;
	v22 =	vld [tilespmem:s18+$0xAA10];
	v12 =	vmul.f32 $3.200000000e+01, v12;
	v14 =	vadd.f32 v14, v18  }
0x5a1: {  	[tilespmem:s4+$0x4A50] =	vst v16;
	v15 =	vmul.f32 $3.200000000e+01, v24;
	v17 =	vadd.f32 v17, v9  }
0x5a2: {  	v16 =	vld [tilespmem:s18+$0x8A20];
	v13 =	vmul.f32 $3.200000000e+01, v13;
	v12 =	vadd.f32 v12, v18;
	[tilespmem:s18+$0x6A00] =	vst v14  }
0x5a3: {  	v15 =	vadd.f32 v15, v18;
	[tilespmem:s4+$0x4A60] =	vst v17;
	v17 =	vmul.f32 $3.200000000e+01, v23;
	v23 =	vld [tilespmem:s18+$0xAA20]  }
0x5a4: {  	v14 =	vld [tilespmem:s18+$0x6A30];
	[tilespmem:s18+$0xAA00] =	vst v12;
	v12 =	vadd.f32 v13, v19  }
0x5a5: {  	v18 =	vld [tilespmem:s18+$0x8A30];
	[tilespmem:s18+$0x8A00] =	vst v15;
	v13 =	vmul.f32 $3.200000000e+01, v63;
	v15 =	vadd.f32 v17, v19;
	v17 =	vmul.f32 $3.200000000e+01, v22  }
0x5a6: {  	[tilespmem:s18+$0x8A10] =	vst v12;
	v22 =	vld [tilespmem:s18+$0xAA30]  }
0x5a7: {  	v16 =	vmul.f32 $3.200000000e+01, v16;
	v12 =	vadd.f32 v13, v20;
	[tilespmem:s18+$0x6A10] =	vst v15;
	v15 =	vadd.f32 v17, v19;
	v17 =	vld [tilespmem:s18+$0x6A40]  }
0x5a8: {  	v13 =	vmul.f32 $3.200000000e+01, v23;
	v23 =	vld [tilespmem:s18+$0x8A40]  }
0x5a9: {  	[tilespmem:s18+$0x6A20] =	vst v12;
	v14 =	vmul.f32 $3.200000000e+01, v14;
	v19 =	vadd.f32 v16, v20;
	v16 =	vld [tilespmem:s18+$0xAA40]  }
0x5aa: {  	[tilespmem:s18+$0xAA10] =	vst v15;
	v15 =	vld [tilespmem:s18+$0x6A50];
	v12 =	vadd.f32 v13, v20;
	v13 =	vmul.f32 $3.200000000e+01, v18  }
0x5ab: {  	[tilespmem:s18+$0x8A20] =	vst v19;
	v18 =	vadd.f32 v14, v21;
	v22 =	vmul.f32 $3.200000000e+01, v22;
	v14 =	vld [tilespmem:s18+$0x8A50]  }
0x5ac: {  	[tilespmem:s18+$0xAA20] =	vst v12;
	v19 =	vadd.f32 v13, v21;
	v12 =	vld [tilespmem:s18+$0xAA50];
	v20 =	vmul.f32 $3.200000000e+01, v17  }
0x5ad: {  	s20 =	simm.s32 $0x0;
	[tilespmem:s18+$0x6A30] =	vst v18;
	v17 =	vadd.f32 v22, v21;
	v13 =	vld [tilespmem:s18+$0x6A60];
	v18 =	vmul.f32 $3.200000000e+01, v23  }
.LBB2_36:
0x5ae: {  	s20 =	sadd.s32 $0x8, s20;
	[tilespmem:s18+$0x8A30] =	vst v19;
	v19 =	vadd.f32 v20, v11;
	v16 =	vmul.f32 $3.200000000e+01, v16;
	v20 =	vld [tilespmem:s18+$0x8A60]  }
0x5af: {  	s19 =	sadd.s32 $0x400, s19;
	s0 =	sshll.u32 s20, $0x1;
	p0 =	slt.u32 s20, $0x1F8;
	[tilespmem:s18+$0xAA30] =	vst v17;
	v17 =	vadd.f32 v18, v11;
	v15 =	vmul.f32 $3.200000000e+01, v15;
	v18 =	vld [tilespmem:s18+$0xAA60]  }
0x5b0: {  	s1 =	sand.u32 $0x1C00, s19;
	s4 =	sand.u32 $0xFFFFFF80, s0;
	[tilespmem:s18+$0x6A40] =	vst v19;
	v11 =	vadd.f32 v16, v11;
	v14 =	vmul.f32 $3.200000000e+01, v14;
	v16 =	vld [tilespmem:s18+$0x6A70]  }
0x5b1: {  	s7 =	sadd.s32 s1, s4;
	[tilespmem:s18+$0x8A40] =	vst v17;
	v15 =	vadd.f32 v15, v10;
	v12 =	vmul.f32 $3.200000000e+01, v12;
	v17 =	vld [tilespmem:s18+$0x8A70]  }
0x5b2: {  	v19 =	vld [tilespmem:s7+$0x4A70];
	[tilespmem:s18+$0xAA40] =	vst v11;
	v11 =	vadd.f32 v14, v10;
	v13 =	vmul.f32 $3.200000000e+01, v13  }
0x5b3: {  	v14 =	vld [tilespmem:s7+$0x4A00];
	[tilespmem:s18+$0x6A50] =	vst v15;
	v10 =	vadd.f32 v12, v10;
	v12 =	vmul.f32 $3.200000000e+01, v20  }
0x5b4: {  	v15 =	vld [tilespmem:s7+$0xA70];
	[tilespmem:s18+$0x8A50] =	vst v11;
	v11 =	vadd.f32 v13, v9;
	v13 =	vmul.f32 $3.200000000e+01, v18  }
0x5b5: {  	v18 =	vld [tilespmem:s7+$0x4A10];
	[tilespmem:s18+$0xAA50] =	vst v10;
	v10 =	vadd.f32 v12, v9;
	v12 =	vmul.f32 $3.200000000e+01, v16  }
0x5b6: {  	v16 =	vld [tilespmem:s7+$0x4A20];
	[tilespmem:s18+$0x6A60] =	vst v11;
	v9 =	vadd.f32 v13, v9;
	v11 =	vmul.f32 $3.200000000e+01, v17  }
0x5b7: {  	v13 =	vld [tilespmem:s7+$0x4A30];
	v17 =	vmul.f32 $3.200000000e+01, v19;
	[tilespmem:s18+$0x8A60] =	vst v10;
	v10 =	vadd.f32 v12, v8  }
0x5b8: {  	v12 =	vmul.f32 $3.200000000e+01, v14;
	v14 =	vld [tilespmem:s7+$0x4A40];
	[tilespmem:s18+$0xAA60] =	vst v9;
	v9 =	vadd.f32 v11, v8  }
0x5b9: {  	v11 =	vld [tilespmem:s7+$0x4A50];
	v17 =	vadd.f32 v17, v15;
	[tilespmem:s18+$0x6A70] =	vst v10;
	v8 =	vmov v15  }
0x5ba: {  	s0 =	sand.u32 $0x3FFFFF80, s0;
	v15 =	vmul.f32 $3.200000000e+01, v18;
	v10 =	vld [tilespmem:s7+$0x4A60];
	[tilespmem:s18+$0x8A70] =	vst v9  }
0x5bb: {  	s18 =	sadd.s32 s1, s0;
	v18 =	vld [tilespmem:s7+$0xA00];
	v16 =	vmul.f32 $3.200000000e+01, v16;
	[tilespmem:s7+$0x4A70] =	vst v17  }
0x5bc: {  	v13 =	vmul.f32 $3.200000000e+01, v13;
	v9 =	vld [tilespmem:s18+$0xAA70]  }
0x5bd: {  	v17 =	vld [tilespmem:s7+$0xA10];
	v14 =	vmul.f32 $3.200000000e+01, v14  }
0x5be: {  	v19 =	vld [tilespmem:s7+$0xA20];
	v20 =	vmul.f32 $3.200000000e+01, v11  }
0x5bf: {  	v21 =	vld [tilespmem:s7+$0xA30];
	v22 =	vmul.f32 $3.200000000e+01, v10  }
0x5c0: {  	v12 =	vadd.f32 v12, v18;
	v11 =	vld [tilespmem:s7+$0xA40]  }
0x5c1: {  	v10 =	vld [tilespmem:s7+$0xA50];
	v23 =	vmul.f32 $3.200000000e+01, v9  }
0x5c2: {  	[tilespmem:s7+$0x4A00] =	vst v12;
	v12 =	vadd.f32 v15, v17;
	v9 =	vld [tilespmem:s7+$0xA60]  }
0x5c3: {  	v15 =	vld [tilespmem:s18+$0x6A00];
	v16 =	vadd.f32 v16, v19;
	v23 =	vadd.f32 v23, v8  }
0x5c4: {  	v24 =	vld [tilespmem:s18+$0x8A00];
	[tilespmem:s7+$0x4A10] =	vst v12;
	v12 =	vadd.f32 v13, v21  }
0x5c5: {  	v13 =	vld [tilespmem:s18+$0xAA00];
	v14 =	vadd.f32 v14, v11;
	[tilespmem:s18+$0xAA70] =	vst v23  }
0x5c6: {  	v23 =	vld [tilespmem:s18+$0x6A10];
	[tilespmem:s7+$0x4A20] =	vst v16;
	v16 =	vadd.f32 v20, v10  }
0x5c7: {  	v20 =	vld [tilespmem:s18+$0x8A10];
	[tilespmem:s7+$0x4A30] =	vst v12;
	v12 =	vadd.f32 v22, v9  }
0x5c8: {  	v15 =	vmul.f32 $3.200000000e+01, v15;
	v22 =	vld [tilespmem:s18+$0xAA10];
	[tilespmem:s7+$0x4A40] =	vst v14  }
0x5c9: {  	v14 =	vmul.f32 $3.200000000e+01, v24;
	v24 =	vld [tilespmem:s18+$0x6A20];
	[tilespmem:s7+$0x4A50] =	vst v16  }
0x5ca: {  	v15 =	vadd.f32 v15, v18;
	v13 =	vmul.f32 $3.200000000e+01, v13;
	v16 =	vld [tilespmem:s18+$0x8A20];
	[tilespmem:s7+$0x4A60] =	vst v12  }
0x5cb: {  	v12 =	vadd.f32 v14, v18;
	v14 =	vmul.f32 $3.200000000e+01, v23;
	v23 =	vld [tilespmem:s18+$0xAA20]  }
0x5cc: {  	[tilespmem:s18+$0x6A00] =	vst v15;
	v13 =	vadd.f32 v13, v18;
	v15 =	vmul.f32 $3.200000000e+01, v20;
	v18 =	vld [tilespmem:s18+$0x6A30]  }
0x5cd: {  	[tilespmem:s18+$0x8A00] =	vst v12;
	v12 =	vadd.f32 v14, v17;
	v14 =	vmul.f32 $3.200000000e+01, v22;
	v20 =	vld [tilespmem:s18+$0x8A30]  }
0x5ce: {  	[tilespmem:s18+$0xAA00] =	vst v13;
	v13 =	vadd.f32 v15, v17;
	v15 =	vmul.f32 $3.200000000e+01, v24;
	v22 =	vld [tilespmem:s18+$0xAA30]  }
0x5cf: {  	[tilespmem:s18+$0x6A10] =	vst v12;
	v12 =	vadd.f32 v14, v17;
	v14 =	vmul.f32 $3.200000000e+01, v16;
	v17 =	vld [tilespmem:s18+$0x6A40]  }
0x5d0: {  	[tilespmem:s18+$0x8A10] =	vst v13;
	v13 =	vadd.f32 v15, v19;
	v15 =	vmul.f32 $3.200000000e+01, v23;
	v23 =	vld [tilespmem:s18+$0x8A40]  }
.Ltmp20:
0x5d1: {  	[tilespmem:s18+$0xAA10] =	vst v12;
	v12 =	vadd.f32 v14, v19;
	v14 =	vmul.f32 $3.200000000e+01, v18;
	v16 =	vld [tilespmem:s18+$0xAA40];
	(pc) =	sbr.rel @p0 .LBB2_36-.Ltmp20, $4  }
0x5d2: {  	[tilespmem:s18+$0x6A20] =	vst v13;
	v13 =	vadd.f32 v15, v19;
	v18 =	vmul.f32 $3.200000000e+01, v20;
	v15 =	vld [tilespmem:s18+$0x6A50]  }
0x5d3: {  	[tilespmem:s18+$0x8A20] =	vst v12;
	v24 =	vadd.f32 v14, v21;
	v22 =	vmul.f32 $3.200000000e+01, v22;
	v14 =	vld [tilespmem:s18+$0x8A50]  }
0x5d4: {  	[tilespmem:s18+$0xAA20] =	vst v13;
	v19 =	vadd.f32 v18, v21;
	v20 =	vmul.f32 $3.200000000e+01, v17;
	v12 =	vld [tilespmem:s18+$0xAA50]  }
0x5d5: {  	[tilespmem:s18+$0x6A30] =	vst v24;
	v17 =	vadd.f32 v22, v21;
	v18 =	vmul.f32 $3.200000000e+01, v23;
	v13 =	vld [tilespmem:s18+$0x6A60]  }
0x5d6: {  	[tilespmem:s18+$0x8A30] =	vst v19;
	v19 =	vadd.f32 v20, v11;
	v16 =	vmul.f32 $3.200000000e+01, v16;
	v20 =	vld [tilespmem:s18+$0x8A60]  }
0x5d7: {  	[tilespmem:s18+$0xAA30] =	vst v17;
	v17 =	vadd.f32 v18, v11;
	v15 =	vmul.f32 $3.200000000e+01, v15;
	v18 =	vld [tilespmem:s18+$0xAA60]  }
0x5d8: {  	[tilespmem:s18+$0x6A40] =	vst v19;
	v11 =	vadd.f32 v16, v11;
	v14 =	vmul.f32 $3.200000000e+01, v14;
	v16 =	vld [tilespmem:s18+$0x6A70]  }
0x5d9: {  	[tilespmem:s18+$0x8A40] =	vst v17;
	v15 =	vadd.f32 v15, v10;
	v12 =	vmul.f32 $3.200000000e+01, v12;
	v17 =	vld [tilespmem:s18+$0x8A70]  }
0x5da: {  	[tilespmem:s18+$0xAA40] =	vst v11;
	v11 =	vadd.f32 v14, v10;
	v13 =	vmul.f32 $3.200000000e+01, v13  }
0x5db: {  	[tilespmem:s18+$0x6A50] =	vst v15;
	v10 =	vadd.f32 v12, v10;
	v12 =	vmul.f32 $3.200000000e+01, v20  }
0x5dc: {  	[tilespmem:s18+$0x8A50] =	vst v11;
	v11 =	vadd.f32 v13, v9;
	v13 =	vmul.f32 $3.200000000e+01, v18  }
0x5dd: {  	[tilespmem:s18+$0xAA50] =	vst v10;
	v10 =	vadd.f32 v12, v9;
	v12 =	vmul.f32 $3.200000000e+01, v16  }
0x5de: {  	[tilespmem:s18+$0x6A60] =	vst v11;
	v9 =	vadd.f32 v13, v9;
	v11 =	vmul.f32 $3.200000000e+01, v17  }
0x5df: {  	[tilespmem:s18+$0x8A60] =	vst v10;
	v10 =	vadd.f32 v12, v8  }
0x5e0: {  	[tilespmem:s18+$0xAA60] =	vst v9;
	v8 =	vadd.f32 v11, v8  }
0x5e1: {  	[tilespmem:s18+$0x6A70] =	vst v10  }
0x5e2: {  	[tilespmem:s18+$0x8A70] =	vst v8  }
0x5e3: {  	s0 =	rddreg [dreg:$0x10]  }
0x5e4: {  	s18 =	simm.s32 $0x0;
	s25 =	rddreg [dreg:$0x1f]  }
0x5e5: {  	[hbm4b:s0+s18] =	stream.linear.scatter [tilespmem:s30], [sflag:$0x4], $0x2000, $0x38;
	[tilespmem:$0x1CA00] =	vst v63  }
0x5e6: {  	s26 =	sld [smem:$0x7F8]  }
0x5e7: {  	[hbm4b:s25+s18] =	stream.linear.scatter [tilespmem:s12], [sflag:$0x4], $0x2000, $0x38;
	[tilespmem:$0x1CA00] =	vst v63  }
0x5e8: {  	s29 =	sld [smem:$0x7F9]  }
0x5e9: {  	[hbm4b:s26+s18] =	stream.linear.scatter [tilespmem:s16], [sflag:$0x4], $0x2000, $0x38;
	[tilespmem:$0x1CA00] =	vst v63  }
0x5ea: {  	_ = 	snop  }
0x5eb: {  	[hbm4b:s29+s18] =	stream.linear.scatter [tilespmem:s22], [sflag:$0x4], $0x2000, $0x38;
	[tilespmem:$0x1CA00] =	vst v63  }
0x5ec: {  	s31 =	simm.s32 $0x0;
	_ =	swait.ge [sflag:s9], $0x8000  }
0x5ed: {  	s4 =	sand.u32 $0x3FFFFF80, s31;
	s1 =	sand.u32 $0x1C00, s18;
	[sflag:s9] =	ssyncset.done $0x0  }
0x5ee: {  	s20 =	sadd.s32 s1, s4;
	[sflag:s9] =	ssyncadd.s32 $0xFFFF8000  }
0x5ef: {  	s0 =	sand.u32 $0xFFFFFF80, s31;
	v8 =	vld [tilespmem:s20+$0xCA70]  }
0x5f0: {  	s7 =	sadd.s32 s1, s0;
	v9 =	vld [tilespmem:s20+$0xCA00]  }
0x5f1: {  	v14 =	vld [tilespmem:s7+$0x2A70]  }
0x5f2: {  	v10 =	vld [tilespmem:s20+$0xCA10]  }
0x5f3: {  	v15 =	vld [tilespmem:s20+$0xCA20]  }
0x5f4: {  	v16 =	vld [tilespmem:s20+$0xCA30]  }
0x5f5: {  	v17 =	vld [tilespmem:s20+$0xCA40]  }
0x5f6: {  	v18 =	vld [tilespmem:s20+$0xCA50];
	v8 =	vmul.f32 $3.200000000e+01, v8  }
0x5f7: {  	v21 =	vld [tilespmem:s7+$0x2A00]  }
0x5f8: {  	v19 =	vld [tilespmem:s20+$0xCA60];
	v8 =	vadd.f32 v8, v14  }
0x5f9: {  	v13 =	vld [tilespmem:s7+$0x2A10]  }
0x5fa: {  	v12 =	vld [tilespmem:s7+$0x2A20];
	v9 =	vmul.f32 $3.200000000e+01, v9;
	[tilespmem:s20+$0xCA70] =	vst v8  }
0x5fb: {  	v8 =	vld [tilespmem:s7+$0xEA70]  }
0x5fc: {  	v11 =	vld [tilespmem:s7+$0x2A30];
	v22 =	vadd.f32 v9, v21  }
0x5fd: {  	v20 =	vmul.f32 $3.200000000e+01, v10;
	v10 =	vld [tilespmem:s7+$0x2A40]  }
0x5fe: {  	v9 =	vld [tilespmem:s7+$0x2A50];
	[tilespmem:s20+$0xCA00] =	vst v22  }
0x5ff: {  	v15 =	vmul.f32 $3.200000000e+01, v15;
	v20 =	vadd.f32 v20, v13;
	v22 =	vld [tilespmem:s7+$0xEA00]  }
0x600: {  	v23 =	vmul.f32 $3.200000000e+01, v8;
	v8 =	vld [tilespmem:s7+$0x2A60]  }
0x601: {  	v16 =	vmul.f32 $3.200000000e+01, v16;
	v15 =	vadd.f32 v15, v12;
	[tilespmem:s20+$0xCA10] =	vst v20  }
0x602: {  	v17 =	vmul.f32 $3.200000000e+01, v17;
	v20 =	vld [tilespmem:s7+$0xEA10];
	v23 =	vadd.f32 v23, v14  }
0x603: {  	v18 =	vmul.f32 $3.200000000e+01, v18;
	v19 =	vmul.f32 $3.200000000e+01, v19;
	v16 =	vadd.f32 v16, v11;
	[tilespmem:s20+$0xCA20] =	vst v15  }
0x604: {  	s19 =	sadd.s32 $0xCA00, s20;
	v17 =	vadd.f32 v17, v10;
	[tilespmem:s7+$0xEA70] =	vst v23;
	v23 =	vld [tilespmem:s7+$0xEA20]  }
0x605: {  	[tilespmem:s20+$0xCA30] =	vst v16;
	v18 =	vadd.f32 v18, v9;
	v15 =	vld [tilespmem:s19+$0x6070];
	v16 =	vadd.f32 v19, v8;
	v19 =	vmul.f32 $3.200000000e+01, v22  }
0x606: {  	[tilespmem:s20+$0xCA40] =	vst v17;
	v22 =	vld [tilespmem:s7+$0xEA30]  }
0x607: {  	v17 =	vld [tilespmem:s7+$0xEA40];
	[tilespmem:s20+$0xCA50] =	vst v18;
	v18 =	vadd.f32 v19, v21;
	v19 =	vmul.f32 $3.200000000e+01, v20  }
0x608: {  	v20 =	vld [tilespmem:s7+$0xEA50];
	[tilespmem:s20+$0xCA60] =	vst v16  }
0x609: {  	v16 =	vld [tilespmem:s7+$0xEA60];
	[tilespmem:s7+$0xEA00] =	vst v18;
	v18 =	vadd.f32 v19, v13;
	v19 =	vmul.f32 $3.200000000e+01, v23  }
0x60a: {  	v23 =	vld [tilespmem:s19+$0x4070];
	v15 =	vmul.f32 $3.200000000e+01, v15  }
0x60b: {  	v24 =	vld [tilespmem:s20+$0x10A00];
	v22 =	vmul.f32 $3.200000000e+01, v22;
	[tilespmem:s7+$0xEA10] =	vst v18;
	v18 =	vadd.f32 v19, v12  }
0x60c: {  	v17 =	vmul.f32 $3.200000000e+01, v17;
	v25 =	vld [tilespmem:s20+$0x12A00];
	v15 =	vadd.f32 v15, v14  }
0x60d: {  	v19 =	vld [tilespmem:s19+$0x4010];
	v22 =	vadd.f32 v22, v11;
	v20 =	vmul.f32 $3.200000000e+01, v20;
	[tilespmem:s7+$0xEA20] =	vst v18  }
0x60e: {  	v26 =	vadd.f32 v17, v10;
	v16 =	vmul.f32 $3.200000000e+01, v16;
	[tilespmem:s19+$0x6070] =	vst v15;
	v15 =	vld [tilespmem:s19+$0x6010]  }
0x60f: {  	v18 =	vld [tilespmem:s19+$0x4020];
	[tilespmem:s7+$0xEA30] =	vst v22;
	v20 =	vadd.f32 v20, v9;
	v22 =	vmul.f32 $3.200000000e+01, v23  }
0x610: {  	[tilespmem:s7+$0xEA40] =	vst v26;
	v17 =	vld [tilespmem:s19+$0x6020];
	v23 =	vmul.f32 $3.200000000e+01, v24;
	v62 =	vadd.f32 v16, v8  }
0x611: {  	v25 =	vmul.f32 $3.200000000e+01, v25;
	v16 =	vld [tilespmem:s19+$0x4030];
	[tilespmem:s7+$0xEA50] =	vst v20;
	v63 =	vadd.f32 v22, v14  }
0x612: {  	v14 =	vld [tilespmem:s19+$0x6030];
	v20 =	vadd.f32 v23, v21;
	[tilespmem:s7+$0xEA60] =	vst v62;
	v22 =	vmul.f32 $3.200000000e+01, v19  }
0x613: {  	s23 =	simm.s32 $0x0;
	s17 =	simm.s32 $0xEA00;
	v21 =	vadd.f32 v25, v21;
	[tilespmem:s19+$0x4070] =	vst v63;
	v19 =	vmul.f32 $3.200000000e+01, v15;
	v15 =	vld [tilespmem:s19+$0x4040]  }
.LBB2_38:
0x614: {  	s23 =	sadd.s32 $0x8, s23;
	[tilespmem:s20+$0x10A00] =	vst v20;
	v20 =	vadd.f32 v22, v13;
	v18 =	vmul.f32 $3.200000000e+01, v18;
	v22 =	vld [tilespmem:s19+$0x6040]  }
0x615: {  	s18 =	sadd.s32 $0x400, s18;
	s0 =	sshll.u32 s23, $0x1;
	p0 =	slt.u32 s23, $0x1F8;
	[tilespmem:s20+$0x12A00] =	vst v21;
	v13 =	vadd.f32 v19, v13;
	v17 =	vmul.f32 $3.200000000e+01, v17;
	v19 =	vld [tilespmem:s19+$0x4050]  }
0x616: {  	s1 =	sand.u32 $0x1C00, s18;
	s4 =	sand.u32 $0x3FFFFF80, s0;
	[tilespmem:s19+$0x4010] =	vst v20;
	v18 =	vadd.f32 v18, v12;
	v16 =	vmul.f32 $3.200000000e+01, v16;
	v20 =	vld [tilespmem:s19+$0x6050]  }
0x617: {  	s20 =	sadd.s32 s1, s4;
	[tilespmem:s19+$0x6010] =	vst v13;
	v12 =	vadd.f32 v17, v12;
	v13 =	vmul.f32 $3.200000000e+01, v14;
	v17 =	vld [tilespmem:s19+$0x4060]  }
0x618: {  	s0 =	sand.u32 $0xFFFFFF80, s0;
	v21 =	vld [tilespmem:s20+$0xCA70];
	[tilespmem:s19+$0x4020] =	vst v18;
	v16 =	vadd.f32 v16, v11;
	v15 =	vmul.f32 $3.200000000e+01, v15  }
0x619: {  	s24 =	sadd.s32 s1, s0;
	v18 =	vld [tilespmem:s20+$0xCA00];
	[tilespmem:s19+$0x6020] =	vst v12;
	v11 =	vadd.f32 v13, v11;
	v12 =	vmul.f32 $3.200000000e+01, v22  }
0x61a: {  	v14 =	vld [tilespmem:s24+$0x2A70];
	[tilespmem:s19+$0x4030] =	vst v16;
	v13 =	vadd.f32 v15, v10;
	v15 =	vmul.f32 $3.200000000e+01, v19  }
0x61b: {  	v16 =	vld [tilespmem:s20+$0xCA10];
	[tilespmem:s19+$0x6030] =	vst v11;
	v10 =	vadd.f32 v12, v10;
	v11 =	vmul.f32 $3.200000000e+01, v20  }
0x61c: {  	v12 =	vld [tilespmem:s20+$0xCA20];
	[tilespmem:s19+$0x4040] =	vst v13;
	v13 =	vadd.f32 v15, v9;
	v15 =	vmul.f32 $3.200000000e+01, v17  }
0x61d: {  	v17 =	vld [tilespmem:s20+$0xCA30];
	v19 =	vmul.f32 $3.200000000e+01, v21;
	[tilespmem:s19+$0x6040] =	vst v10;
	v9 =	vadd.f32 v11, v9  }
0x61e: {  	v10 =	vmul.f32 $3.200000000e+01, v18;
	v11 =	vld [tilespmem:s20+$0xCA40];
	[tilespmem:s19+$0x4050] =	vst v13;
	v13 =	vadd.f32 v15, v8  }
0x61f: {  	v15 =	vld [tilespmem:s20+$0xCA50];
	v18 =	vadd.f32 v19, v14;
	[tilespmem:s19+$0x6050] =	vst v9  }
0x620: {  	v16 =	vmul.f32 $3.200000000e+01, v16;
	v9 =	vld [tilespmem:s20+$0xCA60];
	[tilespmem:s19+$0x4060] =	vst v13  }
0x621: {  	v19 =	vld [tilespmem:s24+$0x2A00];
	v20 =	vmul.f32 $3.200000000e+01, v12;
	[tilespmem:s20+$0xCA70] =	vst v18  }
0x622: {  	v17 =	vmul.f32 $3.200000000e+01, v17;
	v18 =	vld [tilespmem:s24+$0xEA70]  }
0x623: {  	v13 =	vld [tilespmem:s24+$0x2A10];
	v21 =	vmul.f32 $3.200000000e+01, v11  }
0x624: {  	v12 =	vld [tilespmem:s24+$0x2A20];
	v15 =	vmul.f32 $3.200000000e+01, v15  }
0x625: {  	v11 =	vld [tilespmem:s24+$0x2A30];
	v22 =	vmul.f32 $3.200000000e+01, v9  }
0x626: {  	v23 =	vadd.f32 v10, v19;
	v10 =	vld [tilespmem:s24+$0x2A40]  }
0x627: {  	v9 =	vld [tilespmem:s24+$0x2A50];
	v18 =	vmul.f32 $3.200000000e+01, v18  }
0x628: {  	[tilespmem:s20+$0xCA00] =	vst v23;
	v16 =	vadd.f32 v16, v13;
	v23 =	vld [tilespmem:s24+$0x2A60]  }
0x629: {  	v24 =	vld [tilespmem:s24+$0xEA00];
	v20 =	vadd.f32 v20, v12;
	v18 =	vadd.f32 v18, v14  }
0x62a: {  	[tilespmem:s20+$0xCA10] =	vst v16;
	v16 =	vadd.f32 v17, v11;
	v17 =	vld [tilespmem:s19+$0x6060]  }
0x62b: {  	s0 =	sadd.s32 $0xCA00, s20;
	v25 =	vld [tilespmem:s24+$0xEA10];
	v21 =	vadd.f32 v21, v10;
	[tilespmem:s24+$0xEA70] =	vst v18  }
0x62c: {  	[tilespmem:s20+$0xCA20] =	vst v20;
	v15 =	vadd.f32 v15, v9;
	v18 =	vld [tilespmem:s0+$0x6070]  }
0x62d: {  	v20 =	vld [tilespmem:s24+$0xEA20];
	[tilespmem:s20+$0xCA30] =	vst v16;
	v16 =	vadd.f32 v22, v23  }
0x62e: {  	v22 =	vmul.f32 $3.200000000e+01, v24;
	v24 =	vld [tilespmem:s24+$0xEA30];
	[tilespmem:s20+$0xCA40] =	vst v21  }
0x62f: {  	v21 =	vld [tilespmem:s24+$0xEA40];
	[tilespmem:s20+$0xCA50] =	vst v15;
	v15 =	vmul.f32 $3.200000000e+01, v17  }
0x630: {  	v17 =	vadd.f32 v22, v19;
	v22 =	vmul.f32 $3.200000000e+01, v25;
	v25 =	vld [tilespmem:s24+$0xEA50];
	[tilespmem:s20+$0xCA60] =	vst v16  }
0x631: {  	v16 =	vld [tilespmem:s24+$0xEA60];
	v18 =	vmul.f32 $3.200000000e+01, v18;
	v15 =	vadd.f32 v15, v8;
	v8 =	vmov v23  }
0x632: {  	[tilespmem:s24+$0xEA00] =	vst v17;
	v17 =	vadd.f32 v22, v13;
	v20 =	vmul.f32 $3.200000000e+01, v20;
	v22 =	vld [tilespmem:s0+$0x4070]  }
0x633: {  	v23 =	vld [tilespmem:s20+$0x10A00];
	v24 =	vmul.f32 $3.200000000e+01, v24;
	v18 =	vadd.f32 v18, v14;
	[tilespmem:s19+$0x6060] =	vst v15;
	s19 =	smov.u32 s0  }
0x634: {  	v15 =	vld [tilespmem:s20+$0x12A00];
	[tilespmem:s24+$0xEA10] =	vst v17;
	v17 =	vadd.f32 v20, v12;
	v20 =	vmul.f32 $3.200000000e+01, v21  }
0x635: {  	v21 =	vld [tilespmem:s19+$0x4010];
	v24 =	vadd.f32 v24, v11;
	v25 =	vmul.f32 $3.200000000e+01, v25;
	[tilespmem:s19+$0x6070] =	vst v18  }
0x636: {  	v26 =	vld [tilespmem:s19+$0x6010];
	[tilespmem:s24+$0xEA20] =	vst v17;
	v20 =	vadd.f32 v20, v10;
	v16 =	vmul.f32 $3.200000000e+01, v16  }
.Ltmp21:
0x637: {  	v18 =	vld [tilespmem:s19+$0x4020];
	[tilespmem:s24+$0xEA30] =	vst v24;
	v24 =	vadd.f32 v25, v9;
	v22 =	vmul.f32 $3.200000000e+01, v22;
	(pc) =	sbr.rel @p0 .LBB2_38-.Ltmp21, $4  }
0x638: {  	v23 =	vmul.f32 $3.200000000e+01, v23;
	v17 =	vld [tilespmem:s19+$0x6020];
	[tilespmem:s24+$0xEA40] =	vst v20;
	v25 =	vadd.f32 v16, v8  }
0x639: {  	v15 =	vmul.f32 $3.200000000e+01, v15;
	v16 =	vld [tilespmem:s19+$0x4030];
	[tilespmem:s24+$0xEA50] =	vst v24;
	v24 =	vadd.f32 v22, v14  }
0x63a: {  	v20 =	vadd.f32 v23, v19;
	v22 =	vmul.f32 $3.200000000e+01, v21;
	v14 =	vld [tilespmem:s19+$0x6030];
	[tilespmem:s24+$0xEA60] =	vst v25  }
0x63b: {  	v21 =	vadd.f32 v15, v19;
	v19 =	vmul.f32 $3.200000000e+01, v26;
	v15 =	vld [tilespmem:s19+$0x4040];
	[tilespmem:s19+$0x4070] =	vst v24  }
0x63c: {  	v23 =	vld [tilespmem:s19+$0x4060];
	[tilespmem:s20+$0x10A00] =	vst v20;
	v46 =	vadd.f32 v22, v13;
	v18 =	vmul.f32 $3.200000000e+01, v18  }
0x63d: {  	v47 =	vld [tilespmem:s19+$0x6040];
	[tilespmem:s20+$0x12A00] =	vst v21;
	v49 =	vadd.f32 v19, v13;
	v17 =	vmul.f32 $3.200000000e+01, v17  }
0x63e: {  	v50 =	vld [tilespmem:s19+$0x4050];
	[tilespmem:s19+$0x4010] =	vst v46;
	v18 =	vadd.f32 v18, v12;
	v16 =	vmul.f32 $3.200000000e+01, v16  }
0x63f: {  	v51 =	vld [tilespmem:s19+$0x6050];
	[tilespmem:s19+$0x6010] =	vst v49;
	v52 =	vadd.f32 v17, v12;
	v53 =	vmul.f32 $3.200000000e+01, v14  }
0x640: {  	v54 =	vld [tilespmem:s19+$0x6060];
	[tilespmem:s19+$0x4020] =	vst v18;
	v16 =	vadd.f32 v16, v11;
	v15 =	vmul.f32 $3.200000000e+01, v15  }
0x641: {  	v23 =	vmul.f32 $3.200000000e+01, v23;
	[tilespmem:s19+$0x6020] =	vst v52;
	v55 =	vadd.f32 v53, v11  }
0x642: {  	v56 =	vmul.f32 $3.200000000e+01, v47;
	[tilespmem:s19+$0x4030] =	vst v16;
	v57 =	vadd.f32 v15, v10  }
0x643: {  	v58 =	vmul.f32 $3.200000000e+01, v50;
	v48 =	vadd.f32 v23, v8;
	[tilespmem:s19+$0x6030] =	vst v55  }
0x644: {  	v60 =	vmul.f32 $3.200000000e+01, v51;
	v59 =	vadd.f32 v56, v10;
	[tilespmem:s19+$0x4040] =	vst v57  }
0x645: {  	v62 =	vmul.f32 $3.200000000e+01, v54;
	v61 =	vadd.f32 v58, v9;
	[tilespmem:s19+$0x4060] =	vst v48  }
0x646: {  	v63 =	vadd.f32 v60, v9;
	[tilespmem:s19+$0x6040] =	vst v59  }
0x647: {  	v8 =	vadd.f32 v62, v8;
	[tilespmem:s19+$0x4050] =	vst v61  }
0x648: {  	[tilespmem:s19+$0x6050] =	vst v63  }
0x649: {  	[tilespmem:s19+$0x6060] =	vst v8  }
0x64a: {  	s0 =	sld [smem:$0x7FA];
	_ =	sdelay $0x1  }
0x64b: {  	s4 =	simm.s32 $0xCA00;
	s25 =	sld [smem:$0x7FB]  }
0x64c: {  	[hbm4b:s0+s3] =	stream.linear.scatter [tilespmem:s4], [sflag:$0x5], $0x2000, $0x38;
	[tilespmem:$0x1CA00] =	vst v63  }
0x64d: {  	s26 =	sld [smem:$0x7FC]  }
0x64e: {  	[hbm4b:s25+s3] =	stream.linear.scatter [tilespmem:s17], [sflag:$0x5], $0x2000, $0x38;
	[tilespmem:$0x1CA00] =	vst v63  }
0x64f: {  	s18 =	simm.s32 $0x10A00;
	s29 =	sld [smem:$0x7FD]  }
0x650: {  	[hbm4b:s26+s3] =	stream.linear.scatter [tilespmem:s18], [sflag:$0x5], $0x2000, $0x38;
	[tilespmem:$0x1CA00] =	vst v63  }
0x651: {  	s19 =	simm.s32 $0x12A00  }
0x652: {  	[hbm4b:s29+s3] =	stream.linear.scatter [tilespmem:s19], [sflag:$0x5], $0x2000, $0x38;
	[tilespmem:$0x1CA00] =	vst v63  }
0x653: {  	_ =	swait.ge [sflag:s10], $0x2000  }
0x654: {  	[sflag:s10] =	ssyncset.done $0x0  }
0x655: {  	[sflag:s10] =	ssyncadd.s32 $0xFFFFE000  }
0x656: {  	_ =	swait.ge [sflag:s10], $0x2000  }
0x657: {  	[sflag:s10] =	ssyncset.done $0x0  }
0x658: {  	[sflag:s10] =	ssyncadd.s32 $0xFFFFE000  }
0x659: {  	_ =	swait.ge [sflag:s10], $0x2000  }
0x65a: {  	[sflag:s10] =	ssyncset.done $0x0  }
0x65b: {  	[sflag:s10] =	ssyncadd.s32 $0xFFFFE000  }
0x65c: {  	_ =	swait.ge [sflag:s10], $0x2000  }
0x65d: {  	[sflag:s10] =	ssyncset.done $0x0  }
0x65e: {  	[sflag:s10] =	ssyncadd.s32 $0xFFFFE000  }
0x65f: {  	_ =	swait.ge [sflag:s13], $0x2000  }
0x660: {  	[sflag:s13] =	ssyncset.done $0x0  }
0x661: {  	[sflag:s13] =	ssyncadd.s32 $0xFFFFE000  }
0x662: {  	_ =	swait.ge [sflag:s13], $0x2000  }
0x663: {  	[sflag:s13] =	ssyncset.done $0x0  }
0x664: {  	[sflag:s13] =	ssyncadd.s32 $0xFFFFE000  }
0x665: {  	_ =	swait.ge [sflag:s13], $0x2000  }
0x666: {  	[sflag:s13] =	ssyncset.done $0x0  }
0x667: {  	[sflag:s13] =	ssyncadd.s32 $0xFFFFE000  }
0x668: {  	_ =	swait.ge [sflag:s13], $0x2000  }
0x669: {  	[sflag:s13] =	ssyncset.done $0x0  }
0x66a: {  	[sflag:s13] =	ssyncadd.s32 $0xFFFFE000  }
0x66b: {  	_ =	swait.ge [sflag:s14], $0x2000  }
0x66c: {  	[sflag:s14] =	ssyncset.done $0x0  }
0x66d: {  	[sflag:s14] =	ssyncadd.s32 $0xFFFFE000  }
0x66e: {  	_ =	swait.ge [sflag:s14], $0x2000  }
0x66f: {  	[sflag:s14] =	ssyncset.done $0x0  }
0x670: {  	[sflag:s14] =	ssyncadd.s32 $0xFFFFE000  }
0x671: {  	_ =	swait.ge [sflag:s14], $0x2000  }
0x672: {  	[sflag:s14] =	ssyncset.done $0x0  }
0x673: {  	[sflag:s14] =	ssyncadd.s32 $0xFFFFE000  }
0x674: {  	_ =	swait.ge [sflag:s14], $0x2000  }
0x675: {  	s15 =	sadd.s32 $0x1, s15;
	s31 =	rddreg [dreg:$0x12]  }
0x676: {  	p0 =	sne.s32 s15, s31  }
.Ltmp22:
0x677: {  	_ = 	snop;
	(pc) =	sbr.rel @p0 .LBB2_1-.Ltmp22, $3  }
0x678: {  	_ =	sdelay $0x1  }
0x679: {  	[sflag:s14] =	ssyncset.done $0x0  }
0x67a: {  	[sflag:s14] =	ssyncadd.s32 $0xFFFFE000  }
0x67b: {  	_ =	sfence.sel $0x180000  }
0x67c: {  	[bflag:$0x0] =	sbarrier.arrive $0xFFFF  }
0x67d: {  	_ =	strace $0x90000047  }
0x67e: {  	s0 =	stileid.u32;
	[bflag:$0x2] =	sbarrier.arrive $0xFFFF  }
0x67f: {  	p0 =	sne.s32 s0, $0x0;
	s0 =	rddreg [dreg:$0x3]  }
0x680: {  	s0 =	sadd.s32 @!p0 $0x100000, s0  }
0x681: {  	[sflag:s0] =	ssyncadd.tile.s32 @!p0 $0x1;
	_ =	shalt  }
.Lfunc_end2:
_tile_overlayer_lowered:
.L_overlay_start_2:
0x682: {  	(tag) =	ssettag $0x2  }
0x683: {  	s0 =	rddreg [dreg:$0x0];
	s2 =	stileid.u32  }
0x684: {  	s1 =	rddreg [dreg:$0x1];
	p0 =	sne.s32 s2, $0x0  }
0x685: {  	s3 =	rddreg [dreg:$0x2];
	[bflag:$0x3] =	sbarrier.arrive $0xFFFF;
	s2 =	simm.s32 @!p0 $0x1C07  }
0x686: {  	[timem:s3], [sflag:s2] =	dma.local @!p0 [hbm:s0], s1  }
0x687: {  	s0 =	simm.s32 @!p0 $0x7  }
0x688: {  	_ =	swait.ge @!p0 [sflag:s0], s1  }
0x689: {  	s1 =	ssub.s32 @!p0 $0x0, s1;
	[sflag:s0] =	ssyncset.done @!p0 $0x0  }
0x68a: {  	[sflag:s0] =	ssyncadd.s32 @!p0 s1  }
0x68b: {  	[bflag:$0x3] =	sbarrier.arrive $0xFFFF  }
0x68c: {  	_ =	shalt  }

</sc_bundles>
